<compile_context>
chip_gen: v7x
topology: tpu7x:2x2x1
jax: 0.10.2.dev20260603
libtpu: 0.0.44.dev20260713+nightly
codegen_flags: <defaults>
</compile_context>

<pallas_src>
import functools

import jax
import jax.numpy as jnp
from jax import lax
from jax.experimental import pallas as pl
from jax.experimental.pallas import tpu as pltpu
from jax.experimental.pallas import tpu_sc as plsc

EMBED_DIM = 384
NUM_HEADS = 8
QHD = 24
QDIM = NUM_HEADS * QHD
BS = 8
TOPK = 32
NBS = BS * BS
NKK = NBS + TOPK
NKPAD = 128
KPAD = 256

SC_CORES = 2
SC_SUBCORES = 16
SC_WORKERS = SC_CORES * SC_SUBCORES



def _proj_body(x_ref, wq_ref, wk_ref, bq_ref, bk_ref, q_ref, k_ref):
    x = x_ref[...]
    q_ref[...] = (
        jnp.dot(x, wq_ref[...], preferred_element_type=jnp.float32) + bq_ref[...]
    )
    k_ref[...] = (
        jnp.dot(x, wk_ref[...], preferred_element_type=jnp.float32) + bk_ref[...]
    )


def _project(x2d, wq, wk, bq, bk, rows_per_step=2048):
    n_rows = x2d.shape[0]
    grid = (n_rows // rows_per_step,)
    q, k = pl.pallas_call(
        _proj_body,
        grid=grid,
        in_specs=[
            pl.BlockSpec((rows_per_step, EMBED_DIM), lambda i: (i, 0)),
            pl.BlockSpec((EMBED_DIM, QDIM), lambda i: (0, 0)),
            pl.BlockSpec((EMBED_DIM, KPAD), lambda i: (0, 0)),
            pl.BlockSpec((1, QDIM), lambda i: (0, 0)),
            pl.BlockSpec((1, KPAD), lambda i: (0, 0)),
        ],
        out_specs=[
            pl.BlockSpec((rows_per_step, QDIM), lambda i: (i, 0)),
            pl.BlockSpec((rows_per_step, KPAD), lambda i: (i, 0)),
        ],
        out_shape=[
            jax.ShapeDtypeStruct((n_rows, QDIM), jnp.float32),
            jax.ShapeDtypeStruct((n_rows, KPAD), jnp.float32),
        ],
    )(x2d, wq, wk, bq, bk)
    return q, k



def _make_sc_gather(n_idx, chunk):
    per_w = n_idx // SC_WORKERS
    n_chunks = per_w // chunk
    mesh = plsc.VectorSubcoreMesh(core_axis_name="c", subcore_axis_name="s")

    @functools.partial(
        pl.kernel,
        mesh=mesh,
        out_type=jax.ShapeDtypeStruct((n_idx, KPAD), jnp.float32),
        scratch_types=[
            pltpu.VMEM((per_w,), jnp.int32),
            pltpu.VMEM((chunk, KPAD), jnp.float32),
            pltpu.VMEM((chunk, KPAD), jnp.float32),
            pltpu.SemaphoreType.DMA,
            pltpu.SemaphoreType.DMA,
        ],
    )
    def gather(table_hbm, idx_hbm, out_hbm, idx_v, rows_a, rows_b, sem_a, sem_b):
        wid = lax.axis_index("s") * SC_CORES + lax.axis_index("c")
        base = wid * per_w
        pltpu.sync_copy(idx_hbm.at[pl.ds(base, per_w)], idx_v)
        bufs = (rows_a, rows_b)
        sems = (sem_a, sem_b)
        cps = []
        for c in range(min(2, n_chunks)):
            cp = pltpu.make_async_copy(
                table_hbm.at[idx_v.at[pl.ds(c * chunk, chunk)]],
                bufs[c % 2],
                sems[c % 2],
            )
            cp.start()
            cps.append(cp)
        for c in range(n_chunks):
            cps[c].wait()
            pltpu.sync_copy(bufs[c % 2], out_hbm.at[pl.ds(base + c * chunk, chunk)])
            nxt = c + 2
            if nxt < n_chunks:
                cp = pltpu.make_async_copy(
                    table_hbm.at[idx_v.at[pl.ds(nxt * chunk, chunk)]],
                    bufs[nxt % 2],
                    sems[nxt % 2],
                )
                cp.start()
                cps.append(cp)

    return gather



def _attn_body(q_ref, k_ref, sel_ref, w_ref, out_ref, *, nbw):
    q_slab = q_ref[0, 0]
    k_slab = k_ref[0, 0]
    for j in range(nbw):
        qj = q_slab[:, j * BS:(j + 1) * BS, :].reshape(NBS, QDIM)
        kj = k_slab[:, j * BS:(j + 1) * BS, :QDIM].reshape(NBS, QDIM)
        selj = sel_ref[0, 0, j, :, :QDIM]
        wj = w_ref[0, 0, j]
        kk = jnp.concatenate([kj, selj * wj], axis=0)
        heads = []
        for h in range(NUM_HEADS):
            qh = qj[:, h * QHD:(h + 1) * QHD]
            kh = kk[:, h * QHD:(h + 1) * QHD]
            s = lax.dot_general(
                qh, kh, (((1,), (1,)), ((), ())),
                preferred_element_type=jnp.float32,
            )
            heads.append(s)
        e = jnp.exp(jnp.stack(heads, axis=0))
        e2 = e.reshape(NUM_HEADS * NBS, NKK)
        denom = lax.dot_general(
            e2, jnp.ones((NKK, NKK), jnp.float32),
            (((1,), (0,)), ((), ())),
            preferred_element_type=jnp.float32,
        )
        out_ref[:, 0, j] = (e2 / denom).reshape(NUM_HEADS, NBS, NKK)


def _attention(q5, k5, sel5, w5, B, nbh, nbw):
    grid = (B, nbh)
    out = pl.pallas_call(
        functools.partial(_attn_body, nbw=nbw),
        grid=grid,
        in_specs=[
            pl.BlockSpec((1, 1, BS, nbw * BS, QDIM), lambda b, r: (b, r, 0, 0, 0)),
            pl.BlockSpec((1, 1, BS, nbw * BS, KPAD), lambda b, r: (b, r, 0, 0, 0)),
            pl.BlockSpec((1, 1, nbw, TOPK, KPAD), lambda b, r: (b, r, 0, 0, 0)),
            pl.BlockSpec((1, 1, nbw, TOPK, 1), lambda b, r: (b, r, 0, 0, 0)),
        ],
        out_specs=pl.BlockSpec(
            (NUM_HEADS, 1, nbw, NBS, NKK),
            lambda b, r: (0, b, r, 0, 0),
        ),
        out_shape=jax.ShapeDtypeStruct(
            (NUM_HEADS, B, nbh * nbw, NBS, NKK), jnp.float32
        ),
    )(q5, k5, sel5, w5)
    return out



TBLK = 128


def _xpose_body(a_ref, b_ref):
    a = a_ref[0, 0]
    ap = jnp.concatenate(
        [a, jnp.zeros((TBLK, NBS, NKPAD - NKK), jnp.float32)], axis=-1
    )
    t = jnp.transpose(ap.reshape(TBLK, NBS * NKPAD))
    b_ref[0, 0] = t.reshape(NBS, NKPAD, TBLK)[:, :NKK, :]


def _to_blk_minor(a, B, nbt):
    nt = -(-nbt // TBLK)
    return pl.pallas_call(
        _xpose_body,
        grid=(B, NUM_HEADS, nt),
        in_specs=[
            pl.BlockSpec((1, 1, TBLK, NBS, NKK), lambda b, h, t: (h, b, t, 0, 0)),
        ],
        out_specs=pl.BlockSpec(
            (1, 1, NBS, NKK, TBLK), lambda b, h, t: (h, b, 0, 0, t)
        ),
        out_shape=jax.ShapeDtypeStruct((NUM_HEADS, B, NBS, NKK, nbt), jnp.float32),
    )(a)



def kernel(x, indexes, weights, W_in, b_in):
    B, H, W, _ = x.shape
    nbh, nbw = H // BS, W // BS
    nbt = nbh * nbw
    num_tokens = H * W

    wq = W_in[:QDIM].T
    wk = jnp.pad(W_in[QDIM:].T, ((0, 0), (0, KPAD - QDIM)))
    bq = b_in[:QDIM].reshape(1, QDIM)
    bk = jnp.pad(b_in[QDIM:], (0, KPAD - QDIM)).reshape(1, KPAD)

    x2d = x.reshape(B * num_tokens, EMBED_DIM)
    q, k = _project(x2d, wq, wk, bq, bk)

    idx = (indexes + (jnp.arange(B, dtype=jnp.int32) * num_tokens)[:, None, None])
    idx = idx.reshape(-1)
    sel = _make_sc_gather(idx.shape[0], chunk=224)(k, idx)

    q5 = q.reshape(B, nbh, BS, W, QDIM)
    k5 = k.reshape(B, nbh, BS, W, KPAD)
    sel5 = sel.reshape(B, nbh, nbw, TOPK, KPAD)
    w5 = weights.reshape(B, nbh, nbw, TOPK, 1)

    att = _attention(q5, k5, sel5, w5, B, nbh, nbw)
    return jnp.transpose(_to_blk_minor(att, B, nbt), (0, 1, 4, 2, 3))

# --- scband reference (transcript-rebuilt; emitter-appended) ---
"""Pipeline reference for scband-multihead-attention-weights-15539191677142 (READ-ONLY COPY).

The authoritative reference and input builder live on the scoring server;
editing this copy changes nothing except your own understanding.
"""

import jax, jax.numpy as jnp
import numpy as np

EMBED_DIM = 384
NUM_HEADS = 8
QUERY_HEAD_DIM = 24
BLOCK_SIZE = 8
SELECT_TOPK = 32


def setup_inputs(seed: int = 0) -> dict:
    key = jax.random.key(seed)
    k1, k2, k3, k4, k5 = jax.random.split(key, 5)
    B, H, W = 2, 224, 224
    num_tokens = H * W
    num_block_tot = (H // BLOCK_SIZE) * (W // BLOCK_SIZE)
    x = jax.random.normal(k1, (B, H, W, EMBED_DIM), dtype=jnp.float32)
    indexes = jax.random.randint(k2, (B, num_block_tot, SELECT_TOPK), 0, num_tokens, dtype=jnp.int32)
    weights = jax.random.uniform(k3, (B, num_block_tot, SELECT_TOPK), dtype=jnp.float32)
    in_proj_dim = 2 * QUERY_HEAD_DIM * NUM_HEADS
    # ScaledLinear: standard linear whose weights are scaled at init by query_head_dim**-0.25
    W_in = jax.random.normal(k4, (in_proj_dim, EMBED_DIM), dtype=jnp.float32) * (EMBED_DIM ** -0.5) * (QUERY_HEAD_DIM ** -0.25)
    b_in = jax.random.normal(k5, (in_proj_dim,), dtype=jnp.float32) * 0.01
    return {"x": x, "indexes": indexes, "weights": weights, "W_in": W_in, "b_in": b_in}


def reference(x, indexes, weights, W_in, b_in):
    B, H, W, _ = x.shape
    bs = BLOCK_SIZE
    num_heads = NUM_HEADS
    qhd = QUERY_HEAD_DIM
    qdim = qhd * num_heads
    num_tokens = H * W
    nbh = H // bs
    nbw = W // bs
    nbt = nbh * nbw
    topk = SELECT_TOPK

    xp = jnp.matmul(x, W_in.T) + b_in  # (B, H, W, 2*qdim)
    query = xp[..., 0:qdim]
    key = xp[..., qdim:2 * qdim]  # Whiten/Balancer/Identity are identity in forward math (eval)

    # gather top-k selected keys per block
    key_flat = key.reshape(B, num_tokens, qdim)
    batch_idx = jnp.arange(B)[:, None, None]
    select_key = key_flat[batch_idx, indexes]  # (B, nbt, topk, qdim)
    select_key = select_key * weights[..., None]
    select_key = select_key.reshape(B, nbt, topk, num_heads, qhd)
    select_key = jnp.transpose(select_key, (3, 0, 1, 4, 2))  # (H, B, nbt, qhd, topk)

    q = query.reshape(B, nbh, bs, nbw, bs, num_heads, qhd)
    q = jnp.transpose(q, (5, 0, 1, 3, 2, 4, 6))
    q = q.reshape(num_heads, B, nbt, bs * bs, qhd)

    k = key.reshape(B, nbh, bs, nbw, bs, num_heads, qhd)
    k = jnp.transpose(k, (5, 0, 1, 3, 6, 2, 4))
    k = k.reshape(num_heads, B, nbt, qhd, bs * bs)

    k = jnp.concatenate([k, select_key], axis=-1)  # (H, B, nbt, qhd, bs*bs + topk)
    attn_scores = jnp.matmul(q, k)  # (H, B, nbt, bs*bs, bs*bs + topk)
    attn_weights = jax.nn.softmax(attn_scores, axis=-1)
    # dropout p=0.0 -> identity
    return attn_weights

if __name__ == "__main__":
    import jax
    _d = setup_inputs()
    print(jax.jit(kernel)(*tuple(_d.values())))

</pallas_src>

<mosaic_0001>
#map = affine_map<(d0, d1) -> (0, 0)>
#map1 = affine_map<(d0, d1) -> (0)>
module attributes {stable_mosaic.version = 14 : i64} {
  func.func @gather(%arg0: i32, %arg1: i32, %arg2: memref<100352x256xf32, #tpu.memory_space<hbm>>, %arg3: memref<50176xi32, #tpu.memory_space<hbm>>, %arg4: memref<50176x256xf32, #tpu.memory_space<hbm>>, %arg5: memref<1568xi32, #tpu.memory_space<vmem>>, %arg6: memref<224x256xf32, #tpu.memory_space<vmem>>, %arg7: memref<224x256xf32, #tpu.memory_space<vmem>>, %arg8: memref<!tpu.dma_semaphore, #tpu.memory_space<semaphore_mem>>, %arg9: memref<!tpu.dma_semaphore, #tpu.memory_space<semaphore_mem>>) attributes {dimension_semantics = [#tpu.dimension_semantics<core_parallel>, #tpu.dimension_semantics<subcore_parallel>], iteration_bounds = array<i64: 2, 16>, scalar_prefetch = 0 : i64, scratch_operands = 5 : i64, tpu.core_type = #tpu.core_type<sc_vector_subcore>, window_params = [{transform_indices = #map}, {transform_indices = #map1}, {transform_indices = #map}]} {
    %mul3A = arith.constant 2 : i32
    %mul3A_0 = arith.muli %arg1, %mul3A : i32
    %add3A = arith.addi %mul3A_0, %arg0 : i32
    %mul3A_1 = arith.constant 1568 : i32
    %mul3A_2 = arith.muli %add3A, %mul3A_1 : i32
    "tpu.region"() ({
      %run_scoped3A = tpu.sem_alloc : memref<!tpu.dma_semaphore, #tpu.memory_space<semaphore_mem>>
      %dma_start3A_85 = tpu.memref_slice %arg3[%mul3A_2] : memref<50176xi32, #tpu.memory_space<hbm>> -> memref<1568xi32, #tpu.memory_space<hbm>>
      %dma_start3A_86 = tpu.memref_slice %arg3[%mul3A_2] : memref<50176xi32, #tpu.memory_space<hbm>> -> memref<1568xi32, #tpu.memory_space<hbm>>
      tpu.enqueue_dma source(%dma_start3A_86 : memref<1568xi32, #tpu.memory_space<hbm>>) target(%arg5 : memref<1568xi32, #tpu.memory_space<vmem>>) target_semaphore(%run_scoped3A : memref<!tpu.dma_semaphore, #tpu.memory_space<semaphore_mem>>)
      %dma_wait3A_87 = tpu.memref_slice %arg3[%mul3A_2] : memref<50176xi32, #tpu.memory_space<hbm>> -> memref<1568xi32, #tpu.memory_space<hbm>>
      %dma_wait3A_88 = tpu.memref_slice %arg3[%mul3A_2] : memref<50176xi32, #tpu.memory_space<hbm>> -> memref<1568xi32, #tpu.memory_space<hbm>>
      tpu.wait_dma2 semaphore(%run_scoped3A : memref<!tpu.dma_semaphore, #tpu.memory_space<semaphore_mem>>) src(%dma_wait3A_88 : memref<1568xi32, #tpu.memory_space<hbm>>) dst(%arg5 : memref<1568xi32, #tpu.memory_space<vmem>>)
      tpu.yield
    }) : () -> ()
    %dma_start3A = arith.constant 0 : i32
    %dma_start3A_3 = tpu.memref_slice %arg5[%dma_start3A] : memref<1568xi32, #tpu.memory_space<vmem>> -> memref<224xi32, #tpu.memory_space<vmem>>
    %dma_start3A_4 = arith.constant 0 : i32
    %dma_start3A_5 = arith.constant 0 : i32
    %dma_start3A_6 = tpu.memref_slice %arg2[%dma_start3A_4, %dma_start3A_5] : memref<100352x256xf32, #tpu.memory_space<hbm>> -> memref<100352x256xf32, #tpu.memory_space<hbm>>
    tpu.enqueue_indirect_dma source(%dma_start3A_6 : memref<100352x256xf32, #tpu.memory_space<hbm>>) target(%arg6 : memref<224x256xf32, #tpu.memory_space<vmem>>) offsets(%dma_start3A_3 : memref<224xi32, #tpu.memory_space<vmem>>) semaphore(%arg8 : memref<!tpu.dma_semaphore, #tpu.memory_space<semaphore_mem>>)
    %dma_start3A_7 = arith.constant 224 : i32
    %dma_start3A_8 = tpu.memref_slice %arg5[%dma_start3A_7] : memref<1568xi32, #tpu.memory_space<vmem>> -> memref<224xi32, #tpu.memory_space<vmem>>
    %dma_start3A_9 = arith.constant 0 : i32
    %dma_start3A_10 = arith.constant 0 : i32
    %dma_start3A_11 = tpu.memref_slice %arg2[%dma_start3A_9, %dma_start3A_10] : memref<100352x256xf32, #tpu.memory_space<hbm>> -> memref<100352x256xf32, #tpu.memory_space<hbm>>
    tpu.enqueue_indirect_dma source(%dma_start3A_11 : memref<100352x256xf32, #tpu.memory_space<hbm>>) target(%arg7 : memref<224x256xf32, #tpu.memory_space<vmem>>) offsets(%dma_start3A_8 : memref<224xi32, #tpu.memory_space<vmem>>) semaphore(%arg9 : memref<!tpu.dma_semaphore, #tpu.memory_space<semaphore_mem>>)
    %dma_wait3A = arith.constant 0 : i32
    %dma_wait3A_12 = tpu.memref_slice %arg5[%dma_wait3A] : memref<1568xi32, #tpu.memory_space<vmem>> -> memref<224xi32, #tpu.memory_space<vmem>>
    %dma_wait3A_13 = arith.constant 0 : i32
    %dma_wait3A_14 = arith.constant 0 : i32
    %dma_wait3A_15 = tpu.memref_slice %arg2[%dma_wait3A_13, %dma_wait3A_14] : memref<100352x256xf32, #tpu.memory_space<hbm>> -> memref<100352x256xf32, #tpu.memory_space<hbm>>
    tpu.wait_indirect_dma semaphore(%arg8 : memref<!tpu.dma_semaphore, #tpu.memory_space<semaphore_mem>>) src(%dma_wait3A_15 : memref<100352x256xf32, #tpu.memory_space<hbm>>) dst(%arg6 : memref<224x256xf32, #tpu.memory_space<vmem>>)
    %add3A_16 = arith.constant 0 : i32
    %add3A_17 = arith.addi %mul3A_2, %add3A_16 : i32
    "tpu.region"() ({
      %run_scoped3A = tpu.sem_alloc : memref<!tpu.dma_semaphore, #tpu.memory_space<semaphore_mem>>
      %dma_start3A_85 = arith.constant 0 : i32
      %dma_start3A_86 = tpu.memref_slice %arg4[%add3A_17, %dma_start3A_85] : memref<50176x256xf32, #tpu.memory_space<hbm>> -> memref<224x256xf32, #tpu.memory_space<hbm>>
      %dma_start3A_87 = arith.constant 0 : i32
      %dma_start3A_88 = tpu.memref_slice %arg4[%add3A_17, %dma_start3A_87] : memref<50176x256xf32, #tpu.memory_space<hbm>> -> memref<224x256xf32, #tpu.memory_space<hbm>>
      tpu.enqueue_dma source(%arg6 : memref<224x256xf32, #tpu.memory_space<vmem>>) target(%dma_start3A_88 : memref<224x256xf32, #tpu.memory_space<hbm>>) target_semaphore(%run_scoped3A : memref<!tpu.dma_semaphore, #tpu.memory_space<semaphore_mem>>)
      %dma_wait3A_89 = arith.constant 0 : i32
      %dma_wait3A_90 = tpu.memref_slice %arg4[%add3A_17, %dma_wait3A_89] : memref<50176x256xf32, #tpu.memory_space<hbm>> -> memref<224x256xf32, #tpu.memory_space<hbm>>
      %dma_wait3A_91 = arith.constant 0 : i32
      %dma_wait3A_92 = tpu.memref_slice %arg4[%add3A_17, %dma_wait3A_91] : memref<50176x256xf32, #tpu.memory_space<hbm>> -> memref<224x256xf32, #tpu.memory_space<hbm>>
      tpu.wait_dma2 semaphore(%run_scoped3A : memref<!tpu.dma_semaphore, #tpu.memory_space<semaphore_mem>>) src(%arg6 : memref<224x256xf32, #tpu.memory_space<vmem>>) dst(%dma_wait3A_92 : memref<224x256xf32, #tpu.memory_space<hbm>>)
      tpu.yield
    }) : () -> ()
    %dma_start3A_18 = arith.constant 448 : i32
    %dma_start3A_19 = tpu.memref_slice %arg5[%dma_start3A_18] : memref<1568xi32, #tpu.memory_space<vmem>> -> memref<224xi32, #tpu.memory_space<vmem>>
    %dma_start3A_20 = arith.constant 0 : i32
    %dma_start3A_21 = arith.constant 0 : i32
    %dma_start3A_22 = tpu.memref_slice %arg2[%dma_start3A_20, %dma_start3A_21] : memref<100352x256xf32, #tpu.memory_space<hbm>> -> memref<100352x256xf32, #tpu.memory_space<hbm>>
    tpu.enqueue_indirect_dma source(%dma_start3A_22 : memref<100352x256xf32, #tpu.memory_space<hbm>>) target(%arg6 : memref<224x256xf32, #tpu.memory_space<vmem>>) offsets(%dma_start3A_19 : memref<224xi32, #tpu.memory_space<vmem>>) semaphore(%arg8 : memref<!tpu.dma_semaphore, #tpu.memory_space<semaphore_mem>>)
    %dma_wait3A_23 = arith.constant 224 : i32
    %dma_wait3A_24 = tpu.memref_slice %arg5[%dma_wait3A_23] : memref<1568xi32, #tpu.memory_space<vmem>> -> memref<224xi32, #tpu.memory_space<vmem>>
    %dma_wait3A_25 = arith.constant 0 : i32
    %dma_wait3A_26 = arith.constant 0 : i32
    %dma_wait3A_27 = tpu.memref_slice %arg2[%dma_wait3A_25, %dma_wait3A_26] : memref<100352x256xf32, #tpu.memory_space<hbm>> -> memref<100352x256xf32, #tpu.memory_space<hbm>>
    tpu.wait_indirect_dma semaphore(%arg9 : memref<!tpu.dma_semaphore, #tpu.memory_space<semaphore_mem>>) src(%dma_wait3A_27 : memref<100352x256xf32, #tpu.memory_space<hbm>>) dst(%arg7 : memref<224x256xf32, #tpu.memory_space<vmem>>)
    %add3A_28 = arith.constant 224 : i32
    %add3A_29 = arith.addi %mul3A_2, %add3A_28 : i32
    "tpu.region"() ({
      %run_scoped3A = tpu.sem_alloc : memref<!tpu.dma_semaphore, #tpu.memory_space<semaphore_mem>>
      %dma_start3A_85 = arith.constant 0 : i32
      %dma_start3A_86 = tpu.memref_slice %arg4[%add3A_29, %dma_start3A_85] : memref<50176x256xf32, #tpu.memory_space<hbm>> -> memref<224x256xf32, #tpu.memory_space<hbm>>
      %dma_start3A_87 = arith.constant 0 : i32
      %dma_start3A_88 = tpu.memref_slice %arg4[%add3A_29, %dma_start3A_87] : memref<50176x256xf32, #tpu.memory_space<hbm>> -> memref<224x256xf32, #tpu.memory_space<hbm>>
      tpu.enqueue_dma source(%arg7 : memref<224x256xf32, #tpu.memory_space<vmem>>) target(%dma_start3A_88 : memref<224x256xf32, #tpu.memory_space<hbm>>) target_semaphore(%run_scoped3A : memref<!tpu.dma_semaphore, #tpu.memory_space<semaphore_mem>>)
      %dma_wait3A_89 = arith.constant 0 : i32
      %dma_wait3A_90 = tpu.memref_slice %arg4[%add3A_29, %dma_wait3A_89] : memref<50176x256xf32, #tpu.memory_space<hbm>> -> memref<224x256xf32, #tpu.memory_space<hbm>>
      %dma_wait3A_91 = arith.constant 0 : i32
      %dma_wait3A_92 = tpu.memref_slice %arg4[%add3A_29, %dma_wait3A_91] : memref<50176x256xf32, #tpu.memory_space<hbm>> -> memref<224x256xf32, #tpu.memory_space<hbm>>
      tpu.wait_dma2 semaphore(%run_scoped3A : memref<!tpu.dma_semaphore, #tpu.memory_space<semaphore_mem>>) src(%arg7 : memref<224x256xf32, #tpu.memory_space<vmem>>) dst(%dma_wait3A_92 : memref<224x256xf32, #tpu.memory_space<hbm>>)
      tpu.yield
    }) : () -> ()
    %dma_start3A_30 = arith.constant 672 : i32
    %dma_start3A_31 = tpu.memref_slice %arg5[%dma_start3A_30] : memref<1568xi32, #tpu.memory_space<vmem>> -> memref<224xi32, #tpu.memory_space<vmem>>
    %dma_start3A_32 = arith.constant 0 : i32
    %dma_start3A_33 = arith.constant 0 : i32
    %dma_start3A_34 = tpu.memref_slice %arg2[%dma_start3A_32, %dma_start3A_33] : memref<100352x256xf32, #tpu.memory_space<hbm>> -> memref<100352x256xf32, #tpu.memory_space<hbm>>
    tpu.enqueue_indirect_dma source(%dma_start3A_34 : memref<100352x256xf32, #tpu.memory_space<hbm>>) target(%arg7 : memref<224x256xf32, #tpu.memory_space<vmem>>) offsets(%dma_start3A_31 : memref<224xi32, #tpu.memory_space<vmem>>) semaphore(%arg9 : memref<!tpu.dma_semaphore, #tpu.memory_space<semaphore_mem>>)
    %dma_wait3A_35 = arith.constant 448 : i32
    %dma_wait3A_36 = tpu.memref_slice %arg5[%dma_wait3A_35] : memref<1568xi32, #tpu.memory_space<vmem>> -> memref<224xi32, #tpu.memory_space<vmem>>
    %dma_wait3A_37 = arith.constant 0 : i32
    %dma_wait3A_38 = arith.constant 0 : i32
    %dma_wait3A_39 = tpu.memref_slice %arg2[%dma_wait3A_37, %dma_wait3A_38] : memref<100352x256xf32, #tpu.memory_space<hbm>> -> memref<100352x256xf32, #tpu.memory_space<hbm>>
    tpu.wait_indirect_dma semaphore(%arg8 : memref<!tpu.dma_semaphore, #tpu.memory_space<semaphore_mem>>) src(%dma_wait3A_39 : memref<100352x256xf32, #tpu.memory_space<hbm>>) dst(%arg6 : memref<224x256xf32, #tpu.memory_space<vmem>>)
    %add3A_40 = arith.constant 448 : i32
    %add3A_41 = arith.addi %mul3A_2, %add3A_40 : i32
    "tpu.region"() ({
      %run_scoped3A = tpu.sem_alloc : memref<!tpu.dma_semaphore, #tpu.memory_space<semaphore_mem>>
      %dma_start3A_85 = arith.constant 0 : i32
      %dma_start3A_86 = tpu.memref_slice %arg4[%add3A_41, %dma_start3A_85] : memref<50176x256xf32, #tpu.memory_space<hbm>> -> memref<224x256xf32, #tpu.memory_space<hbm>>
      %dma_start3A_87 = arith.constant 0 : i32
      %dma_start3A_88 = tpu.memref_slice %arg4[%add3A_41, %dma_start3A_87] : memref<50176x256xf32, #tpu.memory_space<hbm>> -> memref<224x256xf32, #tpu.memory_space<hbm>>
      tpu.enqueue_dma source(%arg6 : memref<224x256xf32, #tpu.memory_space<vmem>>) target(%dma_start3A_88 : memref<224x256xf32, #tpu.memory_space<hbm>>) target_semaphore(%run_scoped3A : memref<!tpu.dma_semaphore, #tpu.memory_space<semaphore_mem>>)
      %dma_wait3A_89 = arith.constant 0 : i32
      %dma_wait3A_90 = tpu.memref_slice %arg4[%add3A_41, %dma_wait3A_89] : memref<50176x256xf32, #tpu.memory_space<hbm>> -> memref<224x256xf32, #tpu.memory_space<hbm>>
      %dma_wait3A_91 = arith.constant 0 : i32
      %dma_wait3A_92 = tpu.memref_slice %arg4[%add3A_41, %dma_wait3A_91] : memref<50176x256xf32, #tpu.memory_space<hbm>> -> memref<224x256xf32, #tpu.memory_space<hbm>>
      tpu.wait_dma2 semaphore(%run_scoped3A : memref<!tpu.dma_semaphore, #tpu.memory_space<semaphore_mem>>) src(%arg6 : memref<224x256xf32, #tpu.memory_space<vmem>>) dst(%dma_wait3A_92 : memref<224x256xf32, #tpu.memory_space<hbm>>)
      tpu.yield
    }) : () -> ()
    %dma_start3A_42 = arith.constant 896 : i32
    %dma_start3A_43 = tpu.memref_slice %arg5[%dma_start3A_42] : memref<1568xi32, #tpu.memory_space<vmem>> -> memref<224xi32, #tpu.memory_space<vmem>>
    %dma_start3A_44 = arith.constant 0 : i32
    %dma_start3A_45 = arith.constant 0 : i32
    %dma_start3A_46 = tpu.memref_slice %arg2[%dma_start3A_44, %dma_start3A_45] : memref<100352x256xf32, #tpu.memory_space<hbm>> -> memref<100352x256xf32, #tpu.memory_space<hbm>>
    tpu.enqueue_indirect_dma source(%dma_start3A_46 : memref<100352x256xf32, #tpu.memory_space<hbm>>) target(%arg6 : memref<224x256xf32, #tpu.memory_space<vmem>>) offsets(%dma_start3A_43 : memref<224xi32, #tpu.memory_space<vmem>>) semaphore(%arg8 : memref<!tpu.dma_semaphore, #tpu.memory_space<semaphore_mem>>)
    %dma_wait3A_47 = arith.constant 672 : i32
    %dma_wait3A_48 = tpu.memref_slice %arg5[%dma_wait3A_47] : memref<1568xi32, #tpu.memory_space<vmem>> -> memref<224xi32, #tpu.memory_space<vmem>>
    %dma_wait3A_49 = arith.constant 0 : i32
    %dma_wait3A_50 = arith.constant 0 : i32
    %dma_wait3A_51 = tpu.memref_slice %arg2[%dma_wait3A_49, %dma_wait3A_50] : memref<100352x256xf32, #tpu.memory_space<hbm>> -> memref<100352x256xf32, #tpu.memory_space<hbm>>
    tpu.wait_indirect_dma semaphore(%arg9 : memref<!tpu.dma_semaphore, #tpu.memory_space<semaphore_mem>>) src(%dma_wait3A_51 : memref<100352x256xf32, #tpu.memory_space<hbm>>) dst(%arg7 : memref<224x256xf32, #tpu.memory_space<vmem>>)
    %add3A_52 = arith.constant 672 : i32
    %add3A_53 = arith.addi %mul3A_2, %add3A_52 : i32
    "tpu.region"() ({
      %run_scoped3A = tpu.sem_alloc : memref<!tpu.dma_semaphore, #tpu.memory_space<semaphore_mem>>
      %dma_start3A_85 = arith.constant 0 : i32
      %dma_start3A_86 = tpu.memref_slice %arg4[%add3A_53, %dma_start3A_85] : memref<50176x256xf32, #tpu.memory_space<hbm>> -> memref<224x256xf32, #tpu.memory_space<hbm>>
      %dma_start3A_87 = arith.constant 0 : i32
      %dma_start3A_88 = tpu.memref_slice %arg4[%add3A_53, %dma_start3A_87] : memref<50176x256xf32, #tpu.memory_space<hbm>> -> memref<224x256xf32, #tpu.memory_space<hbm>>
      tpu.enqueue_dma source(%arg7 : memref<224x256xf32, #tpu.memory_space<vmem>>) target(%dma_start3A_88 : memref<224x256xf32, #tpu.memory_space<hbm>>) target_semaphore(%run_scoped3A : memref<!tpu.dma_semaphore, #tpu.memory_space<semaphore_mem>>)
      %dma_wait3A_89 = arith.constant 0 : i32
      %dma_wait3A_90 = tpu.memref_slice %arg4[%add3A_53, %dma_wait3A_89] : memref<50176x256xf32, #tpu.memory_space<hbm>> -> memref<224x256xf32, #tpu.memory_space<hbm>>
      %dma_wait3A_91 = arith.constant 0 : i32
      %dma_wait3A_92 = tpu.memref_slice %arg4[%add3A_53, %dma_wait3A_91] : memref<50176x256xf32, #tpu.memory_space<hbm>> -> memref<224x256xf32, #tpu.memory_space<hbm>>
      tpu.wait_dma2 semaphore(%run_scoped3A : memref<!tpu.dma_semaphore, #tpu.memory_space<semaphore_mem>>) src(%arg7 : memref<224x256xf32, #tpu.memory_space<vmem>>) dst(%dma_wait3A_92 : memref<224x256xf32, #tpu.memory_space<hbm>>)
      tpu.yield
    }) : () -> ()
    %dma_start3A_54 = arith.constant 1120 : i32
    %dma_start3A_55 = tpu.memref_slice %arg5[%dma_start3A_54] : memref<1568xi32, #tpu.memory_space<vmem>> -> memref<224xi32, #tpu.memory_space<vmem>>
    %dma_start3A_56 = arith.constant 0 : i32
    %dma_start3A_57 = arith.constant 0 : i32
    %dma_start3A_58 = tpu.memref_slice %arg2[%dma_start3A_56, %dma_start3A_57] : memref<100352x256xf32, #tpu.memory_space<hbm>> -> memref<100352x256xf32, #tpu.memory_space<hbm>>
    tpu.enqueue_indirect_dma source(%dma_start3A_58 : memref<100352x256xf32, #tpu.memory_space<hbm>>) target(%arg7 : memref<224x256xf32, #tpu.memory_space<vmem>>) offsets(%dma_start3A_55 : memref<224xi32, #tpu.memory_space<vmem>>) semaphore(%arg9 : memref<!tpu.dma_semaphore, #tpu.memory_space<semaphore_mem>>)
    %dma_wait3A_59 = arith.constant 896 : i32
    %dma_wait3A_60 = tpu.memref_slice %arg5[%dma_wait3A_59] : memref<1568xi32, #tpu.memory_space<vmem>> -> memref<224xi32, #tpu.memory_space<vmem>>
    %dma_wait3A_61 = arith.constant 0 : i32
    %dma_wait3A_62 = arith.constant 0 : i32
    %dma_wait3A_63 = tpu.memref_slice %arg2[%dma_wait3A_61, %dma_wait3A_62] : memref<100352x256xf32, #tpu.memory_space<hbm>> -> memref<100352x256xf32, #tpu.memory_space<hbm>>
    tpu.wait_indirect_dma semaphore(%arg8 : memref<!tpu.dma_semaphore, #tpu.memory_space<semaphore_mem>>) src(%dma_wait3A_63 : memref<100352x256xf32, #tpu.memory_space<hbm>>) dst(%arg6 : memref<224x256xf32, #tpu.memory_space<vmem>>)
    %add3A_64 = arith.constant 896 : i32
    %add3A_65 = arith.addi %mul3A_2, %add3A_64 : i32
    "tpu.region"() ({
      %run_scoped3A = tpu.sem_alloc : memref<!tpu.dma_semaphore, #tpu.memory_space<semaphore_mem>>
      %dma_start3A_85 = arith.constant 0 : i32
      %dma_start3A_86 = tpu.memref_slice %arg4[%add3A_65, %dma_start3A_85] : memref<50176x256xf32, #tpu.memory_space<hbm>> -> memref<224x256xf32, #tpu.memory_space<hbm>>
      %dma_start3A_87 = arith.constant 0 : i32
      %dma_start3A_88 = tpu.memref_slice %arg4[%add3A_65, %dma_start3A_87] : memref<50176x256xf32, #tpu.memory_space<hbm>> -> memref<224x256xf32, #tpu.memory_space<hbm>>
      tpu.enqueue_dma source(%arg6 : memref<224x256xf32, #tpu.memory_space<vmem>>) target(%dma_start3A_88 : memref<224x256xf32, #tpu.memory_space<hbm>>) target_semaphore(%run_scoped3A : memref<!tpu.dma_semaphore, #tpu.memory_space<semaphore_mem>>)
      %dma_wait3A_89 = arith.constant 0 : i32
      %dma_wait3A_90 = tpu.memref_slice %arg4[%add3A_65, %dma_wait3A_89] : memref<50176x256xf32, #tpu.memory_space<hbm>> -> memref<224x256xf32, #tpu.memory_space<hbm>>
      %dma_wait3A_91 = arith.constant 0 : i32
      %dma_wait3A_92 = tpu.memref_slice %arg4[%add3A_65, %dma_wait3A_91] : memref<50176x256xf32, #tpu.memory_space<hbm>> -> memref<224x256xf32, #tpu.memory_space<hbm>>
      tpu.wait_dma2 semaphore(%run_scoped3A : memref<!tpu.dma_semaphore, #tpu.memory_space<semaphore_mem>>) src(%arg6 : memref<224x256xf32, #tpu.memory_space<vmem>>) dst(%dma_wait3A_92 : memref<224x256xf32, #tpu.memory_space<hbm>>)
      tpu.yield
    }) : () -> ()
    %dma_start3A_66 = arith.constant 1344 : i32
    %dma_start3A_67 = tpu.memref_slice %arg5[%dma_start3A_66] : memref<1568xi32, #tpu.memory_space<vmem>> -> memref<224xi32, #tpu.memory_space<vmem>>
    %dma_start3A_68 = arith.constant 0 : i32
    %dma_start3A_69 = arith.constant 0 : i32
    %dma_start3A_70 = tpu.memref_slice %arg2[%dma_start3A_68, %dma_start3A_69] : memref<100352x256xf32, #tpu.memory_space<hbm>> -> memref<100352x256xf32, #tpu.memory_space<hbm>>
    tpu.enqueue_indirect_dma source(%dma_start3A_70 : memref<100352x256xf32, #tpu.memory_space<hbm>>) target(%arg6 : memref<224x256xf32, #tpu.memory_space<vmem>>) offsets(%dma_start3A_67 : memref<224xi32, #tpu.memory_space<vmem>>) semaphore(%arg8 : memref<!tpu.dma_semaphore, #tpu.memory_space<semaphore_mem>>)
    %dma_wait3A_71 = arith.constant 1120 : i32
    %dma_wait3A_72 = tpu.memref_slice %arg5[%dma_wait3A_71] : memref<1568xi32, #tpu.memory_space<vmem>> -> memref<224xi32, #tpu.memory_space<vmem>>
    %dma_wait3A_73 = arith.constant 0 : i32
    %dma_wait3A_74 = arith.constant 0 : i32
    %dma_wait3A_75 = tpu.memref_slice %arg2[%dma_wait3A_73, %dma_wait3A_74] : memref<100352x256xf32, #tpu.memory_space<hbm>> -> memref<100352x256xf32, #tpu.memory_space<hbm>>
    tpu.wait_indirect_dma semaphore(%arg9 : memref<!tpu.dma_semaphore, #tpu.memory_space<semaphore_mem>>) src(%dma_wait3A_75 : memref<100352x256xf32, #tpu.memory_space<hbm>>) dst(%arg7 : memref<224x256xf32, #tpu.memory_space<vmem>>)
    %add3A_76 = arith.constant 1120 : i32
    %add3A_77 = arith.addi %mul3A_2, %add3A_76 : i32
    "tpu.region"() ({
      %run_scoped3A = tpu.sem_alloc : memref<!tpu.dma_semaphore, #tpu.memory_space<semaphore_mem>>
      %dma_start3A_85 = arith.constant 0 : i32
      %dma_start3A_86 = tpu.memref_slice %arg4[%add3A_77, %dma_start3A_85] : memref<50176x256xf32, #tpu.memory_space<hbm>> -> memref<224x256xf32, #tpu.memory_space<hbm>>
      %dma_start3A_87 = arith.constant 0 : i32
      %dma_start3A_88 = tpu.memref_slice %arg4[%add3A_77, %dma_start3A_87] : memref<50176x256xf32, #tpu.memory_space<hbm>> -> memref<224x256xf32, #tpu.memory_space<hbm>>
      tpu.enqueue_dma source(%arg7 : memref<224x256xf32, #tpu.memory_space<vmem>>) target(%dma_start3A_88 : memref<224x256xf32, #tpu.memory_space<hbm>>) target_semaphore(%run_scoped3A : memref<!tpu.dma_semaphore, #tpu.memory_space<semaphore_mem>>)
      %dma_wait3A_89 = arith.constant 0 : i32
      %dma_wait3A_90 = tpu.memref_slice %arg4[%add3A_77, %dma_wait3A_89] : memref<50176x256xf32, #tpu.memory_space<hbm>> -> memref<224x256xf32, #tpu.memory_space<hbm>>
      %dma_wait3A_91 = arith.constant 0 : i32
      %dma_wait3A_92 = tpu.memref_slice %arg4[%add3A_77, %dma_wait3A_91] : memref<50176x256xf32, #tpu.memory_space<hbm>> -> memref<224x256xf32, #tpu.memory_space<hbm>>
      tpu.wait_dma2 semaphore(%run_scoped3A : memref<!tpu.dma_semaphore, #tpu.memory_space<semaphore_mem>>) src(%arg7 : memref<224x256xf32, #tpu.memory_space<vmem>>) dst(%dma_wait3A_92 : memref<224x256xf32, #tpu.memory_space<hbm>>)
      tpu.yield
    }) : () -> ()
    %dma_wait3A_78 = arith.constant 1344 : i32
    %dma_wait3A_79 = tpu.memref_slice %arg5[%dma_wait3A_78] : memref<1568xi32, #tpu.memory_space<vmem>> -> memref<224xi32, #tpu.memory_space<vmem>>
    %dma_wait3A_80 = arith.constant 0 : i32
    %dma_wait3A_81 = arith.constant 0 : i32
    %dma_wait3A_82 = tpu.memref_slice %arg2[%dma_wait3A_80, %dma_wait3A_81] : memref<100352x256xf32, #tpu.memory_space<hbm>> -> memref<100352x256xf32, #tpu.memory_space<hbm>>
    tpu.wait_indirect_dma semaphore(%arg8 : memref<!tpu.dma_semaphore, #tpu.memory_space<semaphore_mem>>) src(%dma_wait3A_82 : memref<100352x256xf32, #tpu.memory_space<hbm>>) dst(%arg6 : memref<224x256xf32, #tpu.memory_space<vmem>>)
    %add3A_83 = arith.constant 1344 : i32
    %add3A_84 = arith.addi %mul3A_2, %add3A_83 : i32
    "tpu.region"() ({
      %run_scoped3A = tpu.sem_alloc : memref<!tpu.dma_semaphore, #tpu.memory_space<semaphore_mem>>
      %dma_start3A_85 = arith.constant 0 : i32
      %dma_start3A_86 = tpu.memref_slice %arg4[%add3A_84, %dma_start3A_85] : memref<50176x256xf32, #tpu.memory_space<hbm>> -> memref<224x256xf32, #tpu.memory_space<hbm>>
      %dma_start3A_87 = arith.constant 0 : i32
      %dma_start3A_88 = tpu.memref_slice %arg4[%add3A_84, %dma_start3A_87] : memref<50176x256xf32, #tpu.memory_space<hbm>> -> memref<224x256xf32, #tpu.memory_space<hbm>>
      tpu.enqueue_dma source(%arg6 : memref<224x256xf32, #tpu.memory_space<vmem>>) target(%dma_start3A_88 : memref<224x256xf32, #tpu.memory_space<hbm>>) target_semaphore(%run_scoped3A : memref<!tpu.dma_semaphore, #tpu.memory_space<semaphore_mem>>)
      %dma_wait3A_89 = arith.constant 0 : i32
      %dma_wait3A_90 = tpu.memref_slice %arg4[%add3A_84, %dma_wait3A_89] : memref<50176x256xf32, #tpu.memory_space<hbm>> -> memref<224x256xf32, #tpu.memory_space<hbm>>
      %dma_wait3A_91 = arith.constant 0 : i32
      %dma_wait3A_92 = tpu.memref_slice %arg4[%add3A_84, %dma_wait3A_91] : memref<50176x256xf32, #tpu.memory_space<hbm>> -> memref<224x256xf32, #tpu.memory_space<hbm>>
      tpu.wait_dma2 semaphore(%run_scoped3A : memref<!tpu.dma_semaphore, #tpu.memory_space<semaphore_mem>>) src(%arg6 : memref<224x256xf32, #tpu.memory_space<vmem>>) dst(%dma_wait3A_92 : memref<224x256xf32, #tpu.memory_space<hbm>>)
      tpu.yield
    }) : () -> ()
    return
  }
}

module attributes {stable_mosaic.version = 14 : i64} {
  func.func @_proj_body(%arg0: i32, %arg1: memref<2048x384xf32, #tpu.memory_space<vmem>>, %arg2: memref<384x192xf32, #tpu.memory_space<vmem>>, %arg3: memref<384x256xf32, #tpu.memory_space<vmem>>, %arg4: memref<1x192xf32, #tpu.memory_space<vmem>>, %arg5: memref<1x256xf32, #tpu.memory_space<vmem>>, %arg6: memref<2048x192xf32, #tpu.memory_space<vmem>>, %arg7: memref<2048x256xf32, #tpu.memory_space<vmem>>) attributes {dimension_semantics = [#tpu.dimension_semantics<arbitrary>], iteration_bounds = array<i64: 49>, scalar_prefetch = 0 : i64, scratch_operands = 0 : i64, tpu.core_type = #tpu.core_type<tc>, window_params = [{transform_indices = @transform_0, window_bounds = array<i64: 2048, 384>}, {pipeline_mode = #tpu.pipeline_mode<synchronous>, transform_indices = @transform_1, window_bounds = array<i64: 384, 192>}, {pipeline_mode = #tpu.pipeline_mode<synchronous>, transform_indices = @transform_2, window_bounds = array<i64: 384, 256>}, {pipeline_mode = #tpu.pipeline_mode<synchronous>, transform_indices = @transform_3, window_bounds = array<i64: 1, 192>}, {pipeline_mode = #tpu.pipeline_mode<synchronous>, transform_indices = @transform_4, window_bounds = array<i64: 1, 256>}, {transform_indices = @transform_5, window_bounds = array<i64: 2048, 192>}, {transform_indices = @transform_6, window_bounds = array<i64: 2048, 256>}]} {
    %get3A = arith.constant 0 : index
    %get3A_0 = arith.constant 0 : index
    %get3A_1 = vector.load %arg1[%get3A, %get3A_0] : memref<2048x384xf32, #tpu.memory_space<vmem>>, vector<2048x384xf32>
    %get3A_2 = arith.constant 0 : index
    %get3A_3 = arith.constant 0 : index
    %get3A_4 = vector.load %arg2[%get3A_2, %get3A_3] : memref<384x192xf32, #tpu.memory_space<vmem>>, vector<384x192xf32>
    %dot_general3A = arith.constant dense<0.000000e+00> : vector<2048x192xf32>
    %dot_general3A_5 = tpu.matmul %get3A_1, %get3A_4, %dot_general3A {dimension_numbers = #tpu.dot_dimension_numbers<[1], [0], [0], [1], [0, 0, 1, 1], [], []>, transpose_lhs_hint = false} : vector<2048x384xf32>, vector<384x192xf32>, vector<2048x192xf32> -> vector<2048x192xf32>
    %get3A_6 = arith.constant 0 : index
    %get3A_7 = arith.constant 0 : index
    %get3A_8 = vector.load %arg4[%get3A_6, %get3A_7] : memref<1x192xf32, #tpu.memory_space<vmem>>, vector<1x192xf32>
    %add3A = vector.broadcast %get3A_8 : vector<1x192xf32> to vector<2048x192xf32>
    %add3A_9 = arith.addf %dot_general3A_5, %add3A : vector<2048x192xf32>
    %swap3A = arith.constant 0 : index
    %swap3A_10 = arith.constant 0 : index
    %swap3A_11 = vector.load %arg6[%swap3A, %swap3A_10] : memref<2048x192xf32, #tpu.memory_space<vmem>>, vector<2048x192xf32>
    tpu.vector_store %arg6[%swap3A, %swap3A_10], %add3A_9 {strides = array<i32>} : memref<2048x192xf32, #tpu.memory_space<vmem>>, vector<2048x192xf32>,
    %get3A_12 = arith.constant 0 : index
    %get3A_13 = arith.constant 0 : index
    %get3A_14 = vector.load %arg3[%get3A_12, %get3A_13] : memref<384x256xf32, #tpu.memory_space<vmem>>, vector<384x256xf32>
    %dot_general3A_15 = arith.constant dense<0.000000e+00> : vector<2048x256xf32>
    %dot_general3A_16 = tpu.matmul %get3A_1, %get3A_14, %dot_general3A_15 {dimension_numbers = #tpu.dot_dimension_numbers<[1], [0], [0], [1], [0, 0, 1, 1], [], []>, transpose_lhs_hint = false} : vector<2048x384xf32>, vector<384x256xf32>, vector<2048x256xf32> -> vector<2048x256xf32>
    %get3A_17 = arith.constant 0 : index
    %get3A_18 = arith.constant 0 : index
    %get3A_19 = vector.load %arg5[%get3A_17, %get3A_18] : memref<1x256xf32, #tpu.memory_space<vmem>>, vector<1x256xf32>
    %add3A_20 = vector.broadcast %get3A_19 : vector<1x256xf32> to vector<2048x256xf32>
    %add3A_21 = arith.addf %dot_general3A_16, %add3A_20 : vector<2048x256xf32>
    %swap3A_22 = arith.constant 0 : index
    %swap3A_23 = arith.constant 0 : index
    %swap3A_24 = vector.load %arg7[%swap3A_22, %swap3A_23] : memref<2048x256xf32, #tpu.memory_space<vmem>>, vector<2048x256xf32>
    tpu.vector_store %arg7[%swap3A_22, %swap3A_23], %add3A_21 {strides = array<i32>} : memref<2048x256xf32, #tpu.memory_space<vmem>>, vector<2048x256xf32>,
    return
  }
  func.func @transform_0(%arg0: i32) -> (i32, i32) {
    %c0_i32 = arith.constant 0 : i32
    %c0_i32_0 = arith.constant 0 : i32
    return %arg0, %c0_i32 : i32, i32
  }
  func.func @transform_1(%arg0: i32) -> (i32, i32) {
    %c0_i32 = arith.constant 0 : i32
    %c0_i32_0 = arith.constant 0 : i32
    %c0_i32_1 = arith.constant 0 : i32
    return %c0_i32, %c0_i32_0 : i32, i32
  }
  func.func @transform_2(%arg0: i32) -> (i32, i32) {
    %c0_i32 = arith.constant 0 : i32
    %c0_i32_0 = arith.constant 0 : i32
    %c0_i32_1 = arith.constant 0 : i32
    return %c0_i32, %c0_i32_0 : i32, i32
  }
  func.func @transform_3(%arg0: i32) -> (i32, i32) {
    %c0_i32 = arith.constant 0 : i32
    %c0_i32_0 = arith.constant 0 : i32
    %c0_i32_1 = arith.constant 0 : i32
    return %c0_i32, %c0_i32_0 : i32, i32
  }
  func.func @transform_4(%arg0: i32) -> (i32, i32) {
    %c0_i32 = arith.constant 0 : i32
    %c0_i32_0 = arith.constant 0 : i32
    %c0_i32_1 = arith.constant 0 : i32
    return %c0_i32, %c0_i32_0 : i32, i32
  }
  func.func @transform_5(%arg0: i32) -> (i32, i32) {
    %c0_i32 = arith.constant 0 : i32
    %c0_i32_0 = arith.constant 0 : i32
    return %arg0, %c0_i32 : i32, i32
  }
  func.func @transform_6(%arg0: i32) -> (i32, i32) {
    %c0_i32 = arith.constant 0 : i32
    %c0_i32_0 = arith.constant 0 : i32
    return %arg0, %c0_i32 : i32, i32
  }
}

module attributes {stable_mosaic.version = 14 : i64} {
  func.func @_attn_body(%arg0: i32, %arg1: i32, %arg2: memref<1x1x8x224x192xf32, #tpu.memory_space<vmem>>, %arg3: memref<1x1x8x224x256xf32, #tpu.memory_space<vmem>>, %arg4: memref<1x1x28x32x256xf32, #tpu.memory_space<vmem>>, %arg5: memref<1x1x28x32x1xf32, #tpu.memory_space<vmem>>, %arg6: memref<8x1x28x64x96xf32, #tpu.memory_space<vmem>>) attributes {dimension_semantics = [#tpu.dimension_semantics<arbitrary>, #tpu.dimension_semantics<arbitrary>], iteration_bounds = array<i64: 2, 28>, scalar_prefetch = 0 : i64, scratch_operands = 0 : i64, tpu.core_type = #tpu.core_type<tc>, window_params = [{transform_indices = @transform_0, window_bounds = array<i64: 1, 1, 8, 224, 192>}, {transform_indices = @transform_1, window_bounds = array<i64: 1, 1, 8, 224, 256>}, {transform_indices = @transform_2, window_bounds = array<i64: 1, 1, 28, 32, 256>}, {transform_indices = @transform_3, window_bounds = array<i64: 1, 1, 28, 32, 1>}, {transform_indices = @transform_4, window_bounds = array<i64: 8, 1, 28, 64, 96>}]} {
    %get3A = arith.constant 0 : index
    %get3A_0 = arith.constant 0 : index
    %get3A_1 = arith.constant 0 : index
    %get3A_2 = arith.constant 0 : index
    %get3A_3 = arith.constant 0 : index
    %get3A_4 = vector.load %arg2[%get3A, %get3A_0, %get3A_1, %get3A_2, %get3A_3] : memref<1x1x8x224x192xf32, #tpu.memory_space<vmem>>, vector<1x1x8x224x192xf32>
    %get3A_5 = vector.shape_cast %get3A_4 : vector<1x1x8x224x192xf32> to vector<8x224x192xf32>
    %get3A_6 = arith.constant 0 : index
    %get3A_7 = arith.constant 0 : index
    %get3A_8 = arith.constant 0 : index
    %get3A_9 = arith.constant 0 : index
    %get3A_10 = arith.constant 0 : index
    %get3A_11 = vector.load %arg3[%get3A_6, %get3A_7, %get3A_8, %get3A_9, %get3A_10] : memref<1x1x8x224x256xf32, #tpu.memory_space<vmem>>, vector<1x1x8x224x256xf32>
    %get3A_12 = vector.shape_cast %get3A_11 : vector<1x1x8x224x256xf32> to vector<8x224x256xf32>
    %slice3A = vector.extract_strided_slice %get3A_5 {offsets = [0, 0, 0], sizes = [8, 8, 192], strides = [1, 1, 1]} : vector<8x224x192xf32> to vector<8x8x192xf32>
    %reshape3A = vector.shape_cast %slice3A : vector<8x8x192xf32> to vector<64x192xf32>
    %slice3A_13 = vector.extract_strided_slice %get3A_12 {offsets = [0, 0, 0], sizes = [8, 8, 192], strides = [1, 1, 1]} : vector<8x224x256xf32> to vector<8x8x192xf32>
    %reshape3A_14 = vector.shape_cast %slice3A_13 : vector<8x8x192xf32> to vector<64x192xf32>
    %get3A_15 = arith.constant 0 : index
    %get3A_16 = arith.constant 0 : index
    %get3A_17 = arith.constant 0 : index
    %get3A_18 = arith.constant 0 : index
    %get3A_19 = arith.constant 0 : index
    %get3A_20 = vector.load %arg4[%get3A_15, %get3A_16, %get3A_17, %get3A_18, %get3A_19] : memref<1x1x28x32x256xf32, #tpu.memory_space<vmem>>, vector<1x1x1x32x192xf32>
    %get3A_21 = vector.shape_cast %get3A_20 : vector<1x1x1x32x192xf32> to vector<32x192xf32>
    %get3A_22 = arith.constant 0 : index
    %get3A_23 = arith.constant 0 : index
    %get3A_24 = arith.constant 0 : index
    %get3A_25 = arith.constant 0 : index
    %get3A_26 = arith.constant 0 : index
    %get3A_27 = vector.load %arg5[%get3A_22, %get3A_23, %get3A_24, %get3A_25, %get3A_26] : memref<1x1x28x32x1xf32, #tpu.memory_space<vmem>>, vector<1x1x1x32x1xf32>
    %get3A_28 = vector.shape_cast %get3A_27 : vector<1x1x1x32x1xf32> to vector<32x1xf32>
    %mul3A = vector.broadcast %get3A_28 : vector<32x1xf32> to vector<32x192xf32>
    %mul3A_29 = arith.mulf %get3A_21, %mul3A : vector<32x192xf32>
    %concatenate3A = tpu.concatenate %reshape3A_14, %mul3A_29 in 0 : vector<64x192xf32>, vector<32x192xf32> -> vector<96x192xf32>
    %slice3A_30 = vector.extract_strided_slice %reshape3A {offsets = [0, 0], sizes = [64, 24], strides = [1, 1]} : vector<64x192xf32> to vector<64x24xf32>
    %slice3A_31 = vector.extract_strided_slice %concatenate3A {offsets = [0, 0], sizes = [96, 24], strides = [1, 1]} : vector<96x192xf32> to vector<96x24xf32>
    %dot_general3A = arith.constant dense<0.000000e+00> : vector<64x96xf32>
    %dot_general3A_32 = tpu.matmul %slice3A_30, %slice3A_31, %dot_general3A {dimension_numbers = #tpu.dot_dimension_numbers<[1], [1], [0], [0], [0, 0, 1, 0], [], []>, transpose_lhs_hint = false} : vector<64x24xf32>, vector<96x24xf32>, vector<64x96xf32> -> vector<64x96xf32>
    %slice3A_33 = vector.extract_strided_slice %reshape3A {offsets = [0, 24], sizes = [64, 24], strides = [1, 1]} : vector<64x192xf32> to vector<64x24xf32>
    %slice3A_34 = vector.extract_strided_slice %concatenate3A {offsets = [0, 24], sizes = [96, 24], strides = [1, 1]} : vector<96x192xf32> to vector<96x24xf32>
    %dot_general3A_35 = arith.constant dense<0.000000e+00> : vector<64x96xf32>
    %dot_general3A_36 = tpu.matmul %slice3A_33, %slice3A_34, %dot_general3A_35 {dimension_numbers = #tpu.dot_dimension_numbers<[1], [1], [0], [0], [0, 0, 1, 0], [], []>, transpose_lhs_hint = false} : vector<64x24xf32>, vector<96x24xf32>, vector<64x96xf32> -> vector<64x96xf32>
    %slice3A_37 = vector.extract_strided_slice %reshape3A {offsets = [0, 48], sizes = [64, 24], strides = [1, 1]} : vector<64x192xf32> to vector<64x24xf32>
    %slice3A_38 = vector.extract_strided_slice %concatenate3A {offsets = [0, 48], sizes = [96, 24], strides = [1, 1]} : vector<96x192xf32> to vector<96x24xf32>
    %dot_general3A_39 = arith.constant dense<0.000000e+00> : vector<64x96xf32>
    %dot_general3A_40 = tpu.matmul %slice3A_37, %slice3A_38, %dot_general3A_39 {dimension_numbers = #tpu.dot_dimension_numbers<[1], [1], [0], [0], [0, 0, 1, 0], [], []>, transpose_lhs_hint = false} : vector<64x24xf32>, vector<96x24xf32>, vector<64x96xf32> -> vector<64x96xf32>
    %slice3A_41 = vector.extract_strided_slice %reshape3A {offsets = [0, 72], sizes = [64, 24], strides = [1, 1]} : vector<64x192xf32> to vector<64x24xf32>
    %slice3A_42 = vector.extract_strided_slice %concatenate3A {offsets = [0, 72], sizes = [96, 24], strides = [1, 1]} : vector<96x192xf32> to vector<96x24xf32>
    %dot_general3A_43 = arith.constant dense<0.000000e+00> : vector<64x96xf32>
    %dot_general3A_44 = tpu.matmul %slice3A_41, %slice3A_42, %dot_general3A_43 {dimension_numbers = #tpu.dot_dimension_numbers<[1], [1], [0], [0], [0, 0, 1, 0], [], []>, transpose_lhs_hint = false} : vector<64x24xf32>, vector<96x24xf32>, vector<64x96xf32> -> vector<64x96xf32>
    %slice3A_45 = vector.extract_strided_slice %reshape3A {offsets = [0, 96], sizes = [64, 24], strides = [1, 1]} : vector<64x192xf32> to vector<64x24xf32>
    %slice3A_46 = vector.extract_strided_slice %concatenate3A {offsets = [0, 96], sizes = [96, 24], strides = [1, 1]} : vector<96x192xf32> to vector<96x24xf32>
    %dot_general3A_47 = arith.constant dense<0.000000e+00> : vector<64x96xf32>
    %dot_general3A_48 = tpu.matmul %slice3A_45, %slice3A_46, %dot_general3A_47 {dimension_numbers = #tpu.dot_dimension_numbers<[1], [1], [0], [0], [0, 0, 1, 0], [], []>, transpose_lhs_hint = false} : vector<64x24xf32>, vector<96x24xf32>, vector<64x96xf32> -> vector<64x96xf32>
    %slice3A_49 = vector.extract_strided_slice %reshape3A {offsets = [0, 120], sizes = [64, 24], strides = [1, 1]} : vector<64x192xf32> to vector<64x24xf32>
    %slice3A_50 = vector.extract_strided_slice %concatenate3A {offsets = [0, 120], sizes = [96, 24], strides = [1, 1]} : vector<96x192xf32> to vector<96x24xf32>
    %dot_general3A_51 = arith.constant dense<0.000000e+00> : vector<64x96xf32>
    %dot_general3A_52 = tpu.matmul %slice3A_49, %slice3A_50, %dot_general3A_51 {dimension_numbers = #tpu.dot_dimension_numbers<[1], [1], [0], [0], [0, 0, 1, 0], [], []>, transpose_lhs_hint = false} : vector<64x24xf32>, vector<96x24xf32>, vector<64x96xf32> -> vector<64x96xf32>
    %slice3A_53 = vector.extract_strided_slice %reshape3A {offsets = [0, 144], sizes = [64, 24], strides = [1, 1]} : vector<64x192xf32> to vector<64x24xf32>
    %slice3A_54 = vector.extract_strided_slice %concatenate3A {offsets = [0, 144], sizes = [96, 24], strides = [1, 1]} : vector<96x192xf32> to vector<96x24xf32>
    %dot_general3A_55 = arith.constant dense<0.000000e+00> : vector<64x96xf32>
    %dot_general3A_56 = tpu.matmul %slice3A_53, %slice3A_54, %dot_general3A_55 {dimension_numbers = #tpu.dot_dimension_numbers<[1], [1], [0], [0], [0, 0, 1, 0], [], []>, transpose_lhs_hint = false} : vector<64x24xf32>, vector<96x24xf32>, vector<64x96xf32> -> vector<64x96xf32>
    %slice3A_57 = vector.extract_strided_slice %reshape3A {offsets = [0, 168], sizes = [64, 24], strides = [1, 1]} : vector<64x192xf32> to vector<64x24xf32>
    %slice3A_58 = vector.extract_strided_slice %concatenate3A {offsets = [0, 168], sizes = [96, 24], strides = [1, 1]} : vector<96x192xf32> to vector<96x24xf32>
    %dot_general3A_59 = arith.constant dense<0.000000e+00> : vector<64x96xf32>
    %dot_general3A_60 = tpu.matmul %slice3A_57, %slice3A_58, %dot_general3A_59 {dimension_numbers = #tpu.dot_dimension_numbers<[1], [1], [0], [0], [0, 0, 1, 0], [], []>, transpose_lhs_hint = false} : vector<64x24xf32>, vector<96x24xf32>, vector<64x96xf32> -> vector<64x96xf32>
    %stack3A = vector.shape_cast %dot_general3A_32 : vector<64x96xf32> to vector<1x64x96xf32>
    %stack3A_61 = vector.shape_cast %dot_general3A_36 : vector<64x96xf32> to vector<1x64x96xf32>
    %stack3A_62 = vector.shape_cast %dot_general3A_40 : vector<64x96xf32> to vector<1x64x96xf32>
    %stack3A_63 = vector.shape_cast %dot_general3A_44 : vector<64x96xf32> to vector<1x64x96xf32>
    %stack3A_64 = vector.shape_cast %dot_general3A_48 : vector<64x96xf32> to vector<1x64x96xf32>
    %stack3A_65 = vector.shape_cast %dot_general3A_52 : vector<64x96xf32> to vector<1x64x96xf32>
    %stack3A_66 = vector.shape_cast %dot_general3A_56 : vector<64x96xf32> to vector<1x64x96xf32>
    %stack3A_67 = vector.shape_cast %dot_general3A_60 : vector<64x96xf32> to vector<1x64x96xf32>
    %stack3A_68 = tpu.concatenate %stack3A, %stack3A_61, %stack3A_62, %stack3A_63, %stack3A_64, %stack3A_65, %stack3A_66, %stack3A_67 in 0 : vector<1x64x96xf32>, vector<1x64x96xf32>, vector<1x64x96xf32>, vector<1x64x96xf32>, vector<1x64x96xf32>, vector<1x64x96xf32>, vector<1x64x96xf32>, vector<1x64x96xf32> -> vector<8x64x96xf32>
    %exp3A = math.exp %stack3A_68 : vector<8x64x96xf32>
    %reshape3A_69 = vector.shape_cast %exp3A : vector<8x64x96xf32> to vector<512x96xf32>
    %broadcast_in_dim3A = arith.constant 1.000000e+00 : f32
    %broadcast_in_dim3A_70 = vector.broadcast %broadcast_in_dim3A : f32 to vector<96x96xf32>
    %dot_general3A_71 = arith.constant dense<0.000000e+00> : vector<512x96xf32>
    %dot_general3A_72 = tpu.matmul %reshape3A_69, %broadcast_in_dim3A_70, %dot_general3A_71 {dimension_numbers = #tpu.dot_dimension_numbers<[1], [0], [0], [1], [0, 0, 1, 1], [], []>, transpose_lhs_hint = false} : vector<512x96xf32>, vector<96x96xf32>, vector<512x96xf32> -> vector<512x96xf32>
    %div3A = arith.divf %reshape3A_69, %dot_general3A_72 : vector<512x96xf32>
    %reshape3A_73 = vector.shape_cast %div3A : vector<512x96xf32> to vector<8x64x96xf32>
    %swap3A = arith.constant 0 : index
    %swap3A_74 = arith.constant 0 : index
    %swap3A_75 = arith.constant 0 : index
    %swap3A_76 = arith.constant 0 : index
    %swap3A_77 = arith.constant 0 : index
    %swap3A_78 = vector.load %arg6[%swap3A, %swap3A_74, %swap3A_75, %swap3A_76, %swap3A_77] : memref<8x1x28x64x96xf32, #tpu.memory_space<vmem>>, vector<8x1x1x64x96xf32>
    %swap3A_79 = vector.shape_cast %swap3A_78 : vector<8x1x1x64x96xf32> to vector<8x64x96xf32>
    %swap3A_80 = vector.shape_cast %reshape3A_73 : vector<8x64x96xf32> to vector<8x1x1x64x96xf32>
    tpu.vector_store %arg6[%swap3A, %swap3A_74, %swap3A_75, %swap3A_76, %swap3A_77], %swap3A_80 {strides = array<i32>} : memref<8x1x28x64x96xf32, #tpu.memory_space<vmem>>, vector<8x1x1x64x96xf32>,
    %slice3A_81 = vector.extract_strided_slice %get3A_5 {offsets = [0, 8, 0], sizes = [8, 8, 192], strides = [1, 1, 1]} : vector<8x224x192xf32> to vector<8x8x192xf32>
    %reshape3A_82 = vector.shape_cast %slice3A_81 : vector<8x8x192xf32> to vector<64x192xf32>
    %slice3A_83 = vector.extract_strided_slice %get3A_12 {offsets = [0, 8, 0], sizes = [8, 8, 192], strides = [1, 1, 1]} : vector<8x224x256xf32> to vector<8x8x192xf32>
    %reshape3A_84 = vector.shape_cast %slice3A_83 : vector<8x8x192xf32> to vector<64x192xf32>
    %get3A_85 = arith.constant 0 : index
    %get3A_86 = arith.constant 0 : index
    %get3A_87 = arith.constant 1 : index
    %get3A_88 = arith.constant 0 : index
    %get3A_89 = arith.constant 0 : index
    %get3A_90 = vector.load %arg4[%get3A_85, %get3A_86, %get3A_87, %get3A_88, %get3A_89] : memref<1x1x28x32x256xf32, #tpu.memory_space<vmem>>, vector<1x1x1x32x192xf32>
    %get3A_91 = vector.shape_cast %get3A_90 : vector<1x1x1x32x192xf32> to vector<32x192xf32>
    %get3A_92 = arith.constant 0 : index
    %get3A_93 = arith.constant 0 : index
    %get3A_94 = arith.constant 1 : index
    %get3A_95 = arith.constant 0 : index
    %get3A_96 = arith.constant 0 : index
    %get3A_97 = vector.load %arg5[%get3A_92, %get3A_93, %get3A_94, %get3A_95, %get3A_96] : memref<1x1x28x32x1xf32, #tpu.memory_space<vmem>>, vector<1x1x1x32x1xf32>
    %get3A_98 = vector.shape_cast %get3A_97 : vector<1x1x1x32x1xf32> to vector<32x1xf32>
    %mul3A_99 = vector.broadcast %get3A_98 : vector<32x1xf32> to vector<32x192xf32>
    %mul3A_100 = arith.mulf %get3A_91, %mul3A_99 : vector<32x192xf32>
    %concatenate3A_101 = tpu.concatenate %reshape3A_84, %mul3A_100 in 0 : vector<64x192xf32>, vector<32x192xf32> -> vector<96x192xf32>
    %slice3A_102 = vector.extract_strided_slice %reshape3A_82 {offsets = [0, 0], sizes = [64, 24], strides = [1, 1]} : vector<64x192xf32> to vector<64x24xf32>
    %slice3A_103 = vector.extract_strided_slice %concatenate3A_101 {offsets = [0, 0], sizes = [96, 24], strides = [1, 1]} : vector<96x192xf32> to vector<96x24xf32>
    %dot_general3A_104 = arith.constant dense<0.000000e+00> : vector<64x96xf32>
    %dot_general3A_105 = tpu.matmul %slice3A_102, %slice3A_103, %dot_general3A_104 {dimension_numbers = #tpu.dot_dimension_numbers<[1], [1], [0], [0], [0, 0, 1, 0], [], []>, transpose_lhs_hint = false} : vector<64x24xf32>, vector<96x24xf32>, vector<64x96xf32> -> vector<64x96xf32>
    %slice3A_106 = vector.extract_strided_slice %reshape3A_82 {offsets = [0, 24], sizes = [64, 24], strides = [1, 1]} : vector<64x192xf32> to vector<64x24xf32>
    %slice3A_107 = vector.extract_strided_slice %concatenate3A_101 {offsets = [0, 24], sizes = [96, 24], strides = [1, 1]} : vector<96x192xf32> to vector<96x24xf32>
    %dot_general3A_108 = arith.constant dense<0.000000e+00> : vector<64x96xf32>
    %dot_general3A_109 = tpu.matmul %slice3A_106, %slice3A_107, %dot_general3A_108 {dimension_numbers = #tpu.dot_dimension_numbers<[1], [1], [0], [0], [0, 0, 1, 0], [], []>, transpose_lhs_hint = false} : vector<64x24xf32>, vector<96x24xf32>, vector<64x96xf32> -> vector<64x96xf32>
    %slice3A_110 = vector.extract_strided_slice %reshape3A_82 {offsets = [0, 48], sizes = [64, 24], strides = [1, 1]} : vector<64x192xf32> to vector<64x24xf32>
    %slice3A_111 = vector.extract_strided_slice %concatenate3A_101 {offsets = [0, 48], sizes = [96, 24], strides = [1, 1]} : vector<96x192xf32> to vector<96x24xf32>
    %dot_general3A_112 = arith.constant dense<0.000000e+00> : vector<64x96xf32>
    %dot_general3A_113 = tpu.matmul %slice3A_110, %slice3A_111, %dot_general3A_112 {dimension_numbers = #tpu.dot_dimension_numbers<[1], [1], [0], [0], [0, 0, 1, 0], [], []>, transpose_lhs_hint = false} : vector<64x24xf32>, vector<96x24xf32>, vector<64x96xf32> -> vector<64x96xf32>
    %slice3A_114 = vector.extract_strided_slice %reshape3A_82 {offsets = [0, 72], sizes = [64, 24], strides = [1, 1]} : vector<64x192xf32> to vector<64x24xf32>
    %slice3A_115 = vector.extract_strided_slice %concatenate3A_101 {offsets = [0, 72], sizes = [96, 24], strides = [1, 1]} : vector<96x192xf32> to vector<96x24xf32>
    %dot_general3A_116 = arith.constant dense<0.000000e+00> : vector<64x96xf32>
    %dot_general3A_117 = tpu.matmul %slice3A_114, %slice3A_115, %dot_general3A_116 {dimension_numbers = #tpu.dot_dimension_numbers<[1], [1], [0], [0], [0, 0, 1, 0], [], []>, transpose_lhs_hint = false} : vector<64x24xf32>, vector<96x24xf32>, vector<64x96xf32> -> vector<64x96xf32>
    %slice3A_118 = vector.extract_strided_slice %reshape3A_82 {offsets = [0, 96], sizes = [64, 24], strides = [1, 1]} : vector<64x192xf32> to vector<64x24xf32>
    %slice3A_119 = vector.extract_strided_slice %concatenate3A_101 {offsets = [0, 96], sizes = [96, 24], strides = [1, 1]} : vector<96x192xf32> to vector<96x24xf32>
    %dot_general3A_120 = arith.constant dense<0.000000e+00> : vector<64x96xf32>
    %dot_general3A_121 = tpu.matmul %slice3A_118, %slice3A_119, %dot_general3A_120 {dimension_numbers = #tpu.dot_dimension_numbers<[1], [1], [0], [0], [0, 0, 1, 0], [], []>, transpose_lhs_hint = false} : vector<64x24xf32>, vector<96x24xf32>, vector<64x96xf32> -> vector<64x96xf32>
    %slice3A_122 = vector.extract_strided_slice %reshape3A_82 {offsets = [0, 120], sizes = [64, 24], strides = [1, 1]} : vector<64x192xf32> to vector<64x24xf32>
    %slice3A_123 = vector.extract_strided_slice %concatenate3A_101 {offsets = [0, 120], sizes = [96, 24], strides = [1, 1]} : vector<96x192xf32> to vector<96x24xf32>
    %dot_general3A_124 = arith.constant dense<0.000000e+00> : vector<64x96xf32>
    %dot_general3A_125 = tpu.matmul %slice3A_122, %slice3A_123, %dot_general3A_124 {dimension_numbers = #tpu.dot_dimension_numbers<[1], [1], [0], [0], [0, 0, 1, 0], [], []>, transpose_lhs_hint = false} : vector<64x24xf32>, vector<96x24xf32>, vector<64x96xf32> -> vector<64x96xf32>
    %slice3A_126 = vector.extract_strided_slice %reshape3A_82 {offsets = [0, 144], sizes = [64, 24], strides = [1, 1]} : vector<64x192xf32> to vector<64x24xf32>
    %slice3A_127 = vector.extract_strided_slice %concatenate3A_101 {offsets = [0, 144], sizes = [96, 24], strides = [1, 1]} : vector<96x192xf32> to vector<96x24xf32>
    %dot_general3A_128 = arith.constant dense<0.000000e+00> : vector<64x96xf32>
    %dot_general3A_129 = tpu.matmul %slice3A_126, %slice3A_127, %dot_general3A_128 {dimension_numbers = #tpu.dot_dimension_numbers<[1], [1], [0], [0], [0, 0, 1, 0], [], []>, transpose_lhs_hint = false} : vector<64x24xf32>, vector<96x24xf32>, vector<64x96xf32> -> vector<64x96xf32>
    %slice3A_130 = vector.extract_strided_slice %reshape3A_82 {offsets = [0, 168], sizes = [64, 24], strides = [1, 1]} : vector<64x192xf32> to vector<64x24xf32>
    %slice3A_131 = vector.extract_strided_slice %concatenate3A_101 {offsets = [0, 168], sizes = [96, 24], strides = [1, 1]} : vector<96x192xf32> to vector<96x24xf32>
    %dot_general3A_132 = arith.constant dense<0.000000e+00> : vector<64x96xf32>
    %dot_general3A_133 = tpu.matmul %slice3A_130, %slice3A_131, %dot_general3A_132 {dimension_numbers = #tpu.dot_dimension_numbers<[1], [1], [0], [0], [0, 0, 1, 0], [], []>, transpose_lhs_hint = false} : vector<64x24xf32>, vector<96x24xf32>, vector<64x96xf32> -> vector<64x96xf32>
    %stack3A_134 = vector.shape_cast %dot_general3A_105 : vector<64x96xf32> to vector<1x64x96xf32>
    %stack3A_135 = vector.shape_cast %dot_general3A_109 : vector<64x96xf32> to vector<1x64x96xf32>
    %stack3A_136 = vector.shape_cast %dot_general3A_113 : vector<64x96xf32> to vector<1x64x96xf32>
    %stack3A_137 = vector.shape_cast %dot_general3A_117 : vector<64x96xf32> to vector<1x64x96xf32>
    %stack3A_138 = vector.shape_cast %dot_general3A_121 : vector<64x96xf32> to vector<1x64x96xf32>
    %stack3A_139 = vector.shape_cast %dot_general3A_125 : vector<64x96xf32> to vector<1x64x96xf32>
    %stack3A_140 = vector.shape_cast %dot_general3A_129 : vector<64x96xf32> to vector<1x64x96xf32>
    %stack3A_141 = vector.shape_cast %dot_general3A_133 : vector<64x96xf32> to vector<1x64x96xf32>
    %stack3A_142 = tpu.concatenate %stack3A_134, %stack3A_135, %stack3A_136, %stack3A_137, %stack3A_138, %stack3A_139, %stack3A_140, %stack3A_141 in 0 : vector<1x64x96xf32>, vector<1x64x96xf32>, vector<1x64x96xf32>, vector<1x64x96xf32>, vector<1x64x96xf32>, vector<1x64x96xf32>, vector<1x64x96xf32>, vector<1x64x96xf32> -> vector<8x64x96xf32>
    %exp3A_143 = math.exp %stack3A_142 : vector<8x64x96xf32>
    %reshape3A_144 = vector.shape_cast %exp3A_143 : vector<8x64x96xf32> to vector<512x96xf32>
    %broadcast_in_dim3A_145 = arith.constant 1.000000e+00 : f32
    %broadcast_in_dim3A_146 = vector.broadcast %broadcast_in_dim3A_145 : f32 to vector<96x96xf32>
    %dot_general3A_147 = arith.constant dense<0.000000e+00> : vector<512x96xf32>
    %dot_general3A_148 = tpu.matmul %reshape3A_144, %broadcast_in_dim3A_146, %dot_general3A_147 {dimension_numbers = #tpu.dot_dimension_numbers<[1], [0], [0], [1], [0, 0, 1, 1], [], []>, transpose_lhs_hint = false} : vector<512x96xf32>, vector<96x96xf32>, vector<512x96xf32> -> vector<512x96xf32>
    %div3A_149 = arith.divf %reshape3A_144, %dot_general3A_148 : vector<512x96xf32>
    %reshape3A_150 = vector.shape_cast %div3A_149 : vector<512x96xf32> to vector<8x64x96xf32>
    %swap3A_151 = arith.constant 0 : index
    %swap3A_152 = arith.constant 0 : index
    %swap3A_153 = arith.constant 1 : index
    %swap3A_154 = arith.constant 0 : index
    %swap3A_155 = arith.constant 0 : index
    %swap3A_156 = vector.load %arg6[%swap3A_151, %swap3A_152, %swap3A_153, %swap3A_154, %swap3A_155] : memref<8x1x28x64x96xf32, #tpu.memory_space<vmem>>, vector<8x1x1x64x96xf32>
    %swap3A_157 = vector.shape_cast %swap3A_156 : vector<8x1x1x64x96xf32> to vector<8x64x96xf32>
    %swap3A_158 = vector.shape_cast %reshape3A_150 : vector<8x64x96xf32> to vector<8x1x1x64x96xf32>
    tpu.vector_store %arg6[%swap3A_151, %swap3A_152, %swap3A_153, %swap3A_154, %swap3A_155], %swap3A_158 {strides = array<i32>} : memref<8x1x28x64x96xf32, #tpu.memory_space<vmem>>, vector<8x1x1x64x96xf32>,
    %slice3A_159 = vector.extract_strided_slice %get3A_5 {offsets = [0, 16, 0], sizes = [8, 8, 192], strides = [1, 1, 1]} : vector<8x224x192xf32> to vector<8x8x192xf32>
    %reshape3A_160 = vector.shape_cast %slice3A_159 : vector<8x8x192xf32> to vector<64x192xf32>
    %slice3A_161 = vector.extract_strided_slice %get3A_12 {offsets = [0, 16, 0], sizes = [8, 8, 192], strides = [1, 1, 1]} : vector<8x224x256xf32> to vector<8x8x192xf32>
    %reshape3A_162 = vector.shape_cast %slice3A_161 : vector<8x8x192xf32> to vector<64x192xf32>
    %get3A_163 = arith.constant 0 : index
    %get3A_164 = arith.constant 0 : index
    %get3A_165 = arith.constant 2 : index
    %get3A_166 = arith.constant 0 : index
    %get3A_167 = arith.constant 0 : index
    %get3A_168 = vector.load %arg4[%get3A_163, %get3A_164, %get3A_165, %get3A_166, %get3A_167] : memref<1x1x28x32x256xf32, #tpu.memory_space<vmem>>, vector<1x1x1x32x192xf32>
    %get3A_169 = vector.shape_cast %get3A_168 : vector<1x1x1x32x192xf32> to vector<32x192xf32>
    %get3A_170 = arith.constant 0 : index
    %get3A_171 = arith.constant 0 : index
    %get3A_172 = arith.constant 2 : index
    %get3A_173 = arith.constant 0 : index
    %get3A_174 = arith.constant 0 : index
    %get3A_175 = vector.load %arg5[%get3A_170, %get3A_171, %get3A_172, %get3A_173, %get3A_174] : memref<1x1x28x32x1xf32, #tpu.memory_space<vmem>>, vector<1x1x1x32x1xf32>
    %get3A_176 = vector.shape_cast %get3A_175 : vector<1x1x1x32x1xf32> to vector<32x1xf32>
    %mul3A_177 = vector.broadcast %get3A_176 : vector<32x1xf32> to vector<32x192xf32>
    %mul3A_178 = arith.mulf %get3A_169, %mul3A_177 : vector<32x192xf32>
    %concatenate3A_179 = tpu.concatenate %reshape3A_162, %mul3A_178 in 0 : vector<64x192xf32>, vector<32x192xf32> -> vector<96x192xf32>
    %slice3A_180 = vector.extract_strided_slice %reshape3A_160 {offsets = [0, 0], sizes = [64, 24], strides = [1, 1]} : vector<64x192xf32> to vector<64x24xf32>
    %slice3A_181 = vector.extract_strided_slice %concatenate3A_179 {offsets = [0, 0], sizes = [96, 24], strides = [1, 1]} : vector<96x192xf32> to vector<96x24xf32>
    %dot_general3A_182 = arith.constant dense<0.000000e+00> : vector<64x96xf32>
    %dot_general3A_183 = tpu.matmul %slice3A_180, %slice3A_181, %dot_general3A_182 {dimension_numbers = #tpu.dot_dimension_numbers<[1], [1], [0], [0], [0, 0, 1, 0], [], []>, transpose_lhs_hint = false} : vector<64x24xf32>, vector<96x24xf32>, vector<64x96xf32> -> vector<64x96xf32>
    %slice3A_184 = vector.extract_strided_slice %reshape3A_160 {offsets = [0, 24], sizes = [64, 24], strides = [1, 1]} : vector<64x192xf32> to vector<64x24xf32>
    %slice3A_185 = vector.extract_strided_slice %concatenate3A_179 {offsets = [0, 24], sizes = [96, 24], strides = [1, 1]} : vector<96x192xf32> to vector<96x24xf32>
    %dot_general3A_186 = arith.constant dense<0.000000e+00> : vector<64x96xf32>
    %dot_general3A_187 = tpu.matmul %slice3A_184, %slice3A_185, %dot_general3A_186 {dimension_numbers = #tpu.dot_dimension_numbers<[1], [1], [0], [0], [0, 0, 1, 0], [], []>, transpose_lhs_hint = false} : vector<64x24xf32>, vector<96x24xf32>, vector<64x96xf32> -> vector<64x96xf32>
    %slice3A_188 = vector.extract_strided_slice %reshape3A_160 {offsets = [0, 48], sizes = [64, 24], strides = [1, 1]} : vector<64x192xf32> to vector<64x24xf32>
    %slice3A_189 = vector.extract_strided_slice %concatenate3A_179 {offsets = [0, 48], sizes = [96, 24], strides = [1, 1]} : vector<96x192xf32> to vector<96x24xf32>
    %dot_general3A_190 = arith.constant dense<0.000000e+00> : vector<64x96xf32>
    %dot_general3A_191 = tpu.matmul %slice3A_188, %slice3A_189, %dot_general3A_190 {dimension_numbers = #tpu.dot_dimension_numbers<[1], [1], [0], [0], [0, 0, 1, 0], [], []>, transpose_lhs_hint = false} : vector<64x24xf32>, vector<96x24xf32>, vector<64x96xf32> -> vector<64x96xf32>
    %slice3A_192 = vector.extract_strided_slice %reshape3A_160 {offsets = [0, 72], sizes = [64, 24], strides = [1, 1]} : vector<64x192xf32> to vector<64x24xf32>
    %slice3A_193 = vector.extract_strided_slice %concatenate3A_179 {offsets = [0, 72], sizes = [96, 24], strides = [1, 1]} : vector<96x192xf32> to vector<96x24xf32>
    %dot_general3A_194 = arith.constant dense<0.000000e+00> : vector<64x96xf32>
    %dot_general3A_195 = tpu.matmul %slice3A_192, %slice3A_193, %dot_general3A_194 {dimension_numbers = #tpu.dot_dimension_numbers<[1], [1], [0], [0], [0, 0, 1, 0], [], []>, transpose_lhs_hint = false} : vector<64x24xf32>, vector<96x24xf32>, vector<64x96xf32> -> vector<64x96xf32>
    %slice3A_196 = vector.extract_strided_slice %reshape3A_160 {offsets = [0, 96], sizes = [64, 24], strides = [1, 1]} : vector<64x192xf32> to vector<64x24xf32>
    %slice3A_197 = vector.extract_strided_slice %concatenate3A_179 {offsets = [0, 96], sizes = [96, 24], strides = [1, 1]} : vector<96x192xf32> to vector<96x24xf32>
    %dot_general3A_198 = arith.constant dense<0.000000e+00> : vector<64x96xf32>
    %dot_general3A_199 = tpu.matmul %slice3A_196, %slice3A_197, %dot_general3A_198 {dimension_numbers = #tpu.dot_dimension_numbers<[1], [1], [0], [0], [0, 0, 1, 0], [], []>, transpose_lhs_hint = false} : vector<64x24xf32>, vector<96x24xf32>, vector<64x96xf32> -> vector<64x96xf32>
    %slice3A_200 = vector.extract_strided_slice %reshape3A_160 {offsets = [0, 120], sizes = [64, 24], strides = [1, 1]} : vector<64x192xf32> to vector<64x24xf32>
    %slice3A_201 = vector.extract_strided_slice %concatenate3A_179 {offsets = [0, 120], sizes = [96, 24], strides = [1, 1]} : vector<96x192xf32> to vector<96x24xf32>
    %dot_general3A_202 = arith.constant dense<0.000000e+00> : vector<64x96xf32>
    %dot_general3A_203 = tpu.matmul %slice3A_200, %slice3A_201, %dot_general3A_202 {dimension_numbers = #tpu.dot_dimension_numbers<[1], [1], [0], [0], [0, 0, 1, 0], [], []>, transpose_lhs_hint = false} : vector<64x24xf32>, vector<96x24xf32>, vector<64x96xf32> -> vector<64x96xf32>
    %slice3A_204 = vector.extract_strided_slice %reshape3A_160 {offsets = [0, 144], sizes = [64, 24], strides = [1, 1]} : vector<64x192xf32> to vector<64x24xf32>
    %slice3A_205 = vector.extract_strided_slice %concatenate3A_179 {offsets = [0, 144], sizes = [96, 24], strides = [1, 1]} : vector<96x192xf32> to vector<96x24xf32>
    %dot_general3A_206 = arith.constant dense<0.000000e+00> : vector<64x96xf32>
    %dot_general3A_207 = tpu.matmul %slice3A_204, %slice3A_205, %dot_general3A_206 {dimension_numbers = #tpu.dot_dimension_numbers<[1], [1], [0], [0], [0, 0, 1, 0], [], []>, transpose_lhs_hint = false} : vector<64x24xf32>, vector<96x24xf32>, vector<64x96xf32> -> vector<64x96xf32>
    %slice3A_208 = vector.extract_strided_slice %reshape3A_160 {offsets = [0, 168], sizes = [64, 24], strides = [1, 1]} : vector<64x192xf32> to vector<64x24xf32>
    %slice3A_209 = vector.extract_strided_slice %concatenate3A_179 {offsets = [0, 168], sizes = [96, 24], strides = [1, 1]} : vector<96x192xf32> to vector<96x24xf32>
    %dot_general3A_210 = arith.constant dense<0.000000e+00> : vector<64x96xf32>
    %dot_general3A_211 = tpu.matmul %slice3A_208, %slice3A_209, %dot_general3A_210 {dimension_numbers = #tpu.dot_dimension_numbers<[1], [1], [0], [0], [0, 0, 1, 0], [], []>, transpose_lhs_hint = false} : vector<64x24xf32>, vector<96x24xf32>, vector<64x96xf32> -> vector<64x96xf32>
    %stack3A_212 = vector.shape_cast %dot_general3A_183 : vector<64x96xf32> to vector<1x64x96xf32>
    %stack3A_213 = vector.shape_cast %dot_general3A_187 : vector<64x96xf32> to vector<1x64x96xf32>
    %stack3A_214 = vector.shape_cast %dot_general3A_191 : vector<64x96xf32> to vector<1x64x96xf32>
    %stack3A_215 = vector.shape_cast %dot_general3A_195 : vector<64x96xf32> to vector<1x64x96xf32>
    %stack3A_216 = vector.shape_cast %dot_general3A_199 : vector<64x96xf32> to vector<1x64x96xf32>
    %stack3A_217 = vector.shape_cast %dot_general3A_203 : vector<64x96xf32> to vector<1x64x96xf32>
    %stack3A_218 = vector.shape_cast %dot_general3A_207 : vector<64x96xf32> to vector<1x64x96xf32>
    %stack3A_219 = vector.shape_cast %dot_general3A_211 : vector<64x96xf32> to vector<1x64x96xf32>
    %stack3A_220 = tpu.concatenate %stack3A_212, %stack3A_213, %stack3A_214, %stack3A_215, %stack3A_216, %stack3A_217, %stack3A_218, %stack3A_219 in 0 : vector<1x64x96xf32>, vector<1x64x96xf32>, vector<1x64x96xf32>, vector<1x64x96xf32>, vector<1x64x96xf32>, vector<1x64x96xf32>, vector<1x64x96xf32>, vector<1x64x96xf32> -> vector<8x64x96xf32>
    %exp3A_221 = math.exp %stack3A_220 : vector<8x64x96xf32>
    %reshape3A_222 = vector.shape_cast %exp3A_221 : vector<8x64x96xf32> to vector<512x96xf32>
    %broadcast_in_dim3A_223 = arith.constant 1.000000e+00 : f32
    %broadcast_in_dim3A_224 = vector.broadcast %broadcast_in_dim3A_223 : f32 to vector<96x96xf32>
    %dot_general3A_225 = arith.constant dense<0.000000e+00> : vector<512x96xf32>
    %dot_general3A_226 = tpu.matmul %reshape3A_222, %broadcast_in_dim3A_224, %dot_general3A_225 {dimension_numbers = #tpu.dot_dimension_numbers<[1], [0], [0], [1], [0, 0, 1, 1], [], []>, transpose_lhs_hint = false} : vector<512x96xf32>, vector<96x96xf32>, vector<512x96xf32> -> vector<512x96xf32>
    %div3A_227 = arith.divf %reshape3A_222, %dot_general3A_226 : vector<512x96xf32>
    %reshape3A_228 = vector.shape_cast %div3A_227 : vector<512x96xf32> to vector<8x64x96xf32>
    %swap3A_229 = arith.constant 0 : index
    %swap3A_230 = arith.constant 0 : index
    %swap3A_231 = arith.constant 2 : index
    %swap3A_232 = arith.constant 0 : index
    %swap3A_233 = arith.constant 0 : index
    %swap3A_234 = vector.load %arg6[%swap3A_229, %swap3A_230, %swap3A_231, %swap3A_232, %swap3A_233] : memref<8x1x28x64x96xf32, #tpu.memory_space<vmem>>, vector<8x1x1x64x96xf32>
    %swap3A_235 = vector.shape_cast %swap3A_234 : vector<8x1x1x64x96xf32> to vector<8x64x96xf32>
    %swap3A_236 = vector.shape_cast %reshape3A_228 : vector<8x64x96xf32> to vector<8x1x1x64x96xf32>
    tpu.vector_store %arg6[%swap3A_229, %swap3A_230, %swap3A_231, %swap3A_232, %swap3A_233], %swap3A_236 {strides = array<i32>} : memref<8x1x28x64x96xf32, #tpu.memory_space<vmem>>, vector<8x1x1x64x96xf32>,
    %slice3A_237 = vector.extract_strided_slice %get3A_5 {offsets = [0, 24, 0], sizes = [8, 8, 192], strides = [1, 1, 1]} : vector<8x224x192xf32> to vector<8x8x192xf32>
    %reshape3A_238 = vector.shape_cast %slice3A_237 : vector<8x8x192xf32> to vector<64x192xf32>
    %slice3A_239 = vector.extract_strided_slice %get3A_12 {offsets = [0, 24, 0], sizes = [8, 8, 192], strides = [1, 1, 1]} : vector<8x224x256xf32> to vector<8x8x192xf32>
    %reshape3A_240 = vector.shape_cast %slice3A_239 : vector<8x8x192xf32> to vector<64x192xf32>
    %get3A_241 = arith.constant 0 : index
    %get3A_242 = arith.constant 0 : index
    %get3A_243 = arith.constant 3 : index
    %get3A_244 = arith.constant 0 : index
    %get3A_245 = arith.constant 0 : index
    %get3A_246 = vector.load %arg4[%get3A_241, %get3A_242, %get3A_243, %get3A_244, %get3A_245] : memref<1x1x28x32x256xf32, #tpu.memory_space<vmem>>, vector<1x1x1x32x192xf32>
    %get3A_247 = vector.shape_cast %get3A_246 : vector<1x1x1x32x192xf32> to vector<32x192xf32>
    %get3A_248 = arith.constant 0 : index
    %get3A_249 = arith.constant 0 : index
    %get3A_250 = arith.constant 3 : index
    %get3A_251 = arith.constant 0 : index
    %get3A_252 = arith.constant 0 : index
    %get3A_253 = vector.load %arg5[%get3A_248, %get3A_249, %get3A_250, %get3A_251, %get3A_252] : memref<1x1x28x32x1xf32, #tpu.memory_space<vmem>>, vector<1x1x1x32x1xf32>
    %get3A_254 = vector.shape_cast %get3A_253 : vector<1x1x1x32x1xf32> to vector<32x1xf32>
    %mul3A_255 = vector.broadcast %get3A_254 : vector<32x1xf32> to vector<32x192xf32>
    %mul3A_256 = arith.mulf %get3A_247, %mul3A_255 : vector<32x192xf32>
    %concatenate3A_257 = tpu.concatenate %reshape3A_240, %mul3A_256 in 0 : vector<64x192xf32>, vector<32x192xf32> -> vector<96x192xf32>
    %slice3A_258 = vector.extract_strided_slice %reshape3A_238 {offsets = [0, 0], sizes = [64, 24], strides = [1, 1]} : vector<64x192xf32> to vector<64x24xf32>
    %slice3A_259 = vector.extract_strided_slice %concatenate3A_257 {offsets = [0, 0], sizes = [96, 24], strides = [1, 1]} : vector<96x192xf32> to vector<96x24xf32>
    %dot_general3A_260 = arith.constant dense<0.000000e+00> : vector<64x96xf32>
    %dot_general3A_261 = tpu.matmul %slice3A_258, %slice3A_259, %dot_general3A_260 {dimension_numbers = #tpu.dot_dimension_numbers<[1], [1], [0], [0], [0, 0, 1, 0], [], []>, transpose_lhs_hint = false} : vector<64x24xf32>, vector<96x24xf32>, vector<64x96xf32> -> vector<64x96xf32>
    %slice3A_262 = vector.extract_strided_slice %reshape3A_238 {offsets = [0, 24], sizes = [64, 24], strides = [1, 1]} : vector<64x192xf32> to vector<64x24xf32>
    %slice3A_263 = vector.extract_strided_slice %concatenate3A_257 {offsets = [0, 24], sizes = [96, 24], strides = [1, 1]} : vector<96x192xf32> to vector<96x24xf32>
    %dot_general3A_264 = arith.constant dense<0.000000e+00> : vector<64x96xf32>
    %dot_general3A_265 = tpu.matmul %slice3A_262, %slice3A_263, %dot_general3A_264 {dimension_numbers = #tpu.dot_dimension_numbers<[1], [1], [0], [0], [0, 0, 1, 0], [], []>, transpose_lhs_hint = false} : vector<64x24xf32>, vector<96x24xf32>, vector<64x96xf32> -> vector<64x96xf32>
    %slice3A_266 = vector.extract_strided_slice %reshape3A_238 {offsets = [0, 48], sizes = [64, 24], strides = [1, 1]} : vector<64x192xf32> to vector<64x24xf32>
    %slice3A_267 = vector.extract_strided_slice %concatenate3A_257 {offsets = [0, 48], sizes = [96, 24], strides = [1, 1]} : vector<96x192xf32> to vector<96x24xf32>
    %dot_general3A_268 = arith.constant dense<0.000000e+00> : vector<64x96xf32>
    %dot_general3A_269 = tpu.matmul %slice3A_266, %slice3A_267, %dot_general3A_268 {dimension_numbers = #tpu.dot_dimension_numbers<[1], [1], [0], [0], [0, 0, 1, 0], [], []>, transpose_lhs_hint = false} : vector<64x24xf32>, vector<96x24xf32>, vector<64x96xf32> -> vector<64x96xf32>
    %slice3A_270 = vector.extract_strided_slice %reshape3A_238 {offsets = [0, 72], sizes = [64, 24], strides = [1, 1]} : vector<64x192xf32> to vector<64x24xf32>
    %slice3A_271 = vector.extract_strided_slice %concatenate3A_257 {offsets = [0, 72], sizes = [96, 24], strides = [1, 1]} : vector<96x192xf32> to vector<96x24xf32>
    %dot_general3A_272 = arith.constant dense<0.000000e+00> : vector<64x96xf32>
    %dot_general3A_273 = tpu.matmul %slice3A_270, %slice3A_271, %dot_general3A_272 {dimension_numbers = #tpu.dot_dimension_numbers<[1], [1], [0], [0], [0, 0, 1, 0], [], []>, transpose_lhs_hint = false} : vector<64x24xf32>, vector<96x24xf32>, vector<64x96xf32> -> vector<64x96xf32>
    %slice3A_274 = vector.extract_strided_slice %reshape3A_238 {offsets = [0, 96], sizes = [64, 24], strides = [1, 1]} : vector<64x192xf32> to vector<64x24xf32>
    %slice3A_275 = vector.extract_strided_slice %concatenate3A_257 {offsets = [0, 96], sizes = [96, 24], strides = [1, 1]} : vector<96x192xf32> to vector<96x24xf32>
    %dot_general3A_276 = arith.constant dense<0.000000e+00> : vector<64x96xf32>
    %dot_general3A_277 = tpu.matmul %slice3A_274, %slice3A_275, %dot_general3A_276 {dimension_numbers = #tpu.dot_dimension_numbers<[1], [1], [0], [0], [0, 0, 1, 0], [], []>, transpose_lhs_hint = false} : vector<64x24xf32>, vector<96x24xf32>, vector<64x96xf32> -> vector<64x96xf32>
    %slice3A_278 = vector.extract_strided_slice %reshape3A_238 {offsets = [0, 120], sizes = [64, 24], strides = [1, 1]} : vector<64x192xf32> to vector<64x24xf32>
    %slice3A_279 = vector.extract_strided_slice %concatenate3A_257 {offsets = [0, 120], sizes = [96, 24], strides = [1, 1]} : vector<96x192xf32> to vector<96x24xf32>
    %dot_general3A_280 = arith.constant dense<0.000000e+00> : vector<64x96xf32>
    %dot_general3A_281 = tpu.matmul %slice3A_278, %slice3A_279, %dot_general3A_280 {dimension_numbers = #tpu.dot_dimension_numbers<[1], [1], [0], [0], [0, 0, 1, 0], [], []>, transpose_lhs_hint = false} : vector<64x24xf32>, vector<96x24xf32>, vector<64x96xf32> -> vector<64x96xf32>
    %slice3A_282 = vector.extract_strided_slice %reshape3A_238 {offsets = [0, 144], sizes = [64, 24], strides = [1, 1]} : vector<64x192xf32> to vector<64x24xf32>
    %slice3A_283 = vector.extract_strided_slice %concatenate3A_257 {offsets = [0, 144], sizes = [96, 24], strides = [1, 1]} : vector<96x192xf32> to vector<96x24xf32>
    %dot_general3A_284 = arith.constant dense<0.000000e+00> : vector<64x96xf32>
    %dot_general3A_285 = tpu.matmul %slice3A_282, %slice3A_283, %dot_general3A_284 {dimension_numbers = #tpu.dot_dimension_numbers<[1], [1], [0], [0], [0, 0, 1, 0], [], []>, transpose_lhs_hint = false} : vector<64x24xf32>, vector<96x24xf32>, vector<64x96xf32> -> vector<64x96xf32>
    %slice3A_286 = vector.extract_strided_slice %reshape3A_238 {offsets = [0, 168], sizes = [64, 24], strides = [1, 1]} : vector<64x192xf32> to vector<64x24xf32>
    %slice3A_287 = vector.extract_strided_slice %concatenate3A_257 {offsets = [0, 168], sizes = [96, 24], strides = [1, 1]} : vector<96x192xf32> to vector<96x24xf32>
    %dot_general3A_288 = arith.constant dense<0.000000e+00> : vector<64x96xf32>
    %dot_general3A_289 = tpu.matmul %slice3A_286, %slice3A_287, %dot_general3A_288 {dimension_numbers = #tpu.dot_dimension_numbers<[1], [1], [0], [0], [0, 0, 1, 0], [], []>, transpose_lhs_hint = false} : vector<64x24xf32>, vector<96x24xf32>, vector<64x96xf32> -> vector<64x96xf32>
    %stack3A_290 = vector.shape_cast %dot_general3A_261 : vector<64x96xf32> to vector<1x64x96xf32>
    %stack3A_291 = vector.shape_cast %dot_general3A_265 : vector<64x96xf32> to vector<1x64x96xf32>
    %stack3A_292 = vector.shape_cast %dot_general3A_269 : vector<64x96xf32> to vector<1x64x96xf32>
    %stack3A_293 = vector.shape_cast %dot_general3A_273 : vector<64x96xf32> to vector<1x64x96xf32>
    %stack3A_294 = vector.shape_cast %dot_general3A_277 : vector<64x96xf32> to vector<1x64x96xf32>
    %stack3A_295 = vector.shape_cast %dot_general3A_281 : vector<64x96xf32> to vector<1x64x96xf32>
    %stack3A_296 = vector.shape_cast %dot_general3A_285 : vector<64x96xf32> to vector<1x64x96xf32>
    %stack3A_297 = vector.shape_cast %dot_general3A_289 : vector<64x96xf32> to vector<1x64x96xf32>
    %stack3A_298 = tpu.concatenate %stack3A_290, %stack3A_291, %stack3A_292, %stack3A_293, %stack3A_294, %stack3A_295, %stack3A_296, %stack3A_297 in 0 : vector<1x64x96xf32>, vector<1x64x96xf32>, vector<1x64x96xf32>, vector<1x64x96xf32>, vector<1x64x96xf32>, vector<1x64x96xf32>, vector<1x64x96xf32>, vector<1x64x96xf32> -> vector<8x64x96xf32>
    %exp3A_299 = math.exp %stack3A_298 : vector<8x64x96xf32>
    %reshape3A_300 = vector.shape_cast %exp3A_299 : vector<8x64x96xf32> to vector<512x96xf32>
    %broadcast_in_dim3A_301 = arith.constant 1.000000e+00 : f32
    %broadcast_in_dim3A_302 = vector.broadcast %broadcast_in_dim3A_301 : f32 to vector<96x96xf32>
    %dot_general3A_303 = arith.constant dense<0.000000e+00> : vector<512x96xf32>
    %dot_general3A_304 = tpu.matmul %reshape3A_300, %broadcast_in_dim3A_302, %dot_general3A_303 {dimension_numbers = #tpu.dot_dimension_numbers<[1], [0], [0], [1], [0, 0, 1, 1], [], []>, transpose_lhs_hint = false} : vector<512x96xf32>, vector<96x96xf32>, vector<512x96xf32> -> vector<512x96xf32>
    %div3A_305 = arith.divf %reshape3A_300, %dot_general3A_304 : vector<512x96xf32>
    %reshape3A_306 = vector.shape_cast %div3A_305 : vector<512x96xf32> to vector<8x64x96xf32>
    %swap3A_307 = arith.constant 0 : index
    %swap3A_308 = arith.constant 0 : index
    %swap3A_309 = arith.constant 3 : index
    %swap3A_310 = arith.constant 0 : index
    %swap3A_311 = arith.constant 0 : index
    %swap3A_312 = vector.load %arg6[%swap3A_307, %swap3A_308, %swap3A_309, %swap3A_310, %swap3A_311] : memref<8x1x28x64x96xf32, #tpu.memory_space<vmem>>, vector<8x1x1x64x96xf32>
    %swap3A_313 = vector.shape_cast %swap3A_312 : vector<8x1x1x64x96xf32> to vector<8x64x96xf32>
    %swap3A_314 = vector.shape_cast %reshape3A_306 : vector<8x64x96xf32> to vector<8x1x1x64x96xf32>
    tpu.vector_store %arg6[%swap3A_307, %swap3A_308, %swap3A_309, %swap3A_310, %swap3A_311], %swap3A_314 {strides = array<i32>} : memref<8x1x28x64x96xf32, #tpu.memory_space<vmem>>, vector<8x1x1x64x96xf32>,
    %slice3A_315 = vector.extract_strided_slice %get3A_5 {offsets = [0, 32, 0], sizes = [8, 8, 192], strides = [1, 1, 1]} : vector<8x224x192xf32> to vector<8x8x192xf32>
    %reshape3A_316 = vector.shape_cast %slice3A_315 : vector<8x8x192xf32> to vector<64x192xf32>
    %slice3A_317 = vector.extract_strided_slice %get3A_12 {offsets = [0, 32, 0], sizes = [8, 8, 192], strides = [1, 1, 1]} : vector<8x224x256xf32> to vector<8x8x192xf32>
    %reshape3A_318 = vector.shape_cast %slice3A_317 : vector<8x8x192xf32> to vector<64x192xf32>
    %get3A_319 = arith.constant 0 : index
    %get3A_320 = arith.constant 0 : index
    %get3A_321 = arith.constant 4 : index
    %get3A_322 = arith.constant 0 : index
    %get3A_323 = arith.constant 0 : index
    %get3A_324 = vector.load %arg4[%get3A_319, %get3A_320, %get3A_321, %get3A_322, %get3A_323] : memref<1x1x28x32x256xf32, #tpu.memory_space<vmem>>, vector<1x1x1x32x192xf32>
    %get3A_325 = vector.shape_cast %get3A_324 : vector<1x1x1x32x192xf32> to vector<32x192xf32>
    %get3A_326 = arith.constant 0 : index
    %get3A_327 = arith.constant 0 : index
    %get3A_328 = arith.constant 4 : index
    %get3A_329 = arith.constant 0 : index
    %get3A_330 = arith.constant 0 : index
    %get3A_331 = vector.load %arg5[%get3A_326, %get3A_327, %get3A_328, %get3A_329, %get3A_330] : memref<1x1x28x32x1xf32, #tpu.memory_space<vmem>>, vector<1x1x1x32x1xf32>
    %get3A_332 = vector.shape_cast %get3A_331 : vector<1x1x1x32x1xf32> to vector<32x1xf32>
    %mul3A_333 = vector.broadcast %get3A_332 : vector<32x1xf32> to vector<32x192xf32>
    %mul3A_334 = arith.mulf %get3A_325, %mul3A_333 : vector<32x192xf32>
    %concatenate3A_335 = tpu.concatenate %reshape3A_318, %mul3A_334 in 0 : vector<64x192xf32>, vector<32x192xf32> -> vector<96x192xf32>
    %slice3A_336 = vector.extract_strided_slice %reshape3A_316 {offsets = [0, 0], sizes = [64, 24], strides = [1, 1]} : vector<64x192xf32> to vector<64x24xf32>
    %slice3A_337 = vector.extract_strided_slice %concatenate3A_335 {offsets = [0, 0], sizes = [96, 24], strides = [1, 1]} : vector<96x192xf32> to vector<96x24xf32>
    %dot_general3A_338 = arith.constant dense<0.000000e+00> : vector<64x96xf32>
    %dot_general3A_339 = tpu.matmul %slice3A_336, %slice3A_337, %dot_general3A_338 {dimension_numbers = #tpu.dot_dimension_numbers<[1], [1], [0], [0], [0, 0, 1, 0], [], []>, transpose_lhs_hint = false} : vector<64x24xf32>, vector<96x24xf32>, vector<64x96xf32> -> vector<64x96xf32>
    %slice3A_340 = vector.extract_strided_slice %reshape3A_316 {offsets = [0, 24], sizes = [64, 24], strides = [1, 1]} : vector<64x192xf32> to vector<64x24xf32>
    %slice3A_341 = vector.extract_strided_slice %concatenate3A_335 {offsets = [0, 24], sizes = [96, 24], strides = [1, 1]} : vector<96x192xf32> to vector<96x24xf32>
    %dot_general3A_342 = arith.constant dense<0.000000e+00> : vector<64x96xf32>
    %dot_general3A_343 = tpu.matmul %slice3A_340, %slice3A_341, %dot_general3A_342 {dimension_numbers = #tpu.dot_dimension_numbers<[1], [1], [0], [0], [0, 0, 1, 0], [], []>, transpose_lhs_hint = false} : vector<64x24xf32>, vector<96x24xf32>, vector<64x96xf32> -> vector<64x96xf32>
    %slice3A_344 = vector.extract_strided_slice %reshape3A_316 {offsets = [0, 48], sizes = [64, 24], strides = [1, 1]} : vector<64x192xf32> to vector<64x24xf32>
    %slice3A_345 = vector.extract_strided_slice %concatenate3A_335 {offsets = [0, 48], sizes = [96, 24], strides = [1, 1]} : vector<96x192xf32> to vector<96x24xf32>
    %dot_general3A_346 = arith.constant dense<0.000000e+00> : vector<64x96xf32>
    %dot_general3A_347 = tpu.matmul %slice3A_344, %slice3A_345, %dot_general3A_346 {dimension_numbers = #tpu.dot_dimension_numbers<[1], [1], [0], [0], [0, 0, 1, 0], [], []>, transpose_lhs_hint = false} : vector<64x24xf32>, vector<96x24xf32>, vector<64x96xf32> -> vector<64x96xf32>
    %slice3A_348 = vector.extract_strided_slice %reshape3A_316 {offsets = [0, 72], sizes = [64, 24], strides = [1, 1]} : vector<64x192xf32> to vector<64x24xf32>
    %slice3A_349 = vector.extract_strided_slice %concatenate3A_335 {offsets = [0, 72], sizes = [96, 24], strides = [1, 1]} : vector<96x192xf32> to vector<96x24xf32>
    %dot_general3A_350 = arith.constant dense<0.000000e+00> : vector<64x96xf32>
    %dot_general3A_351 = tpu.matmul %slice3A_348, %slice3A_349, %dot_general3A_350 {dimension_numbers = #tpu.dot_dimension_numbers<[1], [1], [0], [0], [0, 0, 1, 0], [], []>, transpose_lhs_hint = false} : vector<64x24xf32>, vector<96x24xf32>, vector<64x96xf32> -> vector<64x96xf32>
    %slice3A_352 = vector.extract_strided_slice %reshape3A_316 {offsets = [0, 96], sizes = [64, 24], strides = [1, 1]} : vector<64x192xf32> to vector<64x24xf32>
    %slice3A_353 = vector.extract_strided_slice %concatenate3A_335 {offsets = [0, 96], sizes = [96, 24], strides = [1, 1]} : vector<96x192xf32> to vector<96x24xf32>
    %dot_general3A_354 = arith.constant dense<0.000000e+00> : vector<64x96xf32>
    %dot_general3A_355 = tpu.matmul %slice3A_352, %slice3A_353, %dot_general3A_354 {dimension_numbers = #tpu.dot_dimension_numbers<[1], [1], [0], [0], [0, 0, 1, 0], [], []>, transpose_lhs_hint = false} : vector<64x24xf32>, vector<96x24xf32>, vector<64x96xf32> -> vector<64x96xf32>
    %slice3A_356 = vector.extract_strided_slice %reshape3A_316 {offsets = [0, 120], sizes = [64, 24], strides = [1, 1]} : vector<64x192xf32> to vector<64x24xf32>
    %slice3A_357 = vector.extract_strided_slice %concatenate3A_335 {offsets = [0, 120], sizes = [96, 24], strides = [1, 1]} : vector<96x192xf32> to vector<96x24xf32>
    %dot_general3A_358 = arith.constant dense<0.000000e+00> : vector<64x96xf32>
    %dot_general3A_359 = tpu.matmul %slice3A_356, %slice3A_357, %dot_general3A_358 {dimension_numbers = #tpu.dot_dimension_numbers<[1], [1], [0], [0], [0, 0, 1, 0], [], []>, transpose_lhs_hint = false} : vector<64x24xf32>, vector<96x24xf32>, vector<64x96xf32> -> vector<64x96xf32>
    %slice3A_360 = vector.extract_strided_slice %reshape3A_316 {offsets = [0, 144], sizes = [64, 24], strides = [1, 1]} : vector<64x192xf32> to vector<64x24xf32>
    %slice3A_361 = vector.extract_strided_slice %concatenate3A_335 {offsets = [0, 144], sizes = [96, 24], strides = [1, 1]} : vector<96x192xf32> to vector<96x24xf32>
    %dot_general3A_362 = arith.constant dense<0.000000e+00> : vector<64x96xf32>
    %dot_general3A_363 = tpu.matmul %slice3A_360, %slice3A_361, %dot_general3A_362 {dimension_numbers = #tpu.dot_dimension_numbers<[1], [1], [0], [0], [0, 0, 1, 0], [], []>, transpose_lhs_hint = false} : vector<64x24xf32>, vector<96x24xf32>, vector<64x96xf32> -> vector<64x96xf32>
    %slice3A_364 = vector.extract_strided_slice %reshape3A_316 {offsets = [0, 168], sizes = [64, 24], strides = [1, 1]} : vector<64x192xf32> to vector<64x24xf32>
    %slice3A_365 = vector.extract_strided_slice %concatenate3A_335 {offsets = [0, 168], sizes = [96, 24], strides = [1, 1]} : vector<96x192xf32> to vector<96x24xf32>
    %dot_general3A_366 = arith.constant dense<0.000000e+00> : vector<64x96xf32>
    %dot_general3A_367 = tpu.matmul %slice3A_364, %slice3A_365, %dot_general3A_366 {dimension_numbers = #tpu.dot_dimension_numbers<[1], [1], [0], [0], [0, 0, 1, 0], [], []>, transpose_lhs_hint = false} : vector<64x24xf32>, vector<96x24xf32>, vector<64x96xf32> -> vector<64x96xf32>
    %stack3A_368 = vector.shape_cast %dot_general3A_339 : vector<64x96xf32> to vector<1x64x96xf32>
    %stack3A_369 = vector.shape_cast %dot_general3A_343 : vector<64x96xf32> to vector<1x64x96xf32>
    %stack3A_370 = vector.shape_cast %dot_general3A_347 : vector<64x96xf32> to vector<1x64x96xf32>
    %stack3A_371 = vector.shape_cast %dot_general3A_351 : vector<64x96xf32> to vector<1x64x96xf32>
    %stack3A_372 = vector.shape_cast %dot_general3A_355 : vector<64x96xf32> to vector<1x64x96xf32>
    %stack3A_373 = vector.shape_cast %dot_general3A_359 : vector<64x96xf32> to vector<1x64x96xf32>
    %stack3A_374 = vector.shape_cast %dot_general3A_363 : vector<64x96xf32> to vector<1x64x96xf32>
    %stack3A_375 = vector.shape_cast %dot_general3A_367 : vector<64x96xf32> to vector<1x64x96xf32>
    %stack3A_376 = tpu.concatenate %stack3A_368, %stack3A_369, %stack3A_370, %stack3A_371, %stack3A_372, %stack3A_373, %stack3A_374, %stack3A_375 in 0 : vector<1x64x96xf32>, vector<1x64x96xf32>, vector<1x64x96xf32>, vector<1x64x96xf32>, vector<1x64x96xf32>, vector<1x64x96xf32>, vector<1x64x96xf32>, vector<1x64x96xf32> -> vector<8x64x96xf32>
    %exp3A_377 = math.exp %stack3A_376 : vector<8x64x96xf32>
    %reshape3A_378 = vector.shape_cast %exp3A_377 : vector<8x64x96xf32> to vector<512x96xf32>
    %broadcast_in_dim3A_379 = arith.constant 1.000000e+00 : f32
    %broadcast_in_dim3A_380 = vector.broadcast %broadcast_in_dim3A_379 : f32 to vector<96x96xf32>
    %dot_general3A_381 = arith.constant dense<0.000000e+00> : vector<512x96xf32>
    %dot_general3A_382 = tpu.matmul %reshape3A_378, %broadcast_in_dim3A_380, %dot_general3A_381 {dimension_numbers = #tpu.dot_dimension_numbers<[1], [0], [0], [1], [0, 0, 1, 1], [], []>, transpose_lhs_hint = false} : vector<512x96xf32>, vector<96x96xf32>, vector<512x96xf32> -> vector<512x96xf32>
    %div3A_383 = arith.divf %reshape3A_378, %dot_general3A_382 : vector<512x96xf32>
    %reshape3A_384 = vector.shape_cast %div3A_383 : vector<512x96xf32> to vector<8x64x96xf32>
    %swap3A_385 = arith.constant 0 : index
    %swap3A_386 = arith.constant 0 : index
    %swap3A_387 = arith.constant 4 : index
    %swap3A_388 = arith.constant 0 : index
    %swap3A_389 = arith.constant 0 : index
    %swap3A_390 = vector.load %arg6[%swap3A_385, %swap3A_386, %swap3A_387, %swap3A_388, %swap3A_389] : memref<8x1x28x64x96xf32, #tpu.memory_space<vmem>>, vector<8x1x1x64x96xf32>
    %swap3A_391 = vector.shape_cast %swap3A_390 : vector<8x1x1x64x96xf32> to vector<8x64x96xf32>
    %swap3A_392 = vector.shape_cast %reshape3A_384 : vector<8x64x96xf32> to vector<8x1x1x64x96xf32>
    tpu.vector_store %arg6[%swap3A_385, %swap3A_386, %swap3A_387, %swap3A_388, %swap3A_389], %swap3A_392 {strides = array<i32>} : memref<8x1x28x64x96xf32, #tpu.memory_space<vmem>>, vector<8x1x1x64x96xf32>,
    %slice3A_393 = vector.extract_strided_slice %get3A_5 {offsets = [0, 40, 0], sizes = [8, 8, 192], strides = [1, 1, 1]} : vector<8x224x192xf32> to vector<8x8x192xf32>
    %reshape3A_394 = vector.shape_cast %slice3A_393 : vector<8x8x192xf32> to vector<64x192xf32>
    %slice3A_395 = vector.extract_strided_slice %get3A_12 {offsets = [0, 40, 0], sizes = [8, 8, 192], strides = [1, 1, 1]} : vector<8x224x256xf32> to vector<8x8x192xf32>
    %reshape3A_396 = vector.shape_cast %slice3A_395 : vector<8x8x192xf32> to vector<64x192xf32>
    %get3A_397 = arith.constant 0 : index
    %get3A_398 = arith.constant 0 : index
    %get3A_399 = arith.constant 5 : index
    %get3A_400 = arith.constant 0 : index
    %get3A_401 = arith.constant 0 : index
    %get3A_402 = vector.load %arg4[%get3A_397, %get3A_398, %get3A_399, %get3A_400, %get3A_401] : memref<1x1x28x32x256xf32, #tpu.memory_space<vmem>>, vector<1x1x1x32x192xf32>
    %get3A_403 = vector.shape_cast %get3A_402 : vector<1x1x1x32x192xf32> to vector<32x192xf32>
    %get3A_404 = arith.constant 0 : index
    %get3A_405 = arith.constant 0 : index
    %get3A_406 = arith.constant 5 : index
    %get3A_407 = arith.constant 0 : index
    %get3A_408 = arith.constant 0 : index
    %get3A_409 = vector.load %arg5[%get3A_404, %get3A_405, %get3A_406, %get3A_407, %get3A_408] : memref<1x1x28x32x1xf32, #tpu.memory_space<vmem>>, vector<1x1x1x32x1xf32>
    %get3A_410 = vector.shape_cast %get3A_409 : vector<1x1x1x32x1xf32> to vector<32x1xf32>
    %mul3A_411 = vector.broadcast %get3A_410 : vector<32x1xf32> to vector<32x192xf32>
    %mul3A_412 = arith.mulf %get3A_403, %mul3A_411 : vector<32x192xf32>
    %concatenate3A_413 = tpu.concatenate %reshape3A_396, %mul3A_412 in 0 : vector<64x192xf32>, vector<32x192xf32> -> vector<96x192xf32>
    %slice3A_414 = vector.extract_strided_slice %reshape3A_394 {offsets = [0, 0], sizes = [64, 24], strides = [1, 1]} : vector<64x192xf32> to vector<64x24xf32>
    %slice3A_415 = vector.extract_strided_slice %concatenate3A_413 {offsets = [0, 0], sizes = [96, 24], strides = [1, 1]} : vector<96x192xf32> to vector<96x24xf32>
    %dot_general3A_416 = arith.constant dense<0.000000e+00> : vector<64x96xf32>
    %dot_general3A_417 = tpu.matmul %slice3A_414, %slice3A_415, %dot_general3A_416 {dimension_numbers = #tpu.dot_dimension_numbers<[1], [1], [0], [0], [0, 0, 1, 0], [], []>, transpose_lhs_hint = false} : vector<64x24xf32>, vector<96x24xf32>, vector<64x96xf32> -> vector<64x96xf32>
    %slice3A_418 = vector.extract_strided_slice %reshape3A_394 {offsets = [0, 24], sizes = [64, 24], strides = [1, 1]} : vector<64x192xf32> to vector<64x24xf32>
    %slice3A_419 = vector.extract_strided_slice %concatenate3A_413 {offsets = [0, 24], sizes = [96, 24], strides = [1, 1]} : vector<96x192xf32> to vector<96x24xf32>
    %dot_general3A_420 = arith.constant dense<0.000000e+00> : vector<64x96xf32>
    %dot_general3A_421 = tpu.matmul %slice3A_418, %slice3A_419, %dot_general3A_420 {dimension_numbers = #tpu.dot_dimension_numbers<[1], [1], [0], [0], [0, 0, 1, 0], [], []>, transpose_lhs_hint = false} : vector<64x24xf32>, vector<96x24xf32>, vector<64x96xf32> -> vector<64x96xf32>
    %slice3A_422 = vector.extract_strided_slice %reshape3A_394 {offsets = [0, 48], sizes = [64, 24], strides = [1, 1]} : vector<64x192xf32> to vector<64x24xf32>
    %slice3A_423 = vector.extract_strided_slice %concatenate3A_413 {offsets = [0, 48], sizes = [96, 24], strides = [1, 1]} : vector<96x192xf32> to vector<96x24xf32>
    %dot_general3A_424 = arith.constant dense<0.000000e+00> : vector<64x96xf32>
    %dot_general3A_425 = tpu.matmul %slice3A_422, %slice3A_423, %dot_general3A_424 {dimension_numbers = #tpu.dot_dimension_numbers<[1], [1], [0], [0], [0, 0, 1, 0], [], []>, transpose_lhs_hint = false} : vector<64x24xf32>, vector<96x24xf32>, vector<64x96xf32> -> vector<64x96xf32>
    %slice3A_426 = vector.extract_strided_slice %reshape3A_394 {offsets = [0, 72], sizes = [64, 24], strides = [1, 1]} : vector<64x192xf32> to vector<64x24xf32>
    %slice3A_427 = vector.extract_strided_slice %concatenate3A_413 {offsets = [0, 72], sizes = [96, 24], strides = [1, 1]} : vector<96x192xf32> to vector<96x24xf32>
    %dot_general3A_428 = arith.constant dense<0.000000e+00> : vector<64x96xf32>
    %dot_general3A_429 = tpu.matmul %slice3A_426, %slice3A_427, %dot_general3A_428 {dimension_numbers = #tpu.dot_dimension_numbers<[1], [1], [0], [0], [0, 0, 1, 0], [], []>, transpose_lhs_hint = false} : vector<64x24xf32>, vector<96x24xf32>, vector<64x96xf32> -> vector<64x96xf32>
    %slice3A_430 = vector.extract_strided_slice %reshape3A_394 {offsets = [0, 96], sizes = [64, 24], strides = [1, 1]} : vector<64x192xf32> to vector<64x24xf32>
    %slice3A_431 = vector.extract_strided_slice %concatenate3A_413 {offsets = [0, 96], sizes = [96, 24], strides = [1, 1]} : vector<96x192xf32> to vector<96x24xf32>
    %dot_general3A_432 = arith.constant dense<0.000000e+00> : vector<64x96xf32>
    %dot_general3A_433 = tpu.matmul %slice3A_430, %slice3A_431, %dot_general3A_432 {dimension_numbers = #tpu.dot_dimension_numbers<[1], [1], [0], [0], [0, 0, 1, 0], [], []>, transpose_lhs_hint = false} : vector<64x24xf32>, vector<96x24xf32>, vector<64x96xf32> -> vector<64x96xf32>
    %slice3A_434 = vector.extract_strided_slice %reshape3A_394 {offsets = [0, 120], sizes = [64, 24], strides = [1, 1]} : vector<64x192xf32> to vector<64x24xf32>
    %slice3A_435 = vector.extract_strided_slice %concatenate3A_413 {offsets = [0, 120], sizes = [96, 24], strides = [1, 1]} : vector<96x192xf32> to vector<96x24xf32>
    %dot_general3A_436 = arith.constant dense<0.000000e+00> : vector<64x96xf32>
    %dot_general3A_437 = tpu.matmul %slice3A_434, %slice3A_435, %dot_general3A_436 {dimension_numbers = #tpu.dot_dimension_numbers<[1], [1], [0], [0], [0, 0, 1, 0], [], []>, transpose_lhs_hint = false} : vector<64x24xf32>, vector<96x24xf32>, vector<64x96xf32> -> vector<64x96xf32>
    %slice3A_438 = vector.extract_strided_slice %reshape3A_394 {offsets = [0, 144], sizes = [64, 24], strides = [1, 1]} : vector<64x192xf32> to vector<64x24xf32>
    %slice3A_439 = vector.extract_strided_slice %concatenate3A_413 {offsets = [0, 144], sizes = [96, 24], strides = [1, 1]} : vector<96x192xf32> to vector<96x24xf32>
    %dot_general3A_440 = arith.constant dense<0.000000e+00> : vector<64x96xf32>
    %dot_general3A_441 = tpu.matmul %slice3A_438, %slice3A_439, %dot_general3A_440 {dimension_numbers = #tpu.dot_dimension_numbers<[1], [1], [0], [0], [0, 0, 1, 0], [], []>, transpose_lhs_hint = false} : vector<64x24xf32>, vector<96x24xf32>, vector<64x96xf32> -> vector<64x96xf32>
    %slice3A_442 = vector.extract_strided_slice %reshape3A_394 {offsets = [0, 168], sizes = [64, 24], strides = [1, 1]} : vector<64x192xf32> to vector<64x24xf32>
    %slice3A_443 = vector.extract_strided_slice %concatenate3A_413 {offsets = [0, 168], sizes = [96, 24], strides = [1, 1]} : vector<96x192xf32> to vector<96x24xf32>
    %dot_general3A_444 = arith.constant dense<0.000000e+00> : vector<64x96xf32>
    %dot_general3A_445 = tpu.matmul %slice3A_442, %slice3A_443, %dot_general3A_444 {dimension_numbers = #tpu.dot_dimension_numbers<[1], [1], [0], [0], [0, 0, 1, 0], [], []>, transpose_lhs_hint = false} : vector<64x24xf32>, vector<96x24xf32>, vector<64x96xf32> -> vector<64x96xf32>
    %stack3A_446 = vector.shape_cast %dot_general3A_417 : vector<64x96xf32> to vector<1x64x96xf32>
    %stack3A_447 = vector.shape_cast %dot_general3A_421 : vector<64x96xf32> to vector<1x64x96xf32>
    %stack3A_448 = vector.shape_cast %dot_general3A_425 : vector<64x96xf32> to vector<1x64x96xf32>
    %stack3A_449 = vector.shape_cast %dot_general3A_429 : vector<64x96xf32> to vector<1x64x96xf32>
    %stack3A_450 = vector.shape_cast %dot_general3A_433 : vector<64x96xf32> to vector<1x64x96xf32>
    %stack3A_451 = vector.shape_cast %dot_general3A_437 : vector<64x96xf32> to vector<1x64x96xf32>
    %stack3A_452 = vector.shape_cast %dot_general3A_441 : vector<64x96xf32> to vector<1x64x96xf32>
    %stack3A_453 = vector.shape_cast %dot_general3A_445 : vector<64x96xf32> to vector<1x64x96xf32>
    %stack3A_454 = tpu.concatenate %stack3A_446, %stack3A_447, %stack3A_448, %stack3A_449, %stack3A_450, %stack3A_451, %stack3A_452, %stack3A_453 in 0 : vector<1x64x96xf32>, vector<1x64x96xf32>, vector<1x64x96xf32>, vector<1x64x96xf32>, vector<1x64x96xf32>, vector<1x64x96xf32>, vector<1x64x96xf32>, vector<1x64x96xf32> -> vector<8x64x96xf32>
    %exp3A_455 = math.exp %stack3A_454 : vector<8x64x96xf32>
    %reshape3A_456 = vector.shape_cast %exp3A_455 : vector<8x64x96xf32> to vector<512x96xf32>
    %broadcast_in_dim3A_457 = arith.constant 1.000000e+00 : f32
    %broadcast_in_dim3A_458 = vector.broadcast %broadcast_in_dim3A_457 : f32 to vector<96x96xf32>
    %dot_general3A_459 = arith.constant dense<0.000000e+00> : vector<512x96xf32>
    %dot_general3A_460 = tpu.matmul %reshape3A_456, %broadcast_in_dim3A_458, %dot_general3A_459 {dimension_numbers = #tpu.dot_dimension_numbers<[1], [0], [0], [1], [0, 0, 1, 1], [], []>, transpose_lhs_hint = false} : vector<512x96xf32>, vector<96x96xf32>, vector<512x96xf32> -> vector<512x96xf32>
    %div3A_461 = arith.divf %reshape3A_456, %dot_general3A_460 : vector<512x96xf32>
    %reshape3A_462 = vector.shape_cast %div3A_461 : vector<512x96xf32> to vector<8x64x96xf32>
    %swap3A_463 = arith.constant 0 : index
    %swap3A_464 = arith.constant 0 : index
    %swap3A_465 = arith.constant 5 : index
    %swap3A_466 = arith.constant 0 : index
    %swap3A_467 = arith.constant 0 : index
    %swap3A_468 = vector.load %arg6[%swap3A_463, %swap3A_464, %swap3A_465, %swap3A_466, %swap3A_467] : memref<8x1x28x64x96xf32, #tpu.memory_space<vmem>>, vector<8x1x1x64x96xf32>
    %swap3A_469 = vector.shape_cast %swap3A_468 : vector<8x1x1x64x96xf32> to vector<8x64x96xf32>
    %swap3A_470 = vector.shape_cast %reshape3A_462 : vector<8x64x96xf32> to vector<8x1x1x64x96xf32>
    tpu.vector_store %arg6[%swap3A_463, %swap3A_464, %swap3A_465, %swap3A_466, %swap3A_467], %swap3A_470 {strides = array<i32>} : memref<8x1x28x64x96xf32, #tpu.memory_space<vmem>>, vector<8x1x1x64x96xf32>,
    %slice3A_471 = vector.extract_strided_slice %get3A_5 {offsets = [0, 48, 0], sizes = [8, 8, 192], strides = [1, 1, 1]} : vector<8x224x192xf32> to vector<8x8x192xf32>
    %reshape3A_472 = vector.shape_cast %slice3A_471 : vector<8x8x192xf32> to vector<64x192xf32>
    %slice3A_473 = vector.extract_strided_slice %get3A_12 {offsets = [0, 48, 0], sizes = [8, 8, 192], strides = [1, 1, 1]} : vector<8x224x256xf32> to vector<8x8x192xf32>
    %reshape3A_474 = vector.shape_cast %slice3A_473 : vector<8x8x192xf32> to vector<64x192xf32>
    %get3A_475 = arith.constant 0 : index
    %get3A_476 = arith.constant 0 : index
    %get3A_477 = arith.constant 6 : index
    %get3A_478 = arith.constant 0 : index
    %get3A_479 = arith.constant 0 : index
    %get3A_480 = vector.load %arg4[%get3A_475, %get3A_476, %get3A_477, %get3A_478, %get3A_479] : memref<1x1x28x32x256xf32, #tpu.memory_space<vmem>>, vector<1x1x1x32x192xf32>
    %get3A_481 = vector.shape_cast %get3A_480 : vector<1x1x1x32x192xf32> to vector<32x192xf32>
    %get3A_482 = arith.constant 0 : index
    %get3A_483 = arith.constant 0 : index
    %get3A_484 = arith.constant 6 : index
    %get3A_485 = arith.constant 0 : index
    %get3A_486 = arith.constant 0 : index
    %get3A_487 = vector.load %arg5[%get3A_482, %get3A_483, %get3A_484, %get3A_485, %get3A_486] : memref<1x1x28x32x1xf32, #tpu.memory_space<vmem>>, vector<1x1x1x32x1xf32>
    %get3A_488 = vector.shape_cast %get3A_487 : vector<1x1x1x32x1xf32> to vector<32x1xf32>
    %mul3A_489 = vector.broadcast %get3A_488 : vector<32x1xf32> to vector<32x192xf32>
    %mul3A_490 = arith.mulf %get3A_481, %mul3A_489 : vector<32x192xf32>
    %concatenate3A_491 = tpu.concatenate %reshape3A_474, %mul3A_490 in 0 : vector<64x192xf32>, vector<32x192xf32> -> vector<96x192xf32>
    %slice3A_492 = vector.extract_strided_slice %reshape3A_472 {offsets = [0, 0], sizes = [64, 24], strides = [1, 1]} : vector<64x192xf32> to vector<64x24xf32>
    %slice3A_493 = vector.extract_strided_slice %concatenate3A_491 {offsets = [0, 0], sizes = [96, 24], strides = [1, 1]} : vector<96x192xf32> to vector<96x24xf32>
    %dot_general3A_494 = arith.constant dense<0.000000e+00> : vector<64x96xf32>
    %dot_general3A_495 = tpu.matmul %slice3A_492, %slice3A_493, %dot_general3A_494 {dimension_numbers = #tpu.dot_dimension_numbers<[1], [1], [0], [0], [0, 0, 1, 0], [], []>, transpose_lhs_hint = false} : vector<64x24xf32>, vector<96x24xf32>, vector<64x96xf32> -> vector<64x96xf32>
    %slice3A_496 = vector.extract_strided_slice %reshape3A_472 {offsets = [0, 24], sizes = [64, 24], strides = [1, 1]} : vector<64x192xf32> to vector<64x24xf32>
    %slice3A_497 = vector.extract_strided_slice %concatenate3A_491 {offsets = [0, 24], sizes = [96, 24], strides = [1, 1]} : vector<96x192xf32> to vector<96x24xf32>
    %dot_general3A_498 = arith.constant dense<0.000000e+00> : vector<64x96xf32>
    %dot_general3A_499 = tpu.matmul %slice3A_496, %slice3A_497, %dot_general3A_498 {dimension_numbers = #tpu.dot_dimension_numbers<[1], [1], [0], [0], [0, 0, 1, 0], [], []>, transpose_lhs_hint = false} : vector<64x24xf32>, vector<96x24xf32>, vector<64x96xf32> -> vector<64x96xf32>
    %slice3A_500 = vector.extract_strided_slice %reshape3A_472 {offsets = [0, 48], sizes = [64, 24], strides = [1, 1]} : vector<64x192xf32> to vector<64x24xf32>
    %slice3A_501 = vector.extract_strided_slice %concatenate3A_491 {offsets = [0, 48], sizes = [96, 24], strides = [1, 1]} : vector<96x192xf32> to vector<96x24xf32>
    %dot_general3A_502 = arith.constant dense<0.000000e+00> : vector<64x96xf32>
    %dot_general3A_503 = tpu.matmul %slice3A_500, %slice3A_501, %dot_general3A_502 {dimension_numbers = #tpu.dot_dimension_numbers<[1], [1], [0], [0], [0, 0, 1, 0], [], []>, transpose_lhs_hint = false} : vector<64x24xf32>, vector<96x24xf32>, vector<64x96xf32> -> vector<64x96xf32>
    %slice3A_504 = vector.extract_strided_slice %reshape3A_472 {offsets = [0, 72], sizes = [64, 24], strides = [1, 1]} : vector<64x192xf32> to vector<64x24xf32>
    %slice3A_505 = vector.extract_strided_slice %concatenate3A_491 {offsets = [0, 72], sizes = [96, 24], strides = [1, 1]} : vector<96x192xf32> to vector<96x24xf32>
    %dot_general3A_506 = arith.constant dense<0.000000e+00> : vector<64x96xf32>
    %dot_general3A_507 = tpu.matmul %slice3A_504, %slice3A_505, %dot_general3A_506 {dimension_numbers = #tpu.dot_dimension_numbers<[1], [1], [0], [0], [0, 0, 1, 0], [], []>, transpose_lhs_hint = false} : vector<64x24xf32>, vector<96x24xf32>, vector<64x96xf32> -> vector<64x96xf32>
    %slice3A_508 = vector.extract_strided_slice %reshape3A_472 {offsets = [0, 96], sizes = [64, 24], strides = [1, 1]} : vector<64x192xf32> to vector<64x24xf32>
    %slice3A_509 = vector.extract_strided_slice %concatenate3A_491 {offsets = [0, 96], sizes = [96, 24], strides = [1, 1]} : vector<96x192xf32> to vector<96x24xf32>
    %dot_general3A_510 = arith.constant dense<0.000000e+00> : vector<64x96xf32>
    %dot_general3A_511 = tpu.matmul %slice3A_508, %slice3A_509, %dot_general3A_510 {dimension_numbers = #tpu.dot_dimension_numbers<[1], [1], [0], [0], [0, 0, 1, 0], [], []>, transpose_lhs_hint = false} : vector<64x24xf32>, vector<96x24xf32>, vector<64x96xf32> -> vector<64x96xf32>
    %slice3A_512 = vector.extract_strided_slice %reshape3A_472 {offsets = [0, 120], sizes = [64, 24], strides = [1, 1]} : vector<64x192xf32> to vector<64x24xf32>
    %slice3A_513 = vector.extract_strided_slice %concatenate3A_491 {offsets = [0, 120], sizes = [96, 24], strides = [1, 1]} : vector<96x192xf32> to vector<96x24xf32>
    %dot_general3A_514 = arith.constant dense<0.000000e+00> : vector<64x96xf32>
    %dot_general3A_515 = tpu.matmul %slice3A_512, %slice3A_513, %dot_general3A_514 {dimension_numbers = #tpu.dot_dimension_numbers<[1], [1], [0], [0], [0, 0, 1, 0], [], []>, transpose_lhs_hint = false} : vector<64x24xf32>, vector<96x24xf32>, vector<64x96xf32> -> vector<64x96xf32>
    %slice3A_516 = vector.extract_strided_slice %reshape3A_472 {offsets = [0, 144], sizes = [64, 24], strides = [1, 1]} : vector<64x192xf32> to vector<64x24xf32>
    %slice3A_517 = vector.extract_strided_slice %concatenate3A_491 {offsets = [0, 144], sizes = [96, 24], strides = [1, 1]} : vector<96x192xf32> to vector<96x24xf32>
    %dot_general3A_518 = arith.constant dense<0.000000e+00> : vector<64x96xf32>
    %dot_general3A_519 = tpu.matmul %slice3A_516, %slice3A_517, %dot_general3A_518 {dimension_numbers = #tpu.dot_dimension_numbers<[1], [1], [0], [0], [0, 0, 1, 0], [], []>, transpose_lhs_hint = false} : vector<64x24xf32>, vector<96x24xf32>, vector<64x96xf32> -> vector<64x96xf32>
    %slice3A_520 = vector.extract_strided_slice %reshape3A_472 {offsets = [0, 168], sizes = [64, 24], strides = [1, 1]} : vector<64x192xf32> to vector<64x24xf32>
    %slice3A_521 = vector.extract_strided_slice %concatenate3A_491 {offsets = [0, 168], sizes = [96, 24], strides = [1, 1]} : vector<96x192xf32> to vector<96x24xf32>
    %dot_general3A_522 = arith.constant dense<0.000000e+00> : vector<64x96xf32>
    %dot_general3A_523 = tpu.matmul %slice3A_520, %slice3A_521, %dot_general3A_522 {dimension_numbers = #tpu.dot_dimension_numbers<[1], [1], [0], [0], [0, 0, 1, 0], [], []>, transpose_lhs_hint = false} : vector<64x24xf32>, vector<96x24xf32>, vector<64x96xf32> -> vector<64x96xf32>
    %stack3A_524 = vector.shape_cast %dot_general3A_495 : vector<64x96xf32> to vector<1x64x96xf32>
    %stack3A_525 = vector.shape_cast %dot_general3A_499 : vector<64x96xf32> to vector<1x64x96xf32>
    %stack3A_526 = vector.shape_cast %dot_general3A_503 : vector<64x96xf32> to vector<1x64x96xf32>
    %stack3A_527 = vector.shape_cast %dot_general3A_507 : vector<64x96xf32> to vector<1x64x96xf32>
    %stack3A_528 = vector.shape_cast %dot_general3A_511 : vector<64x96xf32> to vector<1x64x96xf32>
    %stack3A_529 = vector.shape_cast %dot_general3A_515 : vector<64x96xf32> to vector<1x64x96xf32>
    %stack3A_530 = vector.shape_cast %dot_general3A_519 : vector<64x96xf32> to vector<1x64x96xf32>
    %stack3A_531 = vector.shape_cast %dot_general3A_523 : vector<64x96xf32> to vector<1x64x96xf32>
    %stack3A_532 = tpu.concatenate %stack3A_524, %stack3A_525, %stack3A_526, %stack3A_527, %stack3A_528, %stack3A_529, %stack3A_530, %stack3A_531 in 0 : vector<1x64x96xf32>, vector<1x64x96xf32>, vector<1x64x96xf32>, vector<1x64x96xf32>, vector<1x64x96xf32>, vector<1x64x96xf32>, vector<1x64x96xf32>, vector<1x64x96xf32> -> vector<8x64x96xf32>
    %exp3A_533 = math.exp %stack3A_532 : vector<8x64x96xf32>
    %reshape3A_534 = vector.shape_cast %exp3A_533 : vector<8x64x96xf32> to vector<512x96xf32>
    %broadcast_in_dim3A_535 = arith.constant 1.000000e+00 : f32
    %broadcast_in_dim3A_536 = vector.broadcast %broadcast_in_dim3A_535 : f32 to vector<96x96xf32>
    %dot_general3A_537 = arith.constant dense<0.000000e+00> : vector<512x96xf32>
    %dot_general3A_538 = tpu.matmul %reshape3A_534, %broadcast_in_dim3A_536, %dot_general3A_537 {dimension_numbers = #tpu.dot_dimension_numbers<[1], [0], [0], [1], [0, 0, 1, 1], [], []>, transpose_lhs_hint = false} : vector<512x96xf32>, vector<96x96xf32>, vector<512x96xf32> -> vector<512x96xf32>
    %div3A_539 = arith.divf %reshape3A_534, %dot_general3A_538 : vector<512x96xf32>
    %reshape3A_540 = vector.shape_cast %div3A_539 : vector<512x96xf32> to vector<8x64x96xf32>
    %swap3A_541 = arith.constant 0 : index
    %swap3A_542 = arith.constant 0 : index
    %swap3A_543 = arith.constant 6 : index
    %swap3A_544 = arith.constant 0 : index
    %swap3A_545 = arith.constant 0 : index
    %swap3A_546 = vector.load %arg6[%swap3A_541, %swap3A_542, %swap3A_543, %swap3A_544, %swap3A_545] : memref<8x1x28x64x96xf32, #tpu.memory_space<vmem>>, vector<8x1x1x64x96xf32>
    %swap3A_547 = vector.shape_cast %swap3A_546 : vector<8x1x1x64x96xf32> to vector<8x64x96xf32>
    %swap3A_548 = vector.shape_cast %reshape3A_540 : vector<8x64x96xf32> to vector<8x1x1x64x96xf32>
    tpu.vector_store %arg6[%swap3A_541, %swap3A_542, %swap3A_543, %swap3A_544, %swap3A_545], %swap3A_548 {strides = array<i32>} : memref<8x1x28x64x96xf32, #tpu.memory_space<vmem>>, vector<8x1x1x64x96xf32>,
    %slice3A_549 = vector.extract_strided_slice %get3A_5 {offsets = [0, 56, 0], sizes = [8, 8, 192], strides = [1, 1, 1]} : vector<8x224x192xf32> to vector<8x8x192xf32>
    %reshape3A_550 = vector.shape_cast %slice3A_549 : vector<8x8x192xf32> to vector<64x192xf32>
    %slice3A_551 = vector.extract_strided_slice %get3A_12 {offsets = [0, 56, 0], sizes = [8, 8, 192], strides = [1, 1, 1]} : vector<8x224x256xf32> to vector<8x8x192xf32>
    %reshape3A_552 = vector.shape_cast %slice3A_551 : vector<8x8x192xf32> to vector<64x192xf32>
    %get3A_553 = arith.constant 0 : index
    %get3A_554 = arith.constant 0 : index
    %get3A_555 = arith.constant 7 : index
    %get3A_556 = arith.constant 0 : index
    %get3A_557 = arith.constant 0 : index
    %get3A_558 = vector.load %arg4[%get3A_553, %get3A_554, %get3A_555, %get3A_556, %get3A_557] : memref<1x1x28x32x256xf32, #tpu.memory_space<vmem>>, vector<1x1x1x32x192xf32>
    %get3A_559 = vector.shape_cast %get3A_558 : vector<1x1x1x32x192xf32> to vector<32x192xf32>
    %get3A_560 = arith.constant 0 : index
    %get3A_561 = arith.constant 0 : index
    %get3A_562 = arith.constant 7 : index
    %get3A_563 = arith.constant 0 : index
    %get3A_564 = arith.constant 0 : index
    %get3A_565 = vector.load %arg5[%get3A_560, %get3A_561, %get3A_562, %get3A_563, %get3A_564] : memref<1x1x28x32x1xf32, #tpu.memory_space<vmem>>, vector<1x1x1x32x1xf32>
    %get3A_566 = vector.shape_cast %get3A_565 : vector<1x1x1x32x1xf32> to vector<32x1xf32>
    %mul3A_567 = vector.broadcast %get3A_566 : vector<32x1xf32> to vector<32x192xf32>
    %mul3A_568 = arith.mulf %get3A_559, %mul3A_567 : vector<32x192xf32>
    %concatenate3A_569 = tpu.concatenate %reshape3A_552, %mul3A_568 in 0 : vector<64x192xf32>, vector<32x192xf32> -> vector<96x192xf32>
    %slice3A_570 = vector.extract_strided_slice %reshape3A_550 {offsets = [0, 0], sizes = [64, 24], strides = [1, 1]} : vector<64x192xf32> to vector<64x24xf32>
    %slice3A_571 = vector.extract_strided_slice %concatenate3A_569 {offsets = [0, 0], sizes = [96, 24], strides = [1, 1]} : vector<96x192xf32> to vector<96x24xf32>
    %dot_general3A_572 = arith.constant dense<0.000000e+00> : vector<64x96xf32>
    %dot_general3A_573 = tpu.matmul %slice3A_570, %slice3A_571, %dot_general3A_572 {dimension_numbers = #tpu.dot_dimension_numbers<[1], [1], [0], [0], [0, 0, 1, 0], [], []>, transpose_lhs_hint = false} : vector<64x24xf32>, vector<96x24xf32>, vector<64x96xf32> -> vector<64x96xf32>
    %slice3A_574 = vector.extract_strided_slice %reshape3A_550 {offsets = [0, 24], sizes = [64, 24], strides = [1, 1]} : vector<64x192xf32> to vector<64x24xf32>
    %slice3A_575 = vector.extract_strided_slice %concatenate3A_569 {offsets = [0, 24], sizes = [96, 24], strides = [1, 1]} : vector<96x192xf32> to vector<96x24xf32>
    %dot_general3A_576 = arith.constant dense<0.000000e+00> : vector<64x96xf32>
    %dot_general3A_577 = tpu.matmul %slice3A_574, %slice3A_575, %dot_general3A_576 {dimension_numbers = #tpu.dot_dimension_numbers<[1], [1], [0], [0], [0, 0, 1, 0], [], []>, transpose_lhs_hint = false} : vector<64x24xf32>, vector<96x24xf32>, vector<64x96xf32> -> vector<64x96xf32>
    %slice3A_578 = vector.extract_strided_slice %reshape3A_550 {offsets = [0, 48], sizes = [64, 24], strides = [1, 1]} : vector<64x192xf32> to vector<64x24xf32>
    %slice3A_579 = vector.extract_strided_slice %concatenate3A_569 {offsets = [0, 48], sizes = [96, 24], strides = [1, 1]} : vector<96x192xf32> to vector<96x24xf32>
    %dot_general3A_580 = arith.constant dense<0.000000e+00> : vector<64x96xf32>
    %dot_general3A_581 = tpu.matmul %slice3A_578, %slice3A_579, %dot_general3A_580 {dimension_numbers = #tpu.dot_dimension_numbers<[1], [1], [0], [0], [0, 0, 1, 0], [], []>, transpose_lhs_hint = false} : vector<64x24xf32>, vector<96x24xf32>, vector<64x96xf32> -> vector<64x96xf32>
    %slice3A_582 = vector.extract_strided_slice %reshape3A_550 {offsets = [0, 72], sizes = [64, 24], strides = [1, 1]} : vector<64x192xf32> to vector<64x24xf32>
    %slice3A_583 = vector.extract_strided_slice %concatenate3A_569 {offsets = [0, 72], sizes = [96, 24], strides = [1, 1]} : vector<96x192xf32> to vector<96x24xf32>
    %dot_general3A_584 = arith.constant dense<0.000000e+00> : vector<64x96xf32>
    %dot_general3A_585 = tpu.matmul %slice3A_582, %slice3A_583, %dot_general3A_584 {dimension_numbers = #tpu.dot_dimension_numbers<[1], [1], [0], [0], [0, 0, 1, 0], [], []>, transpose_lhs_hint = false} : vector<64x24xf32>, vector<96x24xf32>, vector<64x96xf32> -> vector<64x96xf32>
    %slice3A_586 = vector.extract_strided_slice %reshape3A_550 {offsets = [0, 96], sizes = [64, 24], strides = [1, 1]} : vector<64x192xf32> to vector<64x24xf32>
    %slice3A_587 = vector.extract_strided_slice %concatenate3A_569 {offsets = [0, 96], sizes = [96, 24], strides = [1, 1]} : vector<96x192xf32> to vector<96x24xf32>
    %dot_general3A_588 = arith.constant dense<0.000000e+00> : vector<64x96xf32>
    %dot_general3A_589 = tpu.matmul %slice3A_586, %slice3A_587, %dot_general3A_588 {dimension_numbers = #tpu.dot_dimension_numbers<[1], [1], [0], [0], [0, 0, 1, 0], [], []>, transpose_lhs_hint = false} : vector<64x24xf32>, vector<96x24xf32>, vector<64x96xf32> -> vector<64x96xf32>
    %slice3A_590 = vector.extract_strided_slice %reshape3A_550 {offsets = [0, 120], sizes = [64, 24], strides = [1, 1]} : vector<64x192xf32> to vector<64x24xf32>
    %slice3A_591 = vector.extract_strided_slice %concatenate3A_569 {offsets = [0, 120], sizes = [96, 24], strides = [1, 1]} : vector<96x192xf32> to vector<96x24xf32>
    %dot_general3A_592 = arith.constant dense<0.000000e+00> : vector<64x96xf32>
    %dot_general3A_593 = tpu.matmul %slice3A_590, %slice3A_591, %dot_general3A_592 {dimension_numbers = #tpu.dot_dimension_numbers<[1], [1], [0], [0], [0, 0, 1, 0], [], []>, transpose_lhs_hint = false} : vector<64x24xf32>, vector<96x24xf32>, vector<64x96xf32> -> vector<64x96xf32>
    %slice3A_594 = vector.extract_strided_slice %reshape3A_550 {offsets = [0, 144], sizes = [64, 24], strides = [1, 1]} : vector<64x192xf32> to vector<64x24xf32>
    %slice3A_595 = vector.extract_strided_slice %concatenate3A_569 {offsets = [0, 144], sizes = [96, 24], strides = [1, 1]} : vector<96x192xf32> to vector<96x24xf32>
    %dot_general3A_596 = arith.constant dense<0.000000e+00> : vector<64x96xf32>
    %dot_general3A_597 = tpu.matmul %slice3A_594, %slice3A_595, %dot_general3A_596 {dimension_numbers = #tpu.dot_dimension_numbers<[1], [1], [0], [0], [0, 0, 1, 0], [], []>, transpose_lhs_hint = false} : vector<64x24xf32>, vector<96x24xf32>, vector<64x96xf32> -> vector<64x96xf32>
    %slice3A_598 = vector.extract_strided_slice %reshape3A_550 {offsets = [0, 168], sizes = [64, 24], strides = [1, 1]} : vector<64x192xf32> to vector<64x24xf32>
    %slice3A_599 = vector.extract_strided_slice %concatenate3A_569 {offsets = [0, 168], sizes = [96, 24], strides = [1, 1]} : vector<96x192xf32> to vector<96x24xf32>
    %dot_general3A_600 = arith.constant dense<0.000000e+00> : vector<64x96xf32>
    %dot_general3A_601 = tpu.matmul %slice3A_598, %slice3A_599, %dot_general3A_600 {dimension_numbers = #tpu.dot_dimension_numbers<[1], [1], [0], [0], [0, 0, 1, 0], [], []>, transpose_lhs_hint = false} : vector<64x24xf32>, vector<96x24xf32>, vector<64x96xf32> -> vector<64x96xf32>
    %stack3A_602 = vector.shape_cast %dot_general3A_573 : vector<64x96xf32> to vector<1x64x96xf32>
    %stack3A_603 = vector.shape_cast %dot_general3A_577 : vector<64x96xf32> to vector<1x64x96xf32>
    %stack3A_604 = vector.shape_cast %dot_general3A_581 : vector<64x96xf32> to vector<1x64x96xf32>
    %stack3A_605 = vector.shape_cast %dot_general3A_585 : vector<64x96xf32> to vector<1x64x96xf32>
    %stack3A_606 = vector.shape_cast %dot_general3A_589 : vector<64x96xf32> to vector<1x64x96xf32>
    %stack3A_607 = vector.shape_cast %dot_general3A_593 : vector<64x96xf32> to vector<1x64x96xf32>
    %stack3A_608 = vector.shape_cast %dot_general3A_597 : vector<64x96xf32> to vector<1x64x96xf32>
    %stack3A_609 = vector.shape_cast %dot_general3A_601 : vector<64x96xf32> to vector<1x64x96xf32>
    %stack3A_610 = tpu.concatenate %stack3A_602, %stack3A_603, %stack3A_604, %stack3A_605, %stack3A_606, %stack3A_607, %stack3A_608, %stack3A_609 in 0 : vector<1x64x96xf32>, vector<1x64x96xf32>, vector<1x64x96xf32>, vector<1x64x96xf32>, vector<1x64x96xf32>, vector<1x64x96xf32>, vector<1x64x96xf32>, vector<1x64x96xf32> -> vector<8x64x96xf32>
    %exp3A_611 = math.exp %stack3A_610 : vector<8x64x96xf32>
    %reshape3A_612 = vector.shape_cast %exp3A_611 : vector<8x64x96xf32> to vector<512x96xf32>
    %broadcast_in_dim3A_613 = arith.constant 1.000000e+00 : f32
    %broadcast_in_dim3A_614 = vector.broadcast %broadcast_in_dim3A_613 : f32 to vector<96x96xf32>
    %dot_general3A_615 = arith.constant dense<0.000000e+00> : vector<512x96xf32>
    %dot_general3A_616 = tpu.matmul %reshape3A_612, %broadcast_in_dim3A_614, %dot_general3A_615 {dimension_numbers = #tpu.dot_dimension_numbers<[1], [0], [0], [1], [0, 0, 1, 1], [], []>, transpose_lhs_hint = false} : vector<512x96xf32>, vector<96x96xf32>, vector<512x96xf32> -> vector<512x96xf32>
    %div3A_617 = arith.divf %reshape3A_612, %dot_general3A_616 : vector<512x96xf32>
    %reshape3A_618 = vector.shape_cast %div3A_617 : vector<512x96xf32> to vector<8x64x96xf32>
    %swap3A_619 = arith.constant 0 : index
    %swap3A_620 = arith.constant 0 : index
    %swap3A_621 = arith.constant 7 : index
    %swap3A_622 = arith.constant 0 : index
    %swap3A_623 = arith.constant 0 : index
    %swap3A_624 = vector.load %arg6[%swap3A_619, %swap3A_620, %swap3A_621, %swap3A_622, %swap3A_623] : memref<8x1x28x64x96xf32, #tpu.memory_space<vmem>>, vector<8x1x1x64x96xf32>
    %swap3A_625 = vector.shape_cast %swap3A_624 : vector<8x1x1x64x96xf32> to vector<8x64x96xf32>
    %swap3A_626 = vector.shape_cast %reshape3A_618 : vector<8x64x96xf32> to vector<8x1x1x64x96xf32>
    tpu.vector_store %arg6[%swap3A_619, %swap3A_620, %swap3A_621, %swap3A_622, %swap3A_623], %swap3A_626 {strides = array<i32>} : memref<8x1x28x64x96xf32, #tpu.memory_space<vmem>>, vector<8x1x1x64x96xf32>,
    %slice3A_627 = vector.extract_strided_slice %get3A_5 {offsets = [0, 64, 0], sizes = [8, 8, 192], strides = [1, 1, 1]} : vector<8x224x192xf32> to vector<8x8x192xf32>
    %reshape3A_628 = vector.shape_cast %slice3A_627 : vector<8x8x192xf32> to vector<64x192xf32>
    %slice3A_629 = vector.extract_strided_slice %get3A_12 {offsets = [0, 64, 0], sizes = [8, 8, 192], strides = [1, 1, 1]} : vector<8x224x256xf32> to vector<8x8x192xf32>
    %reshape3A_630 = vector.shape_cast %slice3A_629 : vector<8x8x192xf32> to vector<64x192xf32>
    %get3A_631 = arith.constant 0 : index
    %get3A_632 = arith.constant 0 : index
    %get3A_633 = arith.constant 8 : index
    %get3A_634 = arith.constant 0 : index
    %get3A_635 = arith.constant 0 : index
    %get3A_636 = vector.load %arg4[%get3A_631, %get3A_632, %get3A_633, %get3A_634, %get3A_635] : memref<1x1x28x32x256xf32, #tpu.memory_space<vmem>>, vector<1x1x1x32x192xf32>
    %get3A_637 = vector.shape_cast %get3A_636 : vector<1x1x1x32x192xf32> to vector<32x192xf32>
    %get3A_638 = arith.constant 0 : index
    %get3A_639 = arith.constant 0 : index
    %get3A_640 = arith.constant 8 : index
    %get3A_641 = arith.constant 0 : index
    %get3A_642 = arith.constant 0 : index
    %get3A_643 = vector.load %arg5[%get3A_638, %get3A_639, %get3A_640, %get3A_641, %get3A_642] : memref<1x1x28x32x1xf32, #tpu.memory_space<vmem>>, vector<1x1x1x32x1xf32>
    %get3A_644 = vector.shape_cast %get3A_643 : vector<1x1x1x32x1xf32> to vector<32x1xf32>
    %mul3A_645 = vector.broadcast %get3A_644 : vector<32x1xf32> to vector<32x192xf32>
    %mul3A_646 = arith.mulf %get3A_637, %mul3A_645 : vector<32x192xf32>
    %concatenate3A_647 = tpu.concatenate %reshape3A_630, %mul3A_646 in 0 : vector<64x192xf32>, vector<32x192xf32> -> vector<96x192xf32>
    %slice3A_648 = vector.extract_strided_slice %reshape3A_628 {offsets = [0, 0], sizes = [64, 24], strides = [1, 1]} : vector<64x192xf32> to vector<64x24xf32>
    %slice3A_649 = vector.extract_strided_slice %concatenate3A_647 {offsets = [0, 0], sizes = [96, 24], strides = [1, 1]} : vector<96x192xf32> to vector<96x24xf32>
    %dot_general3A_650 = arith.constant dense<0.000000e+00> : vector<64x96xf32>
    %dot_general3A_651 = tpu.matmul %slice3A_648, %slice3A_649, %dot_general3A_650 {dimension_numbers = #tpu.dot_dimension_numbers<[1], [1], [0], [0], [0, 0, 1, 0], [], []>, transpose_lhs_hint = false} : vector<64x24xf32>, vector<96x24xf32>, vector<64x96xf32> -> vector<64x96xf32>
    %slice3A_652 = vector.extract_strided_slice %reshape3A_628 {offsets = [0, 24], sizes = [64, 24], strides = [1, 1]} : vector<64x192xf32> to vector<64x24xf32>
    %slice3A_653 = vector.extract_strided_slice %concatenate3A_647 {offsets = [0, 24], sizes = [96, 24], strides = [1, 1]} : vector<96x192xf32> to vector<96x24xf32>
    %dot_general3A_654 = arith.constant dense<0.000000e+00> : vector<64x96xf32>
    %dot_general3A_655 = tpu.matmul %slice3A_652, %slice3A_653, %dot_general3A_654 {dimension_numbers = #tpu.dot_dimension_numbers<[1], [1], [0], [0], [0, 0, 1, 0], [], []>, transpose_lhs_hint = false} : vector<64x24xf32>, vector<96x24xf32>, vector<64x96xf32> -> vector<64x96xf32>
    %slice3A_656 = vector.extract_strided_slice %reshape3A_628 {offsets = [0, 48], sizes = [64, 24], strides = [1, 1]} : vector<64x192xf32> to vector<64x24xf32>
    %slice3A_657 = vector.extract_strided_slice %concatenate3A_647 {offsets = [0, 48], sizes = [96, 24], strides = [1, 1]} : vector<96x192xf32> to vector<96x24xf32>
    %dot_general3A_658 = arith.constant dense<0.000000e+00> : vector<64x96xf32>
    %dot_general3A_659 = tpu.matmul %slice3A_656, %slice3A_657, %dot_general3A_658 {dimension_numbers = #tpu.dot_dimension_numbers<[1], [1], [0], [0], [0, 0, 1, 0], [], []>, transpose_lhs_hint = false} : vector<64x24xf32>, vector<96x24xf32>, vector<64x96xf32> -> vector<64x96xf32>
    %slice3A_660 = vector.extract_strided_slice %reshape3A_628 {offsets = [0, 72], sizes = [64, 24], strides = [1, 1]} : vector<64x192xf32> to vector<64x24xf32>
    %slice3A_661 = vector.extract_strided_slice %concatenate3A_647 {offsets = [0, 72], sizes = [96, 24], strides = [1, 1]} : vector<96x192xf32> to vector<96x24xf32>
    %dot_general3A_662 = arith.constant dense<0.000000e+00> : vector<64x96xf32>
    %dot_general3A_663 = tpu.matmul %slice3A_660, %slice3A_661, %dot_general3A_662 {dimension_numbers = #tpu.dot_dimension_numbers<[1], [1], [0], [0], [0, 0, 1, 0], [], []>, transpose_lhs_hint = false} : vector<64x24xf32>, vector<96x24xf32>, vector<64x96xf32> -> vector<64x96xf32>
    %slice3A_664 = vector.extract_strided_slice %reshape3A_628 {offsets = [0, 96], sizes = [64, 24], strides = [1, 1]} : vector<64x192xf32> to vector<64x24xf32>
    %slice3A_665 = vector.extract_strided_slice %concatenate3A_647 {offsets = [0, 96], sizes = [96, 24], strides = [1, 1]} : vector<96x192xf32> to vector<96x24xf32>
    %dot_general3A_666 = arith.constant dense<0.000000e+00> : vector<64x96xf32>
    %dot_general3A_667 = tpu.matmul %slice3A_664, %slice3A_665, %dot_general3A_666 {dimension_numbers = #tpu.dot_dimension_numbers<[1], [1], [0], [0], [0, 0, 1, 0], [], []>, transpose_lhs_hint = false} : vector<64x24xf32>, vector<96x24xf32>, vector<64x96xf32> -> vector<64x96xf32>
    %slice3A_668 = vector.extract_strided_slice %reshape3A_628 {offsets = [0, 120], sizes = [64, 24], strides = [1, 1]} : vector<64x192xf32> to vector<64x24xf32>
    %slice3A_669 = vector.extract_strided_slice %concatenate3A_647 {offsets = [0, 120], sizes = [96, 24], strides = [1, 1]} : vector<96x192xf32> to vector<96x24xf32>
    %dot_general3A_670 = arith.constant dense<0.000000e+00> : vector<64x96xf32>
    %dot_general3A_671 = tpu.matmul %slice3A_668, %slice3A_669, %dot_general3A_670 {dimension_numbers = #tpu.dot_dimension_numbers<[1], [1], [0], [0], [0, 0, 1, 0], [], []>, transpose_lhs_hint = false} : vector<64x24xf32>, vector<96x24xf32>, vector<64x96xf32> -> vector<64x96xf32>
    %slice3A_672 = vector.extract_strided_slice %reshape3A_628 {offsets = [0, 144], sizes = [64, 24], strides = [1, 1]} : vector<64x192xf32> to vector<64x24xf32>
    %slice3A_673 = vector.extract_strided_slice %concatenate3A_647 {offsets = [0, 144], sizes = [96, 24], strides = [1, 1]} : vector<96x192xf32> to vector<96x24xf32>
    %dot_general3A_674 = arith.constant dense<0.000000e+00> : vector<64x96xf32>
    %dot_general3A_675 = tpu.matmul %slice3A_672, %slice3A_673, %dot_general3A_674 {dimension_numbers = #tpu.dot_dimension_numbers<[1], [1], [0], [0], [0, 0, 1, 0], [], []>, transpose_lhs_hint = false} : vector<64x24xf32>, vector<96x24xf32>, vector<64x96xf32> -> vector<64x96xf32>
    %slice3A_676 = vector.extract_strided_slice %reshape3A_628 {offsets = [0, 168], sizes = [64, 24], strides = [1, 1]} : vector<64x192xf32> to vector<64x24xf32>
    %slice3A_677 = vector.extract_strided_slice %concatenate3A_647 {offsets = [0, 168], sizes = [96, 24], strides = [1, 1]} : vector<96x192xf32> to vector<96x24xf32>
    %dot_general3A_678 = arith.constant dense<0.000000e+00> : vector<64x96xf32>
    %dot_general3A_679 = tpu.matmul %slice3A_676, %slice3A_677, %dot_general3A_678 {dimension_numbers = #tpu.dot_dimension_numbers<[1], [1], [0], [0], [0, 0, 1, 0], [], []>, transpose_lhs_hint = false} : vector<64x24xf32>, vector<96x24xf32>, vector<64x96xf32> -> vector<64x96xf32>
    %stack3A_680 = vector.shape_cast %dot_general3A_651 : vector<64x96xf32> to vector<1x64x96xf32>
    %stack3A_681 = vector.shape_cast %dot_general3A_655 : vector<64x96xf32> to vector<1x64x96xf32>
    %stack3A_682 = vector.shape_cast %dot_general3A_659 : vector<64x96xf32> to vector<1x64x96xf32>
    %stack3A_683 = vector.shape_cast %dot_general3A_663 : vector<64x96xf32> to vector<1x64x96xf32>
    %stack3A_684 = vector.shape_cast %dot_general3A_667 : vector<64x96xf32> to vector<1x64x96xf32>
    %stack3A_685 = vector.shape_cast %dot_general3A_671 : vector<64x96xf32> to vector<1x64x96xf32>
    %stack3A_686 = vector.shape_cast %dot_general3A_675 : vector<64x96xf32> to vector<1x64x96xf32>
    %stack3A_687 = vector.shape_cast %dot_general3A_679 : vector<64x96xf32> to vector<1x64x96xf32>
    %stack3A_688 = tpu.concatenate %stack3A_680, %stack3A_681, %stack3A_682, %stack3A_683, %stack3A_684, %stack3A_685, %stack3A_686, %stack3A_687 in 0 : vector<1x64x96xf32>, vector<1x64x96xf32>, vector<1x64x96xf32>, vector<1x64x96xf32>, vector<1x64x96xf32>, vector<1x64x96xf32>, vector<1x64x96xf32>, vector<1x64x96xf32> -> vector<8x64x96xf32>
    %exp3A_689 = math.exp %stack3A_688 : vector<8x64x96xf32>
    %reshape3A_690 = vector.shape_cast %exp3A_689 : vector<8x64x96xf32> to vector<512x96xf32>
    %broadcast_in_dim3A_691 = arith.constant 1.000000e+00 : f32
    %broadcast_in_dim3A_692 = vector.broadcast %broadcast_in_dim3A_691 : f32 to vector<96x96xf32>
    %dot_general3A_693 = arith.constant dense<0.000000e+00> : vector<512x96xf32>
    %dot_general3A_694 = tpu.matmul %reshape3A_690, %broadcast_in_dim3A_692, %dot_general3A_693 {dimension_numbers = #tpu.dot_dimension_numbers<[1], [0], [0], [1], [0, 0, 1, 1], [], []>, transpose_lhs_hint = false} : vector<512x96xf32>, vector<96x96xf32>, vector<512x96xf32> -> vector<512x96xf32>
    %div3A_695 = arith.divf %reshape3A_690, %dot_general3A_694 : vector<512x96xf32>
    %reshape3A_696 = vector.shape_cast %div3A_695 : vector<512x96xf32> to vector<8x64x96xf32>
    %swap3A_697 = arith.constant 0 : index
    %swap3A_698 = arith.constant 0 : index
    %swap3A_699 = arith.constant 8 : index
    %swap3A_700 = arith.constant 0 : index
    %swap3A_701 = arith.constant 0 : index
    %swap3A_702 = vector.load %arg6[%swap3A_697, %swap3A_698, %swap3A_699, %swap3A_700, %swap3A_701] : memref<8x1x28x64x96xf32, #tpu.memory_space<vmem>>, vector<8x1x1x64x96xf32>
    %swap3A_703 = vector.shape_cast %swap3A_702 : vector<8x1x1x64x96xf32> to vector<8x64x96xf32>
    %swap3A_704 = vector.shape_cast %reshape3A_696 : vector<8x64x96xf32> to vector<8x1x1x64x96xf32>
    tpu.vector_store %arg6[%swap3A_697, %swap3A_698, %swap3A_699, %swap3A_700, %swap3A_701], %swap3A_704 {strides = array<i32>} : memref<8x1x28x64x96xf32, #tpu.memory_space<vmem>>, vector<8x1x1x64x96xf32>,
    %slice3A_705 = vector.extract_strided_slice %get3A_5 {offsets = [0, 72, 0], sizes = [8, 8, 192], strides = [1, 1, 1]} : vector<8x224x192xf32> to vector<8x8x192xf32>
    %reshape3A_706 = vector.shape_cast %slice3A_705 : vector<8x8x192xf32> to vector<64x192xf32>
    %slice3A_707 = vector.extract_strided_slice %get3A_12 {offsets = [0, 72, 0], sizes = [8, 8, 192], strides = [1, 1, 1]} : vector<8x224x256xf32> to vector<8x8x192xf32>
    %reshape3A_708 = vector.shape_cast %slice3A_707 : vector<8x8x192xf32> to vector<64x192xf32>
    %get3A_709 = arith.constant 0 : index
    %get3A_710 = arith.constant 0 : index
    %get3A_711 = arith.constant 9 : index
    %get3A_712 = arith.constant 0 : index
    %get3A_713 = arith.constant 0 : index
    %get3A_714 = vector.load %arg4[%get3A_709, %get3A_710, %get3A_711, %get3A_712, %get3A_713] : memref<1x1x28x32x256xf32, #tpu.memory_space<vmem>>, vector<1x1x1x32x192xf32>
    %get3A_715 = vector.shape_cast %get3A_714 : vector<1x1x1x32x192xf32> to vector<32x192xf32>
    %get3A_716 = arith.constant 0 : index
    %get3A_717 = arith.constant 0 : index
    %get3A_718 = arith.constant 9 : index
    %get3A_719 = arith.constant 0 : index
    %get3A_720 = arith.constant 0 : index
    %get3A_721 = vector.load %arg5[%get3A_716, %get3A_717, %get3A_718, %get3A_719, %get3A_720] : memref<1x1x28x32x1xf32, #tpu.memory_space<vmem>>, vector<1x1x1x32x1xf32>
    %get3A_722 = vector.shape_cast %get3A_721 : vector<1x1x1x32x1xf32> to vector<32x1xf32>
    %mul3A_723 = vector.broadcast %get3A_722 : vector<32x1xf32> to vector<32x192xf32>
    %mul3A_724 = arith.mulf %get3A_715, %mul3A_723 : vector<32x192xf32>
    %concatenate3A_725 = tpu.concatenate %reshape3A_708, %mul3A_724 in 0 : vector<64x192xf32>, vector<32x192xf32> -> vector<96x192xf32>
    %slice3A_726 = vector.extract_strided_slice %reshape3A_706 {offsets = [0, 0], sizes = [64, 24], strides = [1, 1]} : vector<64x192xf32> to vector<64x24xf32>
    %slice3A_727 = vector.extract_strided_slice %concatenate3A_725 {offsets = [0, 0], sizes = [96, 24], strides = [1, 1]} : vector<96x192xf32> to vector<96x24xf32>
    %dot_general3A_728 = arith.constant dense<0.000000e+00> : vector<64x96xf32>
    %dot_general3A_729 = tpu.matmul %slice3A_726, %slice3A_727, %dot_general3A_728 {dimension_numbers = #tpu.dot_dimension_numbers<[1], [1], [0], [0], [0, 0, 1, 0], [], []>, transpose_lhs_hint = false} : vector<64x24xf32>, vector<96x24xf32>, vector<64x96xf32> -> vector<64x96xf32>
    %slice3A_730 = vector.extract_strided_slice %reshape3A_706 {offsets = [0, 24], sizes = [64, 24], strides = [1, 1]} : vector<64x192xf32> to vector<64x24xf32>
    %slice3A_731 = vector.extract_strided_slice %concatenate3A_725 {offsets = [0, 24], sizes = [96, 24], strides = [1, 1]} : vector<96x192xf32> to vector<96x24xf32>
    %dot_general3A_732 = arith.constant dense<0.000000e+00> : vector<64x96xf32>
    %dot_general3A_733 = tpu.matmul %slice3A_730, %slice3A_731, %dot_general3A_732 {dimension_numbers = #tpu.dot_dimension_numbers<[1], [1], [0], [0], [0, 0, 1, 0], [], []>, transpose_lhs_hint = false} : vector<64x24xf32>, vector<96x24xf32>, vector<64x96xf32> -> vector<64x96xf32>
    %slice3A_734 = vector.extract_strided_slice %reshape3A_706 {offsets = [0, 48], sizes = [64, 24], strides = [1, 1]} : vector<64x192xf32> to vector<64x24xf32>
    %slice3A_735 = vector.extract_strided_slice %concatenate3A_725 {offsets = [0, 48], sizes = [96, 24], strides = [1, 1]} : vector<96x192xf32> to vector<96x24xf32>
    %dot_general3A_736 = arith.constant dense<0.000000e+00> : vector<64x96xf32>
    %dot_general3A_737 = tpu.matmul %slice3A_734, %slice3A_735, %dot_general3A_736 {dimension_numbers = #tpu.dot_dimension_numbers<[1], [1], [0], [0], [0, 0, 1, 0], [], []>, transpose_lhs_hint = false} : vector<64x24xf32>, vector<96x24xf32>, vector<64x96xf32> -> vector<64x96xf32>
    %slice3A_738 = vector.extract_strided_slice %reshape3A_706 {offsets = [0, 72], sizes = [64, 24], strides = [1, 1]} : vector<64x192xf32> to vector<64x24xf32>
    %slice3A_739 = vector.extract_strided_slice %concatenate3A_725 {offsets = [0, 72], sizes = [96, 24], strides = [1, 1]} : vector<96x192xf32> to vector<96x24xf32>
    %dot_general3A_740 = arith.constant dense<0.000000e+00> : vector<64x96xf32>
    %dot_general3A_741 = tpu.matmul %slice3A_738, %slice3A_739, %dot_general3A_740 {dimension_numbers = #tpu.dot_dimension_numbers<[1], [1], [0], [0], [0, 0, 1, 0], [], []>, transpose_lhs_hint = false} : vector<64x24xf32>, vector<96x24xf32>, vector<64x96xf32> -> vector<64x96xf32>
    %slice3A_742 = vector.extract_strided_slice %reshape3A_706 {offsets = [0, 96], sizes = [64, 24], strides = [1, 1]} : vector<64x192xf32> to vector<64x24xf32>
    %slice3A_743 = vector.extract_strided_slice %concatenate3A_725 {offsets = [0, 96], sizes = [96, 24], strides = [1, 1]} : vector<96x192xf32> to vector<96x24xf32>
    %dot_general3A_744 = arith.constant dense<0.000000e+00> : vector<64x96xf32>
    %dot_general3A_745 = tpu.matmul %slice3A_742, %slice3A_743, %dot_general3A_744 {dimension_numbers = #tpu.dot_dimension_numbers<[1], [1], [0], [0], [0, 0, 1, 0], [], []>, transpose_lhs_hint = false} : vector<64x24xf32>, vector<96x24xf32>, vector<64x96xf32> -> vector<64x96xf32>
    %slice3A_746 = vector.extract_strided_slice %reshape3A_706 {offsets = [0, 120], sizes = [64, 24], strides = [1, 1]} : vector<64x192xf32> to vector<64x24xf32>
    %slice3A_747 = vector.extract_strided_slice %concatenate3A_725 {offsets = [0, 120], sizes = [96, 24], strides = [1, 1]} : vector<96x192xf32> to vector<96x24xf32>
    %dot_general3A_748 = arith.constant dense<0.000000e+00> : vector<64x96xf32>
    %dot_general3A_749 = tpu.matmul %slice3A_746, %slice3A_747, %dot_general3A_748 {dimension_numbers = #tpu.dot_dimension_numbers<[1], [1], [0], [0], [0, 0, 1, 0], [], []>, transpose_lhs_hint = false} : vector<64x24xf32>, vector<96x24xf32>, vector<64x96xf32> -> vector<64x96xf32>
    %slice3A_750 = vector.extract_strided_slice %reshape3A_706 {offsets = [0, 144], sizes = [64, 24], strides = [1, 1]} : vector<64x192xf32> to vector<64x24xf32>
    %slice3A_751 = vector.extract_strided_slice %concatenate3A_725 {offsets = [0, 144], sizes = [96, 24], strides = [1, 1]} : vector<96x192xf32> to vector<96x24xf32>
    %dot_general3A_752 = arith.constant dense<0.000000e+00> : vector<64x96xf32>
    %dot_general3A_753 = tpu.matmul %slice3A_750, %slice3A_751, %dot_general3A_752 {dimension_numbers = #tpu.dot_dimension_numbers<[1], [1], [0], [0], [0, 0, 1, 0], [], []>, transpose_lhs_hint = false} : vector<64x24xf32>, vector<96x24xf32>, vector<64x96xf32> -> vector<64x96xf32>
    %slice3A_754 = vector.extract_strided_slice %reshape3A_706 {offsets = [0, 168], sizes = [64, 24], strides = [1, 1]} : vector<64x192xf32> to vector<64x24xf32>
    %slice3A_755 = vector.extract_strided_slice %concatenate3A_725 {offsets = [0, 168], sizes = [96, 24], strides = [1, 1]} : vector<96x192xf32> to vector<96x24xf32>
    %dot_general3A_756 = arith.constant dense<0.000000e+00> : vector<64x96xf32>
    %dot_general3A_757 = tpu.matmul %slice3A_754, %slice3A_755, %dot_general3A_756 {dimension_numbers = #tpu.dot_dimension_numbers<[1], [1], [0], [0], [0, 0, 1, 0], [], []>, transpose_lhs_hint = false} : vector<64x24xf32>, vector<96x24xf32>, vector<64x96xf32> -> vector<64x96xf32>
    %stack3A_758 = vector.shape_cast %dot_general3A_729 : vector<64x96xf32> to vector<1x64x96xf32>
    %stack3A_759 = vector.shape_cast %dot_general3A_733 : vector<64x96xf32> to vector<1x64x96xf32>
    %stack3A_760 = vector.shape_cast %dot_general3A_737 : vector<64x96xf32> to vector<1x64x96xf32>
    %stack3A_761 = vector.shape_cast %dot_general3A_741 : vector<64x96xf32> to vector<1x64x96xf32>
    %stack3A_762 = vector.shape_cast %dot_general3A_745 : vector<64x96xf32> to vector<1x64x96xf32>
    %stack3A_763 = vector.shape_cast %dot_general3A_749 : vector<64x96xf32> to vector<1x64x96xf32>
    %stack3A_764 = vector.shape_cast %dot_general3A_753 : vector<64x96xf32> to vector<1x64x96xf32>
    %stack3A_765 = vector.shape_cast %dot_general3A_757 : vector<64x96xf32> to vector<1x64x96xf32>
    %stack3A_766 = tpu.concatenate %stack3A_758, %stack3A_759, %stack3A_760, %stack3A_761, %stack3A_762, %stack3A_763, %stack3A_764, %stack3A_765 in 0 : vector<1x64x96xf32>, vector<1x64x96xf32>, vector<1x64x96xf32>, vector<1x64x96xf32>, vector<1x64x96xf32>, vector<1x64x96xf32>, vector<1x64x96xf32>, vector<1x64x96xf32> -> vector<8x64x96xf32>
    %exp3A_767 = math.exp %stack3A_766 : vector<8x64x96xf32>
    %reshape3A_768 = vector.shape_cast %exp3A_767 : vector<8x64x96xf32> to vector<512x96xf32>
    %broadcast_in_dim3A_769 = arith.constant 1.000000e+00 : f32
    %broadcast_in_dim3A_770 = vector.broadcast %broadcast_in_dim3A_769 : f32 to vector<96x96xf32>
    %dot_general3A_771 = arith.constant dense<0.000000e+00> : vector<512x96xf32>
    %dot_general3A_772 = tpu.matmul %reshape3A_768, %broadcast_in_dim3A_770, %dot_general3A_771 {dimension_numbers = #tpu.dot_dimension_numbers<[1], [0], [0], [1], [0, 0, 1, 1], [], []>, transpose_lhs_hint = false} : vector<512x96xf32>, vector<96x96xf32>, vector<512x96xf32> -> vector<512x96xf32>
    %div3A_773 = arith.divf %reshape3A_768, %dot_general3A_772 : vector<512x96xf32>
    %reshape3A_774 = vector.shape_cast %div3A_773 : vector<512x96xf32> to vector<8x64x96xf32>
    %swap3A_775 = arith.constant 0 : index
    %swap3A_776 = arith.constant 0 : index
    %swap3A_777 = arith.constant 9 : index
    %swap3A_778 = arith.constant 0 : index
    %swap3A_779 = arith.constant 0 : index
    %swap3A_780 = vector.load %arg6[%swap3A_775, %swap3A_776, %swap3A_777, %swap3A_778, %swap3A_779] : memref<8x1x28x64x96xf32, #tpu.memory_space<vmem>>, vector<8x1x1x64x96xf32>
    %swap3A_781 = vector.shape_cast %swap3A_780 : vector<8x1x1x64x96xf32> to vector<8x64x96xf32>
    %swap3A_782 = vector.shape_cast %reshape3A_774 : vector<8x64x96xf32> to vector<8x1x1x64x96xf32>
    tpu.vector_store %arg6[%swap3A_775, %swap3A_776, %swap3A_777, %swap3A_778, %swap3A_779], %swap3A_782 {strides = array<i32>} : memref<8x1x28x64x96xf32, #tpu.memory_space<vmem>>, vector<8x1x1x64x96xf32>,
    %slice3A_783 = vector.extract_strided_slice %get3A_5 {offsets = [0, 80, 0], sizes = [8, 8, 192], strides = [1, 1, 1]} : vector<8x224x192xf32> to vector<8x8x192xf32>
    %reshape3A_784 = vector.shape_cast %slice3A_783 : vector<8x8x192xf32> to vector<64x192xf32>
    %slice3A_785 = vector.extract_strided_slice %get3A_12 {offsets = [0, 80, 0], sizes = [8, 8, 192], strides = [1, 1, 1]} : vector<8x224x256xf32> to vector<8x8x192xf32>
    %reshape3A_786 = vector.shape_cast %slice3A_785 : vector<8x8x192xf32> to vector<64x192xf32>
    %get3A_787 = arith.constant 0 : index
    %get3A_788 = arith.constant 0 : index
    %get3A_789 = arith.constant 10 : index
    %get3A_790 = arith.constant 0 : index
    %get3A_791 = arith.constant 0 : index
    %get3A_792 = vector.load %arg4[%get3A_787, %get3A_788, %get3A_789, %get3A_790, %get3A_791] : memref<1x1x28x32x256xf32, #tpu.memory_space<vmem>>, vector<1x1x1x32x192xf32>
    %get3A_793 = vector.shape_cast %get3A_792 : vector<1x1x1x32x192xf32> to vector<32x192xf32>
    %get3A_794 = arith.constant 0 : index
    %get3A_795 = arith.constant 0 : index
    %get3A_796 = arith.constant 10 : index
    %get3A_797 = arith.constant 0 : index
    %get3A_798 = arith.constant 0 : index
    %get3A_799 = vector.load %arg5[%get3A_794, %get3A_795, %get3A_796, %get3A_797, %get3A_798] : memref<1x1x28x32x1xf32, #tpu.memory_space<vmem>>, vector<1x1x1x32x1xf32>
    %get3A_800 = vector.shape_cast %get3A_799 : vector<1x1x1x32x1xf32> to vector<32x1xf32>
    %mul3A_801 = vector.broadcast %get3A_800 : vector<32x1xf32> to vector<32x192xf32>
    %mul3A_802 = arith.mulf %get3A_793, %mul3A_801 : vector<32x192xf32>
    %concatenate3A_803 = tpu.concatenate %reshape3A_786, %mul3A_802 in 0 : vector<64x192xf32>, vector<32x192xf32> -> vector<96x192xf32>
    %slice3A_804 = vector.extract_strided_slice %reshape3A_784 {offsets = [0, 0], sizes = [64, 24], strides = [1, 1]} : vector<64x192xf32> to vector<64x24xf32>
    %slice3A_805 = vector.extract_strided_slice %concatenate3A_803 {offsets = [0, 0], sizes = [96, 24], strides = [1, 1]} : vector<96x192xf32> to vector<96x24xf32>
    %dot_general3A_806 = arith.constant dense<0.000000e+00> : vector<64x96xf32>
    %dot_general3A_807 = tpu.matmul %slice3A_804, %slice3A_805, %dot_general3A_806 {dimension_numbers = #tpu.dot_dimension_numbers<[1], [1], [0], [0], [0, 0, 1, 0], [], []>, transpose_lhs_hint = false} : vector<64x24xf32>, vector<96x24xf32>, vector<64x96xf32> -> vector<64x96xf32>
    %slice3A_808 = vector.extract_strided_slice %reshape3A_784 {offsets = [0, 24], sizes = [64, 24], strides = [1, 1]} : vector<64x192xf32> to vector<64x24xf32>
    %slice3A_809 = vector.extract_strided_slice %concatenate3A_803 {offsets = [0, 24], sizes = [96, 24], strides = [1, 1]} : vector<96x192xf32> to vector<96x24xf32>
    %dot_general3A_810 = arith.constant dense<0.000000e+00> : vector<64x96xf32>
    %dot_general3A_811 = tpu.matmul %slice3A_808, %slice3A_809, %dot_general3A_810 {dimension_numbers = #tpu.dot_dimension_numbers<[1], [1], [0], [0], [0, 0, 1, 0], [], []>, transpose_lhs_hint = false} : vector<64x24xf32>, vector<96x24xf32>, vector<64x96xf32> -> vector<64x96xf32>
    %slice3A_812 = vector.extract_strided_slice %reshape3A_784 {offsets = [0, 48], sizes = [64, 24], strides = [1, 1]} : vector<64x192xf32> to vector<64x24xf32>
    %slice3A_813 = vector.extract_strided_slice %concatenate3A_803 {offsets = [0, 48], sizes = [96, 24], strides = [1, 1]} : vector<96x192xf32> to vector<96x24xf32>
    %dot_general3A_814 = arith.constant dense<0.000000e+00> : vector<64x96xf32>
    %dot_general3A_815 = tpu.matmul %slice3A_812, %slice3A_813, %dot_general3A_814 {dimension_numbers = #tpu.dot_dimension_numbers<[1], [1], [0], [0], [0, 0, 1, 0], [], []>, transpose_lhs_hint = false} : vector<64x24xf32>, vector<96x24xf32>, vector<64x96xf32> -> vector<64x96xf32>
    %slice3A_816 = vector.extract_strided_slice %reshape3A_784 {offsets = [0, 72], sizes = [64, 24], strides = [1, 1]} : vector<64x192xf32> to vector<64x24xf32>
    %slice3A_817 = vector.extract_strided_slice %concatenate3A_803 {offsets = [0, 72], sizes = [96, 24], strides = [1, 1]} : vector<96x192xf32> to vector<96x24xf32>
    %dot_general3A_818 = arith.constant dense<0.000000e+00> : vector<64x96xf32>
    %dot_general3A_819 = tpu.matmul %slice3A_816, %slice3A_817, %dot_general3A_818 {dimension_numbers = #tpu.dot_dimension_numbers<[1], [1], [0], [0], [0, 0, 1, 0], [], []>, transpose_lhs_hint = false} : vector<64x24xf32>, vector<96x24xf32>, vector<64x96xf32> -> vector<64x96xf32>
    %slice3A_820 = vector.extract_strided_slice %reshape3A_784 {offsets = [0, 96], sizes = [64, 24], strides = [1, 1]} : vector<64x192xf32> to vector<64x24xf32>
    %slice3A_821 = vector.extract_strided_slice %concatenate3A_803 {offsets = [0, 96], sizes = [96, 24], strides = [1, 1]} : vector<96x192xf32> to vector<96x24xf32>
    %dot_general3A_822 = arith.constant dense<0.000000e+00> : vector<64x96xf32>
    %dot_general3A_823 = tpu.matmul %slice3A_820, %slice3A_821, %dot_general3A_822 {dimension_numbers = #tpu.dot_dimension_numbers<[1], [1], [0], [0], [0, 0, 1, 0], [], []>, transpose_lhs_hint = false} : vector<64x24xf32>, vector<96x24xf32>, vector<64x96xf32> -> vector<64x96xf32>
    %slice3A_824 = vector.extract_strided_slice %reshape3A_784 {offsets = [0, 120], sizes = [64, 24], strides = [1, 1]} : vector<64x192xf32> to vector<64x24xf32>
    %slice3A_825 = vector.extract_strided_slice %concatenate3A_803 {offsets = [0, 120], sizes = [96, 24], strides = [1, 1]} : vector<96x192xf32> to vector<96x24xf32>
    %dot_general3A_826 = arith.constant dense<0.000000e+00> : vector<64x96xf32>
    %dot_general3A_827 = tpu.matmul %slice3A_824, %slice3A_825, %dot_general3A_826 {dimension_numbers = #tpu.dot_dimension_numbers<[1], [1], [0], [0], [0, 0, 1, 0], [], []>, transpose_lhs_hint = false} : vector<64x24xf32>, vector<96x24xf32>, vector<64x96xf32> -> vector<64x96xf32>
    %slice3A_828 = vector.extract_strided_slice %reshape3A_784 {offsets = [0, 144], sizes = [64, 24], strides = [1, 1]} : vector<64x192xf32> to vector<64x24xf32>
    %slice3A_829 = vector.extract_strided_slice %concatenate3A_803 {offsets = [0, 144], sizes = [96, 24], strides = [1, 1]} : vector<96x192xf32> to vector<96x24xf32>
    %dot_general3A_830 = arith.constant dense<0.000000e+00> : vector<64x96xf32>
    %dot_general3A_831 = tpu.matmul %slice3A_828, %slice3A_829, %dot_general3A_830 {dimension_numbers = #tpu.dot_dimension_numbers<[1], [1], [0], [0], [0, 0, 1, 0], [], []>, transpose_lhs_hint = false} : vector<64x24xf32>, vector<96x24xf32>, vector<64x96xf32> -> vector<64x96xf32>
    %slice3A_832 = vector.extract_strided_slice %reshape3A_784 {offsets = [0, 168], sizes = [64, 24], strides = [1, 1]} : vector<64x192xf32> to vector<64x24xf32>
    %slice3A_833 = vector.extract_strided_slice %concatenate3A_803 {offsets = [0, 168], sizes = [96, 24], strides = [1, 1]} : vector<96x192xf32> to vector<96x24xf32>
    %dot_general3A_834 = arith.constant dense<0.000000e+00> : vector<64x96xf32>
    %dot_general3A_835 = tpu.matmul %slice3A_832, %slice3A_833, %dot_general3A_834 {dimension_numbers = #tpu.dot_dimension_numbers<[1], [1], [0], [0], [0, 0, 1, 0], [], []>, transpose_lhs_hint = false} : vector<64x24xf32>, vector<96x24xf32>, vector<64x96xf32> -> vector<64x96xf32>
    %stack3A_836 = vector.shape_cast %dot_general3A_807 : vector<64x96xf32> to vector<1x64x96xf32>
    %stack3A_837 = vector.shape_cast %dot_general3A_811 : vector<64x96xf32> to vector<1x64x96xf32>
    %stack3A_838 = vector.shape_cast %dot_general3A_815 : vector<64x96xf32> to vector<1x64x96xf32>
    %stack3A_839 = vector.shape_cast %dot_general3A_819 : vector<64x96xf32> to vector<1x64x96xf32>
    %stack3A_840 = vector.shape_cast %dot_general3A_823 : vector<64x96xf32> to vector<1x64x96xf32>
    %stack3A_841 = vector.shape_cast %dot_general3A_827 : vector<64x96xf32> to vector<1x64x96xf32>
    %stack3A_842 = vector.shape_cast %dot_general3A_831 : vector<64x96xf32> to vector<1x64x96xf32>
    %stack3A_843 = vector.shape_cast %dot_general3A_835 : vector<64x96xf32> to vector<1x64x96xf32>
    %stack3A_844 = tpu.concatenate %stack3A_836, %stack3A_837, %stack3A_838, %stack3A_839, %stack3A_840, %stack3A_841, %stack3A_842, %stack3A_843 in 0 : vector<1x64x96xf32>, vector<1x64x96xf32>, vector<1x64x96xf32>, vector<1x64x96xf32>, vector<1x64x96xf32>, vector<1x64x96xf32>, vector<1x64x96xf32>, vector<1x64x96xf32> -> vector<8x64x96xf32>
    %exp3A_845 = math.exp %stack3A_844 : vector<8x64x96xf32>
    %reshape3A_846 = vector.shape_cast %exp3A_845 : vector<8x64x96xf32> to vector<512x96xf32>
    %broadcast_in_dim3A_847 = arith.constant 1.000000e+00 : f32
    %broadcast_in_dim3A_848 = vector.broadcast %broadcast_in_dim3A_847 : f32 to vector<96x96xf32>
    %dot_general3A_849 = arith.constant dense<0.000000e+00> : vector<512x96xf32>
    %dot_general3A_850 = tpu.matmul %reshape3A_846, %broadcast_in_dim3A_848, %dot_general3A_849 {dimension_numbers = #tpu.dot_dimension_numbers<[1], [0], [0], [1], [0, 0, 1, 1], [], []>, transpose_lhs_hint = false} : vector<512x96xf32>, vector<96x96xf32>, vector<512x96xf32> -> vector<512x96xf32>
    %div3A_851 = arith.divf %reshape3A_846, %dot_general3A_850 : vector<512x96xf32>
    %reshape3A_852 = vector.shape_cast %div3A_851 : vector<512x96xf32> to vector<8x64x96xf32>
    %swap3A_853 = arith.constant 0 : index
    %swap3A_854 = arith.constant 0 : index
    %swap3A_855 = arith.constant 10 : index
    %swap3A_856 = arith.constant 0 : index
    %swap3A_857 = arith.constant 0 : index
    %swap3A_858 = vector.load %arg6[%swap3A_853, %swap3A_854, %swap3A_855, %swap3A_856, %swap3A_857] : memref<8x1x28x64x96xf32, #tpu.memory_space<vmem>>, vector<8x1x1x64x96xf32>
    %swap3A_859 = vector.shape_cast %swap3A_858 : vector<8x1x1x64x96xf32> to vector<8x64x96xf32>
    %swap3A_860 = vector.shape_cast %reshape3A_852 : vector<8x64x96xf32> to vector<8x1x1x64x96xf32>
    tpu.vector_store %arg6[%swap3A_853, %swap3A_854, %swap3A_855, %swap3A_856, %swap3A_857], %swap3A_860 {strides = array<i32>} : memref<8x1x28x64x96xf32, #tpu.memory_space<vmem>>, vector<8x1x1x64x96xf32>,
    %slice3A_861 = vector.extract_strided_slice %get3A_5 {offsets = [0, 88, 0], sizes = [8, 8, 192], strides = [1, 1, 1]} : vector<8x224x192xf32> to vector<8x8x192xf32>
    %reshape3A_862 = vector.shape_cast %slice3A_861 : vector<8x8x192xf32> to vector<64x192xf32>
    %slice3A_863 = vector.extract_strided_slice %get3A_12 {offsets = [0, 88, 0], sizes = [8, 8, 192], strides = [1, 1, 1]} : vector<8x224x256xf32> to vector<8x8x192xf32>
    %reshape3A_864 = vector.shape_cast %slice3A_863 : vector<8x8x192xf32> to vector<64x192xf32>
    %get3A_865 = arith.constant 0 : index
    %get3A_866 = arith.constant 0 : index
    %get3A_867 = arith.constant 11 : index
    %get3A_868 = arith.constant 0 : index
    %get3A_869 = arith.constant 0 : index
    %get3A_870 = vector.load %arg4[%get3A_865, %get3A_866, %get3A_867, %get3A_868, %get3A_869] : memref<1x1x28x32x256xf32, #tpu.memory_space<vmem>>, vector<1x1x1x32x192xf32>
    %get3A_871 = vector.shape_cast %get3A_870 : vector<1x1x1x32x192xf32> to vector<32x192xf32>
    %get3A_872 = arith.constant 0 : index
    %get3A_873 = arith.constant 0 : index
    %get3A_874 = arith.constant 11 : index
    %get3A_875 = arith.constant 0 : index
    %get3A_876 = arith.constant 0 : index
    %get3A_877 = vector.load %arg5[%get3A_872, %get3A_873, %get3A_874, %get3A_875, %get3A_876] : memref<1x1x28x32x1xf32, #tpu.memory_space<vmem>>, vector<1x1x1x32x1xf32>
    %get3A_878 = vector.shape_cast %get3A_877 : vector<1x1x1x32x1xf32> to vector<32x1xf32>
    %mul3A_879 = vector.broadcast %get3A_878 : vector<32x1xf32> to vector<32x192xf32>
    %mul3A_880 = arith.mulf %get3A_871, %mul3A_879 : vector<32x192xf32>
    %concatenate3A_881 = tpu.concatenate %reshape3A_864, %mul3A_880 in 0 : vector<64x192xf32>, vector<32x192xf32> -> vector<96x192xf32>
    %slice3A_882 = vector.extract_strided_slice %reshape3A_862 {offsets = [0, 0], sizes = [64, 24], strides = [1, 1]} : vector<64x192xf32> to vector<64x24xf32>
    %slice3A_883 = vector.extract_strided_slice %concatenate3A_881 {offsets = [0, 0], sizes = [96, 24], strides = [1, 1]} : vector<96x192xf32> to vector<96x24xf32>
    %dot_general3A_884 = arith.constant dense<0.000000e+00> : vector<64x96xf32>
    %dot_general3A_885 = tpu.matmul %slice3A_882, %slice3A_883, %dot_general3A_884 {dimension_numbers = #tpu.dot_dimension_numbers<[1], [1], [0], [0], [0, 0, 1, 0], [], []>, transpose_lhs_hint = false} : vector<64x24xf32>, vector<96x24xf32>, vector<64x96xf32> -> vector<64x96xf32>
    %slice3A_886 = vector.extract_strided_slice %reshape3A_862 {offsets = [0, 24], sizes = [64, 24], strides = [1, 1]} : vector<64x192xf32> to vector<64x24xf32>
    %slice3A_887 = vector.extract_strided_slice %concatenate3A_881 {offsets = [0, 24], sizes = [96, 24], strides = [1, 1]} : vector<96x192xf32> to vector<96x24xf32>
    %dot_general3A_888 = arith.constant dense<0.000000e+00> : vector<64x96xf32>
    %dot_general3A_889 = tpu.matmul %slice3A_886, %slice3A_887, %dot_general3A_888 {dimension_numbers = #tpu.dot_dimension_numbers<[1], [1], [0], [0], [0, 0, 1, 0], [], []>, transpose_lhs_hint = false} : vector<64x24xf32>, vector<96x24xf32>, vector<64x96xf32> -> vector<64x96xf32>
    %slice3A_890 = vector.extract_strided_slice %reshape3A_862 {offsets = [0, 48], sizes = [64, 24], strides = [1, 1]} : vector<64x192xf32> to vector<64x24xf32>
    %slice3A_891 = vector.extract_strided_slice %concatenate3A_881 {offsets = [0, 48], sizes = [96, 24], strides = [1, 1]} : vector<96x192xf32> to vector<96x24xf32>
    %dot_general3A_892 = arith.constant dense<0.000000e+00> : vector<64x96xf32>
    %dot_general3A_893 = tpu.matmul %slice3A_890, %slice3A_891, %dot_general3A_892 {dimension_numbers = #tpu.dot_dimension_numbers<[1], [1], [0], [0], [0, 0, 1, 0], [], []>, transpose_lhs_hint = false} : vector<64x24xf32>, vector<96x24xf32>, vector<64x96xf32> -> vector<64x96xf32>
    %slice3A_894 = vector.extract_strided_slice %reshape3A_862 {offsets = [0, 72], sizes = [64, 24], strides = [1, 1]} : vector<64x192xf32> to vector<64x24xf32>
    %slice3A_895 = vector.extract_strided_slice %concatenate3A_881 {offsets = [0, 72], sizes = [96, 24], strides = [1, 1]} : vector<96x192xf32> to vector<96x24xf32>
    %dot_general3A_896 = arith.constant dense<0.000000e+00> : vector<64x96xf32>
    %dot_general3A_897 = tpu.matmul %slice3A_894, %slice3A_895, %dot_general3A_896 {dimension_numbers = #tpu.dot_dimension_numbers<[1], [1], [0], [0], [0, 0, 1, 0], [], []>, transpose_lhs_hint = false} : vector<64x24xf32>, vector<96x24xf32>, vector<64x96xf32> -> vector<64x96xf32>
    %slice3A_898 = vector.extract_strided_slice %reshape3A_862 {offsets = [0, 96], sizes = [64, 24], strides = [1, 1]} : vector<64x192xf32> to vector<64x24xf32>
    %slice3A_899 = vector.extract_strided_slice %concatenate3A_881 {offsets = [0, 96], sizes = [96, 24], strides = [1, 1]} : vector<96x192xf32> to vector<96x24xf32>
    %dot_general3A_900 = arith.constant dense<0.000000e+00> : vector<64x96xf32>
    %dot_general3A_901 = tpu.matmul %slice3A_898, %slice3A_899, %dot_general3A_900 {dimension_numbers = #tpu.dot_dimension_numbers<[1], [1], [0], [0], [0, 0, 1, 0], [], []>, transpose_lhs_hint = false} : vector<64x24xf32>, vector<96x24xf32>, vector<64x96xf32> -> vector<64x96xf32>
    %slice3A_902 = vector.extract_strided_slice %reshape3A_862 {offsets = [0, 120], sizes = [64, 24], strides = [1, 1]} : vector<64x192xf32> to vector<64x24xf32>
    %slice3A_903 = vector.extract_strided_slice %concatenate3A_881 {offsets = [0, 120], sizes = [96, 24], strides = [1, 1]} : vector<96x192xf32> to vector<96x24xf32>
    %dot_general3A_904 = arith.constant dense<0.000000e+00> : vector<64x96xf32>
    %dot_general3A_905 = tpu.matmul %slice3A_902, %slice3A_903, %dot_general3A_904 {dimension_numbers = #tpu.dot_dimension_numbers<[1], [1], [0], [0], [0, 0, 1, 0], [], []>, transpose_lhs_hint = false} : vector<64x24xf32>, vector<96x24xf32>, vector<64x96xf32> -> vector<64x96xf32>
    %slice3A_906 = vector.extract_strided_slice %reshape3A_862 {offsets = [0, 144], sizes = [64, 24], strides = [1, 1]} : vector<64x192xf32> to vector<64x24xf32>
    %slice3A_907 = vector.extract_strided_slice %concatenate3A_881 {offsets = [0, 144], sizes = [96, 24], strides = [1, 1]} : vector<96x192xf32> to vector<96x24xf32>
    %dot_general3A_908 = arith.constant dense<0.000000e+00> : vector<64x96xf32>
    %dot_general3A_909 = tpu.matmul %slice3A_906, %slice3A_907, %dot_general3A_908 {dimension_numbers = #tpu.dot_dimension_numbers<[1], [1], [0], [0], [0, 0, 1, 0], [], []>, transpose_lhs_hint = false} : vector<64x24xf32>, vector<96x24xf32>, vector<64x96xf32> -> vector<64x96xf32>
    %slice3A_910 = vector.extract_strided_slice %reshape3A_862 {offsets = [0, 168], sizes = [64, 24], strides = [1, 1]} : vector<64x192xf32> to vector<64x24xf32>
    %slice3A_911 = vector.extract_strided_slice %concatenate3A_881 {offsets = [0, 168], sizes = [96, 24], strides = [1, 1]} : vector<96x192xf32> to vector<96x24xf32>
    %dot_general3A_912 = arith.constant dense<0.000000e+00> : vector<64x96xf32>
    %dot_general3A_913 = tpu.matmul %slice3A_910, %slice3A_911, %dot_general3A_912 {dimension_numbers = #tpu.dot_dimension_numbers<[1], [1], [0], [0], [0, 0, 1, 0], [], []>, transpose_lhs_hint = false} : vector<64x24xf32>, vector<96x24xf32>, vector<64x96xf32> -> vector<64x96xf32>
    %stack3A_914 = vector.shape_cast %dot_general3A_885 : vector<64x96xf32> to vector<1x64x96xf32>
    %stack3A_915 = vector.shape_cast %dot_general3A_889 : vector<64x96xf32> to vector<1x64x96xf32>
    %stack3A_916 = vector.shape_cast %dot_general3A_893 : vector<64x96xf32> to vector<1x64x96xf32>
    %stack3A_917 = vector.shape_cast %dot_general3A_897 : vector<64x96xf32> to vector<1x64x96xf32>
    %stack3A_918 = vector.shape_cast %dot_general3A_901 : vector<64x96xf32> to vector<1x64x96xf32>
    %stack3A_919 = vector.shape_cast %dot_general3A_905 : vector<64x96xf32> to vector<1x64x96xf32>
    %stack3A_920 = vector.shape_cast %dot_general3A_909 : vector<64x96xf32> to vector<1x64x96xf32>
    %stack3A_921 = vector.shape_cast %dot_general3A_913 : vector<64x96xf32> to vector<1x64x96xf32>
    %stack3A_922 = tpu.concatenate %stack3A_914, %stack3A_915, %stack3A_916, %stack3A_917, %stack3A_918, %stack3A_919, %stack3A_920, %stack3A_921 in 0 : vector<1x64x96xf32>, vector<1x64x96xf32>, vector<1x64x96xf32>, vector<1x64x96xf32>, vector<1x64x96xf32>, vector<1x64x96xf32>, vector<1x64x96xf32>, vector<1x64x96xf32> -> vector<8x64x96xf32>
    %exp3A_923 = math.exp %stack3A_922 : vector<8x64x96xf32>
    %reshape3A_924 = vector.shape_cast %exp3A_923 : vector<8x64x96xf32> to vector<512x96xf32>
    %broadcast_in_dim3A_925 = arith.constant 1.000000e+00 : f32
    %broadcast_in_dim3A_926 = vector.broadcast %broadcast_in_dim3A_925 : f32 to vector<96x96xf32>
    %dot_general3A_927 = arith.constant dense<0.000000e+00> : vector<512x96xf32>
    %dot_general3A_928 = tpu.matmul %reshape3A_924, %broadcast_in_dim3A_926, %dot_general3A_927 {dimension_numbers = #tpu.dot_dimension_numbers<[1], [0], [0], [1], [0, 0, 1, 1], [], []>, transpose_lhs_hint = false} : vector<512x96xf32>, vector<96x96xf32>, vector<512x96xf32> -> vector<512x96xf32>
    %div3A_929 = arith.divf %reshape3A_924, %dot_general3A_928 : vector<512x96xf32>
    %reshape3A_930 = vector.shape_cast %div3A_929 : vector<512x96xf32> to vector<8x64x96xf32>
    %swap3A_931 = arith.constant 0 : index
    %swap3A_932 = arith.constant 0 : index
    %swap3A_933 = arith.constant 11 : index
    %swap3A_934 = arith.constant 0 : index
    %swap3A_935 = arith.constant 0 : index
    %swap3A_936 = vector.load %arg6[%swap3A_931, %swap3A_932, %swap3A_933, %swap3A_934, %swap3A_935] : memref<8x1x28x64x96xf32, #tpu.memory_space<vmem>>, vector<8x1x1x64x96xf32>
    %swap3A_937 = vector.shape_cast %swap3A_936 : vector<8x1x1x64x96xf32> to vector<8x64x96xf32>
    %swap3A_938 = vector.shape_cast %reshape3A_930 : vector<8x64x96xf32> to vector<8x1x1x64x96xf32>
    tpu.vector_store %arg6[%swap3A_931, %swap3A_932, %swap3A_933, %swap3A_934, %swap3A_935], %swap3A_938 {strides = array<i32>} : memref<8x1x28x64x96xf32, #tpu.memory_space<vmem>>, vector<8x1x1x64x96xf32>,
    %slice3A_939 = vector.extract_strided_slice %get3A_5 {offsets = [0, 96, 0], sizes = [8, 8, 192], strides = [1, 1, 1]} : vector<8x224x192xf32> to vector<8x8x192xf32>
    %reshape3A_940 = vector.shape_cast %slice3A_939 : vector<8x8x192xf32> to vector<64x192xf32>
    %slice3A_941 = vector.extract_strided_slice %get3A_12 {offsets = [0, 96, 0], sizes = [8, 8, 192], strides = [1, 1, 1]} : vector<8x224x256xf32> to vector<8x8x192xf32>
    %reshape3A_942 = vector.shape_cast %slice3A_941 : vector<8x8x192xf32> to vector<64x192xf32>
    %get3A_943 = arith.constant 0 : index
    %get3A_944 = arith.constant 0 : index
    %get3A_945 = arith.constant 12 : index
    %get3A_946 = arith.constant 0 : index
    %get3A_947 = arith.constant 0 : index
    %get3A_948 = vector.load %arg4[%get3A_943, %get3A_944, %get3A_945, %get3A_946, %get3A_947] : memref<1x1x28x32x256xf32, #tpu.memory_space<vmem>>, vector<1x1x1x32x192xf32>
    %get3A_949 = vector.shape_cast %get3A_948 : vector<1x1x1x32x192xf32> to vector<32x192xf32>
    %get3A_950 = arith.constant 0 : index
    %get3A_951 = arith.constant 0 : index
    %get3A_952 = arith.constant 12 : index
    %get3A_953 = arith.constant 0 : index
    %get3A_954 = arith.constant 0 : index
    %get3A_955 = vector.load %arg5[%get3A_950, %get3A_951, %get3A_952, %get3A_953, %get3A_954] : memref<1x1x28x32x1xf32, #tpu.memory_space<vmem>>, vector<1x1x1x32x1xf32>
    %get3A_956 = vector.shape_cast %get3A_955 : vector<1x1x1x32x1xf32> to vector<32x1xf32>
    %mul3A_957 = vector.broadcast %get3A_956 : vector<32x1xf32> to vector<32x192xf32>
    %mul3A_958 = arith.mulf %get3A_949, %mul3A_957 : vector<32x192xf32>
    %concatenate3A_959 = tpu.concatenate %reshape3A_942, %mul3A_958 in 0 : vector<64x192xf32>, vector<32x192xf32> -> vector<96x192xf32>
    %slice3A_960 = vector.extract_strided_slice %reshape3A_940 {offsets = [0, 0], sizes = [64, 24], strides = [1, 1]} : vector<64x192xf32> to vector<64x24xf32>
    %slice3A_961 = vector.extract_strided_slice %concatenate3A_959 {offsets = [0, 0], sizes = [96, 24], strides = [1, 1]} : vector<96x192xf32> to vector<96x24xf32>
    %dot_general3A_962 = arith.constant dense<0.000000e+00> : vector<64x96xf32>
    %dot_general3A_963 = tpu.matmul %slice3A_960, %slice3A_961, %dot_general3A_962 {dimension_numbers = #tpu.dot_dimension_numbers<[1], [1], [0], [0], [0, 0, 1, 0], [], []>, transpose_lhs_hint = false} : vector<64x24xf32>, vector<96x24xf32>, vector<64x96xf32> -> vector<64x96xf32>
    %slice3A_964 = vector.extract_strided_slice %reshape3A_940 {offsets = [0, 24], sizes = [64, 24], strides = [1, 1]} : vector<64x192xf32> to vector<64x24xf32>
    %slice3A_965 = vector.extract_strided_slice %concatenate3A_959 {offsets = [0, 24], sizes = [96, 24], strides = [1, 1]} : vector<96x192xf32> to vector<96x24xf32>
    %dot_general3A_966 = arith.constant dense<0.000000e+00> : vector<64x96xf32>
    %dot_general3A_967 = tpu.matmul %slice3A_964, %slice3A_965, %dot_general3A_966 {dimension_numbers = #tpu.dot_dimension_numbers<[1], [1], [0], [0], [0, 0, 1, 0], [], []>, transpose_lhs_hint = false} : vector<64x24xf32>, vector<96x24xf32>, vector<64x96xf32> -> vector<64x96xf32>
    %slice3A_968 = vector.extract_strided_slice %reshape3A_940 {offsets = [0, 48], sizes = [64, 24], strides = [1, 1]} : vector<64x192xf32> to vector<64x24xf32>
    %slice3A_969 = vector.extract_strided_slice %concatenate3A_959 {offsets = [0, 48], sizes = [96, 24], strides = [1, 1]} : vector<96x192xf32> to vector<96x24xf32>
    %dot_general3A_970 = arith.constant dense<0.000000e+00> : vector<64x96xf32>
    %dot_general3A_971 = tpu.matmul %slice3A_968, %slice3A_969, %dot_general3A_970 {dimension_numbers = #tpu.dot_dimension_numbers<[1], [1], [0], [0], [0, 0, 1, 0], [], []>, transpose_lhs_hint = false} : vector<64x24xf32>, vector<96x24xf32>, vector<64x96xf32> -> vector<64x96xf32>
    %slice3A_972 = vector.extract_strided_slice %reshape3A_940 {offsets = [0, 72], sizes = [64, 24], strides = [1, 1]} : vector<64x192xf32> to vector<64x24xf32>
    %slice3A_973 = vector.extract_strided_slice %concatenate3A_959 {offsets = [0, 72], sizes = [96, 24], strides = [1, 1]} : vector<96x192xf32> to vector<96x24xf32>
    %dot_general3A_974 = arith.constant dense<0.000000e+00> : vector<64x96xf32>
    %dot_general3A_975 = tpu.matmul %slice3A_972, %slice3A_973, %dot_general3A_974 {dimension_numbers = #tpu.dot_dimension_numbers<[1], [1], [0], [0], [0, 0, 1, 0], [], []>, transpose_lhs_hint = false} : vector<64x24xf32>, vector<96x24xf32>, vector<64x96xf32> -> vector<64x96xf32>
    %slice3A_976 = vector.extract_strided_slice %reshape3A_940 {offsets = [0, 96], sizes = [64, 24], strides = [1, 1]} : vector<64x192xf32> to vector<64x24xf32>
    %slice3A_977 = vector.extract_strided_slice %concatenate3A_959 {offsets = [0, 96], sizes = [96, 24], strides = [1, 1]} : vector<96x192xf32> to vector<96x24xf32>
    %dot_general3A_978 = arith.constant dense<0.000000e+00> : vector<64x96xf32>
    %dot_general3A_979 = tpu.matmul %slice3A_976, %slice3A_977, %dot_general3A_978 {dimension_numbers = #tpu.dot_dimension_numbers<[1], [1], [0], [0], [0, 0, 1, 0], [], []>, transpose_lhs_hint = false} : vector<64x24xf32>, vector<96x24xf32>, vector<64x96xf32> -> vector<64x96xf32>
    %slice3A_980 = vector.extract_strided_slice %reshape3A_940 {offsets = [0, 120], sizes = [64, 24], strides = [1, 1]} : vector<64x192xf32> to vector<64x24xf32>
    %slice3A_981 = vector.extract_strided_slice %concatenate3A_959 {offsets = [0, 120], sizes = [96, 24], strides = [1, 1]} : vector<96x192xf32> to vector<96x24xf32>
    %dot_general3A_982 = arith.constant dense<0.000000e+00> : vector<64x96xf32>
    %dot_general3A_983 = tpu.matmul %slice3A_980, %slice3A_981, %dot_general3A_982 {dimension_numbers = #tpu.dot_dimension_numbers<[1], [1], [0], [0], [0, 0, 1, 0], [], []>, transpose_lhs_hint = false} : vector<64x24xf32>, vector<96x24xf32>, vector<64x96xf32> -> vector<64x96xf32>
    %slice3A_984 = vector.extract_strided_slice %reshape3A_940 {offsets = [0, 144], sizes = [64, 24], strides = [1, 1]} : vector<64x192xf32> to vector<64x24xf32>
    %slice3A_985 = vector.extract_strided_slice %concatenate3A_959 {offsets = [0, 144], sizes = [96, 24], strides = [1, 1]} : vector<96x192xf32> to vector<96x24xf32>
    %dot_general3A_986 = arith.constant dense<0.000000e+00> : vector<64x96xf32>
    %dot_general3A_987 = tpu.matmul %slice3A_984, %slice3A_985, %dot_general3A_986 {dimension_numbers = #tpu.dot_dimension_numbers<[1], [1], [0], [0], [0, 0, 1, 0], [], []>, transpose_lhs_hint = false} : vector<64x24xf32>, vector<96x24xf32>, vector<64x96xf32> -> vector<64x96xf32>
    %slice3A_988 = vector.extract_strided_slice %reshape3A_940 {offsets = [0, 168], sizes = [64, 24], strides = [1, 1]} : vector<64x192xf32> to vector<64x24xf32>
    %slice3A_989 = vector.extract_strided_slice %concatenate3A_959 {offsets = [0, 168], sizes = [96, 24], strides = [1, 1]} : vector<96x192xf32> to vector<96x24xf32>
    %dot_general3A_990 = arith.constant dense<0.000000e+00> : vector<64x96xf32>
    %dot_general3A_991 = tpu.matmul %slice3A_988, %slice3A_989, %dot_general3A_990 {dimension_numbers = #tpu.dot_dimension_numbers<[1], [1], [0], [0], [0, 0, 1, 0], [], []>, transpose_lhs_hint = false} : vector<64x24xf32>, vector<96x24xf32>, vector<64x96xf32> -> vector<64x96xf32>
    %stack3A_992 = vector.shape_cast %dot_general3A_963 : vector<64x96xf32> to vector<1x64x96xf32>
    %stack3A_993 = vector.shape_cast %dot_general3A_967 : vector<64x96xf32> to vector<1x64x96xf32>
    %stack3A_994 = vector.shape_cast %dot_general3A_971 : vector<64x96xf32> to vector<1x64x96xf32>
    %stack3A_995 = vector.shape_cast %dot_general3A_975 : vector<64x96xf32> to vector<1x64x96xf32>
    %stack3A_996 = vector.shape_cast %dot_general3A_979 : vector<64x96xf32> to vector<1x64x96xf32>
    %stack3A_997 = vector.shape_cast %dot_general3A_983 : vector<64x96xf32> to vector<1x64x96xf32>
    %stack3A_998 = vector.shape_cast %dot_general3A_987 : vector<64x96xf32> to vector<1x64x96xf32>
    %stack3A_999 = vector.shape_cast %dot_general3A_991 : vector<64x96xf32> to vector<1x64x96xf32>
    %stack3A_1000 = tpu.concatenate %stack3A_992, %stack3A_993, %stack3A_994, %stack3A_995, %stack3A_996, %stack3A_997, %stack3A_998, %stack3A_999 in 0 : vector<1x64x96xf32>, vector<1x64x96xf32>, vector<1x64x96xf32>, vector<1x64x96xf32>, vector<1x64x96xf32>, vector<1x64x96xf32>, vector<1x64x96xf32>, vector<1x64x96xf32> -> vector<8x64x96xf32>
    %exp3A_1001 = math.exp %stack3A_1000 : vector<8x64x96xf32>
    %reshape3A_1002 = vector.shape_cast %exp3A_1001 : vector<8x64x96xf32> to vector<512x96xf32>
    %broadcast_in_dim3A_1003 = arith.constant 1.000000e+00 : f32
    %broadcast_in_dim3A_1004 = vector.broadcast %broadcast_in_dim3A_1003 : f32 to vector<96x96xf32>
    %dot_general3A_1005 = arith.constant dense<0.000000e+00> : vector<512x96xf32>
    %dot_general3A_1006 = tpu.matmul %reshape3A_1002, %broadcast_in_dim3A_1004, %dot_general3A_1005 {dimension_numbers = #tpu.dot_dimension_numbers<[1], [0], [0], [1], [0, 0, 1, 1], [], []>, transpose_lhs_hint = false} : vector<512x96xf32>, vector<96x96xf32>, vector<512x96xf32> -> vector<512x96xf32>
    %div3A_1007 = arith.divf %reshape3A_1002, %dot_general3A_1006 : vector<512x96xf32>
    %reshape3A_1008 = vector.shape_cast %div3A_1007 : vector<512x96xf32> to vector<8x64x96xf32>
    %swap3A_1009 = arith.constant 0 : index
    %swap3A_1010 = arith.constant 0 : index
    %swap3A_1011 = arith.constant 12 : index
    %swap3A_1012 = arith.constant 0 : index
    %swap3A_1013 = arith.constant 0 : index
    %swap3A_1014 = vector.load %arg6[%swap3A_1009, %swap3A_1010, %swap3A_1011, %swap3A_1012, %swap3A_1013] : memref<8x1x28x64x96xf32, #tpu.memory_space<vmem>>, vector<8x1x1x64x96xf32>
    %swap3A_1015 = vector.shape_cast %swap3A_1014 : vector<8x1x1x64x96xf32> to vector<8x64x96xf32>
    %swap3A_1016 = vector.shape_cast %reshape3A_1008 : vector<8x64x96xf32> to vector<8x1x1x64x96xf32>
    tpu.vector_store %arg6[%swap3A_1009, %swap3A_1010, %swap3A_1011, %swap3A_1012, %swap3A_1013], %swap3A_1016 {strides = array<i32>} : memref<8x1x28x64x96xf32, #tpu.memory_space<vmem>>, vector<8x1x1x64x96xf32>,
    %slice3A_1017 = vector.extract_strided_slice %get3A_5 {offsets = [0, 104, 0], sizes = [8, 8, 192], strides = [1, 1, 1]} : vector<8x224x192xf32> to vector<8x8x192xf32>
    %reshape3A_1018 = vector.shape_cast %slice3A_1017 : vector<8x8x192xf32> to vector<64x192xf32>
    %slice3A_1019 = vector.extract_strided_slice %get3A_12 {offsets = [0, 104, 0], sizes = [8, 8, 192], strides = [1, 1, 1]} : vector<8x224x256xf32> to vector<8x8x192xf32>
    %reshape3A_1020 = vector.shape_cast %slice3A_1019 : vector<8x8x192xf32> to vector<64x192xf32>
    %get3A_1021 = arith.constant 0 : index
    %get3A_1022 = arith.constant 0 : index
    %get3A_1023 = arith.constant 13 : index
    %get3A_1024 = arith.constant 0 : index
    %get3A_1025 = arith.constant 0 : index
    %get3A_1026 = vector.load %arg4[%get3A_1021, %get3A_1022, %get3A_1023, %get3A_1024, %get3A_1025] : memref<1x1x28x32x256xf32, #tpu.memory_space<vmem>>, vector<1x1x1x32x192xf32>
    %get3A_1027 = vector.shape_cast %get3A_1026 : vector<1x1x1x32x192xf32> to vector<32x192xf32>
    %get3A_1028 = arith.constant 0 : index
    %get3A_1029 = arith.constant 0 : index
    %get3A_1030 = arith.constant 13 : index
    %get3A_1031 = arith.constant 0 : index
    %get3A_1032 = arith.constant 0 : index
    %get3A_1033 = vector.load %arg5[%get3A_1028, %get3A_1029, %get3A_1030, %get3A_1031, %get3A_1032] : memref<1x1x28x32x1xf32, #tpu.memory_space<vmem>>, vector<1x1x1x32x1xf32>
    %get3A_1034 = vector.shape_cast %get3A_1033 : vector<1x1x1x32x1xf32> to vector<32x1xf32>
    %mul3A_1035 = vector.broadcast %get3A_1034 : vector<32x1xf32> to vector<32x192xf32>
    %mul3A_1036 = arith.mulf %get3A_1027, %mul3A_1035 : vector<32x192xf32>
    %concatenate3A_1037 = tpu.concatenate %reshape3A_1020, %mul3A_1036 in 0 : vector<64x192xf32>, vector<32x192xf32> -> vector<96x192xf32>
    %slice3A_1038 = vector.extract_strided_slice %reshape3A_1018 {offsets = [0, 0], sizes = [64, 24], strides = [1, 1]} : vector<64x192xf32> to vector<64x24xf32>
    %slice3A_1039 = vector.extract_strided_slice %concatenate3A_1037 {offsets = [0, 0], sizes = [96, 24], strides = [1, 1]} : vector<96x192xf32> to vector<96x24xf32>
    %dot_general3A_1040 = arith.constant dense<0.000000e+00> : vector<64x96xf32>
    %dot_general3A_1041 = tpu.matmul %slice3A_1038, %slice3A_1039, %dot_general3A_1040 {dimension_numbers = #tpu.dot_dimension_numbers<[1], [1], [0], [0], [0, 0, 1, 0], [], []>, transpose_lhs_hint = false} : vector<64x24xf32>, vector<96x24xf32>, vector<64x96xf32> -> vector<64x96xf32>
    %slice3A_1042 = vector.extract_strided_slice %reshape3A_1018 {offsets = [0, 24], sizes = [64, 24], strides = [1, 1]} : vector<64x192xf32> to vector<64x24xf32>
    %slice3A_1043 = vector.extract_strided_slice %concatenate3A_1037 {offsets = [0, 24], sizes = [96, 24], strides = [1, 1]} : vector<96x192xf32> to vector<96x24xf32>
    %dot_general3A_1044 = arith.constant dense<0.000000e+00> : vector<64x96xf32>
    %dot_general3A_1045 = tpu.matmul %slice3A_1042, %slice3A_1043, %dot_general3A_1044 {dimension_numbers = #tpu.dot_dimension_numbers<[1], [1], [0], [0], [0, 0, 1, 0], [], []>, transpose_lhs_hint = false} : vector<64x24xf32>, vector<96x24xf32>, vector<64x96xf32> -> vector<64x96xf32>
    %slice3A_1046 = vector.extract_strided_slice %reshape3A_1018 {offsets = [0, 48], sizes = [64, 24], strides = [1, 1]} : vector<64x192xf32> to vector<64x24xf32>
    %slice3A_1047 = vector.extract_strided_slice %concatenate3A_1037 {offsets = [0, 48], sizes = [96, 24], strides = [1, 1]} : vector<96x192xf32> to vector<96x24xf32>
    %dot_general3A_1048 = arith.constant dense<0.000000e+00> : vector<64x96xf32>
    %dot_general3A_1049 = tpu.matmul %slice3A_1046, %slice3A_1047, %dot_general3A_1048 {dimension_numbers = #tpu.dot_dimension_numbers<[1], [1], [0], [0], [0, 0, 1, 0], [], []>, transpose_lhs_hint = false} : vector<64x24xf32>, vector<96x24xf32>, vector<64x96xf32> -> vector<64x96xf32>
    %slice3A_1050 = vector.extract_strided_slice %reshape3A_1018 {offsets = [0, 72], sizes = [64, 24], strides = [1, 1]} : vector<64x192xf32> to vector<64x24xf32>
    %slice3A_1051 = vector.extract_strided_slice %concatenate3A_1037 {offsets = [0, 72], sizes = [96, 24], strides = [1, 1]} : vector<96x192xf32> to vector<96x24xf32>
    %dot_general3A_1052 = arith.constant dense<0.000000e+00> : vector<64x96xf32>
    %dot_general3A_1053 = tpu.matmul %slice3A_1050, %slice3A_1051, %dot_general3A_1052 {dimension_numbers = #tpu.dot_dimension_numbers<[1], [1], [0], [0], [0, 0, 1, 0], [], []>, transpose_lhs_hint = false} : vector<64x24xf32>, vector<96x24xf32>, vector<64x96xf32> -> vector<64x96xf32>
    %slice3A_1054 = vector.extract_strided_slice %reshape3A_1018 {offsets = [0, 96], sizes = [64, 24], strides = [1, 1]} : vector<64x192xf32> to vector<64x24xf32>
    %slice3A_1055 = vector.extract_strided_slice %concatenate3A_1037 {offsets = [0, 96], sizes = [96, 24], strides = [1, 1]} : vector<96x192xf32> to vector<96x24xf32>
    %dot_general3A_1056 = arith.constant dense<0.000000e+00> : vector<64x96xf32>
    %dot_general3A_1057 = tpu.matmul %slice3A_1054, %slice3A_1055, %dot_general3A_1056 {dimension_numbers = #tpu.dot_dimension_numbers<[1], [1], [0], [0], [0, 0, 1, 0], [], []>, transpose_lhs_hint = false} : vector<64x24xf32>, vector<96x24xf32>, vector<64x96xf32> -> vector<64x96xf32>
    %slice3A_1058 = vector.extract_strided_slice %reshape3A_1018 {offsets = [0, 120], sizes = [64, 24], strides = [1, 1]} : vector<64x192xf32> to vector<64x24xf32>
    %slice3A_1059 = vector.extract_strided_slice %concatenate3A_1037 {offsets = [0, 120], sizes = [96, 24], strides = [1, 1]} : vector<96x192xf32> to vector<96x24xf32>
    %dot_general3A_1060 = arith.constant dense<0.000000e+00> : vector<64x96xf32>
    %dot_general3A_1061 = tpu.matmul %slice3A_1058, %slice3A_1059, %dot_general3A_1060 {dimension_numbers = #tpu.dot_dimension_numbers<[1], [1], [0], [0], [0, 0, 1, 0], [], []>, transpose_lhs_hint = false} : vector<64x24xf32>, vector<96x24xf32>, vector<64x96xf32> -> vector<64x96xf32>
    %slice3A_1062 = vector.extract_strided_slice %reshape3A_1018 {offsets = [0, 144], sizes = [64, 24], strides = [1, 1]} : vector<64x192xf32> to vector<64x24xf32>
    %slice3A_1063 = vector.extract_strided_slice %concatenate3A_1037 {offsets = [0, 144], sizes = [96, 24], strides = [1, 1]} : vector<96x192xf32> to vector<96x24xf32>
    %dot_general3A_1064 = arith.constant dense<0.000000e+00> : vector<64x96xf32>
    %dot_general3A_1065 = tpu.matmul %slice3A_1062, %slice3A_1063, %dot_general3A_1064 {dimension_numbers = #tpu.dot_dimension_numbers<[1], [1], [0], [0], [0, 0, 1, 0], [], []>, transpose_lhs_hint = false} : vector<64x24xf32>, vector<96x24xf32>, vector<64x96xf32> -> vector<64x96xf32>
    %slice3A_1066 = vector.extract_strided_slice %reshape3A_1018 {offsets = [0, 168], sizes = [64, 24], strides = [1, 1]} : vector<64x192xf32> to vector<64x24xf32>
    %slice3A_1067 = vector.extract_strided_slice %concatenate3A_1037 {offsets = [0, 168], sizes = [96, 24], strides = [1, 1]} : vector<96x192xf32> to vector<96x24xf32>
    %dot_general3A_1068 = arith.constant dense<0.000000e+00> : vector<64x96xf32>
    %dot_general3A_1069 = tpu.matmul %slice3A_1066, %slice3A_1067, %dot_general3A_1068 {dimension_numbers = #tpu.dot_dimension_numbers<[1], [1], [0], [0], [0, 0, 1, 0], [], []>, transpose_lhs_hint = false} : vector<64x24xf32>, vector<96x24xf32>, vector<64x96xf32> -> vector<64x96xf32>
    %stack3A_1070 = vector.shape_cast %dot_general3A_1041 : vector<64x96xf32> to vector<1x64x96xf32>
    %stack3A_1071 = vector.shape_cast %dot_general3A_1045 : vector<64x96xf32> to vector<1x64x96xf32>
    %stack3A_1072 = vector.shape_cast %dot_general3A_1049 : vector<64x96xf32> to vector<1x64x96xf32>
    %stack3A_1073 = vector.shape_cast %dot_general3A_1053 : vector<64x96xf32> to vector<1x64x96xf32>
    %stack3A_1074 = vector.shape_cast %dot_general3A_1057 : vector<64x96xf32> to vector<1x64x96xf32>
    %stack3A_1075 = vector.shape_cast %dot_general3A_1061 : vector<64x96xf32> to vector<1x64x96xf32>
    %stack3A_1076 = vector.shape_cast %dot_general3A_1065 : vector<64x96xf32> to vector<1x64x96xf32>
    %stack3A_1077 = vector.shape_cast %dot_general3A_1069 : vector<64x96xf32> to vector<1x64x96xf32>
    %stack3A_1078 = tpu.concatenate %stack3A_1070, %stack3A_1071, %stack3A_1072, %stack3A_1073, %stack3A_1074, %stack3A_1075, %stack3A_1076, %stack3A_1077 in 0 : vector<1x64x96xf32>, vector<1x64x96xf32>, vector<1x64x96xf32>, vector<1x64x96xf32>, vector<1x64x96xf32>, vector<1x64x96xf32>, vector<1x64x96xf32>, vector<1x64x96xf32> -> vector<8x64x96xf32>
    %exp3A_1079 = math.exp %stack3A_1078 : vector<8x64x96xf32>
    %reshape3A_1080 = vector.shape_cast %exp3A_1079 : vector<8x64x96xf32> to vector<512x96xf32>
    %broadcast_in_dim3A_1081 = arith.constant 1.000000e+00 : f32
    %broadcast_in_dim3A_1082 = vector.broadcast %broadcast_in_dim3A_1081 : f32 to vector<96x96xf32>
    %dot_general3A_1083 = arith.constant dense<0.000000e+00> : vector<512x96xf32>
    %dot_general3A_1084 = tpu.matmul %reshape3A_1080, %broadcast_in_dim3A_1082, %dot_general3A_1083 {dimension_numbers = #tpu.dot_dimension_numbers<[1], [0], [0], [1], [0, 0, 1, 1], [], []>, transpose_lhs_hint = false} : vector<512x96xf32>, vector<96x96xf32>, vector<512x96xf32> -> vector<512x96xf32>
    %div3A_1085 = arith.divf %reshape3A_1080, %dot_general3A_1084 : vector<512x96xf32>
    %reshape3A_1086 = vector.shape_cast %div3A_1085 : vector<512x96xf32> to vector<8x64x96xf32>
    %swap3A_1087 = arith.constant 0 : index
    %swap3A_1088 = arith.constant 0 : index
    %swap3A_1089 = arith.constant 13 : index
    %swap3A_1090 = arith.constant 0 : index
    %swap3A_1091 = arith.constant 0 : index
    %swap3A_1092 = vector.load %arg6[%swap3A_1087, %swap3A_1088, %swap3A_1089, %swap3A_1090, %swap3A_1091] : memref<8x1x28x64x96xf32, #tpu.memory_space<vmem>>, vector<8x1x1x64x96xf32>
    %swap3A_1093 = vector.shape_cast %swap3A_1092 : vector<8x1x1x64x96xf32> to vector<8x64x96xf32>
    %swap3A_1094 = vector.shape_cast %reshape3A_1086 : vector<8x64x96xf32> to vector<8x1x1x64x96xf32>
    tpu.vector_store %arg6[%swap3A_1087, %swap3A_1088, %swap3A_1089, %swap3A_1090, %swap3A_1091], %swap3A_1094 {strides = array<i32>} : memref<8x1x28x64x96xf32, #tpu.memory_space<vmem>>, vector<8x1x1x64x96xf32>,
    %slice3A_1095 = vector.extract_strided_slice %get3A_5 {offsets = [0, 112, 0], sizes = [8, 8, 192], strides = [1, 1, 1]} : vector<8x224x192xf32> to vector<8x8x192xf32>
    %reshape3A_1096 = vector.shape_cast %slice3A_1095 : vector<8x8x192xf32> to vector<64x192xf32>
    %slice3A_1097 = vector.extract_strided_slice %get3A_12 {offsets = [0, 112, 0], sizes = [8, 8, 192], strides = [1, 1, 1]} : vector<8x224x256xf32> to vector<8x8x192xf32>
    %reshape3A_1098 = vector.shape_cast %slice3A_1097 : vector<8x8x192xf32> to vector<64x192xf32>
    %get3A_1099 = arith.constant 0 : index
    %get3A_1100 = arith.constant 0 : index
    %get3A_1101 = arith.constant 14 : index
    %get3A_1102 = arith.constant 0 : index
    %get3A_1103 = arith.constant 0 : index
    %get3A_1104 = vector.load %arg4[%get3A_1099, %get3A_1100, %get3A_1101, %get3A_1102, %get3A_1103] : memref<1x1x28x32x256xf32, #tpu.memory_space<vmem>>, vector<1x1x1x32x192xf32>
    %get3A_1105 = vector.shape_cast %get3A_1104 : vector<1x1x1x32x192xf32> to vector<32x192xf32>
    %get3A_1106 = arith.constant 0 : index
    %get3A_1107 = arith.constant 0 : index
    %get3A_1108 = arith.constant 14 : index
    %get3A_1109 = arith.constant 0 : index
    %get3A_1110 = arith.constant 0 : index
    %get3A_1111 = vector.load %arg5[%get3A_1106, %get3A_1107, %get3A_1108, %get3A_1109, %get3A_1110] : memref<1x1x28x32x1xf32, #tpu.memory_space<vmem>>, vector<1x1x1x32x1xf32>
    %get3A_1112 = vector.shape_cast %get3A_1111 : vector<1x1x1x32x1xf32> to vector<32x1xf32>
    %mul3A_1113 = vector.broadcast %get3A_1112 : vector<32x1xf32> to vector<32x192xf32>
    %mul3A_1114 = arith.mulf %get3A_1105, %mul3A_1113 : vector<32x192xf32>
    %concatenate3A_1115 = tpu.concatenate %reshape3A_1098, %mul3A_1114 in 0 : vector<64x192xf32>, vector<32x192xf32> -> vector<96x192xf32>
    %slice3A_1116 = vector.extract_strided_slice %reshape3A_1096 {offsets = [0, 0], sizes = [64, 24], strides = [1, 1]} : vector<64x192xf32> to vector<64x24xf32>
    %slice3A_1117 = vector.extract_strided_slice %concatenate3A_1115 {offsets = [0, 0], sizes = [96, 24], strides = [1, 1]} : vector<96x192xf32> to vector<96x24xf32>
    %dot_general3A_1118 = arith.constant dense<0.000000e+00> : vector<64x96xf32>
    %dot_general3A_1119 = tpu.matmul %slice3A_1116, %slice3A_1117, %dot_general3A_1118 {dimension_numbers = #tpu.dot_dimension_numbers<[1], [1], [0], [0], [0, 0, 1, 0], [], []>, transpose_lhs_hint = false} : vector<64x24xf32>, vector<96x24xf32>, vector<64x96xf32> -> vector<64x96xf32>
    %slice3A_1120 = vector.extract_strided_slice %reshape3A_1096 {offsets = [0, 24], sizes = [64, 24], strides = [1, 1]} : vector<64x192xf32> to vector<64x24xf32>
    %slice3A_1121 = vector.extract_strided_slice %concatenate3A_1115 {offsets = [0, 24], sizes = [96, 24], strides = [1, 1]} : vector<96x192xf32> to vector<96x24xf32>
    %dot_general3A_1122 = arith.constant dense<0.000000e+00> : vector<64x96xf32>
    %dot_general3A_1123 = tpu.matmul %slice3A_1120, %slice3A_1121, %dot_general3A_1122 {dimension_numbers = #tpu.dot_dimension_numbers<[1], [1], [0], [0], [0, 0, 1, 0], [], []>, transpose_lhs_hint = false} : vector<64x24xf32>, vector<96x24xf32>, vector<64x96xf32> -> vector<64x96xf32>
    %slice3A_1124 = vector.extract_strided_slice %reshape3A_1096 {offsets = [0, 48], sizes = [64, 24], strides = [1, 1]} : vector<64x192xf32> to vector<64x24xf32>
    %slice3A_1125 = vector.extract_strided_slice %concatenate3A_1115 {offsets = [0, 48], sizes = [96, 24], strides = [1, 1]} : vector<96x192xf32> to vector<96x24xf32>
    %dot_general3A_1126 = arith.constant dense<0.000000e+00> : vector<64x96xf32>
    %dot_general3A_1127 = tpu.matmul %slice3A_1124, %slice3A_1125, %dot_general3A_1126 {dimension_numbers = #tpu.dot_dimension_numbers<[1], [1], [0], [0], [0, 0, 1, 0], [], []>, transpose_lhs_hint = false} : vector<64x24xf32>, vector<96x24xf32>, vector<64x96xf32> -> vector<64x96xf32>
    %slice3A_1128 = vector.extract_strided_slice %reshape3A_1096 {offsets = [0, 72], sizes = [64, 24], strides = [1, 1]} : vector<64x192xf32> to vector<64x24xf32>
    %slice3A_1129 = vector.extract_strided_slice %concatenate3A_1115 {offsets = [0, 72], sizes = [96, 24], strides = [1, 1]} : vector<96x192xf32> to vector<96x24xf32>
    %dot_general3A_1130 = arith.constant dense<0.000000e+00> : vector<64x96xf32>
    %dot_general3A_1131 = tpu.matmul %slice3A_1128, %slice3A_1129, %dot_general3A_1130 {dimension_numbers = #tpu.dot_dimension_numbers<[1], [1], [0], [0], [0, 0, 1, 0], [], []>, transpose_lhs_hint = false} : vector<64x24xf32>, vector<96x24xf32>, vector<64x96xf32> -> vector<64x96xf32>
    %slice3A_1132 = vector.extract_strided_slice %reshape3A_1096 {offsets = [0, 96], sizes = [64, 24], strides = [1, 1]} : vector<64x192xf32> to vector<64x24xf32>
    %slice3A_1133 = vector.extract_strided_slice %concatenate3A_1115 {offsets = [0, 96], sizes = [96, 24], strides = [1, 1]} : vector<96x192xf32> to vector<96x24xf32>
    %dot_general3A_1134 = arith.constant dense<0.000000e+00> : vector<64x96xf32>
    %dot_general3A_1135 = tpu.matmul %slice3A_1132, %slice3A_1133, %dot_general3A_1134 {dimension_numbers = #tpu.dot_dimension_numbers<[1], [1], [0], [0], [0, 0, 1, 0], [], []>, transpose_lhs_hint = false} : vector<64x24xf32>, vector<96x24xf32>, vector<64x96xf32> -> vector<64x96xf32>
    %slice3A_1136 = vector.extract_strided_slice %reshape3A_1096 {offsets = [0, 120], sizes = [64, 24], strides = [1, 1]} : vector<64x192xf32> to vector<64x24xf32>
    %slice3A_1137 = vector.extract_strided_slice %concatenate3A_1115 {offsets = [0, 120], sizes = [96, 24], strides = [1, 1]} : vector<96x192xf32> to vector<96x24xf32>
    %dot_general3A_1138 = arith.constant dense<0.000000e+00> : vector<64x96xf32>
    %dot_general3A_1139 = tpu.matmul %slice3A_1136, %slice3A_1137, %dot_general3A_1138 {dimension_numbers = #tpu.dot_dimension_numbers<[1], [1], [0], [0], [0, 0, 1, 0], [], []>, transpose_lhs_hint = false} : vector<64x24xf32>, vector<96x24xf32>, vector<64x96xf32> -> vector<64x96xf32>
    %slice3A_1140 = vector.extract_strided_slice %reshape3A_1096 {offsets = [0, 144], sizes = [64, 24], strides = [1, 1]} : vector<64x192xf32> to vector<64x24xf32>
    %slice3A_1141 = vector.extract_strided_slice %concatenate3A_1115 {offsets = [0, 144], sizes = [96, 24], strides = [1, 1]} : vector<96x192xf32> to vector<96x24xf32>
    %dot_general3A_1142 = arith.constant dense<0.000000e+00> : vector<64x96xf32>
    %dot_general3A_1143 = tpu.matmul %slice3A_1140, %slice3A_1141, %dot_general3A_1142 {dimension_numbers = #tpu.dot_dimension_numbers<[1], [1], [0], [0], [0, 0, 1, 0], [], []>, transpose_lhs_hint = false} : vector<64x24xf32>, vector<96x24xf32>, vector<64x96xf32> -> vector<64x96xf32>
    %slice3A_1144 = vector.extract_strided_slice %reshape3A_1096 {offsets = [0, 168], sizes = [64, 24], strides = [1, 1]} : vector<64x192xf32> to vector<64x24xf32>
    %slice3A_1145 = vector.extract_strided_slice %concatenate3A_1115 {offsets = [0, 168], sizes = [96, 24], strides = [1, 1]} : vector<96x192xf32> to vector<96x24xf32>
    %dot_general3A_1146 = arith.constant dense<0.000000e+00> : vector<64x96xf32>
    %dot_general3A_1147 = tpu.matmul %slice3A_1144, %slice3A_1145, %dot_general3A_1146 {dimension_numbers = #tpu.dot_dimension_numbers<[1], [1], [0], [0], [0, 0, 1, 0], [], []>, transpose_lhs_hint = false} : vector<64x24xf32>, vector<96x24xf32>, vector<64x96xf32> -> vector<64x96xf32>
    %stack3A_1148 = vector.shape_cast %dot_general3A_1119 : vector<64x96xf32> to vector<1x64x96xf32>
    %stack3A_1149 = vector.shape_cast %dot_general3A_1123 : vector<64x96xf32> to vector<1x64x96xf32>
    %stack3A_1150 = vector.shape_cast %dot_general3A_1127 : vector<64x96xf32> to vector<1x64x96xf32>
    %stack3A_1151 = vector.shape_cast %dot_general3A_1131 : vector<64x96xf32> to vector<1x64x96xf32>
    %stack3A_1152 = vector.shape_cast %dot_general3A_1135 : vector<64x96xf32> to vector<1x64x96xf32>
    %stack3A_1153 = vector.shape_cast %dot_general3A_1139 : vector<64x96xf32> to vector<1x64x96xf32>
    %stack3A_1154 = vector.shape_cast %dot_general3A_1143 : vector<64x96xf32> to vector<1x64x96xf32>
    %stack3A_1155 = vector.shape_cast %dot_general3A_1147 : vector<64x96xf32> to vector<1x64x96xf32>
    %stack3A_1156 = tpu.concatenate %stack3A_1148, %stack3A_1149, %stack3A_1150, %stack3A_1151, %stack3A_1152, %stack3A_1153, %stack3A_1154, %stack3A_1155 in 0 : vector<1x64x96xf32>, vector<1x64x96xf32>, vector<1x64x96xf32>, vector<1x64x96xf32>, vector<1x64x96xf32>, vector<1x64x96xf32>, vector<1x64x96xf32>, vector<1x64x96xf32> -> vector<8x64x96xf32>
    %exp3A_1157 = math.exp %stack3A_1156 : vector<8x64x96xf32>
    %reshape3A_1158 = vector.shape_cast %exp3A_1157 : vector<8x64x96xf32> to vector<512x96xf32>
    %broadcast_in_dim3A_1159 = arith.constant 1.000000e+00 : f32
    %broadcast_in_dim3A_1160 = vector.broadcast %broadcast_in_dim3A_1159 : f32 to vector<96x96xf32>
    %dot_general3A_1161 = arith.constant dense<0.000000e+00> : vector<512x96xf32>
    %dot_general3A_1162 = tpu.matmul %reshape3A_1158, %broadcast_in_dim3A_1160, %dot_general3A_1161 {dimension_numbers = #tpu.dot_dimension_numbers<[1], [0], [0], [1], [0, 0, 1, 1], [], []>, transpose_lhs_hint = false} : vector<512x96xf32>, vector<96x96xf32>, vector<512x96xf32> -> vector<512x96xf32>
    %div3A_1163 = arith.divf %reshape3A_1158, %dot_general3A_1162 : vector<512x96xf32>
    %reshape3A_1164 = vector.shape_cast %div3A_1163 : vector<512x96xf32> to vector<8x64x96xf32>
    %swap3A_1165 = arith.constant 0 : index
    %swap3A_1166 = arith.constant 0 : index
    %swap3A_1167 = arith.constant 14 : index
    %swap3A_1168 = arith.constant 0 : index
    %swap3A_1169 = arith.constant 0 : index
    %swap3A_1170 = vector.load %arg6[%swap3A_1165, %swap3A_1166, %swap3A_1167, %swap3A_1168, %swap3A_1169] : memref<8x1x28x64x96xf32, #tpu.memory_space<vmem>>, vector<8x1x1x64x96xf32>
    %swap3A_1171 = vector.shape_cast %swap3A_1170 : vector<8x1x1x64x96xf32> to vector<8x64x96xf32>
    %swap3A_1172 = vector.shape_cast %reshape3A_1164 : vector<8x64x96xf32> to vector<8x1x1x64x96xf32>
    tpu.vector_store %arg6[%swap3A_1165, %swap3A_1166, %swap3A_1167, %swap3A_1168, %swap3A_1169], %swap3A_1172 {strides = array<i32>} : memref<8x1x28x64x96xf32, #tpu.memory_space<vmem>>, vector<8x1x1x64x96xf32>,
    %slice3A_1173 = vector.extract_strided_slice %get3A_5 {offsets = [0, 120, 0], sizes = [8, 8, 192], strides = [1, 1, 1]} : vector<8x224x192xf32> to vector<8x8x192xf32>
    %reshape3A_1174 = vector.shape_cast %slice3A_1173 : vector<8x8x192xf32> to vector<64x192xf32>
    %slice3A_1175 = vector.extract_strided_slice %get3A_12 {offsets = [0, 120, 0], sizes = [8, 8, 192], strides = [1, 1, 1]} : vector<8x224x256xf32> to vector<8x8x192xf32>
    %reshape3A_1176 = vector.shape_cast %slice3A_1175 : vector<8x8x192xf32> to vector<64x192xf32>
    %get3A_1177 = arith.constant 0 : index
    %get3A_1178 = arith.constant 0 : index
    %get3A_1179 = arith.constant 15 : index
    %get3A_1180 = arith.constant 0 : index
    %get3A_1181 = arith.constant 0 : index
    %get3A_1182 = vector.load %arg4[%get3A_1177, %get3A_1178, %get3A_1179, %get3A_1180, %get3A_1181] : memref<1x1x28x32x256xf32, #tpu.memory_space<vmem>>, vector<1x1x1x32x192xf32>
    %get3A_1183 = vector.shape_cast %get3A_1182 : vector<1x1x1x32x192xf32> to vector<32x192xf32>
    %get3A_1184 = arith.constant 0 : index
    %get3A_1185 = arith.constant 0 : index
    %get3A_1186 = arith.constant 15 : index
    %get3A_1187 = arith.constant 0 : index
    %get3A_1188 = arith.constant 0 : index
    %get3A_1189 = vector.load %arg5[%get3A_1184, %get3A_1185, %get3A_1186, %get3A_1187, %get3A_1188] : memref<1x1x28x32x1xf32, #tpu.memory_space<vmem>>, vector<1x1x1x32x1xf32>
    %get3A_1190 = vector.shape_cast %get3A_1189 : vector<1x1x1x32x1xf32> to vector<32x1xf32>
    %mul3A_1191 = vector.broadcast %get3A_1190 : vector<32x1xf32> to vector<32x192xf32>
    %mul3A_1192 = arith.mulf %get3A_1183, %mul3A_1191 : vector<32x192xf32>
    %concatenate3A_1193 = tpu.concatenate %reshape3A_1176, %mul3A_1192 in 0 : vector<64x192xf32>, vector<32x192xf32> -> vector<96x192xf32>
    %slice3A_1194 = vector.extract_strided_slice %reshape3A_1174 {offsets = [0, 0], sizes = [64, 24], strides = [1, 1]} : vector<64x192xf32> to vector<64x24xf32>
    %slice3A_1195 = vector.extract_strided_slice %concatenate3A_1193 {offsets = [0, 0], sizes = [96, 24], strides = [1, 1]} : vector<96x192xf32> to vector<96x24xf32>
    %dot_general3A_1196 = arith.constant dense<0.000000e+00> : vector<64x96xf32>
    %dot_general3A_1197 = tpu.matmul %slice3A_1194, %slice3A_1195, %dot_general3A_1196 {dimension_numbers = #tpu.dot_dimension_numbers<[1], [1], [0], [0], [0, 0, 1, 0], [], []>, transpose_lhs_hint = false} : vector<64x24xf32>, vector<96x24xf32>, vector<64x96xf32> -> vector<64x96xf32>
    %slice3A_1198 = vector.extract_strided_slice %reshape3A_1174 {offsets = [0, 24], sizes = [64, 24], strides = [1, 1]} : vector<64x192xf32> to vector<64x24xf32>
    %slice3A_1199 = vector.extract_strided_slice %concatenate3A_1193 {offsets = [0, 24], sizes = [96, 24], strides = [1, 1]} : vector<96x192xf32> to vector<96x24xf32>
    %dot_general3A_1200 = arith.constant dense<0.000000e+00> : vector<64x96xf32>
    %dot_general3A_1201 = tpu.matmul %slice3A_1198, %slice3A_1199, %dot_general3A_1200 {dimension_numbers = #tpu.dot_dimension_numbers<[1], [1], [0], [0], [0, 0, 1, 0], [], []>, transpose_lhs_hint = false} : vector<64x24xf32>, vector<96x24xf32>, vector<64x96xf32> -> vector<64x96xf32>
    %slice3A_1202 = vector.extract_strided_slice %reshape3A_1174 {offsets = [0, 48], sizes = [64, 24], strides = [1, 1]} : vector<64x192xf32> to vector<64x24xf32>
    %slice3A_1203 = vector.extract_strided_slice %concatenate3A_1193 {offsets = [0, 48], sizes = [96, 24], strides = [1, 1]} : vector<96x192xf32> to vector<96x24xf32>
    %dot_general3A_1204 = arith.constant dense<0.000000e+00> : vector<64x96xf32>
    %dot_general3A_1205 = tpu.matmul %slice3A_1202, %slice3A_1203, %dot_general3A_1204 {dimension_numbers = #tpu.dot_dimension_numbers<[1], [1], [0], [0], [0, 0, 1, 0], [], []>, transpose_lhs_hint = false} : vector<64x24xf32>, vector<96x24xf32>, vector<64x96xf32> -> vector<64x96xf32>
    %slice3A_1206 = vector.extract_strided_slice %reshape3A_1174 {offsets = [0, 72], sizes = [64, 24], strides = [1, 1]} : vector<64x192xf32> to vector<64x24xf32>
    %slice3A_1207 = vector.extract_strided_slice %concatenate3A_1193 {offsets = [0, 72], sizes = [96, 24], strides = [1, 1]} : vector<96x192xf32> to vector<96x24xf32>
    %dot_general3A_1208 = arith.constant dense<0.000000e+00> : vector<64x96xf32>
    %dot_general3A_1209 = tpu.matmul %slice3A_1206, %slice3A_1207, %dot_general3A_1208 {dimension_numbers = #tpu.dot_dimension_numbers<[1], [1], [0], [0], [0, 0, 1, 0], [], []>, transpose_lhs_hint = false} : vector<64x24xf32>, vector<96x24xf32>, vector<64x96xf32> -> vector<64x96xf32>
    %slice3A_1210 = vector.extract_strided_slice %reshape3A_1174 {offsets = [0, 96], sizes = [64, 24], strides = [1, 1]} : vector<64x192xf32> to vector<64x24xf32>
    %slice3A_1211 = vector.extract_strided_slice %concatenate3A_1193 {offsets = [0, 96], sizes = [96, 24], strides = [1, 1]} : vector<96x192xf32> to vector<96x24xf32>
    %dot_general3A_1212 = arith.constant dense<0.000000e+00> : vector<64x96xf32>
    %dot_general3A_1213 = tpu.matmul %slice3A_1210, %slice3A_1211, %dot_general3A_1212 {dimension_numbers = #tpu.dot_dimension_numbers<[1], [1], [0], [0], [0, 0, 1, 0], [], []>, transpose_lhs_hint = false} : vector<64x24xf32>, vector<96x24xf32>, vector<64x96xf32> -> vector<64x96xf32>
    %slice3A_1214 = vector.extract_strided_slice %reshape3A_1174 {offsets = [0, 120], sizes = [64, 24], strides = [1, 1]} : vector<64x192xf32> to vector<64x24xf32>
    %slice3A_1215 = vector.extract_strided_slice %concatenate3A_1193 {offsets = [0, 120], sizes = [96, 24], strides = [1, 1]} : vector<96x192xf32> to vector<96x24xf32>
    %dot_general3A_1216 = arith.constant dense<0.000000e+00> : vector<64x96xf32>
    %dot_general3A_1217 = tpu.matmul %slice3A_1214, %slice3A_1215, %dot_general3A_1216 {dimension_numbers = #tpu.dot_dimension_numbers<[1], [1], [0], [0], [0, 0, 1, 0], [], []>, transpose_lhs_hint = false} : vector<64x24xf32>, vector<96x24xf32>, vector<64x96xf32> -> vector<64x96xf32>
    %slice3A_1218 = vector.extract_strided_slice %reshape3A_1174 {offsets = [0, 144], sizes = [64, 24], strides = [1, 1]} : vector<64x192xf32> to vector<64x24xf32>
    %slice3A_1219 = vector.extract_strided_slice %concatenate3A_1193 {offsets = [0, 144], sizes = [96, 24], strides = [1, 1]} : vector<96x192xf32> to vector<96x24xf32>
    %dot_general3A_1220 = arith.constant dense<0.000000e+00> : vector<64x96xf32>
    %dot_general3A_1221 = tpu.matmul %slice3A_1218, %slice3A_1219, %dot_general3A_1220 {dimension_numbers = #tpu.dot_dimension_numbers<[1], [1], [0], [0], [0, 0, 1, 0], [], []>, transpose_lhs_hint = false} : vector<64x24xf32>, vector<96x24xf32>, vector<64x96xf32> -> vector<64x96xf32>
    %slice3A_1222 = vector.extract_strided_slice %reshape3A_1174 {offsets = [0, 168], sizes = [64, 24], strides = [1, 1]} : vector<64x192xf32> to vector<64x24xf32>
    %slice3A_1223 = vector.extract_strided_slice %concatenate3A_1193 {offsets = [0, 168], sizes = [96, 24], strides = [1, 1]} : vector<96x192xf32> to vector<96x24xf32>
    %dot_general3A_1224 = arith.constant dense<0.000000e+00> : vector<64x96xf32>
    %dot_general3A_1225 = tpu.matmul %slice3A_1222, %slice3A_1223, %dot_general3A_1224 {dimension_numbers = #tpu.dot_dimension_numbers<[1], [1], [0], [0], [0, 0, 1, 0], [], []>, transpose_lhs_hint = false} : vector<64x24xf32>, vector<96x24xf32>, vector<64x96xf32> -> vector<64x96xf32>
    %stack3A_1226 = vector.shape_cast %dot_general3A_1197 : vector<64x96xf32> to vector<1x64x96xf32>
    %stack3A_1227 = vector.shape_cast %dot_general3A_1201 : vector<64x96xf32> to vector<1x64x96xf32>
    %stack3A_1228 = vector.shape_cast %dot_general3A_1205 : vector<64x96xf32> to vector<1x64x96xf32>
    %stack3A_1229 = vector.shape_cast %dot_general3A_1209 : vector<64x96xf32> to vector<1x64x96xf32>
    %stack3A_1230 = vector.shape_cast %dot_general3A_1213 : vector<64x96xf32> to vector<1x64x96xf32>
    %stack3A_1231 = vector.shape_cast %dot_general3A_1217 : vector<64x96xf32> to vector<1x64x96xf32>
    %stack3A_1232 = vector.shape_cast %dot_general3A_1221 : vector<64x96xf32> to vector<1x64x96xf32>
    %stack3A_1233 = vector.shape_cast %dot_general3A_1225 : vector<64x96xf32> to vector<1x64x96xf32>
    %stack3A_1234 = tpu.concatenate %stack3A_1226, %stack3A_1227, %stack3A_1228, %stack3A_1229, %stack3A_1230, %stack3A_1231, %stack3A_1232, %stack3A_1233 in 0 : vector<1x64x96xf32>, vector<1x64x96xf32>, vector<1x64x96xf32>, vector<1x64x96xf32>, vector<1x64x96xf32>, vector<1x64x96xf32>, vector<1x64x96xf32>, vector<1x64x96xf32> -> vector<8x64x96xf32>
    %exp3A_1235 = math.exp %stack3A_1234 : vector<8x64x96xf32>
    %reshape3A_1236 = vector.shape_cast %exp3A_1235 : vector<8x64x96xf32> to vector<512x96xf32>
    %broadcast_in_dim3A_1237 = arith.constant 1.000000e+00 : f32
    %broadcast_in_dim3A_1238 = vector.broadcast %broadcast_in_dim3A_1237 : f32 to vector<96x96xf32>
    %dot_general3A_1239 = arith.constant dense<0.000000e+00> : vector<512x96xf32>
    %dot_general3A_1240 = tpu.matmul %reshape3A_1236, %broadcast_in_dim3A_1238, %dot_general3A_1239 {dimension_numbers = #tpu.dot_dimension_numbers<[1], [0], [0], [1], [0, 0, 1, 1], [], []>, transpose_lhs_hint = false} : vector<512x96xf32>, vector<96x96xf32>, vector<512x96xf32> -> vector<512x96xf32>
    %div3A_1241 = arith.divf %reshape3A_1236, %dot_general3A_1240 : vector<512x96xf32>
    %reshape3A_1242 = vector.shape_cast %div3A_1241 : vector<512x96xf32> to vector<8x64x96xf32>
    %swap3A_1243 = arith.constant 0 : index
    %swap3A_1244 = arith.constant 0 : index
    %swap3A_1245 = arith.constant 15 : index
    %swap3A_1246 = arith.constant 0 : index
    %swap3A_1247 = arith.constant 0 : index
    %swap3A_1248 = vector.load %arg6[%swap3A_1243, %swap3A_1244, %swap3A_1245, %swap3A_1246, %swap3A_1247] : memref<8x1x28x64x96xf32, #tpu.memory_space<vmem>>, vector<8x1x1x64x96xf32>
    %swap3A_1249 = vector.shape_cast %swap3A_1248 : vector<8x1x1x64x96xf32> to vector<8x64x96xf32>
    %swap3A_1250 = vector.shape_cast %reshape3A_1242 : vector<8x64x96xf32> to vector<8x1x1x64x96xf32>
    tpu.vector_store %arg6[%swap3A_1243, %swap3A_1244, %swap3A_1245, %swap3A_1246, %swap3A_1247], %swap3A_1250 {strides = array<i32>} : memref<8x1x28x64x96xf32, #tpu.memory_space<vmem>>, vector<8x1x1x64x96xf32>,
    %slice3A_1251 = vector.extract_strided_slice %get3A_5 {offsets = [0, 128, 0], sizes = [8, 8, 192], strides = [1, 1, 1]} : vector<8x224x192xf32> to vector<8x8x192xf32>
    %reshape3A_1252 = vector.shape_cast %slice3A_1251 : vector<8x8x192xf32> to vector<64x192xf32>
    %slice3A_1253 = vector.extract_strided_slice %get3A_12 {offsets = [0, 128, 0], sizes = [8, 8, 192], strides = [1, 1, 1]} : vector<8x224x256xf32> to vector<8x8x192xf32>
    %reshape3A_1254 = vector.shape_cast %slice3A_1253 : vector<8x8x192xf32> to vector<64x192xf32>
    %get3A_1255 = arith.constant 0 : index
    %get3A_1256 = arith.constant 0 : index
    %get3A_1257 = arith.constant 16 : index
    %get3A_1258 = arith.constant 0 : index
    %get3A_1259 = arith.constant 0 : index
    %get3A_1260 = vector.load %arg4[%get3A_1255, %get3A_1256, %get3A_1257, %get3A_1258, %get3A_1259] : memref<1x1x28x32x256xf32, #tpu.memory_space<vmem>>, vector<1x1x1x32x192xf32>
    %get3A_1261 = vector.shape_cast %get3A_1260 : vector<1x1x1x32x192xf32> to vector<32x192xf32>
    %get3A_1262 = arith.constant 0 : index
    %get3A_1263 = arith.constant 0 : index
    %get3A_1264 = arith.constant 16 : index
    %get3A_1265 = arith.constant 0 : index
    %get3A_1266 = arith.constant 0 : index
    %get3A_1267 = vector.load %arg5[%get3A_1262, %get3A_1263, %get3A_1264, %get3A_1265, %get3A_1266] : memref<1x1x28x32x1xf32, #tpu.memory_space<vmem>>, vector<1x1x1x32x1xf32>
    %get3A_1268 = vector.shape_cast %get3A_1267 : vector<1x1x1x32x1xf32> to vector<32x1xf32>
    %mul3A_1269 = vector.broadcast %get3A_1268 : vector<32x1xf32> to vector<32x192xf32>
    %mul3A_1270 = arith.mulf %get3A_1261, %mul3A_1269 : vector<32x192xf32>
    %concatenate3A_1271 = tpu.concatenate %reshape3A_1254, %mul3A_1270 in 0 : vector<64x192xf32>, vector<32x192xf32> -> vector<96x192xf32>
    %slice3A_1272 = vector.extract_strided_slice %reshape3A_1252 {offsets = [0, 0], sizes = [64, 24], strides = [1, 1]} : vector<64x192xf32> to vector<64x24xf32>
    %slice3A_1273 = vector.extract_strided_slice %concatenate3A_1271 {offsets = [0, 0], sizes = [96, 24], strides = [1, 1]} : vector<96x192xf32> to vector<96x24xf32>
    %dot_general3A_1274 = arith.constant dense<0.000000e+00> : vector<64x96xf32>
    %dot_general3A_1275 = tpu.matmul %slice3A_1272, %slice3A_1273, %dot_general3A_1274 {dimension_numbers = #tpu.dot_dimension_numbers<[1], [1], [0], [0], [0, 0, 1, 0], [], []>, transpose_lhs_hint = false} : vector<64x24xf32>, vector<96x24xf32>, vector<64x96xf32> -> vector<64x96xf32>
    %slice3A_1276 = vector.extract_strided_slice %reshape3A_1252 {offsets = [0, 24], sizes = [64, 24], strides = [1, 1]} : vector<64x192xf32> to vector<64x24xf32>
    %slice3A_1277 = vector.extract_strided_slice %concatenate3A_1271 {offsets = [0, 24], sizes = [96, 24], strides = [1, 1]} : vector<96x192xf32> to vector<96x24xf32>
    %dot_general3A_1278 = arith.constant dense<0.000000e+00> : vector<64x96xf32>
    %dot_general3A_1279 = tpu.matmul %slice3A_1276, %slice3A_1277, %dot_general3A_1278 {dimension_numbers = #tpu.dot_dimension_numbers<[1], [1], [0], [0], [0, 0, 1, 0], [], []>, transpose_lhs_hint = false} : vector<64x24xf32>, vector<96x24xf32>, vector<64x96xf32> -> vector<64x96xf32>
    %slice3A_1280 = vector.extract_strided_slice %reshape3A_1252 {offsets = [0, 48], sizes = [64, 24], strides = [1, 1]} : vector<64x192xf32> to vector<64x24xf32>
    %slice3A_1281 = vector.extract_strided_slice %concatenate3A_1271 {offsets = [0, 48], sizes = [96, 24], strides = [1, 1]} : vector<96x192xf32> to vector<96x24xf32>
    %dot_general3A_1282 = arith.constant dense<0.000000e+00> : vector<64x96xf32>
    %dot_general3A_1283 = tpu.matmul %slice3A_1280, %slice3A_1281, %dot_general3A_1282 {dimension_numbers = #tpu.dot_dimension_numbers<[1], [1], [0], [0], [0, 0, 1, 0], [], []>, transpose_lhs_hint = false} : vector<64x24xf32>, vector<96x24xf32>, vector<64x96xf32> -> vector<64x96xf32>
    %slice3A_1284 = vector.extract_strided_slice %reshape3A_1252 {offsets = [0, 72], sizes = [64, 24], strides = [1, 1]} : vector<64x192xf32> to vector<64x24xf32>
    %slice3A_1285 = vector.extract_strided_slice %concatenate3A_1271 {offsets = [0, 72], sizes = [96, 24], strides = [1, 1]} : vector<96x192xf32> to vector<96x24xf32>
    %dot_general3A_1286 = arith.constant dense<0.000000e+00> : vector<64x96xf32>
    %dot_general3A_1287 = tpu.matmul %slice3A_1284, %slice3A_1285, %dot_general3A_1286 {dimension_numbers = #tpu.dot_dimension_numbers<[1], [1], [0], [0], [0, 0, 1, 0], [], []>, transpose_lhs_hint = false} : vector<64x24xf32>, vector<96x24xf32>, vector<64x96xf32> -> vector<64x96xf32>
    %slice3A_1288 = vector.extract_strided_slice %reshape3A_1252 {offsets = [0, 96], sizes = [64, 24], strides = [1, 1]} : vector<64x192xf32> to vector<64x24xf32>
    %slice3A_1289 = vector.extract_strided_slice %concatenate3A_1271 {offsets = [0, 96], sizes = [96, 24], strides = [1, 1]} : vector<96x192xf32> to vector<96x24xf32>
    %dot_general3A_1290 = arith.constant dense<0.000000e+00> : vector<64x96xf32>
    %dot_general3A_1291 = tpu.matmul %slice3A_1288, %slice3A_1289, %dot_general3A_1290 {dimension_numbers = #tpu.dot_dimension_numbers<[1], [1], [0], [0], [0, 0, 1, 0], [], []>, transpose_lhs_hint = false} : vector<64x24xf32>, vector<96x24xf32>, vector<64x96xf32> -> vector<64x96xf32>
    %slice3A_1292 = vector.extract_strided_slice %reshape3A_1252 {offsets = [0, 120], sizes = [64, 24], strides = [1, 1]} : vector<64x192xf32> to vector<64x24xf32>
    %slice3A_1293 = vector.extract_strided_slice %concatenate3A_1271 {offsets = [0, 120], sizes = [96, 24], strides = [1, 1]} : vector<96x192xf32> to vector<96x24xf32>
    %dot_general3A_1294 = arith.constant dense<0.000000e+00> : vector<64x96xf32>
    %dot_general3A_1295 = tpu.matmul %slice3A_1292, %slice3A_1293, %dot_general3A_1294 {dimension_numbers = #tpu.dot_dimension_numbers<[1], [1], [0], [0], [0, 0, 1, 0], [], []>, transpose_lhs_hint = false} : vector<64x24xf32>, vector<96x24xf32>, vector<64x96xf32> -> vector<64x96xf32>
    %slice3A_1296 = vector.extract_strided_slice %reshape3A_1252 {offsets = [0, 144], sizes = [64, 24], strides = [1, 1]} : vector<64x192xf32> to vector<64x24xf32>
    %slice3A_1297 = vector.extract_strided_slice %concatenate3A_1271 {offsets = [0, 144], sizes = [96, 24], strides = [1, 1]} : vector<96x192xf32> to vector<96x24xf32>
    %dot_general3A_1298 = arith.constant dense<0.000000e+00> : vector<64x96xf32>
    %dot_general3A_1299 = tpu.matmul %slice3A_1296, %slice3A_1297, %dot_general3A_1298 {dimension_numbers = #tpu.dot_dimension_numbers<[1], [1], [0], [0], [0, 0, 1, 0], [], []>, transpose_lhs_hint = false} : vector<64x24xf32>, vector<96x24xf32>, vector<64x96xf32> -> vector<64x96xf32>
    %slice3A_1300 = vector.extract_strided_slice %reshape3A_1252 {offsets = [0, 168], sizes = [64, 24], strides = [1, 1]} : vector<64x192xf32> to vector<64x24xf32>
    %slice3A_1301 = vector.extract_strided_slice %concatenate3A_1271 {offsets = [0, 168], sizes = [96, 24], strides = [1, 1]} : vector<96x192xf32> to vector<96x24xf32>
    %dot_general3A_1302 = arith.constant dense<0.000000e+00> : vector<64x96xf32>
    %dot_general3A_1303 = tpu.matmul %slice3A_1300, %slice3A_1301, %dot_general3A_1302 {dimension_numbers = #tpu.dot_dimension_numbers<[1], [1], [0], [0], [0, 0, 1, 0], [], []>, transpose_lhs_hint = false} : vector<64x24xf32>, vector<96x24xf32>, vector<64x96xf32> -> vector<64x96xf32>
    %stack3A_1304 = vector.shape_cast %dot_general3A_1275 : vector<64x96xf32> to vector<1x64x96xf32>
    %stack3A_1305 = vector.shape_cast %dot_general3A_1279 : vector<64x96xf32> to vector<1x64x96xf32>
    %stack3A_1306 = vector.shape_cast %dot_general3A_1283 : vector<64x96xf32> to vector<1x64x96xf32>
    %stack3A_1307 = vector.shape_cast %dot_general3A_1287 : vector<64x96xf32> to vector<1x64x96xf32>
    %stack3A_1308 = vector.shape_cast %dot_general3A_1291 : vector<64x96xf32> to vector<1x64x96xf32>
    %stack3A_1309 = vector.shape_cast %dot_general3A_1295 : vector<64x96xf32> to vector<1x64x96xf32>
    %stack3A_1310 = vector.shape_cast %dot_general3A_1299 : vector<64x96xf32> to vector<1x64x96xf32>
    %stack3A_1311 = vector.shape_cast %dot_general3A_1303 : vector<64x96xf32> to vector<1x64x96xf32>
    %stack3A_1312 = tpu.concatenate %stack3A_1304, %stack3A_1305, %stack3A_1306, %stack3A_1307, %stack3A_1308, %stack3A_1309, %stack3A_1310, %stack3A_1311 in 0 : vector<1x64x96xf32>, vector<1x64x96xf32>, vector<1x64x96xf32>, vector<1x64x96xf32>, vector<1x64x96xf32>, vector<1x64x96xf32>, vector<1x64x96xf32>, vector<1x64x96xf32> -> vector<8x64x96xf32>
    %exp3A_1313 = math.exp %stack3A_1312 : vector<8x64x96xf32>
    %reshape3A_1314 = vector.shape_cast %exp3A_1313 : vector<8x64x96xf32> to vector<512x96xf32>
    %broadcast_in_dim3A_1315 = arith.constant 1.000000e+00 : f32
    %broadcast_in_dim3A_1316 = vector.broadcast %broadcast_in_dim3A_1315 : f32 to vector<96x96xf32>
    %dot_general3A_1317 = arith.constant dense<0.000000e+00> : vector<512x96xf32>
    %dot_general3A_1318 = tpu.matmul %reshape3A_1314, %broadcast_in_dim3A_1316, %dot_general3A_1317 {dimension_numbers = #tpu.dot_dimension_numbers<[1], [0], [0], [1], [0, 0, 1, 1], [], []>, transpose_lhs_hint = false} : vector<512x96xf32>, vector<96x96xf32>, vector<512x96xf32> -> vector<512x96xf32>
    %div3A_1319 = arith.divf %reshape3A_1314, %dot_general3A_1318 : vector<512x96xf32>
    %reshape3A_1320 = vector.shape_cast %div3A_1319 : vector<512x96xf32> to vector<8x64x96xf32>
    %swap3A_1321 = arith.constant 0 : index
    %swap3A_1322 = arith.constant 0 : index
    %swap3A_1323 = arith.constant 16 : index
    %swap3A_1324 = arith.constant 0 : index
    %swap3A_1325 = arith.constant 0 : index
    %swap3A_1326 = vector.load %arg6[%swap3A_1321, %swap3A_1322, %swap3A_1323, %swap3A_1324, %swap3A_1325] : memref<8x1x28x64x96xf32, #tpu.memory_space<vmem>>, vector<8x1x1x64x96xf32>
    %swap3A_1327 = vector.shape_cast %swap3A_1326 : vector<8x1x1x64x96xf32> to vector<8x64x96xf32>
    %swap3A_1328 = vector.shape_cast %reshape3A_1320 : vector<8x64x96xf32> to vector<8x1x1x64x96xf32>
    tpu.vector_store %arg6[%swap3A_1321, %swap3A_1322, %swap3A_1323, %swap3A_1324, %swap3A_1325], %swap3A_1328 {strides = array<i32>} : memref<8x1x28x64x96xf32, #tpu.memory_space<vmem>>, vector<8x1x1x64x96xf32>,
    %slice3A_1329 = vector.extract_strided_slice %get3A_5 {offsets = [0, 136, 0], sizes = [8, 8, 192], strides = [1, 1, 1]} : vector<8x224x192xf32> to vector<8x8x192xf32>
    %reshape3A_1330 = vector.shape_cast %slice3A_1329 : vector<8x8x192xf32> to vector<64x192xf32>
    %slice3A_1331 = vector.extract_strided_slice %get3A_12 {offsets = [0, 136, 0], sizes = [8, 8, 192], strides = [1, 1, 1]} : vector<8x224x256xf32> to vector<8x8x192xf32>
    %reshape3A_1332 = vector.shape_cast %slice3A_1331 : vector<8x8x192xf32> to vector<64x192xf32>
    %get3A_1333 = arith.constant 0 : index
    %get3A_1334 = arith.constant 0 : index
    %get3A_1335 = arith.constant 17 : index
    %get3A_1336 = arith.constant 0 : index
    %get3A_1337 = arith.constant 0 : index
    %get3A_1338 = vector.load %arg4[%get3A_1333, %get3A_1334, %get3A_1335, %get3A_1336, %get3A_1337] : memref<1x1x28x32x256xf32, #tpu.memory_space<vmem>>, vector<1x1x1x32x192xf32>
    %get3A_1339 = vector.shape_cast %get3A_1338 : vector<1x1x1x32x192xf32> to vector<32x192xf32>
    %get3A_1340 = arith.constant 0 : index
    %get3A_1341 = arith.constant 0 : index
    %get3A_1342 = arith.constant 17 : index
    %get3A_1343 = arith.constant 0 : index
    %get3A_1344 = arith.constant 0 : index
    %get3A_1345 = vector.load %arg5[%get3A_1340, %get3A_1341, %get3A_1342, %get3A_1343, %get3A_1344] : memref<1x1x28x32x1xf32, #tpu.memory_space<vmem>>, vector<1x1x1x32x1xf32>
    %get3A_1346 = vector.shape_cast %get3A_1345 : vector<1x1x1x32x1xf32> to vector<32x1xf32>
    %mul3A_1347 = vector.broadcast %get3A_1346 : vector<32x1xf32> to vector<32x192xf32>
    %mul3A_1348 = arith.mulf %get3A_1339, %mul3A_1347 : vector<32x192xf32>
    %concatenate3A_1349 = tpu.concatenate %reshape3A_1332, %mul3A_1348 in 0 : vector<64x192xf32>, vector<32x192xf32> -> vector<96x192xf32>
    %slice3A_1350 = vector.extract_strided_slice %reshape3A_1330 {offsets = [0, 0], sizes = [64, 24], strides = [1, 1]} : vector<64x192xf32> to vector<64x24xf32>
    %slice3A_1351 = vector.extract_strided_slice %concatenate3A_1349 {offsets = [0, 0], sizes = [96, 24], strides = [1, 1]} : vector<96x192xf32> to vector<96x24xf32>
    %dot_general3A_1352 = arith.constant dense<0.000000e+00> : vector<64x96xf32>
    %dot_general3A_1353 = tpu.matmul %slice3A_1350, %slice3A_1351, %dot_general3A_1352 {dimension_numbers = #tpu.dot_dimension_numbers<[1], [1], [0], [0], [0, 0, 1, 0], [], []>, transpose_lhs_hint = false} : vector<64x24xf32>, vector<96x24xf32>, vector<64x96xf32> -> vector<64x96xf32>
    %slice3A_1354 = vector.extract_strided_slice %reshape3A_1330 {offsets = [0, 24], sizes = [64, 24], strides = [1, 1]} : vector<64x192xf32> to vector<64x24xf32>
    %slice3A_1355 = vector.extract_strided_slice %concatenate3A_1349 {offsets = [0, 24], sizes = [96, 24], strides = [1, 1]} : vector<96x192xf32> to vector<96x24xf32>
    %dot_general3A_1356 = arith.constant dense<0.000000e+00> : vector<64x96xf32>
    %dot_general3A_1357 = tpu.matmul %slice3A_1354, %slice3A_1355, %dot_general3A_1356 {dimension_numbers = #tpu.dot_dimension_numbers<[1], [1], [0], [0], [0, 0, 1, 0], [], []>, transpose_lhs_hint = false} : vector<64x24xf32>, vector<96x24xf32>, vector<64x96xf32> -> vector<64x96xf32>
    %slice3A_1358 = vector.extract_strided_slice %reshape3A_1330 {offsets = [0, 48], sizes = [64, 24], strides = [1, 1]} : vector<64x192xf32> to vector<64x24xf32>
    %slice3A_1359 = vector.extract_strided_slice %concatenate3A_1349 {offsets = [0, 48], sizes = [96, 24], strides = [1, 1]} : vector<96x192xf32> to vector<96x24xf32>
    %dot_general3A_1360 = arith.constant dense<0.000000e+00> : vector<64x96xf32>
    %dot_general3A_1361 = tpu.matmul %slice3A_1358, %slice3A_1359, %dot_general3A_1360 {dimension_numbers = #tpu.dot_dimension_numbers<[1], [1], [0], [0], [0, 0, 1, 0], [], []>, transpose_lhs_hint = false} : vector<64x24xf32>, vector<96x24xf32>, vector<64x96xf32> -> vector<64x96xf32>
    %slice3A_1362 = vector.extract_strided_slice %reshape3A_1330 {offsets = [0, 72], sizes = [64, 24], strides = [1, 1]} : vector<64x192xf32> to vector<64x24xf32>
    %slice3A_1363 = vector.extract_strided_slice %concatenate3A_1349 {offsets = [0, 72], sizes = [96, 24], strides = [1, 1]} : vector<96x192xf32> to vector<96x24xf32>
    %dot_general3A_1364 = arith.constant dense<0.000000e+00> : vector<64x96xf32>
    %dot_general3A_1365 = tpu.matmul %slice3A_1362, %slice3A_1363, %dot_general3A_1364 {dimension_numbers = #tpu.dot_dimension_numbers<[1], [1], [0], [0], [0, 0, 1, 0], [], []>, transpose_lhs_hint = false} : vector<64x24xf32>, vector<96x24xf32>, vector<64x96xf32> -> vector<64x96xf32>
    %slice3A_1366 = vector.extract_strided_slice %reshape3A_1330 {offsets = [0, 96], sizes = [64, 24], strides = [1, 1]} : vector<64x192xf32> to vector<64x24xf32>
    %slice3A_1367 = vector.extract_strided_slice %concatenate3A_1349 {offsets = [0, 96], sizes = [96, 24], strides = [1, 1]} : vector<96x192xf32> to vector<96x24xf32>
    %dot_general3A_1368 = arith.constant dense<0.000000e+00> : vector<64x96xf32>
    %dot_general3A_1369 = tpu.matmul %slice3A_1366, %slice3A_1367, %dot_general3A_1368 {dimension_numbers = #tpu.dot_dimension_numbers<[1], [1], [0], [0], [0, 0, 1, 0], [], []>, transpose_lhs_hint = false} : vector<64x24xf32>, vector<96x24xf32>, vector<64x96xf32> -> vector<64x96xf32>
    %slice3A_1370 = vector.extract_strided_slice %reshape3A_1330 {offsets = [0, 120], sizes = [64, 24], strides = [1, 1]} : vector<64x192xf32> to vector<64x24xf32>
    %slice3A_1371 = vector.extract_strided_slice %concatenate3A_1349 {offsets = [0, 120], sizes = [96, 24], strides = [1, 1]} : vector<96x192xf32> to vector<96x24xf32>
    %dot_general3A_1372 = arith.constant dense<0.000000e+00> : vector<64x96xf32>
    %dot_general3A_1373 = tpu.matmul %slice3A_1370, %slice3A_1371, %dot_general3A_1372 {dimension_numbers = #tpu.dot_dimension_numbers<[1], [1], [0], [0], [0, 0, 1, 0], [], []>, transpose_lhs_hint = false} : vector<64x24xf32>, vector<96x24xf32>, vector<64x96xf32> -> vector<64x96xf32>
    %slice3A_1374 = vector.extract_strided_slice %reshape3A_1330 {offsets = [0, 144], sizes = [64, 24], strides = [1, 1]} : vector<64x192xf32> to vector<64x24xf32>
    %slice3A_1375 = vector.extract_strided_slice %concatenate3A_1349 {offsets = [0, 144], sizes = [96, 24], strides = [1, 1]} : vector<96x192xf32> to vector<96x24xf32>
    %dot_general3A_1376 = arith.constant dense<0.000000e+00> : vector<64x96xf32>
    %dot_general3A_1377 = tpu.matmul %slice3A_1374, %slice3A_1375, %dot_general3A_1376 {dimension_numbers = #tpu.dot_dimension_numbers<[1], [1], [0], [0], [0, 0, 1, 0], [], []>, transpose_lhs_hint = false} : vector<64x24xf32>, vector<96x24xf32>, vector<64x96xf32> -> vector<64x96xf32>
    %slice3A_1378 = vector.extract_strided_slice %reshape3A_1330 {offsets = [0, 168], sizes = [64, 24], strides = [1, 1]} : vector<64x192xf32> to vector<64x24xf32>
    %slice3A_1379 = vector.extract_strided_slice %concatenate3A_1349 {offsets = [0, 168], sizes = [96, 24], strides = [1, 1]} : vector<96x192xf32> to vector<96x24xf32>
    %dot_general3A_1380 = arith.constant dense<0.000000e+00> : vector<64x96xf32>
    %dot_general3A_1381 = tpu.matmul %slice3A_1378, %slice3A_1379, %dot_general3A_1380 {dimension_numbers = #tpu.dot_dimension_numbers<[1], [1], [0], [0], [0, 0, 1, 0], [], []>, transpose_lhs_hint = false} : vector<64x24xf32>, vector<96x24xf32>, vector<64x96xf32> -> vector<64x96xf32>
    %stack3A_1382 = vector.shape_cast %dot_general3A_1353 : vector<64x96xf32> to vector<1x64x96xf32>
    %stack3A_1383 = vector.shape_cast %dot_general3A_1357 : vector<64x96xf32> to vector<1x64x96xf32>
    %stack3A_1384 = vector.shape_cast %dot_general3A_1361 : vector<64x96xf32> to vector<1x64x96xf32>
    %stack3A_1385 = vector.shape_cast %dot_general3A_1365 : vector<64x96xf32> to vector<1x64x96xf32>
    %stack3A_1386 = vector.shape_cast %dot_general3A_1369 : vector<64x96xf32> to vector<1x64x96xf32>
    %stack3A_1387 = vector.shape_cast %dot_general3A_1373 : vector<64x96xf32> to vector<1x64x96xf32>
    %stack3A_1388 = vector.shape_cast %dot_general3A_1377 : vector<64x96xf32> to vector<1x64x96xf32>
    %stack3A_1389 = vector.shape_cast %dot_general3A_1381 : vector<64x96xf32> to vector<1x64x96xf32>
    %stack3A_1390 = tpu.concatenate %stack3A_1382, %stack3A_1383, %stack3A_1384, %stack3A_1385, %stack3A_1386, %stack3A_1387, %stack3A_1388, %stack3A_1389 in 0 : vector<1x64x96xf32>, vector<1x64x96xf32>, vector<1x64x96xf32>, vector<1x64x96xf32>, vector<1x64x96xf32>, vector<1x64x96xf32>, vector<1x64x96xf32>, vector<1x64x96xf32> -> vector<8x64x96xf32>
    %exp3A_1391 = math.exp %stack3A_1390 : vector<8x64x96xf32>
    %reshape3A_1392 = vector.shape_cast %exp3A_1391 : vector<8x64x96xf32> to vector<512x96xf32>
    %broadcast_in_dim3A_1393 = arith.constant 1.000000e+00 : f32
    %broadcast_in_dim3A_1394 = vector.broadcast %broadcast_in_dim3A_1393 : f32 to vector<96x96xf32>
    %dot_general3A_1395 = arith.constant dense<0.000000e+00> : vector<512x96xf32>
    %dot_general3A_1396 = tpu.matmul %reshape3A_1392, %broadcast_in_dim3A_1394, %dot_general3A_1395 {dimension_numbers = #tpu.dot_dimension_numbers<[1], [0], [0], [1], [0, 0, 1, 1], [], []>, transpose_lhs_hint = false} : vector<512x96xf32>, vector<96x96xf32>, vector<512x96xf32> -> vector<512x96xf32>
    %div3A_1397 = arith.divf %reshape3A_1392, %dot_general3A_1396 : vector<512x96xf32>
    %reshape3A_1398 = vector.shape_cast %div3A_1397 : vector<512x96xf32> to vector<8x64x96xf32>
    %swap3A_1399 = arith.constant 0 : index
    %swap3A_1400 = arith.constant 0 : index
    %swap3A_1401 = arith.constant 17 : index
    %swap3A_1402 = arith.constant 0 : index
    %swap3A_1403 = arith.constant 0 : index
    %swap3A_1404 = vector.load %arg6[%swap3A_1399, %swap3A_1400, %swap3A_1401, %swap3A_1402, %swap3A_1403] : memref<8x1x28x64x96xf32, #tpu.memory_space<vmem>>, vector<8x1x1x64x96xf32>
    %swap3A_1405 = vector.shape_cast %swap3A_1404 : vector<8x1x1x64x96xf32> to vector<8x64x96xf32>
    %swap3A_1406 = vector.shape_cast %reshape3A_1398 : vector<8x64x96xf32> to vector<8x1x1x64x96xf32>
    tpu.vector_store %arg6[%swap3A_1399, %swap3A_1400, %swap3A_1401, %swap3A_1402, %swap3A_1403], %swap3A_1406 {strides = array<i32>} : memref<8x1x28x64x96xf32, #tpu.memory_space<vmem>>, vector<8x1x1x64x96xf32>,
    %slice3A_1407 = vector.extract_strided_slice %get3A_5 {offsets = [0, 144, 0], sizes = [8, 8, 192], strides = [1, 1, 1]} : vector<8x224x192xf32> to vector<8x8x192xf32>
    %reshape3A_1408 = vector.shape_cast %slice3A_1407 : vector<8x8x192xf32> to vector<64x192xf32>
    %slice3A_1409 = vector.extract_strided_slice %get3A_12 {offsets = [0, 144, 0], sizes = [8, 8, 192], strides = [1, 1, 1]} : vector<8x224x256xf32> to vector<8x8x192xf32>
    %reshape3A_1410 = vector.shape_cast %slice3A_1409 : vector<8x8x192xf32> to vector<64x192xf32>
    %get3A_1411 = arith.constant 0 : index
    %get3A_1412 = arith.constant 0 : index
    %get3A_1413 = arith.constant 18 : index
    %get3A_1414 = arith.constant 0 : index
    %get3A_1415 = arith.constant 0 : index
    %get3A_1416 = vector.load %arg4[%get3A_1411, %get3A_1412, %get3A_1413, %get3A_1414, %get3A_1415] : memref<1x1x28x32x256xf32, #tpu.memory_space<vmem>>, vector<1x1x1x32x192xf32>
    %get3A_1417 = vector.shape_cast %get3A_1416 : vector<1x1x1x32x192xf32> to vector<32x192xf32>
    %get3A_1418 = arith.constant 0 : index
    %get3A_1419 = arith.constant 0 : index
    %get3A_1420 = arith.constant 18 : index
    %get3A_1421 = arith.constant 0 : index
    %get3A_1422 = arith.constant 0 : index
    %get3A_1423 = vector.load %arg5[%get3A_1418, %get3A_1419, %get3A_1420, %get3A_1421, %get3A_1422] : memref<1x1x28x32x1xf32, #tpu.memory_space<vmem>>, vector<1x1x1x32x1xf32>
    %get3A_1424 = vector.shape_cast %get3A_1423 : vector<1x1x1x32x1xf32> to vector<32x1xf32>
    %mul3A_1425 = vector.broadcast %get3A_1424 : vector<32x1xf32> to vector<32x192xf32>
    %mul3A_1426 = arith.mulf %get3A_1417, %mul3A_1425 : vector<32x192xf32>
    %concatenate3A_1427 = tpu.concatenate %reshape3A_1410, %mul3A_1426 in 0 : vector<64x192xf32>, vector<32x192xf32> -> vector<96x192xf32>
    %slice3A_1428 = vector.extract_strided_slice %reshape3A_1408 {offsets = [0, 0], sizes = [64, 24], strides = [1, 1]} : vector<64x192xf32> to vector<64x24xf32>
    %slice3A_1429 = vector.extract_strided_slice %concatenate3A_1427 {offsets = [0, 0], sizes = [96, 24], strides = [1, 1]} : vector<96x192xf32> to vector<96x24xf32>
    %dot_general3A_1430 = arith.constant dense<0.000000e+00> : vector<64x96xf32>
    %dot_general3A_1431 = tpu.matmul %slice3A_1428, %slice3A_1429, %dot_general3A_1430 {dimension_numbers = #tpu.dot_dimension_numbers<[1], [1], [0], [0], [0, 0, 1, 0], [], []>, transpose_lhs_hint = false} : vector<64x24xf32>, vector<96x24xf32>, vector<64x96xf32> -> vector<64x96xf32>
    %slice3A_1432 = vector.extract_strided_slice %reshape3A_1408 {offsets = [0, 24], sizes = [64, 24], strides = [1, 1]} : vector<64x192xf32> to vector<64x24xf32>
    %slice3A_1433 = vector.extract_strided_slice %concatenate3A_1427 {offsets = [0, 24], sizes = [96, 24], strides = [1, 1]} : vector<96x192xf32> to vector<96x24xf32>
    %dot_general3A_1434 = arith.constant dense<0.000000e+00> : vector<64x96xf32>
    %dot_general3A_1435 = tpu.matmul %slice3A_1432, %slice3A_1433, %dot_general3A_1434 {dimension_numbers = #tpu.dot_dimension_numbers<[1], [1], [0], [0], [0, 0, 1, 0], [], []>, transpose_lhs_hint = false} : vector<64x24xf32>, vector<96x24xf32>, vector<64x96xf32> -> vector<64x96xf32>
    %slice3A_1436 = vector.extract_strided_slice %reshape3A_1408 {offsets = [0, 48], sizes = [64, 24], strides = [1, 1]} : vector<64x192xf32> to vector<64x24xf32>
    %slice3A_1437 = vector.extract_strided_slice %concatenate3A_1427 {offsets = [0, 48], sizes = [96, 24], strides = [1, 1]} : vector<96x192xf32> to vector<96x24xf32>
    %dot_general3A_1438 = arith.constant dense<0.000000e+00> : vector<64x96xf32>
    %dot_general3A_1439 = tpu.matmul %slice3A_1436, %slice3A_1437, %dot_general3A_1438 {dimension_numbers = #tpu.dot_dimension_numbers<[1], [1], [0], [0], [0, 0, 1, 0], [], []>, transpose_lhs_hint = false} : vector<64x24xf32>, vector<96x24xf32>, vector<64x96xf32> -> vector<64x96xf32>
    %slice3A_1440 = vector.extract_strided_slice %reshape3A_1408 {offsets = [0, 72], sizes = [64, 24], strides = [1, 1]} : vector<64x192xf32> to vector<64x24xf32>
    %slice3A_1441 = vector.extract_strided_slice %concatenate3A_1427 {offsets = [0, 72], sizes = [96, 24], strides = [1, 1]} : vector<96x192xf32> to vector<96x24xf32>
    %dot_general3A_1442 = arith.constant dense<0.000000e+00> : vector<64x96xf32>
    %dot_general3A_1443 = tpu.matmul %slice3A_1440, %slice3A_1441, %dot_general3A_1442 {dimension_numbers = #tpu.dot_dimension_numbers<[1], [1], [0], [0], [0, 0, 1, 0], [], []>, transpose_lhs_hint = false} : vector<64x24xf32>, vector<96x24xf32>, vector<64x96xf32> -> vector<64x96xf32>
    %slice3A_1444 = vector.extract_strided_slice %reshape3A_1408 {offsets = [0, 96], sizes = [64, 24], strides = [1, 1]} : vector<64x192xf32> to vector<64x24xf32>
    %slice3A_1445 = vector.extract_strided_slice %concatenate3A_1427 {offsets = [0, 96], sizes = [96, 24], strides = [1, 1]} : vector<96x192xf32> to vector<96x24xf32>
    %dot_general3A_1446 = arith.constant dense<0.000000e+00> : vector<64x96xf32>
    %dot_general3A_1447 = tpu.matmul %slice3A_1444, %slice3A_1445, %dot_general3A_1446 {dimension_numbers = #tpu.dot_dimension_numbers<[1], [1], [0], [0], [0, 0, 1, 0], [], []>, transpose_lhs_hint = false} : vector<64x24xf32>, vector<96x24xf32>, vector<64x96xf32> -> vector<64x96xf32>
    %slice3A_1448 = vector.extract_strided_slice %reshape3A_1408 {offsets = [0, 120], sizes = [64, 24], strides = [1, 1]} : vector<64x192xf32> to vector<64x24xf32>
    %slice3A_1449 = vector.extract_strided_slice %concatenate3A_1427 {offsets = [0, 120], sizes = [96, 24], strides = [1, 1]} : vector<96x192xf32> to vector<96x24xf32>
    %dot_general3A_1450 = arith.constant dense<0.000000e+00> : vector<64x96xf32>
    %dot_general3A_1451 = tpu.matmul %slice3A_1448, %slice3A_1449, %dot_general3A_1450 {dimension_numbers = #tpu.dot_dimension_numbers<[1], [1], [0], [0], [0, 0, 1, 0], [], []>, transpose_lhs_hint = false} : vector<64x24xf32>, vector<96x24xf32>, vector<64x96xf32> -> vector<64x96xf32>
    %slice3A_1452 = vector.extract_strided_slice %reshape3A_1408 {offsets = [0, 144], sizes = [64, 24], strides = [1, 1]} : vector<64x192xf32> to vector<64x24xf32>
    %slice3A_1453 = vector.extract_strided_slice %concatenate3A_1427 {offsets = [0, 144], sizes = [96, 24], strides = [1, 1]} : vector<96x192xf32> to vector<96x24xf32>
    %dot_general3A_1454 = arith.constant dense<0.000000e+00> : vector<64x96xf32>
    %dot_general3A_1455 = tpu.matmul %slice3A_1452, %slice3A_1453, %dot_general3A_1454 {dimension_numbers = #tpu.dot_dimension_numbers<[1], [1], [0], [0], [0, 0, 1, 0], [], []>, transpose_lhs_hint = false} : vector<64x24xf32>, vector<96x24xf32>, vector<64x96xf32> -> vector<64x96xf32>
    %slice3A_1456 = vector.extract_strided_slice %reshape3A_1408 {offsets = [0, 168], sizes = [64, 24], strides = [1, 1]} : vector<64x192xf32> to vector<64x24xf32>
    %slice3A_1457 = vector.extract_strided_slice %concatenate3A_1427 {offsets = [0, 168], sizes = [96, 24], strides = [1, 1]} : vector<96x192xf32> to vector<96x24xf32>
    %dot_general3A_1458 = arith.constant dense<0.000000e+00> : vector<64x96xf32>
    %dot_general3A_1459 = tpu.matmul %slice3A_1456, %slice3A_1457, %dot_general3A_1458 {dimension_numbers = #tpu.dot_dimension_numbers<[1], [1], [0], [0], [0, 0, 1, 0], [], []>, transpose_lhs_hint = false} : vector<64x24xf32>, vector<96x24xf32>, vector<64x96xf32> -> vector<64x96xf32>
    %stack3A_1460 = vector.shape_cast %dot_general3A_1431 : vector<64x96xf32> to vector<1x64x96xf32>
    %stack3A_1461 = vector.shape_cast %dot_general3A_1435 : vector<64x96xf32> to vector<1x64x96xf32>
    %stack3A_1462 = vector.shape_cast %dot_general3A_1439 : vector<64x96xf32> to vector<1x64x96xf32>
    %stack3A_1463 = vector.shape_cast %dot_general3A_1443 : vector<64x96xf32> to vector<1x64x96xf32>
    %stack3A_1464 = vector.shape_cast %dot_general3A_1447 : vector<64x96xf32> to vector<1x64x96xf32>
    %stack3A_1465 = vector.shape_cast %dot_general3A_1451 : vector<64x96xf32> to vector<1x64x96xf32>
    %stack3A_1466 = vector.shape_cast %dot_general3A_1455 : vector<64x96xf32> to vector<1x64x96xf32>
    %stack3A_1467 = vector.shape_cast %dot_general3A_1459 : vector<64x96xf32> to vector<1x64x96xf32>
    %stack3A_1468 = tpu.concatenate %stack3A_1460, %stack3A_1461, %stack3A_1462, %stack3A_1463, %stack3A_1464, %stack3A_1465, %stack3A_1466, %stack3A_1467 in 0 : vector<1x64x96xf32>, vector<1x64x96xf32>, vector<1x64x96xf32>, vector<1x64x96xf32>, vector<1x64x96xf32>, vector<1x64x96xf32>, vector<1x64x96xf32>, vector<1x64x96xf32> -> vector<8x64x96xf32>
    %exp3A_1469 = math.exp %stack3A_1468 : vector<8x64x96xf32>
    %reshape3A_1470 = vector.shape_cast %exp3A_1469 : vector<8x64x96xf32> to vector<512x96xf32>
    %broadcast_in_dim3A_1471 = arith.constant 1.000000e+00 : f32
    %broadcast_in_dim3A_1472 = vector.broadcast %broadcast_in_dim3A_1471 : f32 to vector<96x96xf32>
    %dot_general3A_1473 = arith.constant dense<0.000000e+00> : vector<512x96xf32>
    %dot_general3A_1474 = tpu.matmul %reshape3A_1470, %broadcast_in_dim3A_1472, %dot_general3A_1473 {dimension_numbers = #tpu.dot_dimension_numbers<[1], [0], [0], [1], [0, 0, 1, 1], [], []>, transpose_lhs_hint = false} : vector<512x96xf32>, vector<96x96xf32>, vector<512x96xf32> -> vector<512x96xf32>
    %div3A_1475 = arith.divf %reshape3A_1470, %dot_general3A_1474 : vector<512x96xf32>
    %reshape3A_1476 = vector.shape_cast %div3A_1475 : vector<512x96xf32> to vector<8x64x96xf32>
    %swap3A_1477 = arith.constant 0 : index
    %swap3A_1478 = arith.constant 0 : index
    %swap3A_1479 = arith.constant 18 : index
    %swap3A_1480 = arith.constant 0 : index
    %swap3A_1481 = arith.constant 0 : index
    %swap3A_1482 = vector.load %arg6[%swap3A_1477, %swap3A_1478, %swap3A_1479, %swap3A_1480, %swap3A_1481] : memref<8x1x28x64x96xf32, #tpu.memory_space<vmem>>, vector<8x1x1x64x96xf32>
    %swap3A_1483 = vector.shape_cast %swap3A_1482 : vector<8x1x1x64x96xf32> to vector<8x64x96xf32>
    %swap3A_1484 = vector.shape_cast %reshape3A_1476 : vector<8x64x96xf32> to vector<8x1x1x64x96xf32>
    tpu.vector_store %arg6[%swap3A_1477, %swap3A_1478, %swap3A_1479, %swap3A_1480, %swap3A_1481], %swap3A_1484 {strides = array<i32>} : memref<8x1x28x64x96xf32, #tpu.memory_space<vmem>>, vector<8x1x1x64x96xf32>,
    %slice3A_1485 = vector.extract_strided_slice %get3A_5 {offsets = [0, 152, 0], sizes = [8, 8, 192], strides = [1, 1, 1]} : vector<8x224x192xf32> to vector<8x8x192xf32>
    %reshape3A_1486 = vector.shape_cast %slice3A_1485 : vector<8x8x192xf32> to vector<64x192xf32>
    %slice3A_1487 = vector.extract_strided_slice %get3A_12 {offsets = [0, 152, 0], sizes = [8, 8, 192], strides = [1, 1, 1]} : vector<8x224x256xf32> to vector<8x8x192xf32>
    %reshape3A_1488 = vector.shape_cast %slice3A_1487 : vector<8x8x192xf32> to vector<64x192xf32>
    %get3A_1489 = arith.constant 0 : index
    %get3A_1490 = arith.constant 0 : index
    %get3A_1491 = arith.constant 19 : index
    %get3A_1492 = arith.constant 0 : index
    %get3A_1493 = arith.constant 0 : index
    %get3A_1494 = vector.load %arg4[%get3A_1489, %get3A_1490, %get3A_1491, %get3A_1492, %get3A_1493] : memref<1x1x28x32x256xf32, #tpu.memory_space<vmem>>, vector<1x1x1x32x192xf32>
    %get3A_1495 = vector.shape_cast %get3A_1494 : vector<1x1x1x32x192xf32> to vector<32x192xf32>
    %get3A_1496 = arith.constant 0 : index
    %get3A_1497 = arith.constant 0 : index
    %get3A_1498 = arith.constant 19 : index
    %get3A_1499 = arith.constant 0 : index
    %get3A_1500 = arith.constant 0 : index
    %get3A_1501 = vector.load %arg5[%get3A_1496, %get3A_1497, %get3A_1498, %get3A_1499, %get3A_1500] : memref<1x1x28x32x1xf32, #tpu.memory_space<vmem>>, vector<1x1x1x32x1xf32>
    %get3A_1502 = vector.shape_cast %get3A_1501 : vector<1x1x1x32x1xf32> to vector<32x1xf32>
    %mul3A_1503 = vector.broadcast %get3A_1502 : vector<32x1xf32> to vector<32x192xf32>
    %mul3A_1504 = arith.mulf %get3A_1495, %mul3A_1503 : vector<32x192xf32>
    %concatenate3A_1505 = tpu.concatenate %reshape3A_1488, %mul3A_1504 in 0 : vector<64x192xf32>, vector<32x192xf32> -> vector<96x192xf32>
    %slice3A_1506 = vector.extract_strided_slice %reshape3A_1486 {offsets = [0, 0], sizes = [64, 24], strides = [1, 1]} : vector<64x192xf32> to vector<64x24xf32>
    %slice3A_1507 = vector.extract_strided_slice %concatenate3A_1505 {offsets = [0, 0], sizes = [96, 24], strides = [1, 1]} : vector<96x192xf32> to vector<96x24xf32>
    %dot_general3A_1508 = arith.constant dense<0.000000e+00> : vector<64x96xf32>
    %dot_general3A_1509 = tpu.matmul %slice3A_1506, %slice3A_1507, %dot_general3A_1508 {dimension_numbers = #tpu.dot_dimension_numbers<[1], [1], [0], [0], [0, 0, 1, 0], [], []>, transpose_lhs_hint = false} : vector<64x24xf32>, vector<96x24xf32>, vector<64x96xf32> -> vector<64x96xf32>
    %slice3A_1510 = vector.extract_strided_slice %reshape3A_1486 {offsets = [0, 24], sizes = [64, 24], strides = [1, 1]} : vector<64x192xf32> to vector<64x24xf32>
    %slice3A_1511 = vector.extract_strided_slice %concatenate3A_1505 {offsets = [0, 24], sizes = [96, 24], strides = [1, 1]} : vector<96x192xf32> to vector<96x24xf32>
    %dot_general3A_1512 = arith.constant dense<0.000000e+00> : vector<64x96xf32>
    %dot_general3A_1513 = tpu.matmul %slice3A_1510, %slice3A_1511, %dot_general3A_1512 {dimension_numbers = #tpu.dot_dimension_numbers<[1], [1], [0], [0], [0, 0, 1, 0], [], []>, transpose_lhs_hint = false} : vector<64x24xf32>, vector<96x24xf32>, vector<64x96xf32> -> vector<64x96xf32>
    %slice3A_1514 = vector.extract_strided_slice %reshape3A_1486 {offsets = [0, 48], sizes = [64, 24], strides = [1, 1]} : vector<64x192xf32> to vector<64x24xf32>
    %slice3A_1515 = vector.extract_strided_slice %concatenate3A_1505 {offsets = [0, 48], sizes = [96, 24], strides = [1, 1]} : vector<96x192xf32> to vector<96x24xf32>
    %dot_general3A_1516 = arith.constant dense<0.000000e+00> : vector<64x96xf32>
    %dot_general3A_1517 = tpu.matmul %slice3A_1514, %slice3A_1515, %dot_general3A_1516 {dimension_numbers = #tpu.dot_dimension_numbers<[1], [1], [0], [0], [0, 0, 1, 0], [], []>, transpose_lhs_hint = false} : vector<64x24xf32>, vector<96x24xf32>, vector<64x96xf32> -> vector<64x96xf32>
    %slice3A_1518 = vector.extract_strided_slice %reshape3A_1486 {offsets = [0, 72], sizes = [64, 24], strides = [1, 1]} : vector<64x192xf32> to vector<64x24xf32>
    %slice3A_1519 = vector.extract_strided_slice %concatenate3A_1505 {offsets = [0, 72], sizes = [96, 24], strides = [1, 1]} : vector<96x192xf32> to vector<96x24xf32>
    %dot_general3A_1520 = arith.constant dense<0.000000e+00> : vector<64x96xf32>
    %dot_general3A_1521 = tpu.matmul %slice3A_1518, %slice3A_1519, %dot_general3A_1520 {dimension_numbers = #tpu.dot_dimension_numbers<[1], [1], [0], [0], [0, 0, 1, 0], [], []>, transpose_lhs_hint = false} : vector<64x24xf32>, vector<96x24xf32>, vector<64x96xf32> -> vector<64x96xf32>
    %slice3A_1522 = vector.extract_strided_slice %reshape3A_1486 {offsets = [0, 96], sizes = [64, 24], strides = [1, 1]} : vector<64x192xf32> to vector<64x24xf32>
    %slice3A_1523 = vector.extract_strided_slice %concatenate3A_1505 {offsets = [0, 96], sizes = [96, 24], strides = [1, 1]} : vector<96x192xf32> to vector<96x24xf32>
    %dot_general3A_1524 = arith.constant dense<0.000000e+00> : vector<64x96xf32>
    %dot_general3A_1525 = tpu.matmul %slice3A_1522, %slice3A_1523, %dot_general3A_1524 {dimension_numbers = #tpu.dot_dimension_numbers<[1], [1], [0], [0], [0, 0, 1, 0], [], []>, transpose_lhs_hint = false} : vector<64x24xf32>, vector<96x24xf32>, vector<64x96xf32> -> vector<64x96xf32>
    %slice3A_1526 = vector.extract_strided_slice %reshape3A_1486 {offsets = [0, 120], sizes = [64, 24], strides = [1, 1]} : vector<64x192xf32> to vector<64x24xf32>
    %slice3A_1527 = vector.extract_strided_slice %concatenate3A_1505 {offsets = [0, 120], sizes = [96, 24], strides = [1, 1]} : vector<96x192xf32> to vector<96x24xf32>
    %dot_general3A_1528 = arith.constant dense<0.000000e+00> : vector<64x96xf32>
    %dot_general3A_1529 = tpu.matmul %slice3A_1526, %slice3A_1527, %dot_general3A_1528 {dimension_numbers = #tpu.dot_dimension_numbers<[1], [1], [0], [0], [0, 0, 1, 0], [], []>, transpose_lhs_hint = false} : vector<64x24xf32>, vector<96x24xf32>, vector<64x96xf32> -> vector<64x96xf32>
    %slice3A_1530 = vector.extract_strided_slice %reshape3A_1486 {offsets = [0, 144], sizes = [64, 24], strides = [1, 1]} : vector<64x192xf32> to vector<64x24xf32>
    %slice3A_1531 = vector.extract_strided_slice %concatenate3A_1505 {offsets = [0, 144], sizes = [96, 24], strides = [1, 1]} : vector<96x192xf32> to vector<96x24xf32>
    %dot_general3A_1532 = arith.constant dense<0.000000e+00> : vector<64x96xf32>
    %dot_general3A_1533 = tpu.matmul %slice3A_1530, %slice3A_1531, %dot_general3A_1532 {dimension_numbers = #tpu.dot_dimension_numbers<[1], [1], [0], [0], [0, 0, 1, 0], [], []>, transpose_lhs_hint = false} : vector<64x24xf32>, vector<96x24xf32>, vector<64x96xf32> -> vector<64x96xf32>
    %slice3A_1534 = vector.extract_strided_slice %reshape3A_1486 {offsets = [0, 168], sizes = [64, 24], strides = [1, 1]} : vector<64x192xf32> to vector<64x24xf32>
    %slice3A_1535 = vector.extract_strided_slice %concatenate3A_1505 {offsets = [0, 168], sizes = [96, 24], strides = [1, 1]} : vector<96x192xf32> to vector<96x24xf32>
    %dot_general3A_1536 = arith.constant dense<0.000000e+00> : vector<64x96xf32>
    %dot_general3A_1537 = tpu.matmul %slice3A_1534, %slice3A_1535, %dot_general3A_1536 {dimension_numbers = #tpu.dot_dimension_numbers<[1], [1], [0], [0], [0, 0, 1, 0], [], []>, transpose_lhs_hint = false} : vector<64x24xf32>, vector<96x24xf32>, vector<64x96xf32> -> vector<64x96xf32>
    %stack3A_1538 = vector.shape_cast %dot_general3A_1509 : vector<64x96xf32> to vector<1x64x96xf32>
    %stack3A_1539 = vector.shape_cast %dot_general3A_1513 : vector<64x96xf32> to vector<1x64x96xf32>
    %stack3A_1540 = vector.shape_cast %dot_general3A_1517 : vector<64x96xf32> to vector<1x64x96xf32>
    %stack3A_1541 = vector.shape_cast %dot_general3A_1521 : vector<64x96xf32> to vector<1x64x96xf32>
    %stack3A_1542 = vector.shape_cast %dot_general3A_1525 : vector<64x96xf32> to vector<1x64x96xf32>
    %stack3A_1543 = vector.shape_cast %dot_general3A_1529 : vector<64x96xf32> to vector<1x64x96xf32>
    %stack3A_1544 = vector.shape_cast %dot_general3A_1533 : vector<64x96xf32> to vector<1x64x96xf32>
    %stack3A_1545 = vector.shape_cast %dot_general3A_1537 : vector<64x96xf32> to vector<1x64x96xf32>
    %stack3A_1546 = tpu.concatenate %stack3A_1538, %stack3A_1539, %stack3A_1540, %stack3A_1541, %stack3A_1542, %stack3A_1543, %stack3A_1544, %stack3A_1545 in 0 : vector<1x64x96xf32>, vector<1x64x96xf32>, vector<1x64x96xf32>, vector<1x64x96xf32>, vector<1x64x96xf32>, vector<1x64x96xf32>, vector<1x64x96xf32>, vector<1x64x96xf32> -> vector<8x64x96xf32>
    %exp3A_1547 = math.exp %stack3A_1546 : vector<8x64x96xf32>
    %reshape3A_1548 = vector.shape_cast %exp3A_1547 : vector<8x64x96xf32> to vector<512x96xf32>
    %broadcast_in_dim3A_1549 = arith.constant 1.000000e+00 : f32
    %broadcast_in_dim3A_1550 = vector.broadcast %broadcast_in_dim3A_1549 : f32 to vector<96x96xf32>
    %dot_general3A_1551 = arith.constant dense<0.000000e+00> : vector<512x96xf32>
    %dot_general3A_1552 = tpu.matmul %reshape3A_1548, %broadcast_in_dim3A_1550, %dot_general3A_1551 {dimension_numbers = #tpu.dot_dimension_numbers<[1], [0], [0], [1], [0, 0, 1, 1], [], []>, transpose_lhs_hint = false} : vector<512x96xf32>, vector<96x96xf32>, vector<512x96xf32> -> vector<512x96xf32>
    %div3A_1553 = arith.divf %reshape3A_1548, %dot_general3A_1552 : vector<512x96xf32>
    %reshape3A_1554 = vector.shape_cast %div3A_1553 : vector<512x96xf32> to vector<8x64x96xf32>
    %swap3A_1555 = arith.constant 0 : index
    %swap3A_1556 = arith.constant 0 : index
    %swap3A_1557 = arith.constant 19 : index
    %swap3A_1558 = arith.constant 0 : index
    %swap3A_1559 = arith.constant 0 : index
    %swap3A_1560 = vector.load %arg6[%swap3A_1555, %swap3A_1556, %swap3A_1557, %swap3A_1558, %swap3A_1559] : memref<8x1x28x64x96xf32, #tpu.memory_space<vmem>>, vector<8x1x1x64x96xf32>
    %swap3A_1561 = vector.shape_cast %swap3A_1560 : vector<8x1x1x64x96xf32> to vector<8x64x96xf32>
    %swap3A_1562 = vector.shape_cast %reshape3A_1554 : vector<8x64x96xf32> to vector<8x1x1x64x96xf32>
    tpu.vector_store %arg6[%swap3A_1555, %swap3A_1556, %swap3A_1557, %swap3A_1558, %swap3A_1559], %swap3A_1562 {strides = array<i32>} : memref<8x1x28x64x96xf32, #tpu.memory_space<vmem>>, vector<8x1x1x64x96xf32>,
    %slice3A_1563 = vector.extract_strided_slice %get3A_5 {offsets = [0, 160, 0], sizes = [8, 8, 192], strides = [1, 1, 1]} : vector<8x224x192xf32> to vector<8x8x192xf32>
    %reshape3A_1564 = vector.shape_cast %slice3A_1563 : vector<8x8x192xf32> to vector<64x192xf32>
    %slice3A_1565 = vector.extract_strided_slice %get3A_12 {offsets = [0, 160, 0], sizes = [8, 8, 192], strides = [1, 1, 1]} : vector<8x224x256xf32> to vector<8x8x192xf32>
    %reshape3A_1566 = vector.shape_cast %slice3A_1565 : vector<8x8x192xf32> to vector<64x192xf32>
    %get3A_1567 = arith.constant 0 : index
    %get3A_1568 = arith.constant 0 : index
    %get3A_1569 = arith.constant 20 : index
    %get3A_1570 = arith.constant 0 : index
    %get3A_1571 = arith.constant 0 : index
    %get3A_1572 = vector.load %arg4[%get3A_1567, %get3A_1568, %get3A_1569, %get3A_1570, %get3A_1571] : memref<1x1x28x32x256xf32, #tpu.memory_space<vmem>>, vector<1x1x1x32x192xf32>
    %get3A_1573 = vector.shape_cast %get3A_1572 : vector<1x1x1x32x192xf32> to vector<32x192xf32>
    %get3A_1574 = arith.constant 0 : index
    %get3A_1575 = arith.constant 0 : index
    %get3A_1576 = arith.constant 20 : index
    %get3A_1577 = arith.constant 0 : index
    %get3A_1578 = arith.constant 0 : index
    %get3A_1579 = vector.load %arg5[%get3A_1574, %get3A_1575, %get3A_1576, %get3A_1577, %get3A_1578] : memref<1x1x28x32x1xf32, #tpu.memory_space<vmem>>, vector<1x1x1x32x1xf32>
    %get3A_1580 = vector.shape_cast %get3A_1579 : vector<1x1x1x32x1xf32> to vector<32x1xf32>
    %mul3A_1581 = vector.broadcast %get3A_1580 : vector<32x1xf32> to vector<32x192xf32>
    %mul3A_1582 = arith.mulf %get3A_1573, %mul3A_1581 : vector<32x192xf32>
    %concatenate3A_1583 = tpu.concatenate %reshape3A_1566, %mul3A_1582 in 0 : vector<64x192xf32>, vector<32x192xf32> -> vector<96x192xf32>
    %slice3A_1584 = vector.extract_strided_slice %reshape3A_1564 {offsets = [0, 0], sizes = [64, 24], strides = [1, 1]} : vector<64x192xf32> to vector<64x24xf32>
    %slice3A_1585 = vector.extract_strided_slice %concatenate3A_1583 {offsets = [0, 0], sizes = [96, 24], strides = [1, 1]} : vector<96x192xf32> to vector<96x24xf32>
    %dot_general3A_1586 = arith.constant dense<0.000000e+00> : vector<64x96xf32>
    %dot_general3A_1587 = tpu.matmul %slice3A_1584, %slice3A_1585, %dot_general3A_1586 {dimension_numbers = #tpu.dot_dimension_numbers<[1], [1], [0], [0], [0, 0, 1, 0], [], []>, transpose_lhs_hint = false} : vector<64x24xf32>, vector<96x24xf32>, vector<64x96xf32> -> vector<64x96xf32>
    %slice3A_1588 = vector.extract_strided_slice %reshape3A_1564 {offsets = [0, 24], sizes = [64, 24], strides = [1, 1]} : vector<64x192xf32> to vector<64x24xf32>
    %slice3A_1589 = vector.extract_strided_slice %concatenate3A_1583 {offsets = [0, 24], sizes = [96, 24], strides = [1, 1]} : vector<96x192xf32> to vector<96x24xf32>
    %dot_general3A_1590 = arith.constant dense<0.000000e+00> : vector<64x96xf32>
    %dot_general3A_1591 = tpu.matmul %slice3A_1588, %slice3A_1589, %dot_general3A_1590 {dimension_numbers = #tpu.dot_dimension_numbers<[1], [1], [0], [0], [0, 0, 1, 0], [], []>, transpose_lhs_hint = false} : vector<64x24xf32>, vector<96x24xf32>, vector<64x96xf32> -> vector<64x96xf32>
    %slice3A_1592 = vector.extract_strided_slice %reshape3A_1564 {offsets = [0, 48], sizes = [64, 24], strides = [1, 1]} : vector<64x192xf32> to vector<64x24xf32>
    %slice3A_1593 = vector.extract_strided_slice %concatenate3A_1583 {offsets = [0, 48], sizes = [96, 24], strides = [1, 1]} : vector<96x192xf32> to vector<96x24xf32>
    %dot_general3A_1594 = arith.constant dense<0.000000e+00> : vector<64x96xf32>
    %dot_general3A_1595 = tpu.matmul %slice3A_1592, %slice3A_1593, %dot_general3A_1594 {dimension_numbers = #tpu.dot_dimension_numbers<[1], [1], [0], [0], [0, 0, 1, 0], [], []>, transpose_lhs_hint = false} : vector<64x24xf32>, vector<96x24xf32>, vector<64x96xf32> -> vector<64x96xf32>
    %slice3A_1596 = vector.extract_strided_slice %reshape3A_1564 {offsets = [0, 72], sizes = [64, 24], strides = [1, 1]} : vector<64x192xf32> to vector<64x24xf32>
    %slice3A_1597 = vector.extract_strided_slice %concatenate3A_1583 {offsets = [0, 72], sizes = [96, 24], strides = [1, 1]} : vector<96x192xf32> to vector<96x24xf32>
    %dot_general3A_1598 = arith.constant dense<0.000000e+00> : vector<64x96xf32>
    %dot_general3A_1599 = tpu.matmul %slice3A_1596, %slice3A_1597, %dot_general3A_1598 {dimension_numbers = #tpu.dot_dimension_numbers<[1], [1], [0], [0], [0, 0, 1, 0], [], []>, transpose_lhs_hint = false} : vector<64x24xf32>, vector<96x24xf32>, vector<64x96xf32> -> vector<64x96xf32>
    %slice3A_1600 = vector.extract_strided_slice %reshape3A_1564 {offsets = [0, 96], sizes = [64, 24], strides = [1, 1]} : vector<64x192xf32> to vector<64x24xf32>
    %slice3A_1601 = vector.extract_strided_slice %concatenate3A_1583 {offsets = [0, 96], sizes = [96, 24], strides = [1, 1]} : vector<96x192xf32> to vector<96x24xf32>
    %dot_general3A_1602 = arith.constant dense<0.000000e+00> : vector<64x96xf32>
    %dot_general3A_1603 = tpu.matmul %slice3A_1600, %slice3A_1601, %dot_general3A_1602 {dimension_numbers = #tpu.dot_dimension_numbers<[1], [1], [0], [0], [0, 0, 1, 0], [], []>, transpose_lhs_hint = false} : vector<64x24xf32>, vector<96x24xf32>, vector<64x96xf32> -> vector<64x96xf32>
    %slice3A_1604 = vector.extract_strided_slice %reshape3A_1564 {offsets = [0, 120], sizes = [64, 24], strides = [1, 1]} : vector<64x192xf32> to vector<64x24xf32>
    %slice3A_1605 = vector.extract_strided_slice %concatenate3A_1583 {offsets = [0, 120], sizes = [96, 24], strides = [1, 1]} : vector<96x192xf32> to vector<96x24xf32>
    %dot_general3A_1606 = arith.constant dense<0.000000e+00> : vector<64x96xf32>
    %dot_general3A_1607 = tpu.matmul %slice3A_1604, %slice3A_1605, %dot_general3A_1606 {dimension_numbers = #tpu.dot_dimension_numbers<[1], [1], [0], [0], [0, 0, 1, 0], [], []>, transpose_lhs_hint = false} : vector<64x24xf32>, vector<96x24xf32>, vector<64x96xf32> -> vector<64x96xf32>
    %slice3A_1608 = vector.extract_strided_slice %reshape3A_1564 {offsets = [0, 144], sizes = [64, 24], strides = [1, 1]} : vector<64x192xf32> to vector<64x24xf32>
    %slice3A_1609 = vector.extract_strided_slice %concatenate3A_1583 {offsets = [0, 144], sizes = [96, 24], strides = [1, 1]} : vector<96x192xf32> to vector<96x24xf32>
    %dot_general3A_1610 = arith.constant dense<0.000000e+00> : vector<64x96xf32>
    %dot_general3A_1611 = tpu.matmul %slice3A_1608, %slice3A_1609, %dot_general3A_1610 {dimension_numbers = #tpu.dot_dimension_numbers<[1], [1], [0], [0], [0, 0, 1, 0], [], []>, transpose_lhs_hint = false} : vector<64x24xf32>, vector<96x24xf32>, vector<64x96xf32> -> vector<64x96xf32>
    %slice3A_1612 = vector.extract_strided_slice %reshape3A_1564 {offsets = [0, 168], sizes = [64, 24], strides = [1, 1]} : vector<64x192xf32> to vector<64x24xf32>
    %slice3A_1613 = vector.extract_strided_slice %concatenate3A_1583 {offsets = [0, 168], sizes = [96, 24], strides = [1, 1]} : vector<96x192xf32> to vector<96x24xf32>
    %dot_general3A_1614 = arith.constant dense<0.000000e+00> : vector<64x96xf32>
    %dot_general3A_1615 = tpu.matmul %slice3A_1612, %slice3A_1613, %dot_general3A_1614 {dimension_numbers = #tpu.dot_dimension_numbers<[1], [1], [0], [0], [0, 0, 1, 0], [], []>, transpose_lhs_hint = false} : vector<64x24xf32>, vector<96x24xf32>, vector<64x96xf32> -> vector<64x96xf32>
    %stack3A_1616 = vector.shape_cast %dot_general3A_1587 : vector<64x96xf32> to vector<1x64x96xf32>
    %stack3A_1617 = vector.shape_cast %dot_general3A_1591 : vector<64x96xf32> to vector<1x64x96xf32>
    %stack3A_1618 = vector.shape_cast %dot_general3A_1595 : vector<64x96xf32> to vector<1x64x96xf32>
    %stack3A_1619 = vector.shape_cast %dot_general3A_1599 : vector<64x96xf32> to vector<1x64x96xf32>
    %stack3A_1620 = vector.shape_cast %dot_general3A_1603 : vector<64x96xf32> to vector<1x64x96xf32>
    %stack3A_1621 = vector.shape_cast %dot_general3A_1607 : vector<64x96xf32> to vector<1x64x96xf32>
    %stack3A_1622 = vector.shape_cast %dot_general3A_1611 : vector<64x96xf32> to vector<1x64x96xf32>
    %stack3A_1623 = vector.shape_cast %dot_general3A_1615 : vector<64x96xf32> to vector<1x64x96xf32>
    %stack3A_1624 = tpu.concatenate %stack3A_1616, %stack3A_1617, %stack3A_1618, %stack3A_1619, %stack3A_1620, %stack3A_1621, %stack3A_1622, %stack3A_1623 in 0 : vector<1x64x96xf32>, vector<1x64x96xf32>, vector<1x64x96xf32>, vector<1x64x96xf32>, vector<1x64x96xf32>, vector<1x64x96xf32>, vector<1x64x96xf32>, vector<1x64x96xf32> -> vector<8x64x96xf32>
    %exp3A_1625 = math.exp %stack3A_1624 : vector<8x64x96xf32>
    %reshape3A_1626 = vector.shape_cast %exp3A_1625 : vector<8x64x96xf32> to vector<512x96xf32>
    %broadcast_in_dim3A_1627 = arith.constant 1.000000e+00 : f32
    %broadcast_in_dim3A_1628 = vector.broadcast %broadcast_in_dim3A_1627 : f32 to vector<96x96xf32>
    %dot_general3A_1629 = arith.constant dense<0.000000e+00> : vector<512x96xf32>
    %dot_general3A_1630 = tpu.matmul %reshape3A_1626, %broadcast_in_dim3A_1628, %dot_general3A_1629 {dimension_numbers = #tpu.dot_dimension_numbers<[1], [0], [0], [1], [0, 0, 1, 1], [], []>, transpose_lhs_hint = false} : vector<512x96xf32>, vector<96x96xf32>, vector<512x96xf32> -> vector<512x96xf32>
    %div3A_1631 = arith.divf %reshape3A_1626, %dot_general3A_1630 : vector<512x96xf32>
    %reshape3A_1632 = vector.shape_cast %div3A_1631 : vector<512x96xf32> to vector<8x64x96xf32>
    %swap3A_1633 = arith.constant 0 : index
    %swap3A_1634 = arith.constant 0 : index
    %swap3A_1635 = arith.constant 20 : index
    %swap3A_1636 = arith.constant 0 : index
    %swap3A_1637 = arith.constant 0 : index
    %swap3A_1638 = vector.load %arg6[%swap3A_1633, %swap3A_1634, %swap3A_1635, %swap3A_1636, %swap3A_1637] : memref<8x1x28x64x96xf32, #tpu.memory_space<vmem>>, vector<8x1x1x64x96xf32>
    %swap3A_1639 = vector.shape_cast %swap3A_1638 : vector<8x1x1x64x96xf32> to vector<8x64x96xf32>
    %swap3A_1640 = vector.shape_cast %reshape3A_1632 : vector<8x64x96xf32> to vector<8x1x1x64x96xf32>
    tpu.vector_store %arg6[%swap3A_1633, %swap3A_1634, %swap3A_1635, %swap3A_1636, %swap3A_1637], %swap3A_1640 {strides = array<i32>} : memref<8x1x28x64x96xf32, #tpu.memory_space<vmem>>, vector<8x1x1x64x96xf32>,
    %slice3A_1641 = vector.extract_strided_slice %get3A_5 {offsets = [0, 168, 0], sizes = [8, 8, 192], strides = [1, 1, 1]} : vector<8x224x192xf32> to vector<8x8x192xf32>
    %reshape3A_1642 = vector.shape_cast %slice3A_1641 : vector<8x8x192xf32> to vector<64x192xf32>
    %slice3A_1643 = vector.extract_strided_slice %get3A_12 {offsets = [0, 168, 0], sizes = [8, 8, 192], strides = [1, 1, 1]} : vector<8x224x256xf32> to vector<8x8x192xf32>
    %reshape3A_1644 = vector.shape_cast %slice3A_1643 : vector<8x8x192xf32> to vector<64x192xf32>
    %get3A_1645 = arith.constant 0 : index
    %get3A_1646 = arith.constant 0 : index
    %get3A_1647 = arith.constant 21 : index
    %get3A_1648 = arith.constant 0 : index
    %get3A_1649 = arith.constant 0 : index
    %get3A_1650 = vector.load %arg4[%get3A_1645, %get3A_1646, %get3A_1647, %get3A_1648, %get3A_1649] : memref<1x1x28x32x256xf32, #tpu.memory_space<vmem>>, vector<1x1x1x32x192xf32>
    %get3A_1651 = vector.shape_cast %get3A_1650 : vector<1x1x1x32x192xf32> to vector<32x192xf32>
    %get3A_1652 = arith.constant 0 : index
    %get3A_1653 = arith.constant 0 : index
    %get3A_1654 = arith.constant 21 : index
    %get3A_1655 = arith.constant 0 : index
    %get3A_1656 = arith.constant 0 : index
    %get3A_1657 = vector.load %arg5[%get3A_1652, %get3A_1653, %get3A_1654, %get3A_1655, %get3A_1656] : memref<1x1x28x32x1xf32, #tpu.memory_space<vmem>>, vector<1x1x1x32x1xf32>
    %get3A_1658 = vector.shape_cast %get3A_1657 : vector<1x1x1x32x1xf32> to vector<32x1xf32>
    %mul3A_1659 = vector.broadcast %get3A_1658 : vector<32x1xf32> to vector<32x192xf32>
    %mul3A_1660 = arith.mulf %get3A_1651, %mul3A_1659 : vector<32x192xf32>
    %concatenate3A_1661 = tpu.concatenate %reshape3A_1644, %mul3A_1660 in 0 : vector<64x192xf32>, vector<32x192xf32> -> vector<96x192xf32>
    %slice3A_1662 = vector.extract_strided_slice %reshape3A_1642 {offsets = [0, 0], sizes = [64, 24], strides = [1, 1]} : vector<64x192xf32> to vector<64x24xf32>
    %slice3A_1663 = vector.extract_strided_slice %concatenate3A_1661 {offsets = [0, 0], sizes = [96, 24], strides = [1, 1]} : vector<96x192xf32> to vector<96x24xf32>
    %dot_general3A_1664 = arith.constant dense<0.000000e+00> : vector<64x96xf32>
    %dot_general3A_1665 = tpu.matmul %slice3A_1662, %slice3A_1663, %dot_general3A_1664 {dimension_numbers = #tpu.dot_dimension_numbers<[1], [1], [0], [0], [0, 0, 1, 0], [], []>, transpose_lhs_hint = false} : vector<64x24xf32>, vector<96x24xf32>, vector<64x96xf32> -> vector<64x96xf32>
    %slice3A_1666 = vector.extract_strided_slice %reshape3A_1642 {offsets = [0, 24], sizes = [64, 24], strides = [1, 1]} : vector<64x192xf32> to vector<64x24xf32>
    %slice3A_1667 = vector.extract_strided_slice %concatenate3A_1661 {offsets = [0, 24], sizes = [96, 24], strides = [1, 1]} : vector<96x192xf32> to vector<96x24xf32>
    %dot_general3A_1668 = arith.constant dense<0.000000e+00> : vector<64x96xf32>
    %dot_general3A_1669 = tpu.matmul %slice3A_1666, %slice3A_1667, %dot_general3A_1668 {dimension_numbers = #tpu.dot_dimension_numbers<[1], [1], [0], [0], [0, 0, 1, 0], [], []>, transpose_lhs_hint = false} : vector<64x24xf32>, vector<96x24xf32>, vector<64x96xf32> -> vector<64x96xf32>
    %slice3A_1670 = vector.extract_strided_slice %reshape3A_1642 {offsets = [0, 48], sizes = [64, 24], strides = [1, 1]} : vector<64x192xf32> to vector<64x24xf32>
    %slice3A_1671 = vector.extract_strided_slice %concatenate3A_1661 {offsets = [0, 48], sizes = [96, 24], strides = [1, 1]} : vector<96x192xf32> to vector<96x24xf32>
    %dot_general3A_1672 = arith.constant dense<0.000000e+00> : vector<64x96xf32>
    %dot_general3A_1673 = tpu.matmul %slice3A_1670, %slice3A_1671, %dot_general3A_1672 {dimension_numbers = #tpu.dot_dimension_numbers<[1], [1], [0], [0], [0, 0, 1, 0], [], []>, transpose_lhs_hint = false} : vector<64x24xf32>, vector<96x24xf32>, vector<64x96xf32> -> vector<64x96xf32>
    %slice3A_1674 = vector.extract_strided_slice %reshape3A_1642 {offsets = [0, 72], sizes = [64, 24], strides = [1, 1]} : vector<64x192xf32> to vector<64x24xf32>
    %slice3A_1675 = vector.extract_strided_slice %concatenate3A_1661 {offsets = [0, 72], sizes = [96, 24], strides = [1, 1]} : vector<96x192xf32> to vector<96x24xf32>
    %dot_general3A_1676 = arith.constant dense<0.000000e+00> : vector<64x96xf32>
    %dot_general3A_1677 = tpu.matmul %slice3A_1674, %slice3A_1675, %dot_general3A_1676 {dimension_numbers = #tpu.dot_dimension_numbers<[1], [1], [0], [0], [0, 0, 1, 0], [], []>, transpose_lhs_hint = false} : vector<64x24xf32>, vector<96x24xf32>, vector<64x96xf32> -> vector<64x96xf32>
    %slice3A_1678 = vector.extract_strided_slice %reshape3A_1642 {offsets = [0, 96], sizes = [64, 24], strides = [1, 1]} : vector<64x192xf32> to vector<64x24xf32>
    %slice3A_1679 = vector.extract_strided_slice %concatenate3A_1661 {offsets = [0, 96], sizes = [96, 24], strides = [1, 1]} : vector<96x192xf32> to vector<96x24xf32>
    %dot_general3A_1680 = arith.constant dense<0.000000e+00> : vector<64x96xf32>
    %dot_general3A_1681 = tpu.matmul %slice3A_1678, %slice3A_1679, %dot_general3A_1680 {dimension_numbers = #tpu.dot_dimension_numbers<[1], [1], [0], [0], [0, 0, 1, 0], [], []>, transpose_lhs_hint = false} : vector<64x24xf32>, vector<96x24xf32>, vector<64x96xf32> -> vector<64x96xf32>
    %slice3A_1682 = vector.extract_strided_slice %reshape3A_1642 {offsets = [0, 120], sizes = [64, 24], strides = [1, 1]} : vector<64x192xf32> to vector<64x24xf32>
    %slice3A_1683 = vector.extract_strided_slice %concatenate3A_1661 {offsets = [0, 120], sizes = [96, 24], strides = [1, 1]} : vector<96x192xf32> to vector<96x24xf32>
    %dot_general3A_1684 = arith.constant dense<0.000000e+00> : vector<64x96xf32>
    %dot_general3A_1685 = tpu.matmul %slice3A_1682, %slice3A_1683, %dot_general3A_1684 {dimension_numbers = #tpu.dot_dimension_numbers<[1], [1], [0], [0], [0, 0, 1, 0], [], []>, transpose_lhs_hint = false} : vector<64x24xf32>, vector<96x24xf32>, vector<64x96xf32> -> vector<64x96xf32>
    %slice3A_1686 = vector.extract_strided_slice %reshape3A_1642 {offsets = [0, 144], sizes = [64, 24], strides = [1, 1]} : vector<64x192xf32> to vector<64x24xf32>
    %slice3A_1687 = vector.extract_strided_slice %concatenate3A_1661 {offsets = [0, 144], sizes = [96, 24], strides = [1, 1]} : vector<96x192xf32> to vector<96x24xf32>
    %dot_general3A_1688 = arith.constant dense<0.000000e+00> : vector<64x96xf32>
    %dot_general3A_1689 = tpu.matmul %slice3A_1686, %slice3A_1687, %dot_general3A_1688 {dimension_numbers = #tpu.dot_dimension_numbers<[1], [1], [0], [0], [0, 0, 1, 0], [], []>, transpose_lhs_hint = false} : vector<64x24xf32>, vector<96x24xf32>, vector<64x96xf32> -> vector<64x96xf32>
    %slice3A_1690 = vector.extract_strided_slice %reshape3A_1642 {offsets = [0, 168], sizes = [64, 24], strides = [1, 1]} : vector<64x192xf32> to vector<64x24xf32>
    %slice3A_1691 = vector.extract_strided_slice %concatenate3A_1661 {offsets = [0, 168], sizes = [96, 24], strides = [1, 1]} : vector<96x192xf32> to vector<96x24xf32>
    %dot_general3A_1692 = arith.constant dense<0.000000e+00> : vector<64x96xf32>
    %dot_general3A_1693 = tpu.matmul %slice3A_1690, %slice3A_1691, %dot_general3A_1692 {dimension_numbers = #tpu.dot_dimension_numbers<[1], [1], [0], [0], [0, 0, 1, 0], [], []>, transpose_lhs_hint = false} : vector<64x24xf32>, vector<96x24xf32>, vector<64x96xf32> -> vector<64x96xf32>
    %stack3A_1694 = vector.shape_cast %dot_general3A_1665 : vector<64x96xf32> to vector<1x64x96xf32>
    %stack3A_1695 = vector.shape_cast %dot_general3A_1669 : vector<64x96xf32> to vector<1x64x96xf32>
    %stack3A_1696 = vector.shape_cast %dot_general3A_1673 : vector<64x96xf32> to vector<1x64x96xf32>
    %stack3A_1697 = vector.shape_cast %dot_general3A_1677 : vector<64x96xf32> to vector<1x64x96xf32>
    %stack3A_1698 = vector.shape_cast %dot_general3A_1681 : vector<64x96xf32> to vector<1x64x96xf32>
    %stack3A_1699 = vector.shape_cast %dot_general3A_1685 : vector<64x96xf32> to vector<1x64x96xf32>
    %stack3A_1700 = vector.shape_cast %dot_general3A_1689 : vector<64x96xf32> to vector<1x64x96xf32>
    %stack3A_1701 = vector.shape_cast %dot_general3A_1693 : vector<64x96xf32> to vector<1x64x96xf32>
    %stack3A_1702 = tpu.concatenate %stack3A_1694, %stack3A_1695, %stack3A_1696, %stack3A_1697, %stack3A_1698, %stack3A_1699, %stack3A_1700, %stack3A_1701 in 0 : vector<1x64x96xf32>, vector<1x64x96xf32>, vector<1x64x96xf32>, vector<1x64x96xf32>, vector<1x64x96xf32>, vector<1x64x96xf32>, vector<1x64x96xf32>, vector<1x64x96xf32> -> vector<8x64x96xf32>
    %exp3A_1703 = math.exp %stack3A_1702 : vector<8x64x96xf32>
    %reshape3A_1704 = vector.shape_cast %exp3A_1703 : vector<8x64x96xf32> to vector<512x96xf32>
    %broadcast_in_dim3A_1705 = arith.constant 1.000000e+00 : f32
    %broadcast_in_dim3A_1706 = vector.broadcast %broadcast_in_dim3A_1705 : f32 to vector<96x96xf32>
    %dot_general3A_1707 = arith.constant dense<0.000000e+00> : vector<512x96xf32>
    %dot_general3A_1708 = tpu.matmul %reshape3A_1704, %broadcast_in_dim3A_1706, %dot_general3A_1707 {dimension_numbers = #tpu.dot_dimension_numbers<[1], [0], [0], [1], [0, 0, 1, 1], [], []>, transpose_lhs_hint = false} : vector<512x96xf32>, vector<96x96xf32>, vector<512x96xf32> -> vector<512x96xf32>
    %div3A_1709 = arith.divf %reshape3A_1704, %dot_general3A_1708 : vector<512x96xf32>
    %reshape3A_1710 = vector.shape_cast %div3A_1709 : vector<512x96xf32> to vector<8x64x96xf32>
    %swap3A_1711 = arith.constant 0 : index
    %swap3A_1712 = arith.constant 0 : index
    %swap3A_1713 = arith.constant 21 : index
    %swap3A_1714 = arith.constant 0 : index
    %swap3A_1715 = arith.constant 0 : index
    %swap3A_1716 = vector.load %arg6[%swap3A_1711, %swap3A_1712, %swap3A_1713, %swap3A_1714, %swap3A_1715] : memref<8x1x28x64x96xf32, #tpu.memory_space<vmem>>, vector<8x1x1x64x96xf32>
    %swap3A_1717 = vector.shape_cast %swap3A_1716 : vector<8x1x1x64x96xf32> to vector<8x64x96xf32>
    %swap3A_1718 = vector.shape_cast %reshape3A_1710 : vector<8x64x96xf32> to vector<8x1x1x64x96xf32>
    tpu.vector_store %arg6[%swap3A_1711, %swap3A_1712, %swap3A_1713, %swap3A_1714, %swap3A_1715], %swap3A_1718 {strides = array<i32>} : memref<8x1x28x64x96xf32, #tpu.memory_space<vmem>>, vector<8x1x1x64x96xf32>,
    %slice3A_1719 = vector.extract_strided_slice %get3A_5 {offsets = [0, 176, 0], sizes = [8, 8, 192], strides = [1, 1, 1]} : vector<8x224x192xf32> to vector<8x8x192xf32>
    %reshape3A_1720 = vector.shape_cast %slice3A_1719 : vector<8x8x192xf32> to vector<64x192xf32>
    %slice3A_1721 = vector.extract_strided_slice %get3A_12 {offsets = [0, 176, 0], sizes = [8, 8, 192], strides = [1, 1, 1]} : vector<8x224x256xf32> to vector<8x8x192xf32>
    %reshape3A_1722 = vector.shape_cast %slice3A_1721 : vector<8x8x192xf32> to vector<64x192xf32>
    %get3A_1723 = arith.constant 0 : index
    %get3A_1724 = arith.constant 0 : index
    %get3A_1725 = arith.constant 22 : index
    %get3A_1726 = arith.constant 0 : index
    %get3A_1727 = arith.constant 0 : index
    %get3A_1728 = vector.load %arg4[%get3A_1723, %get3A_1724, %get3A_1725, %get3A_1726, %get3A_1727] : memref<1x1x28x32x256xf32, #tpu.memory_space<vmem>>, vector<1x1x1x32x192xf32>
    %get3A_1729 = vector.shape_cast %get3A_1728 : vector<1x1x1x32x192xf32> to vector<32x192xf32>
    %get3A_1730 = arith.constant 0 : index
    %get3A_1731 = arith.constant 0 : index
    %get3A_1732 = arith.constant 22 : index
    %get3A_1733 = arith.constant 0 : index
    %get3A_1734 = arith.constant 0 : index
    %get3A_1735 = vector.load %arg5[%get3A_1730, %get3A_1731, %get3A_1732, %get3A_1733, %get3A_1734] : memref<1x1x28x32x1xf32, #tpu.memory_space<vmem>>, vector<1x1x1x32x1xf32>
    %get3A_1736 = vector.shape_cast %get3A_1735 : vector<1x1x1x32x1xf32> to vector<32x1xf32>
    %mul3A_1737 = vector.broadcast %get3A_1736 : vector<32x1xf32> to vector<32x192xf32>
    %mul3A_1738 = arith.mulf %get3A_1729, %mul3A_1737 : vector<32x192xf32>
    %concatenate3A_1739 = tpu.concatenate %reshape3A_1722, %mul3A_1738 in 0 : vector<64x192xf32>, vector<32x192xf32> -> vector<96x192xf32>
    %slice3A_1740 = vector.extract_strided_slice %reshape3A_1720 {offsets = [0, 0], sizes = [64, 24], strides = [1, 1]} : vector<64x192xf32> to vector<64x24xf32>
    %slice3A_1741 = vector.extract_strided_slice %concatenate3A_1739 {offsets = [0, 0], sizes = [96, 24], strides = [1, 1]} : vector<96x192xf32> to vector<96x24xf32>
    %dot_general3A_1742 = arith.constant dense<0.000000e+00> : vector<64x96xf32>
    %dot_general3A_1743 = tpu.matmul %slice3A_1740, %slice3A_1741, %dot_general3A_1742 {dimension_numbers = #tpu.dot_dimension_numbers<[1], [1], [0], [0], [0, 0, 1, 0], [], []>, transpose_lhs_hint = false} : vector<64x24xf32>, vector<96x24xf32>, vector<64x96xf32> -> vector<64x96xf32>
    %slice3A_1744 = vector.extract_strided_slice %reshape3A_1720 {offsets = [0, 24], sizes = [64, 24], strides = [1, 1]} : vector<64x192xf32> to vector<64x24xf32>
    %slice3A_1745 = vector.extract_strided_slice %concatenate3A_1739 {offsets = [0, 24], sizes = [96, 24], strides = [1, 1]} : vector<96x192xf32> to vector<96x24xf32>
    %dot_general3A_1746 = arith.constant dense<0.000000e+00> : vector<64x96xf32>
    %dot_general3A_1747 = tpu.matmul %slice3A_1744, %slice3A_1745, %dot_general3A_1746 {dimension_numbers = #tpu.dot_dimension_numbers<[1], [1], [0], [0], [0, 0, 1, 0], [], []>, transpose_lhs_hint = false} : vector<64x24xf32>, vector<96x24xf32>, vector<64x96xf32> -> vector<64x96xf32>
    %slice3A_1748 = vector.extract_strided_slice %reshape3A_1720 {offsets = [0, 48], sizes = [64, 24], strides = [1, 1]} : vector<64x192xf32> to vector<64x24xf32>
    %slice3A_1749 = vector.extract_strided_slice %concatenate3A_1739 {offsets = [0, 48], sizes = [96, 24], strides = [1, 1]} : vector<96x192xf32> to vector<96x24xf32>
    %dot_general3A_1750 = arith.constant dense<0.000000e+00> : vector<64x96xf32>
    %dot_general3A_1751 = tpu.matmul %slice3A_1748, %slice3A_1749, %dot_general3A_1750 {dimension_numbers = #tpu.dot_dimension_numbers<[1], [1], [0], [0], [0, 0, 1, 0], [], []>, transpose_lhs_hint = false} : vector<64x24xf32>, vector<96x24xf32>, vector<64x96xf32> -> vector<64x96xf32>
    %slice3A_1752 = vector.extract_strided_slice %reshape3A_1720 {offsets = [0, 72], sizes = [64, 24], strides = [1, 1]} : vector<64x192xf32> to vector<64x24xf32>
    %slice3A_1753 = vector.extract_strided_slice %concatenate3A_1739 {offsets = [0, 72], sizes = [96, 24], strides = [1, 1]} : vector<96x192xf32> to vector<96x24xf32>
    %dot_general3A_1754 = arith.constant dense<0.000000e+00> : vector<64x96xf32>
    %dot_general3A_1755 = tpu.matmul %slice3A_1752, %slice3A_1753, %dot_general3A_1754 {dimension_numbers = #tpu.dot_dimension_numbers<[1], [1], [0], [0], [0, 0, 1, 0], [], []>, transpose_lhs_hint = false} : vector<64x24xf32>, vector<96x24xf32>, vector<64x96xf32> -> vector<64x96xf32>
    %slice3A_1756 = vector.extract_strided_slice %reshape3A_1720 {offsets = [0, 96], sizes = [64, 24], strides = [1, 1]} : vector<64x192xf32> to vector<64x24xf32>
    %slice3A_1757 = vector.extract_strided_slice %concatenate3A_1739 {offsets = [0, 96], sizes = [96, 24], strides = [1, 1]} : vector<96x192xf32> to vector<96x24xf32>
    %dot_general3A_1758 = arith.constant dense<0.000000e+00> : vector<64x96xf32>
    %dot_general3A_1759 = tpu.matmul %slice3A_1756, %slice3A_1757, %dot_general3A_1758 {dimension_numbers = #tpu.dot_dimension_numbers<[1], [1], [0], [0], [0, 0, 1, 0], [], []>, transpose_lhs_hint = false} : vector<64x24xf32>, vector<96x24xf32>, vector<64x96xf32> -> vector<64x96xf32>
    %slice3A_1760 = vector.extract_strided_slice %reshape3A_1720 {offsets = [0, 120], sizes = [64, 24], strides = [1, 1]} : vector<64x192xf32> to vector<64x24xf32>
    %slice3A_1761 = vector.extract_strided_slice %concatenate3A_1739 {offsets = [0, 120], sizes = [96, 24], strides = [1, 1]} : vector<96x192xf32> to vector<96x24xf32>
    %dot_general3A_1762 = arith.constant dense<0.000000e+00> : vector<64x96xf32>
    %dot_general3A_1763 = tpu.matmul %slice3A_1760, %slice3A_1761, %dot_general3A_1762 {dimension_numbers = #tpu.dot_dimension_numbers<[1], [1], [0], [0], [0, 0, 1, 0], [], []>, transpose_lhs_hint = false} : vector<64x24xf32>, vector<96x24xf32>, vector<64x96xf32> -> vector<64x96xf32>
    %slice3A_1764 = vector.extract_strided_slice %reshape3A_1720 {offsets = [0, 144], sizes = [64, 24], strides = [1, 1]} : vector<64x192xf32> to vector<64x24xf32>
    %slice3A_1765 = vector.extract_strided_slice %concatenate3A_1739 {offsets = [0, 144], sizes = [96, 24], strides = [1, 1]} : vector<96x192xf32> to vector<96x24xf32>
    %dot_general3A_1766 = arith.constant dense<0.000000e+00> : vector<64x96xf32>
    %dot_general3A_1767 = tpu.matmul %slice3A_1764, %slice3A_1765, %dot_general3A_1766 {dimension_numbers = #tpu.dot_dimension_numbers<[1], [1], [0], [0], [0, 0, 1, 0], [], []>, transpose_lhs_hint = false} : vector<64x24xf32>, vector<96x24xf32>, vector<64x96xf32> -> vector<64x96xf32>
    %slice3A_1768 = vector.extract_strided_slice %reshape3A_1720 {offsets = [0, 168], sizes = [64, 24], strides = [1, 1]} : vector<64x192xf32> to vector<64x24xf32>
    %slice3A_1769 = vector.extract_strided_slice %concatenate3A_1739 {offsets = [0, 168], sizes = [96, 24], strides = [1, 1]} : vector<96x192xf32> to vector<96x24xf32>
    %dot_general3A_1770 = arith.constant dense<0.000000e+00> : vector<64x96xf32>
    %dot_general3A_1771 = tpu.matmul %slice3A_1768, %slice3A_1769, %dot_general3A_1770 {dimension_numbers = #tpu.dot_dimension_numbers<[1], [1], [0], [0], [0, 0, 1, 0], [], []>, transpose_lhs_hint = false} : vector<64x24xf32>, vector<96x24xf32>, vector<64x96xf32> -> vector<64x96xf32>
    %stack3A_1772 = vector.shape_cast %dot_general3A_1743 : vector<64x96xf32> to vector<1x64x96xf32>
    %stack3A_1773 = vector.shape_cast %dot_general3A_1747 : vector<64x96xf32> to vector<1x64x96xf32>
    %stack3A_1774 = vector.shape_cast %dot_general3A_1751 : vector<64x96xf32> to vector<1x64x96xf32>
    %stack3A_1775 = vector.shape_cast %dot_general3A_1755 : vector<64x96xf32> to vector<1x64x96xf32>
    %stack3A_1776 = vector.shape_cast %dot_general3A_1759 : vector<64x96xf32> to vector<1x64x96xf32>
    %stack3A_1777 = vector.shape_cast %dot_general3A_1763 : vector<64x96xf32> to vector<1x64x96xf32>
    %stack3A_1778 = vector.shape_cast %dot_general3A_1767 : vector<64x96xf32> to vector<1x64x96xf32>
    %stack3A_1779 = vector.shape_cast %dot_general3A_1771 : vector<64x96xf32> to vector<1x64x96xf32>
    %stack3A_1780 = tpu.concatenate %stack3A_1772, %stack3A_1773, %stack3A_1774, %stack3A_1775, %stack3A_1776, %stack3A_1777, %stack3A_1778, %stack3A_1779 in 0 : vector<1x64x96xf32>, vector<1x64x96xf32>, vector<1x64x96xf32>, vector<1x64x96xf32>, vector<1x64x96xf32>, vector<1x64x96xf32>, vector<1x64x96xf32>, vector<1x64x96xf32> -> vector<8x64x96xf32>
    %exp3A_1781 = math.exp %stack3A_1780 : vector<8x64x96xf32>
    %reshape3A_1782 = vector.shape_cast %exp3A_1781 : vector<8x64x96xf32> to vector<512x96xf32>
    %broadcast_in_dim3A_1783 = arith.constant 1.000000e+00 : f32
    %broadcast_in_dim3A_1784 = vector.broadcast %broadcast_in_dim3A_1783 : f32 to vector<96x96xf32>
    %dot_general3A_1785 = arith.constant dense<0.000000e+00> : vector<512x96xf32>
    %dot_general3A_1786 = tpu.matmul %reshape3A_1782, %broadcast_in_dim3A_1784, %dot_general3A_1785 {dimension_numbers = #tpu.dot_dimension_numbers<[1], [0], [0], [1], [0, 0, 1, 1], [], []>, transpose_lhs_hint = false} : vector<512x96xf32>, vector<96x96xf32>, vector<512x96xf32> -> vector<512x96xf32>
    %div3A_1787 = arith.divf %reshape3A_1782, %dot_general3A_1786 : vector<512x96xf32>
    %reshape3A_1788 = vector.shape_cast %div3A_1787 : vector<512x96xf32> to vector<8x64x96xf32>
    %swap3A_1789 = arith.constant 0 : index
    %swap3A_1790 = arith.constant 0 : index
    %swap3A_1791 = arith.constant 22 : index
    %swap3A_1792 = arith.constant 0 : index
    %swap3A_1793 = arith.constant 0 : index
    %swap3A_1794 = vector.load %arg6[%swap3A_1789, %swap3A_1790, %swap3A_1791, %swap3A_1792, %swap3A_1793] : memref<8x1x28x64x96xf32, #tpu.memory_space<vmem>>, vector<8x1x1x64x96xf32>
    %swap3A_1795 = vector.shape_cast %swap3A_1794 : vector<8x1x1x64x96xf32> to vector<8x64x96xf32>
    %swap3A_1796 = vector.shape_cast %reshape3A_1788 : vector<8x64x96xf32> to vector<8x1x1x64x96xf32>
    tpu.vector_store %arg6[%swap3A_1789, %swap3A_1790, %swap3A_1791, %swap3A_1792, %swap3A_1793], %swap3A_1796 {strides = array<i32>} : memref<8x1x28x64x96xf32, #tpu.memory_space<vmem>>, vector<8x1x1x64x96xf32>,
    %slice3A_1797 = vector.extract_strided_slice %get3A_5 {offsets = [0, 184, 0], sizes = [8, 8, 192], strides = [1, 1, 1]} : vector<8x224x192xf32> to vector<8x8x192xf32>
    %reshape3A_1798 = vector.shape_cast %slice3A_1797 : vector<8x8x192xf32> to vector<64x192xf32>
    %slice3A_1799 = vector.extract_strided_slice %get3A_12 {offsets = [0, 184, 0], sizes = [8, 8, 192], strides = [1, 1, 1]} : vector<8x224x256xf32> to vector<8x8x192xf32>
    %reshape3A_1800 = vector.shape_cast %slice3A_1799 : vector<8x8x192xf32> to vector<64x192xf32>
    %get3A_1801 = arith.constant 0 : index
    %get3A_1802 = arith.constant 0 : index
    %get3A_1803 = arith.constant 23 : index
    %get3A_1804 = arith.constant 0 : index
    %get3A_1805 = arith.constant 0 : index
    %get3A_1806 = vector.load %arg4[%get3A_1801, %get3A_1802, %get3A_1803, %get3A_1804, %get3A_1805] : memref<1x1x28x32x256xf32, #tpu.memory_space<vmem>>, vector<1x1x1x32x192xf32>
    %get3A_1807 = vector.shape_cast %get3A_1806 : vector<1x1x1x32x192xf32> to vector<32x192xf32>
    %get3A_1808 = arith.constant 0 : index
    %get3A_1809 = arith.constant 0 : index
    %get3A_1810 = arith.constant 23 : index
    %get3A_1811 = arith.constant 0 : index
    %get3A_1812 = arith.constant 0 : index
    %get3A_1813 = vector.load %arg5[%get3A_1808, %get3A_1809, %get3A_1810, %get3A_1811, %get3A_1812] : memref<1x1x28x32x1xf32, #tpu.memory_space<vmem>>, vector<1x1x1x32x1xf32>
    %get3A_1814 = vector.shape_cast %get3A_1813 : vector<1x1x1x32x1xf32> to vector<32x1xf32>
    %mul3A_1815 = vector.broadcast %get3A_1814 : vector<32x1xf32> to vector<32x192xf32>
    %mul3A_1816 = arith.mulf %get3A_1807, %mul3A_1815 : vector<32x192xf32>
    %concatenate3A_1817 = tpu.concatenate %reshape3A_1800, %mul3A_1816 in 0 : vector<64x192xf32>, vector<32x192xf32> -> vector<96x192xf32>
    %slice3A_1818 = vector.extract_strided_slice %reshape3A_1798 {offsets = [0, 0], sizes = [64, 24], strides = [1, 1]} : vector<64x192xf32> to vector<64x24xf32>
    %slice3A_1819 = vector.extract_strided_slice %concatenate3A_1817 {offsets = [0, 0], sizes = [96, 24], strides = [1, 1]} : vector<96x192xf32> to vector<96x24xf32>
    %dot_general3A_1820 = arith.constant dense<0.000000e+00> : vector<64x96xf32>
    %dot_general3A_1821 = tpu.matmul %slice3A_1818, %slice3A_1819, %dot_general3A_1820 {dimension_numbers = #tpu.dot_dimension_numbers<[1], [1], [0], [0], [0, 0, 1, 0], [], []>, transpose_lhs_hint = false} : vector<64x24xf32>, vector<96x24xf32>, vector<64x96xf32> -> vector<64x96xf32>
    %slice3A_1822 = vector.extract_strided_slice %reshape3A_1798 {offsets = [0, 24], sizes = [64, 24], strides = [1, 1]} : vector<64x192xf32> to vector<64x24xf32>
    %slice3A_1823 = vector.extract_strided_slice %concatenate3A_1817 {offsets = [0, 24], sizes = [96, 24], strides = [1, 1]} : vector<96x192xf32> to vector<96x24xf32>
    %dot_general3A_1824 = arith.constant dense<0.000000e+00> : vector<64x96xf32>
    %dot_general3A_1825 = tpu.matmul %slice3A_1822, %slice3A_1823, %dot_general3A_1824 {dimension_numbers = #tpu.dot_dimension_numbers<[1], [1], [0], [0], [0, 0, 1, 0], [], []>, transpose_lhs_hint = false} : vector<64x24xf32>, vector<96x24xf32>, vector<64x96xf32> -> vector<64x96xf32>
    %slice3A_1826 = vector.extract_strided_slice %reshape3A_1798 {offsets = [0, 48], sizes = [64, 24], strides = [1, 1]} : vector<64x192xf32> to vector<64x24xf32>
    %slice3A_1827 = vector.extract_strided_slice %concatenate3A_1817 {offsets = [0, 48], sizes = [96, 24], strides = [1, 1]} : vector<96x192xf32> to vector<96x24xf32>
    %dot_general3A_1828 = arith.constant dense<0.000000e+00> : vector<64x96xf32>
    %dot_general3A_1829 = tpu.matmul %slice3A_1826, %slice3A_1827, %dot_general3A_1828 {dimension_numbers = #tpu.dot_dimension_numbers<[1], [1], [0], [0], [0, 0, 1, 0], [], []>, transpose_lhs_hint = false} : vector<64x24xf32>, vector<96x24xf32>, vector<64x96xf32> -> vector<64x96xf32>
    %slice3A_1830 = vector.extract_strided_slice %reshape3A_1798 {offsets = [0, 72], sizes = [64, 24], strides = [1, 1]} : vector<64x192xf32> to vector<64x24xf32>
    %slice3A_1831 = vector.extract_strided_slice %concatenate3A_1817 {offsets = [0, 72], sizes = [96, 24], strides = [1, 1]} : vector<96x192xf32> to vector<96x24xf32>
    %dot_general3A_1832 = arith.constant dense<0.000000e+00> : vector<64x96xf32>
    %dot_general3A_1833 = tpu.matmul %slice3A_1830, %slice3A_1831, %dot_general3A_1832 {dimension_numbers = #tpu.dot_dimension_numbers<[1], [1], [0], [0], [0, 0, 1, 0], [], []>, transpose_lhs_hint = false} : vector<64x24xf32>, vector<96x24xf32>, vector<64x96xf32> -> vector<64x96xf32>
    %slice3A_1834 = vector.extract_strided_slice %reshape3A_1798 {offsets = [0, 96], sizes = [64, 24], strides = [1, 1]} : vector<64x192xf32> to vector<64x24xf32>
    %slice3A_1835 = vector.extract_strided_slice %concatenate3A_1817 {offsets = [0, 96], sizes = [96, 24], strides = [1, 1]} : vector<96x192xf32> to vector<96x24xf32>
    %dot_general3A_1836 = arith.constant dense<0.000000e+00> : vector<64x96xf32>
    %dot_general3A_1837 = tpu.matmul %slice3A_1834, %slice3A_1835, %dot_general3A_1836 {dimension_numbers = #tpu.dot_dimension_numbers<[1], [1], [0], [0], [0, 0, 1, 0], [], []>, transpose_lhs_hint = false} : vector<64x24xf32>, vector<96x24xf32>, vector<64x96xf32> -> vector<64x96xf32>
    %slice3A_1838 = vector.extract_strided_slice %reshape3A_1798 {offsets = [0, 120], sizes = [64, 24], strides = [1, 1]} : vector<64x192xf32> to vector<64x24xf32>
    %slice3A_1839 = vector.extract_strided_slice %concatenate3A_1817 {offsets = [0, 120], sizes = [96, 24], strides = [1, 1]} : vector<96x192xf32> to vector<96x24xf32>
    %dot_general3A_1840 = arith.constant dense<0.000000e+00> : vector<64x96xf32>
    %dot_general3A_1841 = tpu.matmul %slice3A_1838, %slice3A_1839, %dot_general3A_1840 {dimension_numbers = #tpu.dot_dimension_numbers<[1], [1], [0], [0], [0, 0, 1, 0], [], []>, transpose_lhs_hint = false} : vector<64x24xf32>, vector<96x24xf32>, vector<64x96xf32> -> vector<64x96xf32>
    %slice3A_1842 = vector.extract_strided_slice %reshape3A_1798 {offsets = [0, 144], sizes = [64, 24], strides = [1, 1]} : vector<64x192xf32> to vector<64x24xf32>
    %slice3A_1843 = vector.extract_strided_slice %concatenate3A_1817 {offsets = [0, 144], sizes = [96, 24], strides = [1, 1]} : vector<96x192xf32> to vector<96x24xf32>
    %dot_general3A_1844 = arith.constant dense<0.000000e+00> : vector<64x96xf32>
    %dot_general3A_1845 = tpu.matmul %slice3A_1842, %slice3A_1843, %dot_general3A_1844 {dimension_numbers = #tpu.dot_dimension_numbers<[1], [1], [0], [0], [0, 0, 1, 0], [], []>, transpose_lhs_hint = false} : vector<64x24xf32>, vector<96x24xf32>, vector<64x96xf32> -> vector<64x96xf32>
    %slice3A_1846 = vector.extract_strided_slice %reshape3A_1798 {offsets = [0, 168], sizes = [64, 24], strides = [1, 1]} : vector<64x192xf32> to vector<64x24xf32>
    %slice3A_1847 = vector.extract_strided_slice %concatenate3A_1817 {offsets = [0, 168], sizes = [96, 24], strides = [1, 1]} : vector<96x192xf32> to vector<96x24xf32>
    %dot_general3A_1848 = arith.constant dense<0.000000e+00> : vector<64x96xf32>
    %dot_general3A_1849 = tpu.matmul %slice3A_1846, %slice3A_1847, %dot_general3A_1848 {dimension_numbers = #tpu.dot_dimension_numbers<[1], [1], [0], [0], [0, 0, 1, 0], [], []>, transpose_lhs_hint = false} : vector<64x24xf32>, vector<96x24xf32>, vector<64x96xf32> -> vector<64x96xf32>
    %stack3A_1850 = vector.shape_cast %dot_general3A_1821 : vector<64x96xf32> to vector<1x64x96xf32>
    %stack3A_1851 = vector.shape_cast %dot_general3A_1825 : vector<64x96xf32> to vector<1x64x96xf32>
    %stack3A_1852 = vector.shape_cast %dot_general3A_1829 : vector<64x96xf32> to vector<1x64x96xf32>
    %stack3A_1853 = vector.shape_cast %dot_general3A_1833 : vector<64x96xf32> to vector<1x64x96xf32>
    %stack3A_1854 = vector.shape_cast %dot_general3A_1837 : vector<64x96xf32> to vector<1x64x96xf32>
    %stack3A_1855 = vector.shape_cast %dot_general3A_1841 : vector<64x96xf32> to vector<1x64x96xf32>
    %stack3A_1856 = vector.shape_cast %dot_general3A_1845 : vector<64x96xf32> to vector<1x64x96xf32>
    %stack3A_1857 = vector.shape_cast %dot_general3A_1849 : vector<64x96xf32> to vector<1x64x96xf32>
    %stack3A_1858 = tpu.concatenate %stack3A_1850, %stack3A_1851, %stack3A_1852, %stack3A_1853, %stack3A_1854, %stack3A_1855, %stack3A_1856, %stack3A_1857 in 0 : vector<1x64x96xf32>, vector<1x64x96xf32>, vector<1x64x96xf32>, vector<1x64x96xf32>, vector<1x64x96xf32>, vector<1x64x96xf32>, vector<1x64x96xf32>, vector<1x64x96xf32> -> vector<8x64x96xf32>
    %exp3A_1859 = math.exp %stack3A_1858 : vector<8x64x96xf32>
    %reshape3A_1860 = vector.shape_cast %exp3A_1859 : vector<8x64x96xf32> to vector<512x96xf32>
    %broadcast_in_dim3A_1861 = arith.constant 1.000000e+00 : f32
    %broadcast_in_dim3A_1862 = vector.broadcast %broadcast_in_dim3A_1861 : f32 to vector<96x96xf32>
    %dot_general3A_1863 = arith.constant dense<0.000000e+00> : vector<512x96xf32>
    %dot_general3A_1864 = tpu.matmul %reshape3A_1860, %broadcast_in_dim3A_1862, %dot_general3A_1863 {dimension_numbers = #tpu.dot_dimension_numbers<[1], [0], [0], [1], [0, 0, 1, 1], [], []>, transpose_lhs_hint = false} : vector<512x96xf32>, vector<96x96xf32>, vector<512x96xf32> -> vector<512x96xf32>
    %div3A_1865 = arith.divf %reshape3A_1860, %dot_general3A_1864 : vector<512x96xf32>
    %reshape3A_1866 = vector.shape_cast %div3A_1865 : vector<512x96xf32> to vector<8x64x96xf32>
    %swap3A_1867 = arith.constant 0 : index
    %swap3A_1868 = arith.constant 0 : index
    %swap3A_1869 = arith.constant 23 : index
    %swap3A_1870 = arith.constant 0 : index
    %swap3A_1871 = arith.constant 0 : index
    %swap3A_1872 = vector.load %arg6[%swap3A_1867, %swap3A_1868, %swap3A_1869, %swap3A_1870, %swap3A_1871] : memref<8x1x28x64x96xf32, #tpu.memory_space<vmem>>, vector<8x1x1x64x96xf32>
    %swap3A_1873 = vector.shape_cast %swap3A_1872 : vector<8x1x1x64x96xf32> to vector<8x64x96xf32>
    %swap3A_1874 = vector.shape_cast %reshape3A_1866 : vector<8x64x96xf32> to vector<8x1x1x64x96xf32>
    tpu.vector_store %arg6[%swap3A_1867, %swap3A_1868, %swap3A_1869, %swap3A_1870, %swap3A_1871], %swap3A_1874 {strides = array<i32>} : memref<8x1x28x64x96xf32, #tpu.memory_space<vmem>>, vector<8x1x1x64x96xf32>,
    %slice3A_1875 = vector.extract_strided_slice %get3A_5 {offsets = [0, 192, 0], sizes = [8, 8, 192], strides = [1, 1, 1]} : vector<8x224x192xf32> to vector<8x8x192xf32>
    %reshape3A_1876 = vector.shape_cast %slice3A_1875 : vector<8x8x192xf32> to vector<64x192xf32>
    %slice3A_1877 = vector.extract_strided_slice %get3A_12 {offsets = [0, 192, 0], sizes = [8, 8, 192], strides = [1, 1, 1]} : vector<8x224x256xf32> to vector<8x8x192xf32>
    %reshape3A_1878 = vector.shape_cast %slice3A_1877 : vector<8x8x192xf32> to vector<64x192xf32>
    %get3A_1879 = arith.constant 0 : index
    %get3A_1880 = arith.constant 0 : index
    %get3A_1881 = arith.constant 24 : index
    %get3A_1882 = arith.constant 0 : index
    %get3A_1883 = arith.constant 0 : index
    %get3A_1884 = vector.load %arg4[%get3A_1879, %get3A_1880, %get3A_1881, %get3A_1882, %get3A_1883] : memref<1x1x28x32x256xf32, #tpu.memory_space<vmem>>, vector<1x1x1x32x192xf32>
    %get3A_1885 = vector.shape_cast %get3A_1884 : vector<1x1x1x32x192xf32> to vector<32x192xf32>
    %get3A_1886 = arith.constant 0 : index
    %get3A_1887 = arith.constant 0 : index
    %get3A_1888 = arith.constant 24 : index
    %get3A_1889 = arith.constant 0 : index
    %get3A_1890 = arith.constant 0 : index
    %get3A_1891 = vector.load %arg5[%get3A_1886, %get3A_1887, %get3A_1888, %get3A_1889, %get3A_1890] : memref<1x1x28x32x1xf32, #tpu.memory_space<vmem>>, vector<1x1x1x32x1xf32>
    %get3A_1892 = vector.shape_cast %get3A_1891 : vector<1x1x1x32x1xf32> to vector<32x1xf32>
    %mul3A_1893 = vector.broadcast %get3A_1892 : vector<32x1xf32> to vector<32x192xf32>
    %mul3A_1894 = arith.mulf %get3A_1885, %mul3A_1893 : vector<32x192xf32>
    %concatenate3A_1895 = tpu.concatenate %reshape3A_1878, %mul3A_1894 in 0 : vector<64x192xf32>, vector<32x192xf32> -> vector<96x192xf32>
    %slice3A_1896 = vector.extract_strided_slice %reshape3A_1876 {offsets = [0, 0], sizes = [64, 24], strides = [1, 1]} : vector<64x192xf32> to vector<64x24xf32>
    %slice3A_1897 = vector.extract_strided_slice %concatenate3A_1895 {offsets = [0, 0], sizes = [96, 24], strides = [1, 1]} : vector<96x192xf32> to vector<96x24xf32>
    %dot_general3A_1898 = arith.constant dense<0.000000e+00> : vector<64x96xf32>
    %dot_general3A_1899 = tpu.matmul %slice3A_1896, %slice3A_1897, %dot_general3A_1898 {dimension_numbers = #tpu.dot_dimension_numbers<[1], [1], [0], [0], [0, 0, 1, 0], [], []>, transpose_lhs_hint = false} : vector<64x24xf32>, vector<96x24xf32>, vector<64x96xf32> -> vector<64x96xf32>
    %slice3A_1900 = vector.extract_strided_slice %reshape3A_1876 {offsets = [0, 24], sizes = [64, 24], strides = [1, 1]} : vector<64x192xf32> to vector<64x24xf32>
    %slice3A_1901 = vector.extract_strided_slice %concatenate3A_1895 {offsets = [0, 24], sizes = [96, 24], strides = [1, 1]} : vector<96x192xf32> to vector<96x24xf32>
    %dot_general3A_1902 = arith.constant dense<0.000000e+00> : vector<64x96xf32>
    %dot_general3A_1903 = tpu.matmul %slice3A_1900, %slice3A_1901, %dot_general3A_1902 {dimension_numbers = #tpu.dot_dimension_numbers<[1], [1], [0], [0], [0, 0, 1, 0], [], []>, transpose_lhs_hint = false} : vector<64x24xf32>, vector<96x24xf32>, vector<64x96xf32> -> vector<64x96xf32>
    %slice3A_1904 = vector.extract_strided_slice %reshape3A_1876 {offsets = [0, 48], sizes = [64, 24], strides = [1, 1]} : vector<64x192xf32> to vector<64x24xf32>
    %slice3A_1905 = vector.extract_strided_slice %concatenate3A_1895 {offsets = [0, 48], sizes = [96, 24], strides = [1, 1]} : vector<96x192xf32> to vector<96x24xf32>
    %dot_general3A_1906 = arith.constant dense<0.000000e+00> : vector<64x96xf32>
    %dot_general3A_1907 = tpu.matmul %slice3A_1904, %slice3A_1905, %dot_general3A_1906 {dimension_numbers = #tpu.dot_dimension_numbers<[1], [1], [0], [0], [0, 0, 1, 0], [], []>, transpose_lhs_hint = false} : vector<64x24xf32>, vector<96x24xf32>, vector<64x96xf32> -> vector<64x96xf32>
    %slice3A_1908 = vector.extract_strided_slice %reshape3A_1876 {offsets = [0, 72], sizes = [64, 24], strides = [1, 1]} : vector<64x192xf32> to vector<64x24xf32>
    %slice3A_1909 = vector.extract_strided_slice %concatenate3A_1895 {offsets = [0, 72], sizes = [96, 24], strides = [1, 1]} : vector<96x192xf32> to vector<96x24xf32>
    %dot_general3A_1910 = arith.constant dense<0.000000e+00> : vector<64x96xf32>
    %dot_general3A_1911 = tpu.matmul %slice3A_1908, %slice3A_1909, %dot_general3A_1910 {dimension_numbers = #tpu.dot_dimension_numbers<[1], [1], [0], [0], [0, 0, 1, 0], [], []>, transpose_lhs_hint = false} : vector<64x24xf32>, vector<96x24xf32>, vector<64x96xf32> -> vector<64x96xf32>
    %slice3A_1912 = vector.extract_strided_slice %reshape3A_1876 {offsets = [0, 96], sizes = [64, 24], strides = [1, 1]} : vector<64x192xf32> to vector<64x24xf32>
    %slice3A_1913 = vector.extract_strided_slice %concatenate3A_1895 {offsets = [0, 96], sizes = [96, 24], strides = [1, 1]} : vector<96x192xf32> to vector<96x24xf32>
    %dot_general3A_1914 = arith.constant dense<0.000000e+00> : vector<64x96xf32>
    %dot_general3A_1915 = tpu.matmul %slice3A_1912, %slice3A_1913, %dot_general3A_1914 {dimension_numbers = #tpu.dot_dimension_numbers<[1], [1], [0], [0], [0, 0, 1, 0], [], []>, transpose_lhs_hint = false} : vector<64x24xf32>, vector<96x24xf32>, vector<64x96xf32> -> vector<64x96xf32>
    %slice3A_1916 = vector.extract_strided_slice %reshape3A_1876 {offsets = [0, 120], sizes = [64, 24], strides = [1, 1]} : vector<64x192xf32> to vector<64x24xf32>
    %slice3A_1917 = vector.extract_strided_slice %concatenate3A_1895 {offsets = [0, 120], sizes = [96, 24], strides = [1, 1]} : vector<96x192xf32> to vector<96x24xf32>
    %dot_general3A_1918 = arith.constant dense<0.000000e+00> : vector<64x96xf32>
    %dot_general3A_1919 = tpu.matmul %slice3A_1916, %slice3A_1917, %dot_general3A_1918 {dimension_numbers = #tpu.dot_dimension_numbers<[1], [1], [0], [0], [0, 0, 1, 0], [], []>, transpose_lhs_hint = false} : vector<64x24xf32>, vector<96x24xf32>, vector<64x96xf32> -> vector<64x96xf32>
    %slice3A_1920 = vector.extract_strided_slice %reshape3A_1876 {offsets = [0, 144], sizes = [64, 24], strides = [1, 1]} : vector<64x192xf32> to vector<64x24xf32>
    %slice3A_1921 = vector.extract_strided_slice %concatenate3A_1895 {offsets = [0, 144], sizes = [96, 24], strides = [1, 1]} : vector<96x192xf32> to vector<96x24xf32>
    %dot_general3A_1922 = arith.constant dense<0.000000e+00> : vector<64x96xf32>
    %dot_general3A_1923 = tpu.matmul %slice3A_1920, %slice3A_1921, %dot_general3A_1922 {dimension_numbers = #tpu.dot_dimension_numbers<[1], [1], [0], [0], [0, 0, 1, 0], [], []>, transpose_lhs_hint = false} : vector<64x24xf32>, vector<96x24xf32>, vector<64x96xf32> -> vector<64x96xf32>
    %slice3A_1924 = vector.extract_strided_slice %reshape3A_1876 {offsets = [0, 168], sizes = [64, 24], strides = [1, 1]} : vector<64x192xf32> to vector<64x24xf32>
    %slice3A_1925 = vector.extract_strided_slice %concatenate3A_1895 {offsets = [0, 168], sizes = [96, 24], strides = [1, 1]} : vector<96x192xf32> to vector<96x24xf32>
    %dot_general3A_1926 = arith.constant dense<0.000000e+00> : vector<64x96xf32>
    %dot_general3A_1927 = tpu.matmul %slice3A_1924, %slice3A_1925, %dot_general3A_1926 {dimension_numbers = #tpu.dot_dimension_numbers<[1], [1], [0], [0], [0, 0, 1, 0], [], []>, transpose_lhs_hint = false} : vector<64x24xf32>, vector<96x24xf32>, vector<64x96xf32> -> vector<64x96xf32>
    %stack3A_1928 = vector.shape_cast %dot_general3A_1899 : vector<64x96xf32> to vector<1x64x96xf32>
    %stack3A_1929 = vector.shape_cast %dot_general3A_1903 : vector<64x96xf32> to vector<1x64x96xf32>
    %stack3A_1930 = vector.shape_cast %dot_general3A_1907 : vector<64x96xf32> to vector<1x64x96xf32>
    %stack3A_1931 = vector.shape_cast %dot_general3A_1911 : vector<64x96xf32> to vector<1x64x96xf32>
    %stack3A_1932 = vector.shape_cast %dot_general3A_1915 : vector<64x96xf32> to vector<1x64x96xf32>
    %stack3A_1933 = vector.shape_cast %dot_general3A_1919 : vector<64x96xf32> to vector<1x64x96xf32>
    %stack3A_1934 = vector.shape_cast %dot_general3A_1923 : vector<64x96xf32> to vector<1x64x96xf32>
    %stack3A_1935 = vector.shape_cast %dot_general3A_1927 : vector<64x96xf32> to vector<1x64x96xf32>
    %stack3A_1936 = tpu.concatenate %stack3A_1928, %stack3A_1929, %stack3A_1930, %stack3A_1931, %stack3A_1932, %stack3A_1933, %stack3A_1934, %stack3A_1935 in 0 : vector<1x64x96xf32>, vector<1x64x96xf32>, vector<1x64x96xf32>, vector<1x64x96xf32>, vector<1x64x96xf32>, vector<1x64x96xf32>, vector<1x64x96xf32>, vector<1x64x96xf32> -> vector<8x64x96xf32>
    %exp3A_1937 = math.exp %stack3A_1936 : vector<8x64x96xf32>
    %reshape3A_1938 = vector.shape_cast %exp3A_1937 : vector<8x64x96xf32> to vector<512x96xf32>
    %broadcast_in_dim3A_1939 = arith.constant 1.000000e+00 : f32
    %broadcast_in_dim3A_1940 = vector.broadcast %broadcast_in_dim3A_1939 : f32 to vector<96x96xf32>
    %dot_general3A_1941 = arith.constant dense<0.000000e+00> : vector<512x96xf32>
    %dot_general3A_1942 = tpu.matmul %reshape3A_1938, %broadcast_in_dim3A_1940, %dot_general3A_1941 {dimension_numbers = #tpu.dot_dimension_numbers<[1], [0], [0], [1], [0, 0, 1, 1], [], []>, transpose_lhs_hint = false} : vector<512x96xf32>, vector<96x96xf32>, vector<512x96xf32> -> vector<512x96xf32>
    %div3A_1943 = arith.divf %reshape3A_1938, %dot_general3A_1942 : vector<512x96xf32>
    %reshape3A_1944 = vector.shape_cast %div3A_1943 : vector<512x96xf32> to vector<8x64x96xf32>
    %swap3A_1945 = arith.constant 0 : index
    %swap3A_1946 = arith.constant 0 : index
    %swap3A_1947 = arith.constant 24 : index
    %swap3A_1948 = arith.constant 0 : index
    %swap3A_1949 = arith.constant 0 : index
    %swap3A_1950 = vector.load %arg6[%swap3A_1945, %swap3A_1946, %swap3A_1947, %swap3A_1948, %swap3A_1949] : memref<8x1x28x64x96xf32, #tpu.memory_space<vmem>>, vector<8x1x1x64x96xf32>
    %swap3A_1951 = vector.shape_cast %swap3A_1950 : vector<8x1x1x64x96xf32> to vector<8x64x96xf32>
    %swap3A_1952 = vector.shape_cast %reshape3A_1944 : vector<8x64x96xf32> to vector<8x1x1x64x96xf32>
    tpu.vector_store %arg6[%swap3A_1945, %swap3A_1946, %swap3A_1947, %swap3A_1948, %swap3A_1949], %swap3A_1952 {strides = array<i32>} : memref<8x1x28x64x96xf32, #tpu.memory_space<vmem>>, vector<8x1x1x64x96xf32>,
    %slice3A_1953 = vector.extract_strided_slice %get3A_5 {offsets = [0, 200, 0], sizes = [8, 8, 192], strides = [1, 1, 1]} : vector<8x224x192xf32> to vector<8x8x192xf32>
    %reshape3A_1954 = vector.shape_cast %slice3A_1953 : vector<8x8x192xf32> to vector<64x192xf32>
    %slice3A_1955 = vector.extract_strided_slice %get3A_12 {offsets = [0, 200, 0], sizes = [8, 8, 192], strides = [1, 1, 1]} : vector<8x224x256xf32> to vector<8x8x192xf32>
    %reshape3A_1956 = vector.shape_cast %slice3A_1955 : vector<8x8x192xf32> to vector<64x192xf32>
    %get3A_1957 = arith.constant 0 : index
    %get3A_1958 = arith.constant 0 : index
    %get3A_1959 = arith.constant 25 : index
    %get3A_1960 = arith.constant 0 : index
    %get3A_1961 = arith.constant 0 : index
    %get3A_1962 = vector.load %arg4[%get3A_1957, %get3A_1958, %get3A_1959, %get3A_1960, %get3A_1961] : memref<1x1x28x32x256xf32, #tpu.memory_space<vmem>>, vector<1x1x1x32x192xf32>
    %get3A_1963 = vector.shape_cast %get3A_1962 : vector<1x1x1x32x192xf32> to vector<32x192xf32>
    %get3A_1964 = arith.constant 0 : index
    %get3A_1965 = arith.constant 0 : index
    %get3A_1966 = arith.constant 25 : index
    %get3A_1967 = arith.constant 0 : index
    %get3A_1968 = arith.constant 0 : index
    %get3A_1969 = vector.load %arg5[%get3A_1964, %get3A_1965, %get3A_1966, %get3A_1967, %get3A_1968] : memref<1x1x28x32x1xf32, #tpu.memory_space<vmem>>, vector<1x1x1x32x1xf32>
    %get3A_1970 = vector.shape_cast %get3A_1969 : vector<1x1x1x32x1xf32> to vector<32x1xf32>
    %mul3A_1971 = vector.broadcast %get3A_1970 : vector<32x1xf32> to vector<32x192xf32>
    %mul3A_1972 = arith.mulf %get3A_1963, %mul3A_1971 : vector<32x192xf32>
    %concatenate3A_1973 = tpu.concatenate %reshape3A_1956, %mul3A_1972 in 0 : vector<64x192xf32>, vector<32x192xf32> -> vector<96x192xf32>
    %slice3A_1974 = vector.extract_strided_slice %reshape3A_1954 {offsets = [0, 0], sizes = [64, 24], strides = [1, 1]} : vector<64x192xf32> to vector<64x24xf32>
    %slice3A_1975 = vector.extract_strided_slice %concatenate3A_1973 {offsets = [0, 0], sizes = [96, 24], strides = [1, 1]} : vector<96x192xf32> to vector<96x24xf32>
    %dot_general3A_1976 = arith.constant dense<0.000000e+00> : vector<64x96xf32>
    %dot_general3A_1977 = tpu.matmul %slice3A_1974, %slice3A_1975, %dot_general3A_1976 {dimension_numbers = #tpu.dot_dimension_numbers<[1], [1], [0], [0], [0, 0, 1, 0], [], []>, transpose_lhs_hint = false} : vector<64x24xf32>, vector<96x24xf32>, vector<64x96xf32> -> vector<64x96xf32>
    %slice3A_1978 = vector.extract_strided_slice %reshape3A_1954 {offsets = [0, 24], sizes = [64, 24], strides = [1, 1]} : vector<64x192xf32> to vector<64x24xf32>
    %slice3A_1979 = vector.extract_strided_slice %concatenate3A_1973 {offsets = [0, 24], sizes = [96, 24], strides = [1, 1]} : vector<96x192xf32> to vector<96x24xf32>
    %dot_general3A_1980 = arith.constant dense<0.000000e+00> : vector<64x96xf32>
    %dot_general3A_1981 = tpu.matmul %slice3A_1978, %slice3A_1979, %dot_general3A_1980 {dimension_numbers = #tpu.dot_dimension_numbers<[1], [1], [0], [0], [0, 0, 1, 0], [], []>, transpose_lhs_hint = false} : vector<64x24xf32>, vector<96x24xf32>, vector<64x96xf32> -> vector<64x96xf32>
    %slice3A_1982 = vector.extract_strided_slice %reshape3A_1954 {offsets = [0, 48], sizes = [64, 24], strides = [1, 1]} : vector<64x192xf32> to vector<64x24xf32>
    %slice3A_1983 = vector.extract_strided_slice %concatenate3A_1973 {offsets = [0, 48], sizes = [96, 24], strides = [1, 1]} : vector<96x192xf32> to vector<96x24xf32>
    %dot_general3A_1984 = arith.constant dense<0.000000e+00> : vector<64x96xf32>
    %dot_general3A_1985 = tpu.matmul %slice3A_1982, %slice3A_1983, %dot_general3A_1984 {dimension_numbers = #tpu.dot_dimension_numbers<[1], [1], [0], [0], [0, 0, 1, 0], [], []>, transpose_lhs_hint = false} : vector<64x24xf32>, vector<96x24xf32>, vector<64x96xf32> -> vector<64x96xf32>
    %slice3A_1986 = vector.extract_strided_slice %reshape3A_1954 {offsets = [0, 72], sizes = [64, 24], strides = [1, 1]} : vector<64x192xf32> to vector<64x24xf32>
    %slice3A_1987 = vector.extract_strided_slice %concatenate3A_1973 {offsets = [0, 72], sizes = [96, 24], strides = [1, 1]} : vector<96x192xf32> to vector<96x24xf32>
    %dot_general3A_1988 = arith.constant dense<0.000000e+00> : vector<64x96xf32>
    %dot_general3A_1989 = tpu.matmul %slice3A_1986, %slice3A_1987, %dot_general3A_1988 {dimension_numbers = #tpu.dot_dimension_numbers<[1], [1], [0], [0], [0, 0, 1, 0], [], []>, transpose_lhs_hint = false} : vector<64x24xf32>, vector<96x24xf32>, vector<64x96xf32> -> vector<64x96xf32>
    %slice3A_1990 = vector.extract_strided_slice %reshape3A_1954 {offsets = [0, 96], sizes = [64, 24], strides = [1, 1]} : vector<64x192xf32> to vector<64x24xf32>
    %slice3A_1991 = vector.extract_strided_slice %concatenate3A_1973 {offsets = [0, 96], sizes = [96, 24], strides = [1, 1]} : vector<96x192xf32> to vector<96x24xf32>
    %dot_general3A_1992 = arith.constant dense<0.000000e+00> : vector<64x96xf32>
    %dot_general3A_1993 = tpu.matmul %slice3A_1990, %slice3A_1991, %dot_general3A_1992 {dimension_numbers = #tpu.dot_dimension_numbers<[1], [1], [0], [0], [0, 0, 1, 0], [], []>, transpose_lhs_hint = false} : vector<64x24xf32>, vector<96x24xf32>, vector<64x96xf32> -> vector<64x96xf32>
    %slice3A_1994 = vector.extract_strided_slice %reshape3A_1954 {offsets = [0, 120], sizes = [64, 24], strides = [1, 1]} : vector<64x192xf32> to vector<64x24xf32>
    %slice3A_1995 = vector.extract_strided_slice %concatenate3A_1973 {offsets = [0, 120], sizes = [96, 24], strides = [1, 1]} : vector<96x192xf32> to vector<96x24xf32>
    %dot_general3A_1996 = arith.constant dense<0.000000e+00> : vector<64x96xf32>
    %dot_general3A_1997 = tpu.matmul %slice3A_1994, %slice3A_1995, %dot_general3A_1996 {dimension_numbers = #tpu.dot_dimension_numbers<[1], [1], [0], [0], [0, 0, 1, 0], [], []>, transpose_lhs_hint = false} : vector<64x24xf32>, vector<96x24xf32>, vector<64x96xf32> -> vector<64x96xf32>
    %slice3A_1998 = vector.extract_strided_slice %reshape3A_1954 {offsets = [0, 144], sizes = [64, 24], strides = [1, 1]} : vector<64x192xf32> to vector<64x24xf32>
    %slice3A_1999 = vector.extract_strided_slice %concatenate3A_1973 {offsets = [0, 144], sizes = [96, 24], strides = [1, 1]} : vector<96x192xf32> to vector<96x24xf32>
    %dot_general3A_2000 = arith.constant dense<0.000000e+00> : vector<64x96xf32>
    %dot_general3A_2001 = tpu.matmul %slice3A_1998, %slice3A_1999, %dot_general3A_2000 {dimension_numbers = #tpu.dot_dimension_numbers<[1], [1], [0], [0], [0, 0, 1, 0], [], []>, transpose_lhs_hint = false} : vector<64x24xf32>, vector<96x24xf32>, vector<64x96xf32> -> vector<64x96xf32>
    %slice3A_2002 = vector.extract_strided_slice %reshape3A_1954 {offsets = [0, 168], sizes = [64, 24], strides = [1, 1]} : vector<64x192xf32> to vector<64x24xf32>
    %slice3A_2003 = vector.extract_strided_slice %concatenate3A_1973 {offsets = [0, 168], sizes = [96, 24], strides = [1, 1]} : vector<96x192xf32> to vector<96x24xf32>
    %dot_general3A_2004 = arith.constant dense<0.000000e+00> : vector<64x96xf32>
    %dot_general3A_2005 = tpu.matmul %slice3A_2002, %slice3A_2003, %dot_general3A_2004 {dimension_numbers = #tpu.dot_dimension_numbers<[1], [1], [0], [0], [0, 0, 1, 0], [], []>, transpose_lhs_hint = false} : vector<64x24xf32>, vector<96x24xf32>, vector<64x96xf32> -> vector<64x96xf32>
    %stack3A_2006 = vector.shape_cast %dot_general3A_1977 : vector<64x96xf32> to vector<1x64x96xf32>
    %stack3A_2007 = vector.shape_cast %dot_general3A_1981 : vector<64x96xf32> to vector<1x64x96xf32>
    %stack3A_2008 = vector.shape_cast %dot_general3A_1985 : vector<64x96xf32> to vector<1x64x96xf32>
    %stack3A_2009 = vector.shape_cast %dot_general3A_1989 : vector<64x96xf32> to vector<1x64x96xf32>
    %stack3A_2010 = vector.shape_cast %dot_general3A_1993 : vector<64x96xf32> to vector<1x64x96xf32>
    %stack3A_2011 = vector.shape_cast %dot_general3A_1997 : vector<64x96xf32> to vector<1x64x96xf32>
    %stack3A_2012 = vector.shape_cast %dot_general3A_2001 : vector<64x96xf32> to vector<1x64x96xf32>
    %stack3A_2013 = vector.shape_cast %dot_general3A_2005 : vector<64x96xf32> to vector<1x64x96xf32>
    %stack3A_2014 = tpu.concatenate %stack3A_2006, %stack3A_2007, %stack3A_2008, %stack3A_2009, %stack3A_2010, %stack3A_2011, %stack3A_2012, %stack3A_2013 in 0 : vector<1x64x96xf32>, vector<1x64x96xf32>, vector<1x64x96xf32>, vector<1x64x96xf32>, vector<1x64x96xf32>, vector<1x64x96xf32>, vector<1x64x96xf32>, vector<1x64x96xf32> -> vector<8x64x96xf32>
    %exp3A_2015 = math.exp %stack3A_2014 : vector<8x64x96xf32>
    %reshape3A_2016 = vector.shape_cast %exp3A_2015 : vector<8x64x96xf32> to vector<512x96xf32>
    %broadcast_in_dim3A_2017 = arith.constant 1.000000e+00 : f32
    %broadcast_in_dim3A_2018 = vector.broadcast %broadcast_in_dim3A_2017 : f32 to vector<96x96xf32>
    %dot_general3A_2019 = arith.constant dense<0.000000e+00> : vector<512x96xf32>
    %dot_general3A_2020 = tpu.matmul %reshape3A_2016, %broadcast_in_dim3A_2018, %dot_general3A_2019 {dimension_numbers = #tpu.dot_dimension_numbers<[1], [0], [0], [1], [0, 0, 1, 1], [], []>, transpose_lhs_hint = false} : vector<512x96xf32>, vector<96x96xf32>, vector<512x96xf32> -> vector<512x96xf32>
    %div3A_2021 = arith.divf %reshape3A_2016, %dot_general3A_2020 : vector<512x96xf32>
    %reshape3A_2022 = vector.shape_cast %div3A_2021 : vector<512x96xf32> to vector<8x64x96xf32>
    %swap3A_2023 = arith.constant 0 : index
    %swap3A_2024 = arith.constant 0 : index
    %swap3A_2025 = arith.constant 25 : index
    %swap3A_2026 = arith.constant 0 : index
    %swap3A_2027 = arith.constant 0 : index
    %swap3A_2028 = vector.load %arg6[%swap3A_2023, %swap3A_2024, %swap3A_2025, %swap3A_2026, %swap3A_2027] : memref<8x1x28x64x96xf32, #tpu.memory_space<vmem>>, vector<8x1x1x64x96xf32>
    %swap3A_2029 = vector.shape_cast %swap3A_2028 : vector<8x1x1x64x96xf32> to vector<8x64x96xf32>
    %swap3A_2030 = vector.shape_cast %reshape3A_2022 : vector<8x64x96xf32> to vector<8x1x1x64x96xf32>
    tpu.vector_store %arg6[%swap3A_2023, %swap3A_2024, %swap3A_2025, %swap3A_2026, %swap3A_2027], %swap3A_2030 {strides = array<i32>} : memref<8x1x28x64x96xf32, #tpu.memory_space<vmem>>, vector<8x1x1x64x96xf32>,
    %slice3A_2031 = vector.extract_strided_slice %get3A_5 {offsets = [0, 208, 0], sizes = [8, 8, 192], strides = [1, 1, 1]} : vector<8x224x192xf32> to vector<8x8x192xf32>
    %reshape3A_2032 = vector.shape_cast %slice3A_2031 : vector<8x8x192xf32> to vector<64x192xf32>
    %slice3A_2033 = vector.extract_strided_slice %get3A_12 {offsets = [0, 208, 0], sizes = [8, 8, 192], strides = [1, 1, 1]} : vector<8x224x256xf32> to vector<8x8x192xf32>
    %reshape3A_2034 = vector.shape_cast %slice3A_2033 : vector<8x8x192xf32> to vector<64x192xf32>
    %get3A_2035 = arith.constant 0 : index
    %get3A_2036 = arith.constant 0 : index
    %get3A_2037 = arith.constant 26 : index
    %get3A_2038 = arith.constant 0 : index
    %get3A_2039 = arith.constant 0 : index
    %get3A_2040 = vector.load %arg4[%get3A_2035, %get3A_2036, %get3A_2037, %get3A_2038, %get3A_2039] : memref<1x1x28x32x256xf32, #tpu.memory_space<vmem>>, vector<1x1x1x32x192xf32>
    %get3A_2041 = vector.shape_cast %get3A_2040 : vector<1x1x1x32x192xf32> to vector<32x192xf32>
    %get3A_2042 = arith.constant 0 : index
    %get3A_2043 = arith.constant 0 : index
    %get3A_2044 = arith.constant 26 : index
    %get3A_2045 = arith.constant 0 : index
    %get3A_2046 = arith.constant 0 : index
    %get3A_2047 = vector.load %arg5[%get3A_2042, %get3A_2043, %get3A_2044, %get3A_2045, %get3A_2046] : memref<1x1x28x32x1xf32, #tpu.memory_space<vmem>>, vector<1x1x1x32x1xf32>
    %get3A_2048 = vector.shape_cast %get3A_2047 : vector<1x1x1x32x1xf32> to vector<32x1xf32>
    %mul3A_2049 = vector.broadcast %get3A_2048 : vector<32x1xf32> to vector<32x192xf32>
    %mul3A_2050 = arith.mulf %get3A_2041, %mul3A_2049 : vector<32x192xf32>
    %concatenate3A_2051 = tpu.concatenate %reshape3A_2034, %mul3A_2050 in 0 : vector<64x192xf32>, vector<32x192xf32> -> vector<96x192xf32>
    %slice3A_2052 = vector.extract_strided_slice %reshape3A_2032 {offsets = [0, 0], sizes = [64, 24], strides = [1, 1]} : vector<64x192xf32> to vector<64x24xf32>
    %slice3A_2053 = vector.extract_strided_slice %concatenate3A_2051 {offsets = [0, 0], sizes = [96, 24], strides = [1, 1]} : vector<96x192xf32> to vector<96x24xf32>
    %dot_general3A_2054 = arith.constant dense<0.000000e+00> : vector<64x96xf32>
    %dot_general3A_2055 = tpu.matmul %slice3A_2052, %slice3A_2053, %dot_general3A_2054 {dimension_numbers = #tpu.dot_dimension_numbers<[1], [1], [0], [0], [0, 0, 1, 0], [], []>, transpose_lhs_hint = false} : vector<64x24xf32>, vector<96x24xf32>, vector<64x96xf32> -> vector<64x96xf32>
    %slice3A_2056 = vector.extract_strided_slice %reshape3A_2032 {offsets = [0, 24], sizes = [64, 24], strides = [1, 1]} : vector<64x192xf32> to vector<64x24xf32>
    %slice3A_2057 = vector.extract_strided_slice %concatenate3A_2051 {offsets = [0, 24], sizes = [96, 24], strides = [1, 1]} : vector<96x192xf32> to vector<96x24xf32>
    %dot_general3A_2058 = arith.constant dense<0.000000e+00> : vector<64x96xf32>
    %dot_general3A_2059 = tpu.matmul %slice3A_2056, %slice3A_2057, %dot_general3A_2058 {dimension_numbers = #tpu.dot_dimension_numbers<[1], [1], [0], [0], [0, 0, 1, 0], [], []>, transpose_lhs_hint = false} : vector<64x24xf32>, vector<96x24xf32>, vector<64x96xf32> -> vector<64x96xf32>
    %slice3A_2060 = vector.extract_strided_slice %reshape3A_2032 {offsets = [0, 48], sizes = [64, 24], strides = [1, 1]} : vector<64x192xf32> to vector<64x24xf32>
    %slice3A_2061 = vector.extract_strided_slice %concatenate3A_2051 {offsets = [0, 48], sizes = [96, 24], strides = [1, 1]} : vector<96x192xf32> to vector<96x24xf32>
    %dot_general3A_2062 = arith.constant dense<0.000000e+00> : vector<64x96xf32>
    %dot_general3A_2063 = tpu.matmul %slice3A_2060, %slice3A_2061, %dot_general3A_2062 {dimension_numbers = #tpu.dot_dimension_numbers<[1], [1], [0], [0], [0, 0, 1, 0], [], []>, transpose_lhs_hint = false} : vector<64x24xf32>, vector<96x24xf32>, vector<64x96xf32> -> vector<64x96xf32>
    %slice3A_2064 = vector.extract_strided_slice %reshape3A_2032 {offsets = [0, 72], sizes = [64, 24], strides = [1, 1]} : vector<64x192xf32> to vector<64x24xf32>
    %slice3A_2065 = vector.extract_strided_slice %concatenate3A_2051 {offsets = [0, 72], sizes = [96, 24], strides = [1, 1]} : vector<96x192xf32> to vector<96x24xf32>
    %dot_general3A_2066 = arith.constant dense<0.000000e+00> : vector<64x96xf32>
    %dot_general3A_2067 = tpu.matmul %slice3A_2064, %slice3A_2065, %dot_general3A_2066 {dimension_numbers = #tpu.dot_dimension_numbers<[1], [1], [0], [0], [0, 0, 1, 0], [], []>, transpose_lhs_hint = false} : vector<64x24xf32>, vector<96x24xf32>, vector<64x96xf32> -> vector<64x96xf32>
    %slice3A_2068 = vector.extract_strided_slice %reshape3A_2032 {offsets = [0, 96], sizes = [64, 24], strides = [1, 1]} : vector<64x192xf32> to vector<64x24xf32>
    %slice3A_2069 = vector.extract_strided_slice %concatenate3A_2051 {offsets = [0, 96], sizes = [96, 24], strides = [1, 1]} : vector<96x192xf32> to vector<96x24xf32>
    %dot_general3A_2070 = arith.constant dense<0.000000e+00> : vector<64x96xf32>
    %dot_general3A_2071 = tpu.matmul %slice3A_2068, %slice3A_2069, %dot_general3A_2070 {dimension_numbers = #tpu.dot_dimension_numbers<[1], [1], [0], [0], [0, 0, 1, 0], [], []>, transpose_lhs_hint = false} : vector<64x24xf32>, vector<96x24xf32>, vector<64x96xf32> -> vector<64x96xf32>
    %slice3A_2072 = vector.extract_strided_slice %reshape3A_2032 {offsets = [0, 120], sizes = [64, 24], strides = [1, 1]} : vector<64x192xf32> to vector<64x24xf32>
    %slice3A_2073 = vector.extract_strided_slice %concatenate3A_2051 {offsets = [0, 120], sizes = [96, 24], strides = [1, 1]} : vector<96x192xf32> to vector<96x24xf32>
    %dot_general3A_2074 = arith.constant dense<0.000000e+00> : vector<64x96xf32>
    %dot_general3A_2075 = tpu.matmul %slice3A_2072, %slice3A_2073, %dot_general3A_2074 {dimension_numbers = #tpu.dot_dimension_numbers<[1], [1], [0], [0], [0, 0, 1, 0], [], []>, transpose_lhs_hint = false} : vector<64x24xf32>, vector<96x24xf32>, vector<64x96xf32> -> vector<64x96xf32>
    %slice3A_2076 = vector.extract_strided_slice %reshape3A_2032 {offsets = [0, 144], sizes = [64, 24], strides = [1, 1]} : vector<64x192xf32> to vector<64x24xf32>
    %slice3A_2077 = vector.extract_strided_slice %concatenate3A_2051 {offsets = [0, 144], sizes = [96, 24], strides = [1, 1]} : vector<96x192xf32> to vector<96x24xf32>
    %dot_general3A_2078 = arith.constant dense<0.000000e+00> : vector<64x96xf32>
    %dot_general3A_2079 = tpu.matmul %slice3A_2076, %slice3A_2077, %dot_general3A_2078 {dimension_numbers = #tpu.dot_dimension_numbers<[1], [1], [0], [0], [0, 0, 1, 0], [], []>, transpose_lhs_hint = false} : vector<64x24xf32>, vector<96x24xf32>, vector<64x96xf32> -> vector<64x96xf32>
    %slice3A_2080 = vector.extract_strided_slice %reshape3A_2032 {offsets = [0, 168], sizes = [64, 24], strides = [1, 1]} : vector<64x192xf32> to vector<64x24xf32>
    %slice3A_2081 = vector.extract_strided_slice %concatenate3A_2051 {offsets = [0, 168], sizes = [96, 24], strides = [1, 1]} : vector<96x192xf32> to vector<96x24xf32>
    %dot_general3A_2082 = arith.constant dense<0.000000e+00> : vector<64x96xf32>
    %dot_general3A_2083 = tpu.matmul %slice3A_2080, %slice3A_2081, %dot_general3A_2082 {dimension_numbers = #tpu.dot_dimension_numbers<[1], [1], [0], [0], [0, 0, 1, 0], [], []>, transpose_lhs_hint = false} : vector<64x24xf32>, vector<96x24xf32>, vector<64x96xf32> -> vector<64x96xf32>
    %stack3A_2084 = vector.shape_cast %dot_general3A_2055 : vector<64x96xf32> to vector<1x64x96xf32>
    %stack3A_2085 = vector.shape_cast %dot_general3A_2059 : vector<64x96xf32> to vector<1x64x96xf32>
    %stack3A_2086 = vector.shape_cast %dot_general3A_2063 : vector<64x96xf32> to vector<1x64x96xf32>
    %stack3A_2087 = vector.shape_cast %dot_general3A_2067 : vector<64x96xf32> to vector<1x64x96xf32>
    %stack3A_2088 = vector.shape_cast %dot_general3A_2071 : vector<64x96xf32> to vector<1x64x96xf32>
    %stack3A_2089 = vector.shape_cast %dot_general3A_2075 : vector<64x96xf32> to vector<1x64x96xf32>
    %stack3A_2090 = vector.shape_cast %dot_general3A_2079 : vector<64x96xf32> to vector<1x64x96xf32>
    %stack3A_2091 = vector.shape_cast %dot_general3A_2083 : vector<64x96xf32> to vector<1x64x96xf32>
    %stack3A_2092 = tpu.concatenate %stack3A_2084, %stack3A_2085, %stack3A_2086, %stack3A_2087, %stack3A_2088, %stack3A_2089, %stack3A_2090, %stack3A_2091 in 0 : vector<1x64x96xf32>, vector<1x64x96xf32>, vector<1x64x96xf32>, vector<1x64x96xf32>, vector<1x64x96xf32>, vector<1x64x96xf32>, vector<1x64x96xf32>, vector<1x64x96xf32> -> vector<8x64x96xf32>
    %exp3A_2093 = math.exp %stack3A_2092 : vector<8x64x96xf32>
    %reshape3A_2094 = vector.shape_cast %exp3A_2093 : vector<8x64x96xf32> to vector<512x96xf32>
    %broadcast_in_dim3A_2095 = arith.constant 1.000000e+00 : f32
    %broadcast_in_dim3A_2096 = vector.broadcast %broadcast_in_dim3A_2095 : f32 to vector<96x96xf32>
    %dot_general3A_2097 = arith.constant dense<0.000000e+00> : vector<512x96xf32>
    %dot_general3A_2098 = tpu.matmul %reshape3A_2094, %broadcast_in_dim3A_2096, %dot_general3A_2097 {dimension_numbers = #tpu.dot_dimension_numbers<[1], [0], [0], [1], [0, 0, 1, 1], [], []>, transpose_lhs_hint = false} : vector<512x96xf32>, vector<96x96xf32>, vector<512x96xf32> -> vector<512x96xf32>
    %div3A_2099 = arith.divf %reshape3A_2094, %dot_general3A_2098 : vector<512x96xf32>
    %reshape3A_2100 = vector.shape_cast %div3A_2099 : vector<512x96xf32> to vector<8x64x96xf32>
    %swap3A_2101 = arith.constant 0 : index
    %swap3A_2102 = arith.constant 0 : index
    %swap3A_2103 = arith.constant 26 : index
    %swap3A_2104 = arith.constant 0 : index
    %swap3A_2105 = arith.constant 0 : index
    %swap3A_2106 = vector.load %arg6[%swap3A_2101, %swap3A_2102, %swap3A_2103, %swap3A_2104, %swap3A_2105] : memref<8x1x28x64x96xf32, #tpu.memory_space<vmem>>, vector<8x1x1x64x96xf32>
    %swap3A_2107 = vector.shape_cast %swap3A_2106 : vector<8x1x1x64x96xf32> to vector<8x64x96xf32>
    %swap3A_2108 = vector.shape_cast %reshape3A_2100 : vector<8x64x96xf32> to vector<8x1x1x64x96xf32>
    tpu.vector_store %arg6[%swap3A_2101, %swap3A_2102, %swap3A_2103, %swap3A_2104, %swap3A_2105], %swap3A_2108 {strides = array<i32>} : memref<8x1x28x64x96xf32, #tpu.memory_space<vmem>>, vector<8x1x1x64x96xf32>,
    %slice3A_2109 = vector.extract_strided_slice %get3A_5 {offsets = [0, 216, 0], sizes = [8, 8, 192], strides = [1, 1, 1]} : vector<8x224x192xf32> to vector<8x8x192xf32>
    %reshape3A_2110 = vector.shape_cast %slice3A_2109 : vector<8x8x192xf32> to vector<64x192xf32>
    %slice3A_2111 = vector.extract_strided_slice %get3A_12 {offsets = [0, 216, 0], sizes = [8, 8, 192], strides = [1, 1, 1]} : vector<8x224x256xf32> to vector<8x8x192xf32>
    %reshape3A_2112 = vector.shape_cast %slice3A_2111 : vector<8x8x192xf32> to vector<64x192xf32>
    %get3A_2113 = arith.constant 0 : index
    %get3A_2114 = arith.constant 0 : index
    %get3A_2115 = arith.constant 27 : index
    %get3A_2116 = arith.constant 0 : index
    %get3A_2117 = arith.constant 0 : index
    %get3A_2118 = vector.load %arg4[%get3A_2113, %get3A_2114, %get3A_2115, %get3A_2116, %get3A_2117] : memref<1x1x28x32x256xf32, #tpu.memory_space<vmem>>, vector<1x1x1x32x192xf32>
    %get3A_2119 = vector.shape_cast %get3A_2118 : vector<1x1x1x32x192xf32> to vector<32x192xf32>
    %get3A_2120 = arith.constant 0 : index
    %get3A_2121 = arith.constant 0 : index
    %get3A_2122 = arith.constant 27 : index
    %get3A_2123 = arith.constant 0 : index
    %get3A_2124 = arith.constant 0 : index
    %get3A_2125 = vector.load %arg5[%get3A_2120, %get3A_2121, %get3A_2122, %get3A_2123, %get3A_2124] : memref<1x1x28x32x1xf32, #tpu.memory_space<vmem>>, vector<1x1x1x32x1xf32>
    %get3A_2126 = vector.shape_cast %get3A_2125 : vector<1x1x1x32x1xf32> to vector<32x1xf32>
    %mul3A_2127 = vector.broadcast %get3A_2126 : vector<32x1xf32> to vector<32x192xf32>
    %mul3A_2128 = arith.mulf %get3A_2119, %mul3A_2127 : vector<32x192xf32>
    %concatenate3A_2129 = tpu.concatenate %reshape3A_2112, %mul3A_2128 in 0 : vector<64x192xf32>, vector<32x192xf32> -> vector<96x192xf32>
    %slice3A_2130 = vector.extract_strided_slice %reshape3A_2110 {offsets = [0, 0], sizes = [64, 24], strides = [1, 1]} : vector<64x192xf32> to vector<64x24xf32>
    %slice3A_2131 = vector.extract_strided_slice %concatenate3A_2129 {offsets = [0, 0], sizes = [96, 24], strides = [1, 1]} : vector<96x192xf32> to vector<96x24xf32>
    %dot_general3A_2132 = arith.constant dense<0.000000e+00> : vector<64x96xf32>
    %dot_general3A_2133 = tpu.matmul %slice3A_2130, %slice3A_2131, %dot_general3A_2132 {dimension_numbers = #tpu.dot_dimension_numbers<[1], [1], [0], [0], [0, 0, 1, 0], [], []>, transpose_lhs_hint = false} : vector<64x24xf32>, vector<96x24xf32>, vector<64x96xf32> -> vector<64x96xf32>
    %slice3A_2134 = vector.extract_strided_slice %reshape3A_2110 {offsets = [0, 24], sizes = [64, 24], strides = [1, 1]} : vector<64x192xf32> to vector<64x24xf32>
    %slice3A_2135 = vector.extract_strided_slice %concatenate3A_2129 {offsets = [0, 24], sizes = [96, 24], strides = [1, 1]} : vector<96x192xf32> to vector<96x24xf32>
    %dot_general3A_2136 = arith.constant dense<0.000000e+00> : vector<64x96xf32>
    %dot_general3A_2137 = tpu.matmul %slice3A_2134, %slice3A_2135, %dot_general3A_2136 {dimension_numbers = #tpu.dot_dimension_numbers<[1], [1], [0], [0], [0, 0, 1, 0], [], []>, transpose_lhs_hint = false} : vector<64x24xf32>, vector<96x24xf32>, vector<64x96xf32> -> vector<64x96xf32>
    %slice3A_2138 = vector.extract_strided_slice %reshape3A_2110 {offsets = [0, 48], sizes = [64, 24], strides = [1, 1]} : vector<64x192xf32> to vector<64x24xf32>
    %slice3A_2139 = vector.extract_strided_slice %concatenate3A_2129 {offsets = [0, 48], sizes = [96, 24], strides = [1, 1]} : vector<96x192xf32> to vector<96x24xf32>
    %dot_general3A_2140 = arith.constant dense<0.000000e+00> : vector<64x96xf32>
    %dot_general3A_2141 = tpu.matmul %slice3A_2138, %slice3A_2139, %dot_general3A_2140 {dimension_numbers = #tpu.dot_dimension_numbers<[1], [1], [0], [0], [0, 0, 1, 0], [], []>, transpose_lhs_hint = false} : vector<64x24xf32>, vector<96x24xf32>, vector<64x96xf32> -> vector<64x96xf32>
    %slice3A_2142 = vector.extract_strided_slice %reshape3A_2110 {offsets = [0, 72], sizes = [64, 24], strides = [1, 1]} : vector<64x192xf32> to vector<64x24xf32>
    %slice3A_2143 = vector.extract_strided_slice %concatenate3A_2129 {offsets = [0, 72], sizes = [96, 24], strides = [1, 1]} : vector<96x192xf32> to vector<96x24xf32>
    %dot_general3A_2144 = arith.constant dense<0.000000e+00> : vector<64x96xf32>
    %dot_general3A_2145 = tpu.matmul %slice3A_2142, %slice3A_2143, %dot_general3A_2144 {dimension_numbers = #tpu.dot_dimension_numbers<[1], [1], [0], [0], [0, 0, 1, 0], [], []>, transpose_lhs_hint = false} : vector<64x24xf32>, vector<96x24xf32>, vector<64x96xf32> -> vector<64x96xf32>
    %slice3A_2146 = vector.extract_strided_slice %reshape3A_2110 {offsets = [0, 96], sizes = [64, 24], strides = [1, 1]} : vector<64x192xf32> to vector<64x24xf32>
    %slice3A_2147 = vector.extract_strided_slice %concatenate3A_2129 {offsets = [0, 96], sizes = [96, 24], strides = [1, 1]} : vector<96x192xf32> to vector<96x24xf32>
    %dot_general3A_2148 = arith.constant dense<0.000000e+00> : vector<64x96xf32>
    %dot_general3A_2149 = tpu.matmul %slice3A_2146, %slice3A_2147, %dot_general3A_2148 {dimension_numbers = #tpu.dot_dimension_numbers<[1], [1], [0], [0], [0, 0, 1, 0], [], []>, transpose_lhs_hint = false} : vector<64x24xf32>, vector<96x24xf32>, vector<64x96xf32> -> vector<64x96xf32>
    %slice3A_2150 = vector.extract_strided_slice %reshape3A_2110 {offsets = [0, 120], sizes = [64, 24], strides = [1, 1]} : vector<64x192xf32> to vector<64x24xf32>
    %slice3A_2151 = vector.extract_strided_slice %concatenate3A_2129 {offsets = [0, 120], sizes = [96, 24], strides = [1, 1]} : vector<96x192xf32> to vector<96x24xf32>
    %dot_general3A_2152 = arith.constant dense<0.000000e+00> : vector<64x96xf32>
    %dot_general3A_2153 = tpu.matmul %slice3A_2150, %slice3A_2151, %dot_general3A_2152 {dimension_numbers = #tpu.dot_dimension_numbers<[1], [1], [0], [0], [0, 0, 1, 0], [], []>, transpose_lhs_hint = false} : vector<64x24xf32>, vector<96x24xf32>, vector<64x96xf32> -> vector<64x96xf32>
    %slice3A_2154 = vector.extract_strided_slice %reshape3A_2110 {offsets = [0, 144], sizes = [64, 24], strides = [1, 1]} : vector<64x192xf32> to vector<64x24xf32>
    %slice3A_2155 = vector.extract_strided_slice %concatenate3A_2129 {offsets = [0, 144], sizes = [96, 24], strides = [1, 1]} : vector<96x192xf32> to vector<96x24xf32>
    %dot_general3A_2156 = arith.constant dense<0.000000e+00> : vector<64x96xf32>
    %dot_general3A_2157 = tpu.matmul %slice3A_2154, %slice3A_2155, %dot_general3A_2156 {dimension_numbers = #tpu.dot_dimension_numbers<[1], [1], [0], [0], [0, 0, 1, 0], [], []>, transpose_lhs_hint = false} : vector<64x24xf32>, vector<96x24xf32>, vector<64x96xf32> -> vector<64x96xf32>
    %slice3A_2158 = vector.extract_strided_slice %reshape3A_2110 {offsets = [0, 168], sizes = [64, 24], strides = [1, 1]} : vector<64x192xf32> to vector<64x24xf32>
    %slice3A_2159 = vector.extract_strided_slice %concatenate3A_2129 {offsets = [0, 168], sizes = [96, 24], strides = [1, 1]} : vector<96x192xf32> to vector<96x24xf32>
    %dot_general3A_2160 = arith.constant dense<0.000000e+00> : vector<64x96xf32>
    %dot_general3A_2161 = tpu.matmul %slice3A_2158, %slice3A_2159, %dot_general3A_2160 {dimension_numbers = #tpu.dot_dimension_numbers<[1], [1], [0], [0], [0, 0, 1, 0], [], []>, transpose_lhs_hint = false} : vector<64x24xf32>, vector<96x24xf32>, vector<64x96xf32> -> vector<64x96xf32>
    %stack3A_2162 = vector.shape_cast %dot_general3A_2133 : vector<64x96xf32> to vector<1x64x96xf32>
    %stack3A_2163 = vector.shape_cast %dot_general3A_2137 : vector<64x96xf32> to vector<1x64x96xf32>
    %stack3A_2164 = vector.shape_cast %dot_general3A_2141 : vector<64x96xf32> to vector<1x64x96xf32>
    %stack3A_2165 = vector.shape_cast %dot_general3A_2145 : vector<64x96xf32> to vector<1x64x96xf32>
    %stack3A_2166 = vector.shape_cast %dot_general3A_2149 : vector<64x96xf32> to vector<1x64x96xf32>
    %stack3A_2167 = vector.shape_cast %dot_general3A_2153 : vector<64x96xf32> to vector<1x64x96xf32>
    %stack3A_2168 = vector.shape_cast %dot_general3A_2157 : vector<64x96xf32> to vector<1x64x96xf32>
    %stack3A_2169 = vector.shape_cast %dot_general3A_2161 : vector<64x96xf32> to vector<1x64x96xf32>
    %stack3A_2170 = tpu.concatenate %stack3A_2162, %stack3A_2163, %stack3A_2164, %stack3A_2165, %stack3A_2166, %stack3A_2167, %stack3A_2168, %stack3A_2169 in 0 : vector<1x64x96xf32>, vector<1x64x96xf32>, vector<1x64x96xf32>, vector<1x64x96xf32>, vector<1x64x96xf32>, vector<1x64x96xf32>, vector<1x64x96xf32>, vector<1x64x96xf32> -> vector<8x64x96xf32>
    %exp3A_2171 = math.exp %stack3A_2170 : vector<8x64x96xf32>
    %reshape3A_2172 = vector.shape_cast %exp3A_2171 : vector<8x64x96xf32> to vector<512x96xf32>
    %broadcast_in_dim3A_2173 = arith.constant 1.000000e+00 : f32
    %broadcast_in_dim3A_2174 = vector.broadcast %broadcast_in_dim3A_2173 : f32 to vector<96x96xf32>
    %dot_general3A_2175 = arith.constant dense<0.000000e+00> : vector<512x96xf32>
    %dot_general3A_2176 = tpu.matmul %reshape3A_2172, %broadcast_in_dim3A_2174, %dot_general3A_2175 {dimension_numbers = #tpu.dot_dimension_numbers<[1], [0], [0], [1], [0, 0, 1, 1], [], []>, transpose_lhs_hint = false} : vector<512x96xf32>, vector<96x96xf32>, vector<512x96xf32> -> vector<512x96xf32>
    %div3A_2177 = arith.divf %reshape3A_2172, %dot_general3A_2176 : vector<512x96xf32>
    %reshape3A_2178 = vector.shape_cast %div3A_2177 : vector<512x96xf32> to vector<8x64x96xf32>
    %swap3A_2179 = arith.constant 0 : index
    %swap3A_2180 = arith.constant 0 : index
    %swap3A_2181 = arith.constant 27 : index
    %swap3A_2182 = arith.constant 0 : index
    %swap3A_2183 = arith.constant 0 : index
    %swap3A_2184 = vector.load %arg6[%swap3A_2179, %swap3A_2180, %swap3A_2181, %swap3A_2182, %swap3A_2183] : memref<8x1x28x64x96xf32, #tpu.memory_space<vmem>>, vector<8x1x1x64x96xf32>
    %swap3A_2185 = vector.shape_cast %swap3A_2184 : vector<8x1x1x64x96xf32> to vector<8x64x96xf32>
    %swap3A_2186 = vector.shape_cast %reshape3A_2178 : vector<8x64x96xf32> to vector<8x1x1x64x96xf32>
    tpu.vector_store %arg6[%swap3A_2179, %swap3A_2180, %swap3A_2181, %swap3A_2182, %swap3A_2183], %swap3A_2186 {strides = array<i32>} : memref<8x1x28x64x96xf32, #tpu.memory_space<vmem>>, vector<8x1x1x64x96xf32>,
    return
  }
  func.func @transform_0(%arg0: i32, %arg1: i32) -> (i32, i32, i32, i32, i32) {
    %c0_i32 = arith.constant 0 : i32
    %c0_i32_0 = arith.constant 0 : i32
    %c0_i32_1 = arith.constant 0 : i32
    %c0_i32_2 = arith.constant 0 : i32
    return %arg0, %arg1, %c0_i32, %c0_i32_0, %c0_i32_1 : i32, i32, i32, i32, i32
  }
  func.func @transform_1(%arg0: i32, %arg1: i32) -> (i32, i32, i32, i32, i32) {
    %c0_i32 = arith.constant 0 : i32
    %c0_i32_0 = arith.constant 0 : i32
    %c0_i32_1 = arith.constant 0 : i32
    %c0_i32_2 = arith.constant 0 : i32
    return %arg0, %arg1, %c0_i32, %c0_i32_0, %c0_i32_1 : i32, i32, i32, i32, i32
  }
  func.func @transform_2(%arg0: i32, %arg1: i32) -> (i32, i32, i32, i32, i32) {
    %c0_i32 = arith.constant 0 : i32
    %c0_i32_0 = arith.constant 0 : i32
    %c0_i32_1 = arith.constant 0 : i32
    %c0_i32_2 = arith.constant 0 : i32
    return %arg0, %arg1, %c0_i32, %c0_i32_0, %c0_i32_1 : i32, i32, i32, i32, i32
  }
  func.func @transform_3(%arg0: i32, %arg1: i32) -> (i32, i32, i32, i32, i32) {
    %c0_i32 = arith.constant 0 : i32
    %c0_i32_0 = arith.constant 0 : i32
    %c0_i32_1 = arith.constant 0 : i32
    %c0_i32_2 = arith.constant 0 : i32
    return %arg0, %arg1, %c0_i32, %c0_i32_0, %c0_i32_1 : i32, i32, i32, i32, i32
  }
  func.func @transform_4(%arg0: i32, %arg1: i32) -> (i32, i32, i32, i32, i32) {
    %c0_i32 = arith.constant 0 : i32
    %c0_i32_0 = arith.constant 0 : i32
    %c0_i32_1 = arith.constant 0 : i32
    %c0_i32_2 = arith.constant 0 : i32
    return %c0_i32, %arg0, %arg1, %c0_i32_0, %c0_i32_1 : i32, i32, i32, i32, i32
  }
}

module attributes {stable_mosaic.version = 14 : i64} {
  func.func @_xpose_body(%arg0: i32, %arg1: i32, %arg2: i32, %arg3: memref<1x1x128x64x96xf32, #tpu.memory_space<vmem>>, %arg4: memref<1x1x64x96x128xf32, #tpu.memory_space<vmem>>) attributes {dimension_semantics = [#tpu.dimension_semantics<arbitrary>, #tpu.dimension_semantics<arbitrary>, #tpu.dimension_semantics<arbitrary>], iteration_bounds = array<i64: 2, 8, 7>, scalar_prefetch = 0 : i64, scratch_operands = 0 : i64, tpu.core_type = #tpu.core_type<tc>, window_params = [{transform_indices = @transform_0, window_bounds = array<i64: 1, 1, 128, 64, 96>}, {transform_indices = @transform_1, window_bounds = array<i64: 1, 1, 64, 96, 128>}]} {
    %get3A = arith.constant 0 : index
    %get3A_0 = arith.constant 0 : index
    %get3A_1 = arith.constant 0 : index
    %get3A_2 = arith.constant 0 : index
    %get3A_3 = arith.constant 0 : index
    %get3A_4 = vector.load %arg3[%get3A, %get3A_0, %get3A_1, %get3A_2, %get3A_3] : memref<1x1x128x64x96xf32, #tpu.memory_space<vmem>>, vector<1x1x128x64x96xf32>
    %get3A_5 = vector.shape_cast %get3A_4 : vector<1x1x128x64x96xf32> to vector<128x64x96xf32>
    %broadcast_in_dim3A = arith.constant 0.000000e+00 : f32
    %broadcast_in_dim3A_6 = vector.broadcast %broadcast_in_dim3A : f32 to vector<128x64x32xf32>
    %concatenate3A = tpu.concatenate %get3A_5, %broadcast_in_dim3A_6 in 2 : vector<128x64x96xf32>, vector<128x64x32xf32> -> vector<128x64x128xf32>
    %reshape3A = vector.shape_cast %concatenate3A : vector<128x64x128xf32> to vector<128x8192xf32>
    %transpose3A = tpu.transpose %reshape3A, [1, 0] : vector<128x8192xf32> -> vector<8192x128xf32>
    %reshape3A_7 = vector.shape_cast %transpose3A : vector<8192x128xf32> to vector<64x128x128xf32>
    %slice3A = vector.extract_strided_slice %reshape3A_7 {offsets = [0, 0, 0], sizes = [64, 96, 128], strides = [1, 1, 1]} : vector<64x128x128xf32> to vector<64x96x128xf32>
    %swap3A = arith.constant 0 : index
    %swap3A_8 = arith.constant 0 : index
    %swap3A_9 = arith.constant 0 : index
    %swap3A_10 = arith.constant 0 : index
    %swap3A_11 = arith.constant 0 : index
    %swap3A_12 = vector.load %arg4[%swap3A, %swap3A_8, %swap3A_9, %swap3A_10, %swap3A_11] : memref<1x1x64x96x128xf32, #tpu.memory_space<vmem>>, vector<1x1x64x96x128xf32>
    %swap3A_13 = vector.shape_cast %swap3A_12 : vector<1x1x64x96x128xf32> to vector<64x96x128xf32>
    %swap3A_14 = vector.shape_cast %slice3A : vector<64x96x128xf32> to vector<1x1x64x96x128xf32>
    tpu.vector_store %arg4[%swap3A, %swap3A_8, %swap3A_9, %swap3A_10, %swap3A_11], %swap3A_14 {strides = array<i32>} : memref<1x1x64x96x128xf32, #tpu.memory_space<vmem>>, vector<1x1x64x96x128xf32>,
    return
  }
  func.func @transform_0(%arg0: i32, %arg1: i32, %arg2: i32) -> (i32, i32, i32, i32, i32) {
    %c0_i32 = arith.constant 0 : i32
    %c0_i32_0 = arith.constant 0 : i32
    %c0_i32_1 = arith.constant 0 : i32
    return %arg1, %arg0, %arg2, %c0_i32, %c0_i32_0 : i32, i32, i32, i32, i32
  }
  func.func @transform_1(%arg0: i32, %arg1: i32, %arg2: i32) -> (i32, i32, i32, i32, i32) {
    %c0_i32 = arith.constant 0 : i32
    %c0_i32_0 = arith.constant 0 : i32
    %c0_i32_1 = arith.constant 0 : i32
    return %arg1, %arg0, %c0_i32, %c0_i32_0, %arg2 : i32, i32, i32, i32, i32
  }
}

</mosaic_0001>

<sc_bundles>
// kernel: kernel.6.cloned.1.call-start
scs
__scs_entry_jumppad:
0x0: {  	(pc) =	sbr.rel $0x88, $3  }
0x1: {  	(tag) =	ssettag $0x0;
	lr =	simm.s32 $0x1  }
0x2: {  	[smem:$0x3F9C] =	sst lr;
	_ =	strace $0xD0000000  }
0x3: {  	_ = 	snop  }
0x4: {  	_ = 	snop  }
0x5: {  	_ = 	snop  }
0x6: {  	_ = 	snop  }
0x7: {  	_ = 	snop  }
__scs_overlays_trampoline_lowered:
0x8: {  	[smem:$0x3FAB] =	sst s0  }
0x9: {  	[smem:$0x3FAC] =	sst s1  }
0xa: {  	[smem:$0x3FAD] =	sst s2  }
0xb: {  	[smem:$0x3FAE] =	sst s3  }
0xc: {  	[smem:$0x3FAF] =	sst s4  }
0xd: {  	[smem:$0x3FB0] =	sst s5  }
0xe: {  	[smem:$0x3FB1] =	sst s6  }
0xf: {  	[smem:$0x3FB2] =	sst s7  }
0x10: {  	[smem:$0x3FB3] =	sst s8  }
0x11: {  	[smem:$0x3FB4] =	sst s9;
	s0 =	simm.s32 @!p0 $0x0  }
0x12: {  	s1 =	sld [smem:$0x3F9A];
	s0 =	simm.s32 @p0 $0x1  }
0x13: {  	[smem:$0x3FB5] =	sst s0;
	s0 =	simm.s32 @!p1 $0x0  }
0x14: {  	s2 =	sld [smem:$0x3F99];
	s0 =	simm.s32 @p1 $0x1  }
0x15: {  	[smem:$0x3FB6] =	sst s0;
	s0 =	simm.s32 @!p2 $0x0  }
0x16: {  	s3 =	sld [smem:$0x3FDB];
	s0 =	simm.s32 @p2 $0x1  }
0x17: {  	s4 =	simm.s32 $0x1BF5;
	[smem:$0x3FB8] =	sst s0  }
0x18: {  	s0 =	sld [smem:$0x3F9B];
	_ =	swait.ge [sflag:s4], $0x0  }
0x19: {  	s7 =	sld [smem:$0x3F9C]  }
0x1a: {  	s8 =	sadd.s32 $0xFFFFE003, lr  }
0x1b: {  	s9 =	sadd.s32 $0xFFFFFEF7, lr;
	s5 =	simm.s32 $0xFFFFFFFF;
	p2 =	slt.u32 s8, $0xFFFFF086  }
0x1c: {  	p1 =	slt.u32 s9, $0xF7A;
	s5 =	simm.s32 @!p2 $0x0  }
0x1d: {  	s5 =	simm.s32 @p1 $0x1;
	p0 =	seq.s32 s7, s2  }
0x1e: {  	s7 =	smul.u32 @!p0 $0xF7A, s2;
	p2 =	seq.s32 @!p0 s5, $0x0  }
0x1f: {  	s9 =	smul.u32 $0xF7A, s1;
	s8 =	simm.s32 @!p0 $0x1BF5;
	p2 =	por !p2, p0  }
0x20: {  	[sflag:s8] =	ssyncset.s32 @!p0 $0xFFFFF086;
	s6 =	sadd.s32 @!p0 s3, s7;
	s7 =	simm.s32 @!p0 $0x108  }
0x21: {  	s3 =	sadd.s32 s3, s9;
	s6 =	sadd.s32 @!p0 $0x88, s6;
	s7 =	simm.s32 @p2 $0x1082  }
0x22: {  	[simem:s7], [sflag:s8] =	dma.local @!p0 [hbm:s6], $0xF7A  }
0x23: {  	s9 =	sor.u32 $0xD0000000, s2;
	s6 =	simm.s32 $0x108;
	_ =	swait.ge @!p0 [sflag:s8], $0x0  }
0x24: {  	s3 =	sadd.s32 $0x88, s3;
	s6 =	simm.s32 @!p1 $0x1082;
	[sflag:s4] =	ssyncset.s32 $0xFFFFF086  }
0x25: {  	[simem:s6], [sflag:s4] =	dma.local [hbm:s3], $0xF7A  }
0x26: {  	[smem:$0x3F9C] =	sst s1;
	(tag) =	ssettag s2;
	_ =	strace s9  }
0x27: {  	s1 =	sld [smem:$0x3FAC]  }
0x28: {  	s2 =	sld [smem:$0x3FAD]  }
0x29: {  	s4 =	sld [smem:$0x3FAF]  }
0x2a: {  	p0 =	seq.s32 s5, $0x0;
	s5 =	sld [smem:$0x3FB0]  }
0x2b: {  	s6 =	sld [smem:$0x3FB1]  }
0x2c: {  	s7 =	sld [smem:$0x3FB2]  }
0x2d: {  	s3 =	simm.s32 $0x108;
	s8 =	sld [smem:$0x3FB3]  }
0x2e: {  	s3 =	simm.s32 @!p0 $0x1082;
	s9 =	sld [smem:$0x3FB4]  }
0x2f: {  	lr =	sadd.s32 s0, s3;
	s0 =	sld [smem:$0x3FAB]  }
0x30: {  	s3 =	sld [smem:$0x3FAE]  }
0x31: {  	[smem:$0x3FB7] =	sst s10  }
0x32: {  	s10 =	sld [smem:$0x3FB5];
	_ =	sdelay $0x3  }
0x33: {  	p0 =	seq.s32 s10, $0x1;
	s10 =	sld [smem:$0x3FB7];
	_ =	sdelay $0x3  }
0x34: {  	[smem:$0x3FB7] =	sst s10  }
0x35: {  	s10 =	sld [smem:$0x3FB6];
	_ =	sdelay $0x3  }
0x36: {  	p1 =	seq.s32 s10, $0x1;
	s10 =	sld [smem:$0x3FB7];
	_ =	sdelay $0x3  }
0x37: {  	[smem:$0x3FB7] =	sst s10  }
0x38: {  	s10 =	sld [smem:$0x3FB8]  }
0x39: {  	_ = 	snop;
	(pc) =	sbr.ind lr, $3  }
0x3a: {  	_ = 	snop  }
0x3b: {  	_ = 	snop  }
0x3c: {  	p2 =	seq.s32 s10, $0x1;
	s10 =	sld [smem:$0x3FB7]  }
0x3d: {  	_ =	shalt  }
0x3e: {  	_ =	shalt  }
0x3f: {  	_ =	shalt  }
0x40: {  	_ =	shalt  }
0x41: {  	_ =	shalt  }
0x42: {  	_ =	shalt  }
0x43: {  	_ =	shalt  }
0x44: {  	_ =	shalt  }
0x45: {  	_ =	shalt  }
0x46: {  	_ =	shalt  }
0x47: {  	_ =	shalt  }
0x48: {  	_ =	shalt  }
0x49: {  	_ =	shalt  }
0x4a: {  	_ =	shalt  }
0x4b: {  	_ =	shalt  }
0x4c: {  	_ =	shalt  }
0x4d: {  	_ =	shalt  }
0x4e: {  	_ =	shalt  }
0x4f: {  	_ =	shalt  }
0x50: {  	_ =	shalt  }
0x51: {  	_ =	shalt  }
0x52: {  	_ =	shalt  }
0x53: {  	_ =	shalt  }
0x54: {  	_ =	shalt  }
0x55: {  	_ =	shalt  }
0x56: {  	_ =	shalt  }
0x57: {  	_ =	shalt  }
0x58: {  	_ =	shalt  }
0x59: {  	_ =	shalt  }
0x5a: {  	_ =	shalt  }
0x5b: {  	_ =	shalt  }
0x5c: {  	_ =	shalt  }
0x5d: {  	_ =	shalt  }
0x5e: {  	_ =	shalt  }
0x5f: {  	_ =	shalt  }
0x60: {  	_ =	shalt  }
0x61: {  	_ =	shalt  }
0x62: {  	_ =	shalt  }
0x63: {  	_ =	shalt  }
0x64: {  	_ =	shalt  }
0x65: {  	_ =	shalt  }
0x66: {  	_ =	shalt  }
0x67: {  	_ =	shalt  }
0x68: {  	_ =	shalt  }
0x69: {  	_ =	shalt  }
0x6a: {  	_ =	shalt  }
0x6b: {  	_ =	shalt  }
0x6c: {  	_ =	shalt  }
0x6d: {  	_ =	shalt  }
0x6e: {  	_ =	shalt  }
0x6f: {  	_ =	shalt  }
0x70: {  	_ =	shalt  }
0x71: {  	_ =	shalt  }
0x72: {  	_ =	shalt  }
0x73: {  	_ =	shalt  }
0x74: {  	_ =	shalt  }
0x75: {  	_ =	shalt  }
0x76: {  	_ =	shalt  }
0x77: {  	_ =	shalt  }
0x78: {  	_ =	shalt  }
0x79: {  	_ =	shalt  }
0x7a: {  	_ =	shalt  }
0x7b: {  	_ =	shalt  }
0x7c: {  	_ =	shalt  }
0x7d: {  	_ =	shalt  }
0x7e: {  	_ =	shalt  }
0x7f: {  	_ =	shalt  }
0x80: {  	_ =	shalt  }
0x81: {  	_ =	shalt  }
0x82: {  	_ =	shalt  }
0x83: {  	_ =	shalt  }
0x84: {  	_ =	shalt  }
0x85: {  	_ =	shalt  }
0x86: {  	_ =	shalt  }
0x87: {  	_ =	shalt  }
.Lfunc_end0:
.L_simem_size_0:
called_computation_lowered:
.L_overlay_start_0:
0x88: {  	s2 =	sld [smem:$0x3FD9]  }
0x89: {  	s3 =	sld [smem:$0x3FFE];
	_ =	sdelay $0x1  }
0x8a: {  	s1 =	srdreg.scid  }
0x8b: {  	s0 =	sand.u32 $0x1, s1  }
0x8c: {  	s16 =	sshll.u32 s0, $0xA;
	s2 =	sadd.s32 s3, s2  }
0x8d: {  	s2 =	sadd.s32 s2, s16  }
0x8e: {  	[smem:$0x3FC3] =	sst s2  }
0x8f: {  	_ = 	snop  }
0x90: {  	(tm) =	ssettm $0x1  }
0x91: {  	s17 =	sld [smem:$0x3FFB];
	_ =	sdelay $0x3  }
0x92: {  	_ =	strace s17  }
0x93: {  	s2 =	sld [smem:$0x3FFC];
	_ =	sdelay $0x3  }
0x94: {  	_ =	strace s2  }
0x95: {  	s2 =	sld [smem:$0x3FFD];
	_ =	sdelay $0x3  }
0x96: {  	_ =	strace s2  }
0x97: {  	_ =	strace $0x8FFFFFFF  }
0x98: {  	s18 =	sld [smem:$0x3FDB];
	_ =	sdelay $0x1  }
0x99: {  	s19 =	simm.s32 $_scs_section_size  }
0x9a: {  	s4 =	simm.s32 $_size__tile_overlayer_lowered;
	s5 =	simm.s32 $_tile_overlayer_lowered  }
0x9b: {  	s22 =	simm.s32 $0x1BFF;
	s21 =	sshll.u32 s5, $0x1;
	s2 =	sadd.s32 s19, s18  }
0x9c: {  	s6 =	simm.s32 $0x0;
	s20 =	sshll.u32 s4, $0x1;
	s4 =	sadd.s32 s21, s2  }
0x9d: {  	[timem:s6], [sflag:s22] =	dma.local [hbm:s4], s20  }
0x9e: {  	_ =	swait.ge [sflag:s22], s20  }
0x9f: {  	s3 =	ssub.s32 $0x0, s20;
	[sflag:s22] =	ssyncset.done $0x0  }
0xa0: {  	[sflag:s22] =	ssyncadd.s32 s3;
	_ =	sdelay $0x1  }
0xa1: {  	s23 =	simm.s32 $0x1B8B  }
0xa2: {  	_ =	swait.ge [sflag:s23], $0x1  }
0xa3: {  	[sflag:s23] =	ssyncset.done $0x0  }
0xa4: {  	s25 =	simm.s32 $0x1B8E;
	s24 =	sld [smem:$0x3FFE];
	[sflag:s23] =	ssyncadd.s32 $0xFFFFFFFF  }
0xa5: {  	s26 =	simm.s32 $execute0_lowered;
	[smem:$0x3FD2] =	sst s25  }
0xa6: {  	s4 =	sshll.u32 s26, $0x1;
	_ =	strace $0x80000046;
	[dreg:$0x1] =	wrdreg $0xFFFFFFFF  }
0xa7: {  	s28 =	simm.s32 $_size_execute0_lowered;
	s2 =	sadd.s32 s2, s4;
	[dreg:$0x0] =	wrdreg $0x0  }
0xa8: {  	s4 =	sshll.u32 s28, $0x1;
	[dreg:$0x2] =	wrdreg s2  }
0xa9: {  	[dreg:$0x3] =	wrdreg s4  }
0xaa: {  	[dreg:$0x4] =	wrdreg $0xC0  }
0xab: {  	_ =	task [dreg:s6], $0x5FFFF  }
0xac: {  	[dreg:$0x1] =	wrdreg $0xFFFFFFFF  }
0xad: {  	[dreg:$0x0] =	wrdreg $0x60  }
0xae: {  	[dreg:$0x2] =	wrdreg s24  }
0xaf: {  	[dreg:$0x3] =	wrdreg $0x9  }
0xb0: {  	_ =	task.clear_ibuf [dreg:s6], $0x4FFFF;
	_ =	strace $0x90000046  }
0xb1: {  	s29 =	simm.s32 $0x9;
	_ =	strace $0x80000048  }
0xb2: {  	_ =	swait.ge [sflag:s29], $0x1  }
0xb3: {  	[sflag:s29] =	ssyncadd.s32 $0xFFFFFFFF  }
0xb4: {  	_ =	strace $0x90000048  }
0xb5: {  	_ =	sfence  }
0xb6: {  	s30 =	sld [smem:$0x0];
	_ =	sdelay $0x2  }
0xb7: {  	s31 =	sshll.u32 s1, $0xD;
	s1 =	sshrl.u32 s1, $0x2  }
0xb8: {  	s3 =	sand.u32 $0x4000, s31;
	s1 =	sadd.s32 s1, s30  }
0xb9: {  	s0 =	sor.u32 s3, s0;
	s1 =	sshll.u32 s1, $0x11  }
0xba: {  	s0 =	sor.u32 s1, s0  }
0xbb: {  	s0 =	sadd.s32 $0x8F2B, s0  }
0xbc: {  	[sflag:s0] =	ssyncadd.remote.s32 $0x1  }
0xbd: {  	_ =	sfence.sel $0xFFFF  }
0xbe: {  	[dreg:$0x0] =	wrdreg $0xFFFFFFFF;
	(pc) =	sbr.abs _section_cstart, $3  }
0xbf: {  	[dreg:$0x1] =	wrdreg $0xFFFFFFFF  }
0xc0: {  	_ =	task.clear_ibuf [dreg:s6], $0x2FFFF;
	_ =	strace $0x9FFFFFFF  }
0xc1: {  	(tm) =	ssettm $0x7FFFFFFF  }
tec
execute0_lowered:
.L_overlay_start_1:
0x0: {  	(tag) =	ssettag $0x1  }
0x1: {  	s0 =	srdreg.scid;
	s1 =	stileid.u32  }
0x2: {  	s0 =	sand.u32 $0x1, s0;
	s1 =	sshll.u32 s1, $0x1  }
0x3: {  	s3 =	rddreg [dreg:$0x0];
	s2 =	simm.s32 $0x0;
	s1 =	sor.u32 s0, s1  }
0x4: {  	s9 =	simm.s32 $0x1;
	s28 =	simm.s32 $0x17E80;
	s4 =	smul.u32 $0xC4, s1  }
0x5: {  	s29 =	simm.s32 $0x18680;
	s30 =	simm.s32 $0x18E80;
	s5 =	smul.u32 $0x62000, s1  }
0x6: {  	s31 =	simm.s32 $0x19680;
	[smem:$0x7FF] =	sst s2;
	s1 =	smul.u32 $0xC400, s1  }
0x7: {  	s10 =	simm.s32 $0x2;
	s6 =	sadd.s32 $0x312600, s3;
	_ =	strace $0x80000047  }
0x8: {  	s4 =	sadd.s32 s4, s3;
	s5 =	sshrl.u32 s5, $0x3;
	s1 =	sadd.s32 s6, s1  }
0x9: {  	s4 =	sadd.s32 $0xC00, s4;
	s19 =	sadd.s32 s6, s5;
	[dreg:$0x3] =	wrdreg s1  }
0xa: {  	s0 =	ssub.s32 $0x2, s0;
	[dreg:$0x2] =	wrdreg s4;
	s20 =	sadd.s32 $0x1C00, s19  }
0xb: {  	s25 =	sshrl.u32 s0, $0x1;
	s21 =	sadd.s32 $0x3800, s19;
	[dreg:$0x4] =	wrdreg s20  }
0xc: {  	s0 =	ssub.s32 s0, s25;
	s22 =	sadd.s32 $0x5400, s19;
	[dreg:$0x5] =	wrdreg s21  }
0xd: {  	s25 =	simm.s32 $0x16E80;
	s23 =	sadd.s32 $0x7000, s19;
	[dreg:$0x6] =	wrdreg s22  }
0xe: {  	s3 =	sadd.s32 $0x2600, s3;
	s24 =	sadd.s32 $0x8C00, s19;
	[dreg:$0x7] =	wrdreg s23  }
0xf: {  	v2 =	vlaneseq.u32;
	s5 =	simm.s32 $0x3;
	s26 =	sadd.s32 $0xA800, s19;
	[dreg:$0x8] =	wrdreg s24  }
0x10: {  	vm0 =	vmmov $0xffff;
	v1 =	vshrl.u32 v2, $0x3;
	s4 =	smax.u32 s0, $0x1;
	[dreg:$0x9] =	wrdreg s26;
	s22 =	simm.s32 $0x680  }
0x11: {  	v0 =	vand.u32 $0x7, v2;
	v2 =	vor.u32 $0x8, v2;
	v1 =	vmul.u32 $0x8, v1;
	s23 =	simm.s32 $0x15E80;
	s24 =	simm.s32 $0x16680;
	s26 =	simm.s32 $0x17680  }
.LBB2_1:
0x12: {  	s11 =	rddreg [dreg:$0x2]  }
0x13: {  	[tilespmem:s2], [sflag:$0x3] =	stream.linear.gather [hbm4b:s11+s2], $0x620, $0x38;
	[tilespmem:$0x1C680] =	vst v63  }
0x14: {  	_ =	swait.ge [sflag:s5], $0x620  }
0x15: {  	[sflag:s5] =	ssyncset.done $0x0  }
0x16: {  	[sflag:s5] =	ssyncadd.s32 $0xFFFFF9E0  }
0x17: {  	v3 =	vld [tilespmem:$0x0];
	_ =	sdelay $0x4  }
0x18: {  	v4 =	vshll.u32 v3, $0x1  }
0x19: {  	v3 =	vand.u32 $0x7, v3;
	v4 =	vand.u32 $0xFFFFFFF0, v4  }
0x1a: {  	v3 =	vor.u32 v3, v4  }
0x1b: {  	v4 =	vperm.xlane v3, v0;
	_ =	sdelay $0x1  }
0x1c: {  	v3 =	vperm.xlane v3, v2;
	v4 =	vadd.s32 v1, v4;
	_ =	sdelay $0x1  }
0x1d: {  	v3 =	vadd.s32 v1, v3;
	_ =	sdelay $0x2  }
0x1e: {  	[tilespmem:s22], [sflag:$0x1] =	stream.indirect_vreg.gather [hbm4b:s3+s2], $0x80, v4, vm0, $0xb8;
	[tilespmem:$0x1C680] =	vst v63  }
0x1f: {  	s0 =	simm.s32 $0xE80  }
0x20: {  	[tilespmem:s0], [sflag:$0x1] =	stream.indirect_vreg.gather [hbm4b:s3+s2], $0x80, v3, vm0, $0xb8;
	[tilespmem:$0x1C680] =	vst v63  }
0x21: {  	v3 =	vld [tilespmem:$0x10];
	_ =	sdelay $0x4  }
0x22: {  	v23 =	vshll.u32 v3, $0x1  }
0x23: {  	v3 =	vand.u32 $0x7, v3;
	v4 =	vand.u32 $0xFFFFFFF0, v23  }
0x24: {  	v3 =	vor.u32 v3, v4  }
0x25: {  	v4 =	vperm.xlane v3, v0;
	_ =	sdelay $0x1  }
0x26: {  	v3 =	vperm.xlane v3, v2;
	v4 =	vadd.s32 v1, v4;
	_ =	sdelay $0x1  }
0x27: {  	v3 =	vadd.s32 v1, v3;
	_ =	sdelay $0x1  }
0x28: {  	s15 =	simm.s32 $0x1680  }
0x29: {  	[tilespmem:s15], [sflag:$0x1] =	stream.indirect_vreg.gather [hbm4b:s3+s2], $0x80, v4, vm0, $0xb8;
	[tilespmem:$0x1C680] =	vst v63  }
0x2a: {  	s16 =	simm.s32 $0x1E80  }
0x2b: {  	[tilespmem:s16], [sflag:$0x1] =	stream.indirect_vreg.gather [hbm4b:s3+s2], $0x80, v3, vm0, $0xb8;
	[tilespmem:$0x1C680] =	vst v63  }
0x2c: {  	v3 =	vld [tilespmem:$0x20];
	_ =	sdelay $0x4  }
0x2d: {  	v24 =	vshll.u32 v3, $0x1  }
0x2e: {  	v3 =	vand.u32 $0x7, v3;
	v4 =	vand.u32 $0xFFFFFFF0, v24  }
0x2f: {  	v3 =	vor.u32 v3, v4  }
0x30: {  	v4 =	vperm.xlane v3, v0;
	_ =	sdelay $0x1  }
0x31: {  	v3 =	vperm.xlane v3, v2;
	v4 =	vadd.s32 v1, v4;
	_ =	sdelay $0x1  }
0x32: {  	v3 =	vadd.s32 v1, v3;
	_ =	sdelay $0x1  }
0x33: {  	s17 =	simm.s32 $0x2680  }
0x34: {  	[tilespmem:s17], [sflag:$0x1] =	stream.indirect_vreg.gather [hbm4b:s3+s2], $0x80, v4, vm0, $0xb8;
	[tilespmem:$0x1C680] =	vst v63  }
0x35: {  	s18 =	simm.s32 $0x2E80  }
0x36: {  	[tilespmem:s18], [sflag:$0x1] =	stream.indirect_vreg.gather [hbm4b:s3+s2], $0x80, v3, vm0, $0xb8;
	[tilespmem:$0x1C680] =	vst v63  }
0x37: {  	v3 =	vld [tilespmem:$0x30];
	_ =	sdelay $0x4  }
0x38: {  	v25 =	vshll.u32 v3, $0x1  }
0x39: {  	v3 =	vand.u32 $0x7, v3;
	v4 =	vand.u32 $0xFFFFFFF0, v25  }
0x3a: {  	v3 =	vor.u32 v3, v4  }
0x3b: {  	v4 =	vperm.xlane v3, v0;
	_ =	sdelay $0x1  }
0x3c: {  	v3 =	vperm.xlane v3, v2;
	v4 =	vadd.s32 v1, v4;
	_ =	sdelay $0x1  }
0x3d: {  	v3 =	vadd.s32 v1, v3;
	_ =	sdelay $0x1  }
0x3e: {  	s19 =	simm.s32 $0x3680  }
0x3f: {  	[tilespmem:s19], [sflag:$0x1] =	stream.indirect_vreg.gather [hbm4b:s3+s2], $0x80, v4, vm0, $0xb8;
	[tilespmem:$0x1C680] =	vst v63  }
0x40: {  	s20 =	simm.s32 $0x3E80  }
0x41: {  	[tilespmem:s20], [sflag:$0x1] =	stream.indirect_vreg.gather [hbm4b:s3+s2], $0x80, v3, vm0, $0xb8;
	[tilespmem:$0x1C680] =	vst v63  }
0x42: {  	v3 =	vld [tilespmem:$0x40];
	_ =	sdelay $0x4  }
0x43: {  	v26 =	vshll.u32 v3, $0x1  }
0x44: {  	v3 =	vand.u32 $0x7, v3;
	v4 =	vand.u32 $0xFFFFFFF0, v26  }
0x45: {  	v3 =	vor.u32 v3, v4  }
0x46: {  	v4 =	vperm.xlane v3, v0;
	_ =	sdelay $0x1  }
0x47: {  	v3 =	vperm.xlane v3, v2;
	v4 =	vadd.s32 v1, v4;
	_ =	sdelay $0x1  }
0x48: {  	v3 =	vadd.s32 v1, v3;
	_ =	sdelay $0x1  }
0x49: {  	s21 =	simm.s32 $0x4680  }
0x4a: {  	[tilespmem:s21], [sflag:$0x1] =	stream.indirect_vreg.gather [hbm4b:s3+s2], $0x80, v4, vm0, $0xb8;
	[tilespmem:$0x1C680] =	vst v63  }
0x4b: {  	s6 =	simm.s32 $0x4E80  }
0x4c: {  	[tilespmem:s6], [sflag:$0x1] =	stream.indirect_vreg.gather [hbm4b:s3+s2], $0x80, v3, vm0, $0xb8;
	[tilespmem:$0x1C680] =	vst v63  }
0x4d: {  	v3 =	vld [tilespmem:$0x50];
	_ =	sdelay $0x4  }
0x4e: {  	v27 =	vshll.u32 v3, $0x1  }
0x4f: {  	v3 =	vand.u32 $0x7, v3;
	v4 =	vand.u32 $0xFFFFFFF0, v27  }
0x50: {  	v3 =	vor.u32 v3, v4  }
0x51: {  	v4 =	vperm.xlane v3, v0;
	_ =	sdelay $0x1  }
0x52: {  	v3 =	vperm.xlane v3, v2;
	v4 =	vadd.s32 v1, v4;
	_ =	sdelay $0x1  }
0x53: {  	v3 =	vadd.s32 v1, v3;
	_ =	sdelay $0x1  }
0x54: {  	s11 =	simm.s32 $0x5680  }
0x55: {  	[tilespmem:s11], [sflag:$0x1] =	stream.indirect_vreg.gather [hbm4b:s3+s2], $0x80, v4, vm0, $0xb8;
	[tilespmem:$0x1C680] =	vst v63  }
0x56: {  	s14 =	simm.s32 $0x5E80  }
0x57: {  	[tilespmem:s14], [sflag:$0x1] =	stream.indirect_vreg.gather [hbm4b:s3+s2], $0x80, v3, vm0, $0xb8;
	[tilespmem:$0x1C680] =	vst v63  }
0x58: {  	v3 =	vld [tilespmem:$0x60];
	_ =	sdelay $0x4  }
0x59: {  	v28 =	vshll.u32 v3, $0x1  }
0x5a: {  	v3 =	vand.u32 $0x7, v3;
	v4 =	vand.u32 $0xFFFFFFF0, v28  }
0x5b: {  	v3 =	vor.u32 v3, v4  }
0x5c: {  	v4 =	vperm.xlane v3, v0;
	_ =	sdelay $0x1  }
0x5d: {  	v3 =	vperm.xlane v3, v2;
	v4 =	vadd.s32 v1, v4;
	_ =	sdelay $0x1  }
0x5e: {  	v3 =	vadd.s32 v1, v3;
	_ =	sdelay $0x1  }
0x5f: {  	s15 =	simm.s32 $0x6680  }
0x60: {  	[tilespmem:s15], [sflag:$0x1] =	stream.indirect_vreg.gather [hbm4b:s3+s2], $0x80, v4, vm0, $0xb8;
	[tilespmem:$0x1C680] =	vst v63  }
0x61: {  	s16 =	simm.s32 $0x6E80  }
0x62: {  	[tilespmem:s16], [sflag:$0x1] =	stream.indirect_vreg.gather [hbm4b:s3+s2], $0x80, v3, vm0, $0xb8;
	[tilespmem:$0x1C680] =	vst v63  }
0x63: {  	v3 =	vld [tilespmem:$0x70];
	_ =	sdelay $0x4  }
0x64: {  	v29 =	vshll.u32 v3, $0x1  }
0x65: {  	v3 =	vand.u32 $0x7, v3;
	v4 =	vand.u32 $0xFFFFFFF0, v29  }
0x66: {  	v3 =	vor.u32 v3, v4  }
0x67: {  	v4 =	vperm.xlane v3, v0;
	_ =	sdelay $0x1  }
0x68: {  	v3 =	vperm.xlane v3, v2;
	v4 =	vadd.s32 v1, v4;
	_ =	sdelay $0x1  }
0x69: {  	v3 =	vadd.s32 v1, v3;
	_ =	sdelay $0x1  }
0x6a: {  	s17 =	simm.s32 $0x7680  }
0x6b: {  	[tilespmem:s17], [sflag:$0x1] =	stream.indirect_vreg.gather [hbm4b:s3+s2], $0x80, v4, vm0, $0xb8;
	[tilespmem:$0x1C680] =	vst v63  }
0x6c: {  	s18 =	simm.s32 $0x7E80  }
0x6d: {  	[tilespmem:s18], [sflag:$0x1] =	stream.indirect_vreg.gather [hbm4b:s3+s2], $0x80, v3, vm0, $0xb8;
	[tilespmem:$0x1C680] =	vst v63  }
0x6e: {  	v3 =	vld [tilespmem:$0x80];
	_ =	sdelay $0x4  }
0x6f: {  	v30 =	vshll.u32 v3, $0x1  }
0x70: {  	v3 =	vand.u32 $0x7, v3;
	v4 =	vand.u32 $0xFFFFFFF0, v30  }
0x71: {  	v3 =	vor.u32 v3, v4  }
0x72: {  	v4 =	vperm.xlane v3, v0;
	_ =	sdelay $0x1  }
0x73: {  	v3 =	vperm.xlane v3, v2;
	v4 =	vadd.s32 v1, v4;
	_ =	sdelay $0x1  }
0x74: {  	v3 =	vadd.s32 v1, v3;
	_ =	sdelay $0x1  }
0x75: {  	s19 =	simm.s32 $0x8680  }
0x76: {  	[tilespmem:s19], [sflag:$0x1] =	stream.indirect_vreg.gather [hbm4b:s3+s2], $0x80, v4, vm0, $0xb8;
	[tilespmem:$0x1C680] =	vst v63  }
0x77: {  	s20 =	simm.s32 $0x8E80  }
0x78: {  	[tilespmem:s20], [sflag:$0x1] =	stream.indirect_vreg.gather [hbm4b:s3+s2], $0x80, v3, vm0, $0xb8;
	[tilespmem:$0x1C680] =	vst v63  }
0x79: {  	v3 =	vld [tilespmem:$0x90];
	_ =	sdelay $0x4  }
0x7a: {  	v31 =	vshll.u32 v3, $0x1  }
0x7b: {  	v3 =	vand.u32 $0x7, v3;
	v4 =	vand.u32 $0xFFFFFFF0, v31  }
0x7c: {  	v3 =	vor.u32 v3, v4  }
0x7d: {  	v4 =	vperm.xlane v3, v0;
	_ =	sdelay $0x1  }
0x7e: {  	v3 =	vperm.xlane v3, v2;
	v4 =	vadd.s32 v1, v4;
	_ =	sdelay $0x1  }
0x7f: {  	v3 =	vadd.s32 v1, v3;
	_ =	sdelay $0x1  }
0x80: {  	s21 =	simm.s32 $0x9680  }
0x81: {  	[tilespmem:s21], [sflag:$0x1] =	stream.indirect_vreg.gather [hbm4b:s3+s2], $0x80, v4, vm0, $0xb8;
	[tilespmem:$0x1C680] =	vst v63  }
0x82: {  	s6 =	simm.s32 $0x9E80  }
0x83: {  	[tilespmem:s6], [sflag:$0x1] =	stream.indirect_vreg.gather [hbm4b:s3+s2], $0x80, v3, vm0, $0xb8;
	[tilespmem:$0x1C680] =	vst v63  }
0x84: {  	v3 =	vld [tilespmem:$0xA0];
	_ =	sdelay $0x4  }
0x85: {  	v32 =	vshll.u32 v3, $0x1  }
0x86: {  	v3 =	vand.u32 $0x7, v3;
	v4 =	vand.u32 $0xFFFFFFF0, v32  }
0x87: {  	v3 =	vor.u32 v3, v4  }
0x88: {  	v4 =	vperm.xlane v3, v0;
	_ =	sdelay $0x1  }
0x89: {  	v3 =	vperm.xlane v3, v2;
	v4 =	vadd.s32 v1, v4;
	_ =	sdelay $0x1  }
0x8a: {  	v3 =	vadd.s32 v1, v3;
	_ =	sdelay $0x1  }
0x8b: {  	s11 =	simm.s32 $0xA680  }
0x8c: {  	[tilespmem:s11], [sflag:$0x1] =	stream.indirect_vreg.gather [hbm4b:s3+s2], $0x80, v4, vm0, $0xb8;
	[tilespmem:$0x1C680] =	vst v63  }
0x8d: {  	s19 =	simm.s32 $0xAE80  }
0x8e: {  	[tilespmem:s19], [sflag:$0x1] =	stream.indirect_vreg.gather [hbm4b:s3+s2], $0x80, v3, vm0, $0xb8;
	[tilespmem:$0x1C680] =	vst v63  }
0x8f: {  	v3 =	vld [tilespmem:$0xB0];
	_ =	sdelay $0x4  }
0x90: {  	v33 =	vshll.u32 v3, $0x1  }
0x91: {  	v3 =	vand.u32 $0x7, v3;
	v4 =	vand.u32 $0xFFFFFFF0, v33  }
0x92: {  	v3 =	vor.u32 v3, v4  }
0x93: {  	v4 =	vperm.xlane v3, v0;
	_ =	sdelay $0x1  }
0x94: {  	v3 =	vperm.xlane v3, v2;
	v4 =	vadd.s32 v1, v4;
	_ =	sdelay $0x1  }
0x95: {  	v3 =	vadd.s32 v1, v3;
	_ =	sdelay $0x1  }
0x96: {  	s20 =	simm.s32 $0xB680  }
0x97: {  	[tilespmem:s20], [sflag:$0x1] =	stream.indirect_vreg.gather [hbm4b:s3+s2], $0x80, v4, vm0, $0xb8;
	[tilespmem:$0x1C680] =	vst v63  }
0x98: {  	s21 =	simm.s32 $0xBE80  }
0x99: {  	[tilespmem:s21], [sflag:$0x1] =	stream.indirect_vreg.gather [hbm4b:s3+s2], $0x80, v3, vm0, $0xb8;
	[tilespmem:$0x1C680] =	vst v63  }
0x9a: {  	v3 =	vld [tilespmem:$0xC0];
	_ =	sdelay $0x4  }
0x9b: {  	v34 =	vshll.u32 v3, $0x1  }
0x9c: {  	v3 =	vand.u32 $0x7, v3;
	v4 =	vand.u32 $0xFFFFFFF0, v34  }
0x9d: {  	v3 =	vor.u32 v3, v4  }
0x9e: {  	v4 =	vperm.xlane v3, v0;
	_ =	sdelay $0x1  }
0x9f: {  	v3 =	vperm.xlane v3, v2;
	v4 =	vadd.s32 v1, v4;
	_ =	sdelay $0x1  }
0xa0: {  	v3 =	vadd.s32 v1, v3;
	_ =	sdelay $0x1  }
0xa1: {  	s6 =	simm.s32 $0xC680  }
0xa2: {  	[tilespmem:s6], [sflag:$0x1] =	stream.indirect_vreg.gather [hbm4b:s3+s2], $0x80, v4, vm0, $0xb8;
	[tilespmem:$0x1C680] =	vst v63  }
0xa3: {  	s11 =	simm.s32 $0xCE80  }
0xa4: {  	[tilespmem:s11], [sflag:$0x1] =	stream.indirect_vreg.gather [hbm4b:s3+s2], $0x80, v3, vm0, $0xb8;
	[tilespmem:$0x1C680] =	vst v63  }
0xa5: {  	v3 =	vld [tilespmem:$0xD0];
	_ =	sdelay $0x4  }
0xa6: {  	v35 =	vshll.u32 v3, $0x1  }
0xa7: {  	v3 =	vand.u32 $0x7, v3;
	v4 =	vand.u32 $0xFFFFFFF0, v35  }
0xa8: {  	v3 =	vor.u32 v3, v4  }
0xa9: {  	v4 =	vperm.xlane v3, v0;
	_ =	sdelay $0x1  }
0xaa: {  	v3 =	vperm.xlane v3, v2;
	v4 =	vadd.s32 v1, v4;
	_ =	sdelay $0x1  }
0xab: {  	v3 =	vadd.s32 v1, v3;
	_ =	sdelay $0x1  }
0xac: {  	s21 =	simm.s32 $0xD680  }
0xad: {  	[tilespmem:s21], [sflag:$0x1] =	stream.indirect_vreg.gather [hbm4b:s3+s2], $0x80, v4, vm0, $0xb8;
	[tilespmem:$0x1C680] =	vst v63  }
0xae: {  	s6 =	simm.s32 $0xDE80  }
0xaf: {  	[tilespmem:s6], [sflag:$0x1] =	stream.indirect_vreg.gather [hbm4b:s3+s2], $0x80, v3, vm0, $0xb8;
	[tilespmem:$0x1C680] =	vst v63  }
0xb0: {  	v3 =	vld [tilespmem:$0xE0];
	_ =	sdelay $0x4  }
0xb1: {  	v36 =	vshll.u32 v3, $0x1  }
0xb2: {  	v3 =	vand.u32 $0x7, v3;
	v4 =	vand.u32 $0xFFFFFFF0, v36  }
0xb3: {  	v3 =	vor.u32 v3, v4  }
0xb4: {  	v4 =	vperm.xlane v3, v0;
	_ =	sdelay $0x1  }
0xb5: {  	v3 =	vperm.xlane v3, v2;
	v4 =	vadd.s32 v1, v4;
	_ =	sdelay $0x1  }
0xb6: {  	v3 =	vadd.s32 v1, v3;
	_ =	sdelay $0x1  }
0xb7: {  	s0 =	simm.s32 $0xE680  }
0xb8: {  	[tilespmem:s0], [sflag:$0x2] =	stream.indirect_vreg.gather [hbm4b:s3+s2], $0x80, v4, vm0, $0xb8;
	[tilespmem:$0x1C680] =	vst v63  }
0xb9: {  	s6 =	simm.s32 $0xEE80  }
0xba: {  	[tilespmem:s6], [sflag:$0x2] =	stream.indirect_vreg.gather [hbm4b:s3+s2], $0x80, v3, vm0, $0xb8;
	[tilespmem:$0x1C680] =	vst v63  }
0xbb: {  	v3 =	vld [tilespmem:$0xF0];
	_ =	sdelay $0x4  }
0xbc: {  	v37 =	vshll.u32 v3, $0x1  }
0xbd: {  	v3 =	vand.u32 $0x7, v3;
	v4 =	vand.u32 $0xFFFFFFF0, v37  }
0xbe: {  	v3 =	vor.u32 v3, v4  }
0xbf: {  	v4 =	vperm.xlane v3, v0;
	_ =	sdelay $0x1  }
0xc0: {  	v3 =	vperm.xlane v3, v2;
	v4 =	vadd.s32 v1, v4;
	_ =	sdelay $0x1  }
0xc1: {  	v3 =	vadd.s32 v1, v3;
	_ =	sdelay $0x1  }
0xc2: {  	s11 =	simm.s32 $0xF680  }
0xc3: {  	[tilespmem:s11], [sflag:$0x2] =	stream.indirect_vreg.gather [hbm4b:s3+s2], $0x80, v4, vm0, $0xb8;
	[tilespmem:$0x1C680] =	vst v63  }
0xc4: {  	s21 =	simm.s32 $0xFE80  }
0xc5: {  	[tilespmem:s21], [sflag:$0x2] =	stream.indirect_vreg.gather [hbm4b:s3+s2], $0x80, v3, vm0, $0xb8;
	[tilespmem:$0x1C680] =	vst v63  }
0xc6: {  	v3 =	vld [tilespmem:$0x100];
	_ =	sdelay $0x4  }
0xc7: {  	v38 =	vshll.u32 v3, $0x1  }
0xc8: {  	v3 =	vand.u32 $0x7, v3;
	v4 =	vand.u32 $0xFFFFFFF0, v38  }
0xc9: {  	v3 =	vor.u32 v3, v4  }
0xca: {  	v4 =	vperm.xlane v3, v0;
	_ =	sdelay $0x1  }
0xcb: {  	v3 =	vperm.xlane v3, v2;
	v4 =	vadd.s32 v1, v4;
	_ =	sdelay $0x1  }
0xcc: {  	v3 =	vadd.s32 v1, v3;
	_ =	sdelay $0x1  }
0xcd: {  	s11 =	simm.s32 $0x10680  }
0xce: {  	[tilespmem:s11], [sflag:$0x2] =	stream.indirect_vreg.gather [hbm4b:s3+s2], $0x80, v4, vm0, $0xb8;
	[tilespmem:$0x1C680] =	vst v63  }
0xcf: {  	s21 =	simm.s32 $0x10E80  }
0xd0: {  	[tilespmem:s21], [sflag:$0x2] =	stream.indirect_vreg.gather [hbm4b:s3+s2], $0x80, v3, vm0, $0xb8;
	[tilespmem:$0x1C680] =	vst v63  }
0xd1: {  	v3 =	vld [tilespmem:$0x110];
	_ =	sdelay $0x4  }
0xd2: {  	v39 =	vshll.u32 v3, $0x1  }
0xd3: {  	v3 =	vand.u32 $0x7, v3;
	v4 =	vand.u32 $0xFFFFFFF0, v39  }
0xd4: {  	v3 =	vor.u32 v3, v4  }
0xd5: {  	v4 =	vperm.xlane v3, v0;
	_ =	sdelay $0x1  }
0xd6: {  	v3 =	vperm.xlane v3, v2;
	v4 =	vadd.s32 v1, v4;
	_ =	sdelay $0x1  }
0xd7: {  	v3 =	vadd.s32 v1, v3;
	_ =	sdelay $0x1  }
0xd8: {  	s11 =	simm.s32 $0x11680  }
0xd9: {  	[tilespmem:s11], [sflag:$0x2] =	stream.indirect_vreg.gather [hbm4b:s3+s2], $0x80, v4, vm0, $0xb8;
	[tilespmem:$0x1C680] =	vst v63  }
0xda: {  	s21 =	simm.s32 $0x11E80  }
0xdb: {  	[tilespmem:s21], [sflag:$0x2] =	stream.indirect_vreg.gather [hbm4b:s3+s2], $0x80, v3, vm0, $0xb8;
	[tilespmem:$0x1C680] =	vst v63  }
0xdc: {  	v3 =	vld [tilespmem:$0x120];
	_ =	sdelay $0x4  }
0xdd: {  	v40 =	vshll.u32 v3, $0x1  }
0xde: {  	v3 =	vand.u32 $0x7, v3;
	v4 =	vand.u32 $0xFFFFFFF0, v40  }
0xdf: {  	v3 =	vor.u32 v3, v4  }
0xe0: {  	v4 =	vperm.xlane v3, v0;
	_ =	sdelay $0x1  }
0xe1: {  	v3 =	vperm.xlane v3, v2;
	v4 =	vadd.s32 v1, v4;
	_ =	sdelay $0x1  }
0xe2: {  	v3 =	vadd.s32 v1, v3;
	_ =	sdelay $0x1  }
0xe3: {  	s11 =	simm.s32 $0x12680  }
0xe4: {  	[tilespmem:s11], [sflag:$0x2] =	stream.indirect_vreg.gather [hbm4b:s3+s2], $0x80, v4, vm0, $0xb8;
	[tilespmem:$0x1C680] =	vst v63  }
0xe5: {  	s21 =	simm.s32 $0x12E80  }
0xe6: {  	[tilespmem:s21], [sflag:$0x2] =	stream.indirect_vreg.gather [hbm4b:s3+s2], $0x80, v3, vm0, $0xb8;
	[tilespmem:$0x1C680] =	vst v63  }
0xe7: {  	v3 =	vld [tilespmem:$0x130];
	_ =	sdelay $0x4  }
0xe8: {  	v41 =	vshll.u32 v3, $0x1  }
0xe9: {  	v3 =	vand.u32 $0x7, v3;
	v4 =	vand.u32 $0xFFFFFFF0, v41  }
0xea: {  	v3 =	vor.u32 v3, v4  }
0xeb: {  	v4 =	vperm.xlane v3, v0;
	_ =	sdelay $0x1  }
0xec: {  	v3 =	vperm.xlane v3, v2;
	v4 =	vadd.s32 v1, v4;
	_ =	sdelay $0x1  }
0xed: {  	v3 =	vadd.s32 v1, v3;
	_ =	sdelay $0x1  }
0xee: {  	s11 =	simm.s32 $0x13680  }
0xef: {  	[tilespmem:s11], [sflag:$0x2] =	stream.indirect_vreg.gather [hbm4b:s3+s2], $0x80, v4, vm0, $0xb8;
	[tilespmem:$0x1C680] =	vst v63  }
0xf0: {  	s21 =	simm.s32 $0x13E80  }
0xf1: {  	[tilespmem:s21], [sflag:$0x2] =	stream.indirect_vreg.gather [hbm4b:s3+s2], $0x80, v3, vm0, $0xb8;
	[tilespmem:$0x1C680] =	vst v63  }
0xf2: {  	v3 =	vld [tilespmem:$0x140];
	_ =	sdelay $0x4  }
0xf3: {  	v42 =	vshll.u32 v3, $0x1  }
0xf4: {  	v3 =	vand.u32 $0x7, v3;
	v4 =	vand.u32 $0xFFFFFFF0, v42  }
0xf5: {  	v3 =	vor.u32 v3, v4  }
0xf6: {  	v4 =	vperm.xlane v3, v0;
	_ =	sdelay $0x1  }
0xf7: {  	v3 =	vperm.xlane v3, v2;
	v4 =	vadd.s32 v1, v4;
	_ =	sdelay $0x1  }
0xf8: {  	v3 =	vadd.s32 v1, v3;
	_ =	sdelay $0x1  }
0xf9: {  	s11 =	simm.s32 $0x14680  }
0xfa: {  	[tilespmem:s11], [sflag:$0x2] =	stream.indirect_vreg.gather [hbm4b:s3+s2], $0x80, v4, vm0, $0xb8;
	[tilespmem:$0x1C680] =	vst v63  }
0xfb: {  	s21 =	simm.s32 $0x14E80  }
0xfc: {  	[tilespmem:s21], [sflag:$0x2] =	stream.indirect_vreg.gather [hbm4b:s3+s2], $0x80, v3, vm0, $0xb8;
	[tilespmem:$0x1C680] =	vst v63  }
0xfd: {  	v3 =	vld [tilespmem:$0x150];
	_ =	sdelay $0x4  }
0xfe: {  	v43 =	vshll.u32 v3, $0x1  }
0xff: {  	v3 =	vand.u32 $0x7, v3;
	v4 =	vand.u32 $0xFFFFFFF0, v43  }
0x100: {  	v3 =	vor.u32 v3, v4  }
0x101: {  	v4 =	vperm.xlane v3, v0;
	_ =	sdelay $0x1  }
0x102: {  	v3 =	vperm.xlane v3, v2;
	v4 =	vadd.s32 v1, v4;
	_ =	sdelay $0x1  }
0x103: {  	v3 =	vadd.s32 v1, v3;
	_ =	sdelay $0x1  }
0x104: {  	s11 =	simm.s32 $0x15680  }
0x105: {  	[tilespmem:s11], [sflag:$0x2] =	stream.indirect_vreg.gather [hbm4b:s3+s2], $0x80, v4, vm0, $0xb8;
	[tilespmem:$0x1C680] =	vst v63  }
0x106: {  	_ = 	snop  }
0x107: {  	[tilespmem:s23], [sflag:$0x2] =	stream.indirect_vreg.gather [hbm4b:s3+s2], $0x80, v3, vm0, $0xb8;
	[tilespmem:$0x1C680] =	vst v63  }
0x108: {  	v3 =	vld [tilespmem:$0x160];
	_ =	sdelay $0x4  }
0x109: {  	v44 =	vshll.u32 v3, $0x1  }
0x10a: {  	v3 =	vand.u32 $0x7, v3;
	v4 =	vand.u32 $0xFFFFFFF0, v44  }
0x10b: {  	v3 =	vor.u32 v3, v4  }
0x10c: {  	v4 =	vperm.xlane v3, v0;
	_ =	sdelay $0x1  }
0x10d: {  	v3 =	vperm.xlane v3, v2;
	v4 =	vadd.s32 v1, v4;
	_ =	sdelay $0x1  }
0x10e: {  	v3 =	vadd.s32 v1, v3;
	_ =	sdelay $0x2  }
0x10f: {  	[tilespmem:s24], [sflag:$0x2] =	stream.indirect_vreg.gather [hbm4b:s3+s2], $0x80, v4, vm0, $0xb8;
	[tilespmem:$0x1C680] =	vst v63  }
0x110: {  	_ = 	snop  }
0x111: {  	[tilespmem:s25], [sflag:$0x2] =	stream.indirect_vreg.gather [hbm4b:s3+s2], $0x80, v3, vm0, $0xb8;
	[tilespmem:$0x1C680] =	vst v63  }
0x112: {  	v3 =	vld [tilespmem:$0x170];
	_ =	sdelay $0x4  }
0x113: {  	v45 =	vshll.u32 v3, $0x1  }
0x114: {  	v3 =	vand.u32 $0x7, v3;
	v4 =	vand.u32 $0xFFFFFFF0, v45  }
0x115: {  	v3 =	vor.u32 v3, v4  }
0x116: {  	v4 =	vperm.xlane v3, v0;
	_ =	sdelay $0x1  }
0x117: {  	v3 =	vperm.xlane v3, v2;
	v4 =	vadd.s32 v1, v4;
	_ =	sdelay $0x1  }
0x118: {  	v3 =	vadd.s32 v1, v3;
	_ =	sdelay $0x2  }
0x119: {  	[tilespmem:s26], [sflag:$0x2] =	stream.indirect_vreg.gather [hbm4b:s3+s2], $0x80, v4, vm0, $0xb8;
	[tilespmem:$0x1C680] =	vst v63  }
0x11a: {  	_ = 	snop  }
0x11b: {  	[tilespmem:s28], [sflag:$0x2] =	stream.indirect_vreg.gather [hbm4b:s3+s2], $0x80, v3, vm0, $0xb8;
	[tilespmem:$0x1C680] =	vst v63  }
0x11c: {  	v3 =	vld [tilespmem:$0x180];
	_ =	sdelay $0x4  }
0x11d: {  	v46 =	vshll.u32 v3, $0x1  }
0x11e: {  	v3 =	vand.u32 $0x7, v3;
	v4 =	vand.u32 $0xFFFFFFF0, v46  }
0x11f: {  	v3 =	vor.u32 v3, v4  }
0x120: {  	v4 =	vperm.xlane v3, v0;
	_ =	sdelay $0x1  }
0x121: {  	v3 =	vperm.xlane v3, v2;
	v4 =	vadd.s32 v1, v4;
	_ =	sdelay $0x1  }
0x122: {  	v3 =	vadd.s32 v1, v3;
	_ =	sdelay $0x2  }
0x123: {  	[tilespmem:s29], [sflag:$0x2] =	stream.indirect_vreg.gather [hbm4b:s3+s2], $0x80, v4, vm0, $0xb8;
	[tilespmem:$0x1C680] =	vst v63  }
0x124: {  	_ = 	snop  }
0x125: {  	[tilespmem:s30], [sflag:$0x2] =	stream.indirect_vreg.gather [hbm4b:s3+s2], $0x80, v3, vm0, $0xb8;
	[tilespmem:$0x1C680] =	vst v63  }
0x126: {  	v3 =	vld [tilespmem:$0x190];
	_ =	sdelay $0x4  }
0x127: {  	v47 =	vshll.u32 v3, $0x1  }
0x128: {  	v3 =	vand.u32 $0x7, v3;
	v4 =	vand.u32 $0xFFFFFFF0, v47  }
0x129: {  	v3 =	vor.u32 v3, v4  }
0x12a: {  	v4 =	vperm.xlane v3, v0;
	_ =	sdelay $0x1  }
0x12b: {  	v3 =	vperm.xlane v3, v2;
	v4 =	vadd.s32 v1, v4;
	_ =	sdelay $0x1  }
0x12c: {  	v3 =	vadd.s32 v1, v3;
	_ =	sdelay $0x2  }
0x12d: {  	[tilespmem:s31], [sflag:$0x2] =	stream.indirect_vreg.gather [hbm4b:s3+s2], $0x80, v4, vm0, $0xb8;
	[tilespmem:$0x1C680] =	vst v63  }
0x12e: {  	s21 =	simm.s32 $0x19E80  }
0x12f: {  	[tilespmem:s21], [sflag:$0x2] =	stream.indirect_vreg.gather [hbm4b:s3+s2], $0x80, v3, vm0, $0xb8;
	[tilespmem:$0x1C680] =	vst v63  }
0x130: {  	v3 =	vld [tilespmem:$0x1A0];
	_ =	sdelay $0x4  }
0x131: {  	v48 =	vshll.u32 v3, $0x1  }
0x132: {  	v3 =	vand.u32 $0x7, v3;
	v4 =	vand.u32 $0xFFFFFFF0, v48  }
0x133: {  	v3 =	vor.u32 v3, v4  }
0x134: {  	v4 =	vperm.xlane v3, v0;
	_ =	sdelay $0x1  }
0x135: {  	v3 =	vperm.xlane v3, v2;
	v4 =	vadd.s32 v1, v4;
	_ =	sdelay $0x1  }
0x136: {  	v3 =	vadd.s32 v1, v3;
	_ =	sdelay $0x1  }
0x137: {  	s11 =	simm.s32 $0x1A680  }
0x138: {  	[tilespmem:s11], [sflag:$0x2] =	stream.indirect_vreg.gather [hbm4b:s3+s2], $0x80, v4, vm0, $0xb8;
	[tilespmem:$0x1C680] =	vst v63  }
0x139: {  	s21 =	simm.s32 $0x1AE80  }
0x13a: {  	[tilespmem:s21], [sflag:$0x2] =	stream.indirect_vreg.gather [hbm4b:s3+s2], $0x80, v3, vm0, $0xb8;
	[tilespmem:$0x1C680] =	vst v63  }
0x13b: {  	v3 =	vld [tilespmem:$0x1B0];
	_ =	sdelay $0x4  }
0x13c: {  	v49 =	vshll.u32 v3, $0x1  }
0x13d: {  	v3 =	vand.u32 $0x7, v3;
	v4 =	vand.u32 $0xFFFFFFF0, v49  }
0x13e: {  	v3 =	vor.u32 v3, v4  }
0x13f: {  	v4 =	vperm.xlane v3, v0;
	_ =	sdelay $0x1  }
0x140: {  	v3 =	vperm.xlane v3, v2;
	v4 =	vadd.s32 v1, v4;
	_ =	sdelay $0x1  }
0x141: {  	v3 =	vadd.s32 v1, v3;
	_ =	sdelay $0x1  }
0x142: {  	s11 =	simm.s32 $0x1B680  }
0x143: {  	[tilespmem:s11], [sflag:$0x2] =	stream.indirect_vreg.gather [hbm4b:s3+s2], $0x80, v4, vm0, $0xb8;
	[tilespmem:$0x1C680] =	vst v63  }
0x144: {  	s21 =	simm.s32 $0x1BE80  }
0x145: {  	[tilespmem:s21], [sflag:$0x2] =	stream.indirect_vreg.gather [hbm4b:s3+s2], $0x80, v3, vm0, $0xb8;
	[tilespmem:$0x1C680] =	vst v63  }
0x146: {  	_ =	swait.ge [sflag:s9], $0xE000  }
0x147: {  	[sflag:s9] =	ssyncset.done $0x0  }
0x148: {  	s6 =	rddreg [dreg:$0x3];
	[sflag:s9] =	ssyncadd.s32 $0xFFFF2000  }
0x149: {  	[hbm4b:s6+s2] =	stream.linear.scatter [tilespmem:s22], [sflag:$0x3], $0xE000, $0x38;
	[tilespmem:$0x1C680] =	vst v63  }
0x14a: {  	_ =	swait.ge [sflag:s5], $0xE000  }
0x14b: {  	[sflag:s5] =	ssyncset.done $0x0  }
0x14c: {  	[sflag:s5] =	ssyncadd.s32 $0xFFFF2000  }
0x14d: {  	v3 =	vld [tilespmem:$0x1C0];
	_ =	sdelay $0x4  }
0x14e: {  	v50 =	vshll.u32 v3, $0x1  }
0x14f: {  	v3 =	vand.u32 $0x7, v3;
	v4 =	vand.u32 $0xFFFFFFF0, v50  }
0x150: {  	v3 =	vor.u32 v3, v4  }
0x151: {  	v4 =	vperm.xlane v3, v0;
	_ =	sdelay $0x1  }
0x152: {  	v3 =	vperm.xlane v3, v2;
	v4 =	vadd.s32 v1, v4;
	_ =	sdelay $0x1  }
0x153: {  	v3 =	vadd.s32 v1, v3;
	_ =	sdelay $0x2  }
0x154: {  	[tilespmem:s22], [sflag:$0x1] =	stream.indirect_vreg.gather [hbm4b:s3+s2], $0x80, v4, vm0, $0xb8;
	[tilespmem:$0x1C680] =	vst v63  }
0x155: {  	s1 =	simm.s32 $0xE80  }
0x156: {  	[tilespmem:s1], [sflag:$0x1] =	stream.indirect_vreg.gather [hbm4b:s3+s2], $0x80, v3, vm0, $0xb8;
	[tilespmem:$0x1C680] =	vst v63  }
0x157: {  	v3 =	vld [tilespmem:$0x1D0];
	_ =	sdelay $0x4  }
0x158: {  	v51 =	vshll.u32 v3, $0x1  }
0x159: {  	v3 =	vand.u32 $0x7, v3;
	v4 =	vand.u32 $0xFFFFFFF0, v51  }
0x15a: {  	v3 =	vor.u32 v3, v4  }
0x15b: {  	v4 =	vperm.xlane v3, v0;
	_ =	sdelay $0x1  }
0x15c: {  	v3 =	vperm.xlane v3, v2;
	v4 =	vadd.s32 v1, v4;
	_ =	sdelay $0x1  }
0x15d: {  	v3 =	vadd.s32 v1, v3;
	_ =	sdelay $0x1  }
0x15e: {  	s6 =	simm.s32 $0x1680  }
0x15f: {  	[tilespmem:s6], [sflag:$0x1] =	stream.indirect_vreg.gather [hbm4b:s3+s2], $0x80, v4, vm0, $0xb8;
	[tilespmem:$0x1C680] =	vst v63  }
0x160: {  	s7 =	simm.s32 $0x1E80  }
0x161: {  	[tilespmem:s7], [sflag:$0x1] =	stream.indirect_vreg.gather [hbm4b:s3+s2], $0x80, v3, vm0, $0xb8;
	[tilespmem:$0x1C680] =	vst v63  }
0x162: {  	v3 =	vld [tilespmem:$0x1E0];
	_ =	sdelay $0x4  }
0x163: {  	v52 =	vshll.u32 v3, $0x1  }
0x164: {  	v3 =	vand.u32 $0x7, v3;
	v4 =	vand.u32 $0xFFFFFFF0, v52  }
0x165: {  	v3 =	vor.u32 v3, v4  }
0x166: {  	v4 =	vperm.xlane v3, v0;
	_ =	sdelay $0x1  }
0x167: {  	v3 =	vperm.xlane v3, v2;
	v4 =	vadd.s32 v1, v4;
	_ =	sdelay $0x1  }
0x168: {  	v3 =	vadd.s32 v1, v3;
	_ =	sdelay $0x1  }
0x169: {  	s1 =	simm.s32 $0x2680  }
0x16a: {  	[tilespmem:s1], [sflag:$0x1] =	stream.indirect_vreg.gather [hbm4b:s3+s2], $0x80, v4, vm0, $0xb8;
	[tilespmem:$0x1C680] =	vst v63  }
0x16b: {  	s8 =	simm.s32 $0x2E80  }
0x16c: {  	[tilespmem:s8], [sflag:$0x1] =	stream.indirect_vreg.gather [hbm4b:s3+s2], $0x80, v3, vm0, $0xb8;
	[tilespmem:$0x1C680] =	vst v63  }
0x16d: {  	v3 =	vld [tilespmem:$0x1F0];
	_ =	sdelay $0x4  }
0x16e: {  	v53 =	vshll.u32 v3, $0x1  }
0x16f: {  	v3 =	vand.u32 $0x7, v3;
	v4 =	vand.u32 $0xFFFFFFF0, v53  }
0x170: {  	v3 =	vor.u32 v3, v4  }
0x171: {  	v4 =	vperm.xlane v3, v0;
	_ =	sdelay $0x1  }
0x172: {  	v3 =	vperm.xlane v3, v2;
	v4 =	vadd.s32 v1, v4;
	_ =	sdelay $0x1  }
0x173: {  	v3 =	vadd.s32 v1, v3;
	_ =	sdelay $0x1  }
0x174: {  	s7 =	simm.s32 $0x3680  }
0x175: {  	[tilespmem:s7], [sflag:$0x1] =	stream.indirect_vreg.gather [hbm4b:s3+s2], $0x80, v4, vm0, $0xb8;
	[tilespmem:$0x1C680] =	vst v63  }
0x176: {  	s12 =	simm.s32 $0x3E80  }
0x177: {  	[tilespmem:s12], [sflag:$0x1] =	stream.indirect_vreg.gather [hbm4b:s3+s2], $0x80, v3, vm0, $0xb8;
	[tilespmem:$0x1C680] =	vst v63  }
0x178: {  	v3 =	vld [tilespmem:$0x200];
	_ =	sdelay $0x4  }
0x179: {  	v54 =	vshll.u32 v3, $0x1  }
0x17a: {  	v3 =	vand.u32 $0x7, v3;
	v4 =	vand.u32 $0xFFFFFFF0, v54  }
0x17b: {  	v3 =	vor.u32 v3, v4  }
0x17c: {  	v4 =	vperm.xlane v3, v0;
	_ =	sdelay $0x1  }
0x17d: {  	v3 =	vperm.xlane v3, v2;
	v4 =	vadd.s32 v1, v4;
	_ =	sdelay $0x1  }
0x17e: {  	v3 =	vadd.s32 v1, v3;
	_ =	sdelay $0x1  }
0x17f: {  	s8 =	simm.s32 $0x4680  }
0x180: {  	[tilespmem:s8], [sflag:$0x1] =	stream.indirect_vreg.gather [hbm4b:s3+s2], $0x80, v4, vm0, $0xb8;
	[tilespmem:$0x1C680] =	vst v63  }
0x181: {  	s13 =	simm.s32 $0x4E80  }
0x182: {  	[tilespmem:s13], [sflag:$0x1] =	stream.indirect_vreg.gather [hbm4b:s3+s2], $0x80, v3, vm0, $0xb8;
	[tilespmem:$0x1C680] =	vst v63  }
0x183: {  	v3 =	vld [tilespmem:$0x210];
	_ =	sdelay $0x4  }
0x184: {  	v55 =	vshll.u32 v3, $0x1  }
0x185: {  	v3 =	vand.u32 $0x7, v3;
	v4 =	vand.u32 $0xFFFFFFF0, v55  }
0x186: {  	v3 =	vor.u32 v3, v4  }
0x187: {  	v4 =	vperm.xlane v3, v0;
	_ =	sdelay $0x1  }
0x188: {  	v3 =	vperm.xlane v3, v2;
	v4 =	vadd.s32 v1, v4;
	_ =	sdelay $0x1  }
0x189: {  	v3 =	vadd.s32 v1, v3;
	_ =	sdelay $0x1  }
0x18a: {  	s12 =	simm.s32 $0x5680  }
0x18b: {  	[tilespmem:s12], [sflag:$0x1] =	stream.indirect_vreg.gather [hbm4b:s3+s2], $0x80, v4, vm0, $0xb8;
	[tilespmem:$0x1C680] =	vst v63  }
0x18c: {  	s14 =	simm.s32 $0x5E80  }
0x18d: {  	[tilespmem:s14], [sflag:$0x1] =	stream.indirect_vreg.gather [hbm4b:s3+s2], $0x80, v3, vm0, $0xb8;
	[tilespmem:$0x1C680] =	vst v63  }
0x18e: {  	v3 =	vld [tilespmem:$0x220];
	_ =	sdelay $0x4  }
0x18f: {  	v56 =	vshll.u32 v3, $0x1  }
0x190: {  	v3 =	vand.u32 $0x7, v3;
	v4 =	vand.u32 $0xFFFFFFF0, v56  }
0x191: {  	v3 =	vor.u32 v3, v4  }
0x192: {  	v4 =	vperm.xlane v3, v0;
	_ =	sdelay $0x1  }
0x193: {  	v3 =	vperm.xlane v3, v2;
	v4 =	vadd.s32 v1, v4;
	_ =	sdelay $0x1  }
0x194: {  	v3 =	vadd.s32 v1, v3;
	_ =	sdelay $0x1  }
0x195: {  	s13 =	simm.s32 $0x6680  }
0x196: {  	[tilespmem:s13], [sflag:$0x1] =	stream.indirect_vreg.gather [hbm4b:s3+s2], $0x80, v4, vm0, $0xb8;
	[tilespmem:$0x1C680] =	vst v63  }
0x197: {  	s15 =	simm.s32 $0x6E80  }
0x198: {  	[tilespmem:s15], [sflag:$0x1] =	stream.indirect_vreg.gather [hbm4b:s3+s2], $0x80, v3, vm0, $0xb8;
	[tilespmem:$0x1C680] =	vst v63  }
0x199: {  	v3 =	vld [tilespmem:$0x230];
	_ =	sdelay $0x4  }
0x19a: {  	v57 =	vshll.u32 v3, $0x1  }
0x19b: {  	v3 =	vand.u32 $0x7, v3;
	v4 =	vand.u32 $0xFFFFFFF0, v57  }
0x19c: {  	v3 =	vor.u32 v3, v4  }
0x19d: {  	v4 =	vperm.xlane v3, v0;
	_ =	sdelay $0x1  }
0x19e: {  	v3 =	vperm.xlane v3, v2;
	v4 =	vadd.s32 v1, v4;
	_ =	sdelay $0x1  }
0x19f: {  	v3 =	vadd.s32 v1, v3;
	_ =	sdelay $0x1  }
0x1a0: {  	s14 =	simm.s32 $0x7680  }
0x1a1: {  	[tilespmem:s14], [sflag:$0x1] =	stream.indirect_vreg.gather [hbm4b:s3+s2], $0x80, v4, vm0, $0xb8;
	[tilespmem:$0x1C680] =	vst v63  }
0x1a2: {  	s16 =	simm.s32 $0x7E80  }
0x1a3: {  	[tilespmem:s16], [sflag:$0x1] =	stream.indirect_vreg.gather [hbm4b:s3+s2], $0x80, v3, vm0, $0xb8;
	[tilespmem:$0x1C680] =	vst v63  }
0x1a4: {  	v3 =	vld [tilespmem:$0x240];
	_ =	sdelay $0x4  }
0x1a5: {  	v58 =	vshll.u32 v3, $0x1  }
0x1a6: {  	v3 =	vand.u32 $0x7, v3;
	v4 =	vand.u32 $0xFFFFFFF0, v58  }
0x1a7: {  	v3 =	vor.u32 v3, v4  }
0x1a8: {  	v4 =	vperm.xlane v3, v0;
	_ =	sdelay $0x1  }
0x1a9: {  	v3 =	vperm.xlane v3, v2;
	v4 =	vadd.s32 v1, v4;
	_ =	sdelay $0x1  }
0x1aa: {  	v3 =	vadd.s32 v1, v3;
	_ =	sdelay $0x1  }
0x1ab: {  	s15 =	simm.s32 $0x8680  }
0x1ac: {  	[tilespmem:s15], [sflag:$0x1] =	stream.indirect_vreg.gather [hbm4b:s3+s2], $0x80, v4, vm0, $0xb8;
	[tilespmem:$0x1C680] =	vst v63  }
0x1ad: {  	s17 =	simm.s32 $0x8E80  }
0x1ae: {  	[tilespmem:s17], [sflag:$0x1] =	stream.indirect_vreg.gather [hbm4b:s3+s2], $0x80, v3, vm0, $0xb8;
	[tilespmem:$0x1C680] =	vst v63  }
0x1af: {  	v3 =	vld [tilespmem:$0x250];
	_ =	sdelay $0x4  }
0x1b0: {  	v59 =	vshll.u32 v3, $0x1  }
0x1b1: {  	v3 =	vand.u32 $0x7, v3;
	v4 =	vand.u32 $0xFFFFFFF0, v59  }
0x1b2: {  	v3 =	vor.u32 v3, v4  }
0x1b3: {  	v4 =	vperm.xlane v3, v0;
	_ =	sdelay $0x1  }
0x1b4: {  	v3 =	vperm.xlane v3, v2;
	v4 =	vadd.s32 v1, v4;
	_ =	sdelay $0x1  }
0x1b5: {  	v3 =	vadd.s32 v1, v3;
	_ =	sdelay $0x1  }
0x1b6: {  	s16 =	simm.s32 $0x9680  }
0x1b7: {  	[tilespmem:s16], [sflag:$0x1] =	stream.indirect_vreg.gather [hbm4b:s3+s2], $0x80, v4, vm0, $0xb8;
	[tilespmem:$0x1C680] =	vst v63  }
0x1b8: {  	s18 =	simm.s32 $0x9E80  }
0x1b9: {  	[tilespmem:s18], [sflag:$0x1] =	stream.indirect_vreg.gather [hbm4b:s3+s2], $0x80, v3, vm0, $0xb8;
	[tilespmem:$0x1C680] =	vst v63  }
0x1ba: {  	v3 =	vld [tilespmem:$0x260];
	_ =	sdelay $0x4  }
0x1bb: {  	v60 =	vshll.u32 v3, $0x1  }
0x1bc: {  	v3 =	vand.u32 $0x7, v3;
	v4 =	vand.u32 $0xFFFFFFF0, v60  }
0x1bd: {  	v3 =	vor.u32 v3, v4  }
0x1be: {  	v4 =	vperm.xlane v3, v0;
	_ =	sdelay $0x1  }
0x1bf: {  	v3 =	vperm.xlane v3, v2;
	v4 =	vadd.s32 v1, v4;
	_ =	sdelay $0x1  }
0x1c0: {  	v3 =	vadd.s32 v1, v3;
	_ =	sdelay $0x1  }
0x1c1: {  	s17 =	simm.s32 $0xA680  }
0x1c2: {  	[tilespmem:s17], [sflag:$0x1] =	stream.indirect_vreg.gather [hbm4b:s3+s2], $0x80, v4, vm0, $0xb8;
	[tilespmem:$0x1C680] =	vst v63  }
0x1c3: {  	s19 =	simm.s32 $0xAE80  }
0x1c4: {  	[tilespmem:s19], [sflag:$0x1] =	stream.indirect_vreg.gather [hbm4b:s3+s2], $0x80, v3, vm0, $0xb8;
	[tilespmem:$0x1C680] =	vst v63  }
0x1c5: {  	v3 =	vld [tilespmem:$0x270];
	_ =	sdelay $0x4  }
0x1c6: {  	v61 =	vshll.u32 v3, $0x1  }
0x1c7: {  	v3 =	vand.u32 $0x7, v3;
	v4 =	vand.u32 $0xFFFFFFF0, v61  }
0x1c8: {  	v3 =	vor.u32 v3, v4  }
0x1c9: {  	v4 =	vperm.xlane v3, v0;
	_ =	sdelay $0x1  }
0x1ca: {  	v3 =	vperm.xlane v3, v2;
	v4 =	vadd.s32 v1, v4;
	_ =	sdelay $0x1  }
0x1cb: {  	v3 =	vadd.s32 v1, v3;
	_ =	sdelay $0x1  }
0x1cc: {  	s18 =	simm.s32 $0xB680  }
0x1cd: {  	[tilespmem:s18], [sflag:$0x1] =	stream.indirect_vreg.gather [hbm4b:s3+s2], $0x80, v4, vm0, $0xb8;
	[tilespmem:$0x1C680] =	vst v63  }
0x1ce: {  	s20 =	simm.s32 $0xBE80  }
0x1cf: {  	[tilespmem:s20], [sflag:$0x1] =	stream.indirect_vreg.gather [hbm4b:s3+s2], $0x80, v3, vm0, $0xb8;
	[tilespmem:$0x1C680] =	vst v63  }
0x1d0: {  	v3 =	vld [tilespmem:$0x280];
	_ =	sdelay $0x4  }
0x1d1: {  	v62 =	vshll.u32 v3, $0x1  }
0x1d2: {  	v3 =	vand.u32 $0x7, v3;
	v4 =	vand.u32 $0xFFFFFFF0, v62  }
0x1d3: {  	v3 =	vor.u32 v3, v4  }
0x1d4: {  	v4 =	vperm.xlane v3, v0;
	_ =	sdelay $0x1  }
0x1d5: {  	v3 =	vperm.xlane v3, v2;
	v4 =	vadd.s32 v1, v4;
	_ =	sdelay $0x1  }
0x1d6: {  	v3 =	vadd.s32 v1, v3;
	_ =	sdelay $0x1  }
0x1d7: {  	s19 =	simm.s32 $0xC680  }
0x1d8: {  	[tilespmem:s19], [sflag:$0x1] =	stream.indirect_vreg.gather [hbm4b:s3+s2], $0x80, v4, vm0, $0xb8;
	[tilespmem:$0x1C680] =	vst v63  }
0x1d9: {  	s21 =	simm.s32 $0xCE80  }
0x1da: {  	[tilespmem:s21], [sflag:$0x1] =	stream.indirect_vreg.gather [hbm4b:s3+s2], $0x80, v3, vm0, $0xb8;
	[tilespmem:$0x1C680] =	vst v63  }
0x1db: {  	v3 =	vld [tilespmem:$0x290];
	_ =	sdelay $0x4  }
0x1dc: {  	v63 =	vshll.u32 v3, $0x1  }
0x1dd: {  	v3 =	vand.u32 $0x7, v3;
	v4 =	vand.u32 $0xFFFFFFF0, v63  }
0x1de: {  	v3 =	vor.u32 v3, v4  }
0x1df: {  	v4 =	vperm.xlane v3, v0;
	_ =	sdelay $0x1  }
0x1e0: {  	v3 =	vperm.xlane v3, v2;
	v4 =	vadd.s32 v1, v4;
	_ =	sdelay $0x1  }
0x1e1: {  	v3 =	vadd.s32 v1, v3;
	_ =	sdelay $0x1  }
0x1e2: {  	s20 =	simm.s32 $0xD680  }
0x1e3: {  	[tilespmem:s20], [sflag:$0x1] =	stream.indirect_vreg.gather [hbm4b:s3+s2], $0x80, v4, vm0, $0xb8;
	[tilespmem:$0x1C680] =	vst v63  }
0x1e4: {  	s11 =	simm.s32 $0xDE80  }
0x1e5: {  	[tilespmem:s11], [sflag:$0x1] =	stream.indirect_vreg.gather [hbm4b:s3+s2], $0x80, v3, vm0, $0xb8;
	[tilespmem:$0x1C680] =	vst v63  }
0x1e6: {  	_ =	swait.ge [sflag:s10], $0xE000  }
0x1e7: {  	[sflag:s10] =	ssyncset.done $0x0  }
0x1e8: {  	s11 =	rddreg [dreg:$0x4];
	[sflag:s10] =	ssyncadd.s32 $0xFFFF2000  }
0x1e9: {  	[hbm4b:s11+s2] =	stream.linear.scatter [tilespmem:s0], [sflag:$0x3], $0xE000, $0x38;
	[tilespmem:$0x1C680] =	vst v63  }
0x1ea: {  	_ =	swait.ge [sflag:s5], $0xE000  }
0x1eb: {  	[sflag:s5] =	ssyncset.done $0x0  }
0x1ec: {  	[sflag:s5] =	ssyncadd.s32 $0xFFFF2000  }
0x1ed: {  	v3 =	vld [tilespmem:$0x2A0];
	_ =	sdelay $0x4  }
0x1ee: {  	v8 =	vshll.u32 v3, $0x1  }
0x1ef: {  	v3 =	vand.u32 $0x7, v3;
	v4 =	vand.u32 $0xFFFFFFF0, v8  }
0x1f0: {  	v3 =	vor.u32 v3, v4  }
0x1f1: {  	v4 =	vperm.xlane v3, v0;
	_ =	sdelay $0x1  }
0x1f2: {  	v3 =	vperm.xlane v3, v2;
	v4 =	vadd.s32 v1, v4;
	_ =	sdelay $0x1  }
0x1f3: {  	v3 =	vadd.s32 v1, v3;
	_ =	sdelay $0x2  }
0x1f4: {  	[tilespmem:s0], [sflag:$0x2] =	stream.indirect_vreg.gather [hbm4b:s3+s2], $0x80, v4, vm0, $0xb8;
	[tilespmem:$0x1C680] =	vst v63  }
0x1f5: {  	s11 =	simm.s32 $0xEE80  }
0x1f6: {  	[tilespmem:s11], [sflag:$0x2] =	stream.indirect_vreg.gather [hbm4b:s3+s2], $0x80, v3, vm0, $0xb8;
	[tilespmem:$0x1C680] =	vst v63  }
0x1f7: {  	v3 =	vld [tilespmem:$0x2B0];
	_ =	sdelay $0x4  }
0x1f8: {  	v9 =	vshll.u32 v3, $0x1  }
0x1f9: {  	v3 =	vand.u32 $0x7, v3;
	v4 =	vand.u32 $0xFFFFFFF0, v9  }
0x1fa: {  	v3 =	vor.u32 v3, v4  }
0x1fb: {  	v4 =	vperm.xlane v3, v0;
	_ =	sdelay $0x1  }
0x1fc: {  	v3 =	vperm.xlane v3, v2;
	v4 =	vadd.s32 v1, v4;
	_ =	sdelay $0x1  }
0x1fd: {  	v3 =	vadd.s32 v1, v3;
	_ =	sdelay $0x1  }
0x1fe: {  	s11 =	simm.s32 $0xF680  }
0x1ff: {  	[tilespmem:s11], [sflag:$0x2] =	stream.indirect_vreg.gather [hbm4b:s3+s2], $0x80, v4, vm0, $0xb8;
	[tilespmem:$0x1C680] =	vst v63  }
0x200: {  	s11 =	simm.s32 $0xFE80  }
0x201: {  	[tilespmem:s11], [sflag:$0x2] =	stream.indirect_vreg.gather [hbm4b:s3+s2], $0x80, v3, vm0, $0xb8;
	[tilespmem:$0x1C680] =	vst v63  }
0x202: {  	v3 =	vld [tilespmem:$0x2C0];
	_ =	sdelay $0x4  }
0x203: {  	v10 =	vshll.u32 v3, $0x1  }
0x204: {  	v3 =	vand.u32 $0x7, v3;
	v4 =	vand.u32 $0xFFFFFFF0, v10  }
0x205: {  	v3 =	vor.u32 v3, v4  }
0x206: {  	v4 =	vperm.xlane v3, v0;
	_ =	sdelay $0x1  }
0x207: {  	v3 =	vperm.xlane v3, v2;
	v4 =	vadd.s32 v1, v4;
	_ =	sdelay $0x1  }
0x208: {  	v3 =	vadd.s32 v1, v3;
	_ =	sdelay $0x1  }
0x209: {  	s11 =	simm.s32 $0x10680  }
0x20a: {  	[tilespmem:s11], [sflag:$0x2] =	stream.indirect_vreg.gather [hbm4b:s3+s2], $0x80, v4, vm0, $0xb8;
	[tilespmem:$0x1C680] =	vst v63  }
0x20b: {  	s11 =	simm.s32 $0x10E80  }
0x20c: {  	[tilespmem:s11], [sflag:$0x2] =	stream.indirect_vreg.gather [hbm4b:s3+s2], $0x80, v3, vm0, $0xb8;
	[tilespmem:$0x1C680] =	vst v63  }
0x20d: {  	v3 =	vld [tilespmem:$0x2D0];
	_ =	sdelay $0x4  }
0x20e: {  	v11 =	vshll.u32 v3, $0x1  }
0x20f: {  	v3 =	vand.u32 $0x7, v3;
	v4 =	vand.u32 $0xFFFFFFF0, v11  }
0x210: {  	v3 =	vor.u32 v3, v4  }
0x211: {  	v4 =	vperm.xlane v3, v0;
	_ =	sdelay $0x1  }
0x212: {  	v3 =	vperm.xlane v3, v2;
	v4 =	vadd.s32 v1, v4;
	_ =	sdelay $0x1  }
0x213: {  	v3 =	vadd.s32 v1, v3;
	_ =	sdelay $0x1  }
0x214: {  	s11 =	simm.s32 $0x11680  }
0x215: {  	[tilespmem:s11], [sflag:$0x2] =	stream.indirect_vreg.gather [hbm4b:s3+s2], $0x80, v4, vm0, $0xb8;
	[tilespmem:$0x1C680] =	vst v63  }
0x216: {  	s11 =	simm.s32 $0x11E80  }
0x217: {  	[tilespmem:s11], [sflag:$0x2] =	stream.indirect_vreg.gather [hbm4b:s3+s2], $0x80, v3, vm0, $0xb8;
	[tilespmem:$0x1C680] =	vst v63  }
0x218: {  	v3 =	vld [tilespmem:$0x2E0];
	_ =	sdelay $0x4  }
0x219: {  	v12 =	vshll.u32 v3, $0x1  }
0x21a: {  	v3 =	vand.u32 $0x7, v3;
	v4 =	vand.u32 $0xFFFFFFF0, v12  }
0x21b: {  	v3 =	vor.u32 v3, v4  }
0x21c: {  	v4 =	vperm.xlane v3, v0;
	_ =	sdelay $0x1  }
0x21d: {  	v3 =	vperm.xlane v3, v2;
	v4 =	vadd.s32 v1, v4;
	_ =	sdelay $0x1  }
0x21e: {  	v3 =	vadd.s32 v1, v3;
	_ =	sdelay $0x1  }
0x21f: {  	s11 =	simm.s32 $0x12680  }
0x220: {  	[tilespmem:s11], [sflag:$0x2] =	stream.indirect_vreg.gather [hbm4b:s3+s2], $0x80, v4, vm0, $0xb8;
	[tilespmem:$0x1C680] =	vst v63  }
0x221: {  	s11 =	simm.s32 $0x12E80  }
0x222: {  	[tilespmem:s11], [sflag:$0x2] =	stream.indirect_vreg.gather [hbm4b:s3+s2], $0x80, v3, vm0, $0xb8;
	[tilespmem:$0x1C680] =	vst v63  }
0x223: {  	v3 =	vld [tilespmem:$0x2F0];
	_ =	sdelay $0x4  }
0x224: {  	v13 =	vshll.u32 v3, $0x1  }
0x225: {  	v3 =	vand.u32 $0x7, v3;
	v4 =	vand.u32 $0xFFFFFFF0, v13  }
0x226: {  	v3 =	vor.u32 v3, v4  }
0x227: {  	v4 =	vperm.xlane v3, v0;
	_ =	sdelay $0x1  }
0x228: {  	v3 =	vperm.xlane v3, v2;
	v4 =	vadd.s32 v1, v4;
	_ =	sdelay $0x1  }
0x229: {  	v3 =	vadd.s32 v1, v3;
	_ =	sdelay $0x1  }
0x22a: {  	s11 =	simm.s32 $0x13680  }
0x22b: {  	[tilespmem:s11], [sflag:$0x2] =	stream.indirect_vreg.gather [hbm4b:s3+s2], $0x80, v4, vm0, $0xb8;
	[tilespmem:$0x1C680] =	vst v63  }
0x22c: {  	s11 =	simm.s32 $0x13E80  }
0x22d: {  	[tilespmem:s11], [sflag:$0x2] =	stream.indirect_vreg.gather [hbm4b:s3+s2], $0x80, v3, vm0, $0xb8;
	[tilespmem:$0x1C680] =	vst v63  }
0x22e: {  	v3 =	vld [tilespmem:$0x300];
	_ =	sdelay $0x4  }
0x22f: {  	v14 =	vshll.u32 v3, $0x1  }
0x230: {  	v3 =	vand.u32 $0x7, v3;
	v4 =	vand.u32 $0xFFFFFFF0, v14  }
0x231: {  	v3 =	vor.u32 v3, v4  }
0x232: {  	v4 =	vperm.xlane v3, v0;
	_ =	sdelay $0x1  }
0x233: {  	v3 =	vperm.xlane v3, v2;
	v4 =	vadd.s32 v1, v4;
	_ =	sdelay $0x1  }
0x234: {  	v3 =	vadd.s32 v1, v3;
	_ =	sdelay $0x1  }
0x235: {  	s11 =	simm.s32 $0x14680  }
0x236: {  	[tilespmem:s11], [sflag:$0x2] =	stream.indirect_vreg.gather [hbm4b:s3+s2], $0x80, v4, vm0, $0xb8;
	[tilespmem:$0x1C680] =	vst v63  }
0x237: {  	s11 =	simm.s32 $0x14E80  }
0x238: {  	[tilespmem:s11], [sflag:$0x2] =	stream.indirect_vreg.gather [hbm4b:s3+s2], $0x80, v3, vm0, $0xb8;
	[tilespmem:$0x1C680] =	vst v63  }
0x239: {  	v3 =	vld [tilespmem:$0x310];
	_ =	sdelay $0x4  }
0x23a: {  	v15 =	vshll.u32 v3, $0x1  }
0x23b: {  	v3 =	vand.u32 $0x7, v3;
	v4 =	vand.u32 $0xFFFFFFF0, v15  }
0x23c: {  	v3 =	vor.u32 v3, v4  }
0x23d: {  	v4 =	vperm.xlane v3, v0;
	_ =	sdelay $0x1  }
0x23e: {  	v3 =	vperm.xlane v3, v2;
	v4 =	vadd.s32 v1, v4;
	_ =	sdelay $0x1  }
0x23f: {  	v3 =	vadd.s32 v1, v3;
	_ =	sdelay $0x1  }
0x240: {  	s11 =	simm.s32 $0x15680  }
0x241: {  	[tilespmem:s11], [sflag:$0x2] =	stream.indirect_vreg.gather [hbm4b:s3+s2], $0x80, v4, vm0, $0xb8;
	[tilespmem:$0x1C680] =	vst v63  }
0x242: {  	_ = 	snop  }
0x243: {  	[tilespmem:s23], [sflag:$0x2] =	stream.indirect_vreg.gather [hbm4b:s3+s2], $0x80, v3, vm0, $0xb8;
	[tilespmem:$0x1C680] =	vst v63  }
0x244: {  	v3 =	vld [tilespmem:$0x320];
	_ =	sdelay $0x4  }
0x245: {  	v16 =	vshll.u32 v3, $0x1  }
0x246: {  	v3 =	vand.u32 $0x7, v3;
	v4 =	vand.u32 $0xFFFFFFF0, v16  }
0x247: {  	v3 =	vor.u32 v3, v4  }
0x248: {  	v4 =	vperm.xlane v3, v0;
	_ =	sdelay $0x1  }
0x249: {  	v3 =	vperm.xlane v3, v2;
	v4 =	vadd.s32 v1, v4;
	_ =	sdelay $0x1  }
0x24a: {  	v3 =	vadd.s32 v1, v3;
	_ =	sdelay $0x2  }
0x24b: {  	[tilespmem:s24], [sflag:$0x2] =	stream.indirect_vreg.gather [hbm4b:s3+s2], $0x80, v4, vm0, $0xb8;
	[tilespmem:$0x1C680] =	vst v63  }
0x24c: {  	_ = 	snop  }
0x24d: {  	[tilespmem:s25], [sflag:$0x2] =	stream.indirect_vreg.gather [hbm4b:s3+s2], $0x80, v3, vm0, $0xb8;
	[tilespmem:$0x1C680] =	vst v63  }
0x24e: {  	v3 =	vld [tilespmem:$0x330];
	_ =	sdelay $0x4  }
0x24f: {  	v17 =	vshll.u32 v3, $0x1  }
0x250: {  	v3 =	vand.u32 $0x7, v3;
	v4 =	vand.u32 $0xFFFFFFF0, v17  }
0x251: {  	v3 =	vor.u32 v3, v4  }
0x252: {  	v4 =	vperm.xlane v3, v0;
	_ =	sdelay $0x1  }
0x253: {  	v3 =	vperm.xlane v3, v2;
	v4 =	vadd.s32 v1, v4;
	_ =	sdelay $0x1  }
0x254: {  	v3 =	vadd.s32 v1, v3;
	_ =	sdelay $0x2  }
0x255: {  	[tilespmem:s26], [sflag:$0x2] =	stream.indirect_vreg.gather [hbm4b:s3+s2], $0x80, v4, vm0, $0xb8;
	[tilespmem:$0x1C680] =	vst v63  }
0x256: {  	_ = 	snop  }
0x257: {  	[tilespmem:s28], [sflag:$0x2] =	stream.indirect_vreg.gather [hbm4b:s3+s2], $0x80, v3, vm0, $0xb8;
	[tilespmem:$0x1C680] =	vst v63  }
0x258: {  	v3 =	vld [tilespmem:$0x340];
	_ =	sdelay $0x4  }
0x259: {  	v18 =	vshll.u32 v3, $0x1  }
0x25a: {  	v3 =	vand.u32 $0x7, v3;
	v4 =	vand.u32 $0xFFFFFFF0, v18  }
0x25b: {  	v3 =	vor.u32 v3, v4  }
0x25c: {  	v4 =	vperm.xlane v3, v0;
	_ =	sdelay $0x1  }
0x25d: {  	v3 =	vperm.xlane v3, v2;
	v4 =	vadd.s32 v1, v4;
	_ =	sdelay $0x1  }
0x25e: {  	v3 =	vadd.s32 v1, v3;
	_ =	sdelay $0x2  }
0x25f: {  	[tilespmem:s29], [sflag:$0x2] =	stream.indirect_vreg.gather [hbm4b:s3+s2], $0x80, v4, vm0, $0xb8;
	[tilespmem:$0x1C680] =	vst v63  }
0x260: {  	_ = 	snop  }
0x261: {  	[tilespmem:s30], [sflag:$0x2] =	stream.indirect_vreg.gather [hbm4b:s3+s2], $0x80, v3, vm0, $0xb8;
	[tilespmem:$0x1C680] =	vst v63  }
0x262: {  	v3 =	vld [tilespmem:$0x350];
	_ =	sdelay $0x4  }
0x263: {  	v19 =	vshll.u32 v3, $0x1  }
0x264: {  	v3 =	vand.u32 $0x7, v3;
	v4 =	vand.u32 $0xFFFFFFF0, v19  }
0x265: {  	v3 =	vor.u32 v3, v4  }
0x266: {  	v4 =	vperm.xlane v3, v0;
	_ =	sdelay $0x1  }
0x267: {  	v3 =	vperm.xlane v3, v2;
	v4 =	vadd.s32 v1, v4;
	_ =	sdelay $0x1  }
0x268: {  	v3 =	vadd.s32 v1, v3;
	_ =	sdelay $0x2  }
0x269: {  	[tilespmem:s31], [sflag:$0x2] =	stream.indirect_vreg.gather [hbm4b:s3+s2], $0x80, v4, vm0, $0xb8;
	[tilespmem:$0x1C680] =	vst v63  }
0x26a: {  	s11 =	simm.s32 $0x19E80  }
0x26b: {  	[tilespmem:s11], [sflag:$0x2] =	stream.indirect_vreg.gather [hbm4b:s3+s2], $0x80, v3, vm0, $0xb8;
	[tilespmem:$0x1C680] =	vst v63  }
0x26c: {  	v3 =	vld [tilespmem:$0x360];
	_ =	sdelay $0x4  }
0x26d: {  	v20 =	vshll.u32 v3, $0x1  }
0x26e: {  	v3 =	vand.u32 $0x7, v3;
	v4 =	vand.u32 $0xFFFFFFF0, v20  }
0x26f: {  	v3 =	vor.u32 v3, v4  }
0x270: {  	v4 =	vperm.xlane v3, v0;
	_ =	sdelay $0x1  }
0x271: {  	v3 =	vperm.xlane v3, v2;
	v4 =	vadd.s32 v1, v4;
	_ =	sdelay $0x1  }
0x272: {  	v3 =	vadd.s32 v1, v3;
	_ =	sdelay $0x1  }
0x273: {  	s11 =	simm.s32 $0x1A680  }
0x274: {  	[tilespmem:s11], [sflag:$0x2] =	stream.indirect_vreg.gather [hbm4b:s3+s2], $0x80, v4, vm0, $0xb8;
	[tilespmem:$0x1C680] =	vst v63  }
0x275: {  	s11 =	simm.s32 $0x1AE80  }
0x276: {  	[tilespmem:s11], [sflag:$0x2] =	stream.indirect_vreg.gather [hbm4b:s3+s2], $0x80, v3, vm0, $0xb8;
	[tilespmem:$0x1C680] =	vst v63  }
0x277: {  	v3 =	vld [tilespmem:$0x370];
	_ =	sdelay $0x4  }
0x278: {  	v21 =	vshll.u32 v3, $0x1  }
0x279: {  	v3 =	vand.u32 $0x7, v3;
	v4 =	vand.u32 $0xFFFFFFF0, v21  }
0x27a: {  	v3 =	vor.u32 v3, v4  }
0x27b: {  	v4 =	vperm.xlane v3, v0;
	_ =	sdelay $0x1  }
0x27c: {  	v3 =	vperm.xlane v3, v2;
	v4 =	vadd.s32 v1, v4;
	_ =	sdelay $0x1  }
0x27d: {  	v3 =	vadd.s32 v1, v3;
	_ =	sdelay $0x1  }
0x27e: {  	s11 =	simm.s32 $0x1B680  }
0x27f: {  	[tilespmem:s11], [sflag:$0x2] =	stream.indirect_vreg.gather [hbm4b:s3+s2], $0x80, v4, vm0, $0xb8;
	[tilespmem:$0x1C680] =	vst v63  }
0x280: {  	s11 =	simm.s32 $0x1BE80  }
0x281: {  	[tilespmem:s11], [sflag:$0x2] =	stream.indirect_vreg.gather [hbm4b:s3+s2], $0x80, v3, vm0, $0xb8;
	[tilespmem:$0x1C680] =	vst v63  }
0x282: {  	_ =	swait.ge [sflag:s9], $0xE000  }
0x283: {  	[sflag:s9] =	ssyncset.done $0x0  }
0x284: {  	s11 =	rddreg [dreg:$0x5];
	[sflag:s9] =	ssyncadd.s32 $0xFFFF2000  }
0x285: {  	[hbm4b:s11+s2] =	stream.linear.scatter [tilespmem:s22], [sflag:$0x3], $0xE000, $0x38;
	[tilespmem:$0x1C680] =	vst v63  }
0x286: {  	_ =	swait.ge [sflag:s5], $0xE000  }
0x287: {  	[sflag:s5] =	ssyncset.done $0x0  }
0x288: {  	[sflag:s5] =	ssyncadd.s32 $0xFFFF2000  }
0x289: {  	v3 =	vld [tilespmem:$0x380];
	_ =	sdelay $0x4  }
0x28a: {  	v22 =	vshll.u32 v3, $0x1  }
0x28b: {  	v3 =	vand.u32 $0x7, v3;
	v4 =	vand.u32 $0xFFFFFFF0, v22  }
0x28c: {  	v3 =	vor.u32 v3, v4  }
0x28d: {  	v4 =	vperm.xlane v3, v0;
	_ =	sdelay $0x1  }
0x28e: {  	v3 =	vperm.xlane v3, v2;
	v4 =	vadd.s32 v1, v4;
	_ =	sdelay $0x1  }
0x28f: {  	v3 =	vadd.s32 v1, v3;
	_ =	sdelay $0x2  }
0x290: {  	[tilespmem:s22], [sflag:$0x1] =	stream.indirect_vreg.gather [hbm4b:s3+s2], $0x80, v4, vm0, $0xb8;
	[tilespmem:$0x1C680] =	vst v63  }
0x291: {  	s11 =	simm.s32 $0xE80  }
0x292: {  	[tilespmem:s11], [sflag:$0x1] =	stream.indirect_vreg.gather [hbm4b:s3+s2], $0x80, v3, vm0, $0xb8;
	[tilespmem:$0x1C680] =	vst v63  }
0x293: {  	v3 =	vld [tilespmem:$0x390];
	_ =	sdelay $0x4  }
0x294: {  	v23 =	vshll.u32 v3, $0x1  }
0x295: {  	v3 =	vand.u32 $0x7, v3;
	v4 =	vand.u32 $0xFFFFFFF0, v23  }
0x296: {  	v3 =	vor.u32 v3, v4  }
0x297: {  	v4 =	vperm.xlane v3, v0;
	_ =	sdelay $0x1  }
0x298: {  	v3 =	vperm.xlane v3, v2;
	v4 =	vadd.s32 v1, v4;
	_ =	sdelay $0x1  }
0x299: {  	v3 =	vadd.s32 v1, v3;
	_ =	sdelay $0x2  }
0x29a: {  	[tilespmem:s6], [sflag:$0x1] =	stream.indirect_vreg.gather [hbm4b:s3+s2], $0x80, v4, vm0, $0xb8;
	[tilespmem:$0x1C680] =	vst v63  }
0x29b: {  	s11 =	simm.s32 $0x1E80  }
0x29c: {  	[tilespmem:s11], [sflag:$0x1] =	stream.indirect_vreg.gather [hbm4b:s3+s2], $0x80, v3, vm0, $0xb8;
	[tilespmem:$0x1C680] =	vst v63  }
0x29d: {  	v3 =	vld [tilespmem:$0x3A0];
	_ =	sdelay $0x4  }
0x29e: {  	v24 =	vshll.u32 v3, $0x1  }
0x29f: {  	v3 =	vand.u32 $0x7, v3;
	v4 =	vand.u32 $0xFFFFFFF0, v24  }
0x2a0: {  	v3 =	vor.u32 v3, v4  }
0x2a1: {  	v4 =	vperm.xlane v3, v0;
	_ =	sdelay $0x1  }
0x2a2: {  	v3 =	vperm.xlane v3, v2;
	v4 =	vadd.s32 v1, v4;
	_ =	sdelay $0x1  }
0x2a3: {  	v3 =	vadd.s32 v1, v3;
	_ =	sdelay $0x2  }
0x2a4: {  	[tilespmem:s1], [sflag:$0x1] =	stream.indirect_vreg.gather [hbm4b:s3+s2], $0x80, v4, vm0, $0xb8;
	[tilespmem:$0x1C680] =	vst v63  }
0x2a5: {  	s11 =	simm.s32 $0x2E80  }
0x2a6: {  	[tilespmem:s11], [sflag:$0x1] =	stream.indirect_vreg.gather [hbm4b:s3+s2], $0x80, v3, vm0, $0xb8;
	[tilespmem:$0x1C680] =	vst v63  }
0x2a7: {  	v3 =	vld [tilespmem:$0x3B0];
	_ =	sdelay $0x4  }
0x2a8: {  	v25 =	vshll.u32 v3, $0x1  }
0x2a9: {  	v3 =	vand.u32 $0x7, v3;
	v4 =	vand.u32 $0xFFFFFFF0, v25  }
0x2aa: {  	v3 =	vor.u32 v3, v4  }
0x2ab: {  	v4 =	vperm.xlane v3, v0;
	_ =	sdelay $0x1  }
0x2ac: {  	v3 =	vperm.xlane v3, v2;
	v4 =	vadd.s32 v1, v4;
	_ =	sdelay $0x1  }
0x2ad: {  	v3 =	vadd.s32 v1, v3;
	_ =	sdelay $0x2  }
0x2ae: {  	[tilespmem:s7], [sflag:$0x1] =	stream.indirect_vreg.gather [hbm4b:s3+s2], $0x80, v4, vm0, $0xb8;
	[tilespmem:$0x1C680] =	vst v63  }
0x2af: {  	s11 =	simm.s32 $0x3E80  }
0x2b0: {  	[tilespmem:s11], [sflag:$0x1] =	stream.indirect_vreg.gather [hbm4b:s3+s2], $0x80, v3, vm0, $0xb8;
	[tilespmem:$0x1C680] =	vst v63  }
0x2b1: {  	v3 =	vld [tilespmem:$0x3C0];
	_ =	sdelay $0x4  }
0x2b2: {  	v26 =	vshll.u32 v3, $0x1  }
0x2b3: {  	v3 =	vand.u32 $0x7, v3;
	v4 =	vand.u32 $0xFFFFFFF0, v26  }
0x2b4: {  	v3 =	vor.u32 v3, v4  }
0x2b5: {  	v4 =	vperm.xlane v3, v0;
	_ =	sdelay $0x1  }
0x2b6: {  	v3 =	vperm.xlane v3, v2;
	v4 =	vadd.s32 v1, v4;
	_ =	sdelay $0x1  }
0x2b7: {  	v3 =	vadd.s32 v1, v3;
	_ =	sdelay $0x2  }
0x2b8: {  	[tilespmem:s8], [sflag:$0x1] =	stream.indirect_vreg.gather [hbm4b:s3+s2], $0x80, v4, vm0, $0xb8;
	[tilespmem:$0x1C680] =	vst v63  }
0x2b9: {  	s11 =	simm.s32 $0x4E80  }
0x2ba: {  	[tilespmem:s11], [sflag:$0x1] =	stream.indirect_vreg.gather [hbm4b:s3+s2], $0x80, v3, vm0, $0xb8;
	[tilespmem:$0x1C680] =	vst v63  }
0x2bb: {  	v3 =	vld [tilespmem:$0x3D0];
	_ =	sdelay $0x4  }
0x2bc: {  	v27 =	vshll.u32 v3, $0x1  }
0x2bd: {  	v3 =	vand.u32 $0x7, v3;
	v4 =	vand.u32 $0xFFFFFFF0, v27  }
0x2be: {  	v3 =	vor.u32 v3, v4  }
0x2bf: {  	v4 =	vperm.xlane v3, v0;
	_ =	sdelay $0x1  }
0x2c0: {  	v3 =	vperm.xlane v3, v2;
	v4 =	vadd.s32 v1, v4;
	_ =	sdelay $0x1  }
0x2c1: {  	v3 =	vadd.s32 v1, v3;
	_ =	sdelay $0x2  }
0x2c2: {  	[tilespmem:s12], [sflag:$0x1] =	stream.indirect_vreg.gather [hbm4b:s3+s2], $0x80, v4, vm0, $0xb8;
	[tilespmem:$0x1C680] =	vst v63  }
0x2c3: {  	s11 =	simm.s32 $0x5E80  }
0x2c4: {  	[tilespmem:s11], [sflag:$0x1] =	stream.indirect_vreg.gather [hbm4b:s3+s2], $0x80, v3, vm0, $0xb8;
	[tilespmem:$0x1C680] =	vst v63  }
0x2c5: {  	v3 =	vld [tilespmem:$0x3E0];
	_ =	sdelay $0x4  }
0x2c6: {  	v28 =	vshll.u32 v3, $0x1  }
0x2c7: {  	v3 =	vand.u32 $0x7, v3;
	v4 =	vand.u32 $0xFFFFFFF0, v28  }
0x2c8: {  	v3 =	vor.u32 v3, v4  }
0x2c9: {  	v4 =	vperm.xlane v3, v0;
	_ =	sdelay $0x1  }
0x2ca: {  	v3 =	vperm.xlane v3, v2;
	v4 =	vadd.s32 v1, v4;
	_ =	sdelay $0x1  }
0x2cb: {  	v3 =	vadd.s32 v1, v3;
	_ =	sdelay $0x2  }
0x2cc: {  	[tilespmem:s13], [sflag:$0x1] =	stream.indirect_vreg.gather [hbm4b:s3+s2], $0x80, v4, vm0, $0xb8;
	[tilespmem:$0x1C680] =	vst v63  }
0x2cd: {  	s11 =	simm.s32 $0x6E80  }
0x2ce: {  	[tilespmem:s11], [sflag:$0x1] =	stream.indirect_vreg.gather [hbm4b:s3+s2], $0x80, v3, vm0, $0xb8;
	[tilespmem:$0x1C680] =	vst v63  }
0x2cf: {  	v3 =	vld [tilespmem:$0x3F0];
	_ =	sdelay $0x4  }
0x2d0: {  	v29 =	vshll.u32 v3, $0x1  }
0x2d1: {  	v3 =	vand.u32 $0x7, v3;
	v4 =	vand.u32 $0xFFFFFFF0, v29  }
0x2d2: {  	v3 =	vor.u32 v3, v4  }
0x2d3: {  	v4 =	vperm.xlane v3, v0;
	_ =	sdelay $0x1  }
0x2d4: {  	v3 =	vperm.xlane v3, v2;
	v4 =	vadd.s32 v1, v4;
	_ =	sdelay $0x1  }
0x2d5: {  	v3 =	vadd.s32 v1, v3;
	_ =	sdelay $0x2  }
0x2d6: {  	[tilespmem:s14], [sflag:$0x1] =	stream.indirect_vreg.gather [hbm4b:s3+s2], $0x80, v4, vm0, $0xb8;
	[tilespmem:$0x1C680] =	vst v63  }
0x2d7: {  	s11 =	simm.s32 $0x7E80  }
0x2d8: {  	[tilespmem:s11], [sflag:$0x1] =	stream.indirect_vreg.gather [hbm4b:s3+s2], $0x80, v3, vm0, $0xb8;
	[tilespmem:$0x1C680] =	vst v63  }
0x2d9: {  	v3 =	vld [tilespmem:$0x400];
	_ =	sdelay $0x4  }
0x2da: {  	v30 =	vshll.u32 v3, $0x1  }
0x2db: {  	v3 =	vand.u32 $0x7, v3;
	v4 =	vand.u32 $0xFFFFFFF0, v30  }
0x2dc: {  	v3 =	vor.u32 v3, v4  }
0x2dd: {  	v4 =	vperm.xlane v3, v0;
	_ =	sdelay $0x1  }
0x2de: {  	v3 =	vperm.xlane v3, v2;
	v4 =	vadd.s32 v1, v4;
	_ =	sdelay $0x1  }
0x2df: {  	v3 =	vadd.s32 v1, v3;
	_ =	sdelay $0x2  }
0x2e0: {  	[tilespmem:s15], [sflag:$0x1] =	stream.indirect_vreg.gather [hbm4b:s3+s2], $0x80, v4, vm0, $0xb8;
	[tilespmem:$0x1C680] =	vst v63  }
0x2e1: {  	s11 =	simm.s32 $0x8E80  }
0x2e2: {  	[tilespmem:s11], [sflag:$0x1] =	stream.indirect_vreg.gather [hbm4b:s3+s2], $0x80, v3, vm0, $0xb8;
	[tilespmem:$0x1C680] =	vst v63  }
0x2e3: {  	v3 =	vld [tilespmem:$0x410];
	_ =	sdelay $0x4  }
0x2e4: {  	v31 =	vshll.u32 v3, $0x1  }
0x2e5: {  	v3 =	vand.u32 $0x7, v3;
	v4 =	vand.u32 $0xFFFFFFF0, v31  }
0x2e6: {  	v3 =	vor.u32 v3, v4  }
0x2e7: {  	v4 =	vperm.xlane v3, v0;
	_ =	sdelay $0x1  }
0x2e8: {  	v3 =	vperm.xlane v3, v2;
	v4 =	vadd.s32 v1, v4;
	_ =	sdelay $0x1  }
0x2e9: {  	v3 =	vadd.s32 v1, v3;
	_ =	sdelay $0x2  }
0x2ea: {  	[tilespmem:s16], [sflag:$0x1] =	stream.indirect_vreg.gather [hbm4b:s3+s2], $0x80, v4, vm0, $0xb8;
	[tilespmem:$0x1C680] =	vst v63  }
0x2eb: {  	s11 =	simm.s32 $0x9E80  }
0x2ec: {  	[tilespmem:s11], [sflag:$0x1] =	stream.indirect_vreg.gather [hbm4b:s3+s2], $0x80, v3, vm0, $0xb8;
	[tilespmem:$0x1C680] =	vst v63  }
0x2ed: {  	v3 =	vld [tilespmem:$0x420];
	_ =	sdelay $0x4  }
0x2ee: {  	v32 =	vshll.u32 v3, $0x1  }
0x2ef: {  	v3 =	vand.u32 $0x7, v3;
	v4 =	vand.u32 $0xFFFFFFF0, v32  }
0x2f0: {  	v3 =	vor.u32 v3, v4  }
0x2f1: {  	v4 =	vperm.xlane v3, v0;
	_ =	sdelay $0x1  }
0x2f2: {  	v3 =	vperm.xlane v3, v2;
	v4 =	vadd.s32 v1, v4;
	_ =	sdelay $0x1  }
0x2f3: {  	v3 =	vadd.s32 v1, v3;
	_ =	sdelay $0x2  }
0x2f4: {  	[tilespmem:s17], [sflag:$0x1] =	stream.indirect_vreg.gather [hbm4b:s3+s2], $0x80, v4, vm0, $0xb8;
	[tilespmem:$0x1C680] =	vst v63  }
0x2f5: {  	s11 =	simm.s32 $0xAE80  }
0x2f6: {  	[tilespmem:s11], [sflag:$0x1] =	stream.indirect_vreg.gather [hbm4b:s3+s2], $0x80, v3, vm0, $0xb8;
	[tilespmem:$0x1C680] =	vst v63  }
0x2f7: {  	v3 =	vld [tilespmem:$0x430];
	_ =	sdelay $0x4  }
0x2f8: {  	v33 =	vshll.u32 v3, $0x1  }
0x2f9: {  	v3 =	vand.u32 $0x7, v3;
	v4 =	vand.u32 $0xFFFFFFF0, v33  }
0x2fa: {  	v3 =	vor.u32 v3, v4  }
0x2fb: {  	v4 =	vperm.xlane v3, v0;
	_ =	sdelay $0x1  }
0x2fc: {  	v3 =	vperm.xlane v3, v2;
	v4 =	vadd.s32 v1, v4;
	_ =	sdelay $0x1  }
0x2fd: {  	v3 =	vadd.s32 v1, v3;
	_ =	sdelay $0x2  }
0x2fe: {  	[tilespmem:s18], [sflag:$0x1] =	stream.indirect_vreg.gather [hbm4b:s3+s2], $0x80, v4, vm0, $0xb8;
	[tilespmem:$0x1C680] =	vst v63  }
0x2ff: {  	s11 =	simm.s32 $0xBE80  }
0x300: {  	[tilespmem:s11], [sflag:$0x1] =	stream.indirect_vreg.gather [hbm4b:s3+s2], $0x80, v3, vm0, $0xb8;
	[tilespmem:$0x1C680] =	vst v63  }
0x301: {  	v3 =	vld [tilespmem:$0x440];
	_ =	sdelay $0x4  }
0x302: {  	v34 =	vshll.u32 v3, $0x1  }
0x303: {  	v3 =	vand.u32 $0x7, v3;
	v4 =	vand.u32 $0xFFFFFFF0, v34  }
0x304: {  	v3 =	vor.u32 v3, v4  }
0x305: {  	v4 =	vperm.xlane v3, v0;
	_ =	sdelay $0x1  }
0x306: {  	v3 =	vperm.xlane v3, v2;
	v4 =	vadd.s32 v1, v4;
	_ =	sdelay $0x1  }
0x307: {  	v3 =	vadd.s32 v1, v3;
	_ =	sdelay $0x2  }
0x308: {  	[tilespmem:s19], [sflag:$0x1] =	stream.indirect_vreg.gather [hbm4b:s3+s2], $0x80, v4, vm0, $0xb8;
	[tilespmem:$0x1C680] =	vst v63  }
0x309: {  	_ = 	snop  }
0x30a: {  	[tilespmem:s21], [sflag:$0x1] =	stream.indirect_vreg.gather [hbm4b:s3+s2], $0x80, v3, vm0, $0xb8;
	[tilespmem:$0x1C680] =	vst v63  }
0x30b: {  	v3 =	vld [tilespmem:$0x450];
	_ =	sdelay $0x4  }
0x30c: {  	v35 =	vshll.u32 v3, $0x1  }
0x30d: {  	v3 =	vand.u32 $0x7, v3;
	v4 =	vand.u32 $0xFFFFFFF0, v35  }
0x30e: {  	v3 =	vor.u32 v3, v4  }
0x30f: {  	v4 =	vperm.xlane v3, v0;
	_ =	sdelay $0x1  }
0x310: {  	v3 =	vperm.xlane v3, v2;
	v4 =	vadd.s32 v1, v4;
	_ =	sdelay $0x1  }
0x311: {  	v3 =	vadd.s32 v1, v3;
	_ =	sdelay $0x2  }
0x312: {  	[tilespmem:s20], [sflag:$0x1] =	stream.indirect_vreg.gather [hbm4b:s3+s2], $0x80, v4, vm0, $0xb8;
	[tilespmem:$0x1C680] =	vst v63  }
0x313: {  	s11 =	simm.s32 $0xDE80  }
0x314: {  	[tilespmem:s11], [sflag:$0x1] =	stream.indirect_vreg.gather [hbm4b:s3+s2], $0x80, v3, vm0, $0xb8;
	[tilespmem:$0x1C680] =	vst v63  }
0x315: {  	_ =	swait.ge [sflag:s10], $0xE000  }
0x316: {  	[sflag:s10] =	ssyncset.done $0x0  }
0x317: {  	s11 =	rddreg [dreg:$0x6];
	[sflag:s10] =	ssyncadd.s32 $0xFFFF2000  }
0x318: {  	[hbm4b:s11+s2] =	stream.linear.scatter [tilespmem:s0], [sflag:$0x3], $0xE000, $0x38;
	[tilespmem:$0x1C680] =	vst v63  }
0x319: {  	_ =	swait.ge [sflag:s5], $0xE000  }
0x31a: {  	[sflag:s5] =	ssyncset.done $0x0  }
0x31b: {  	[sflag:s5] =	ssyncadd.s32 $0xFFFF2000  }
0x31c: {  	v3 =	vld [tilespmem:$0x460];
	_ =	sdelay $0x4  }
0x31d: {  	v36 =	vshll.u32 v3, $0x1  }
0x31e: {  	v3 =	vand.u32 $0x7, v3;
	v4 =	vand.u32 $0xFFFFFFF0, v36  }
0x31f: {  	v3 =	vor.u32 v3, v4  }
0x320: {  	v4 =	vperm.xlane v3, v0;
	_ =	sdelay $0x1  }
0x321: {  	v3 =	vperm.xlane v3, v2;
	v4 =	vadd.s32 v1, v4;
	_ =	sdelay $0x1  }
0x322: {  	v3 =	vadd.s32 v1, v3;
	_ =	sdelay $0x2  }
0x323: {  	[tilespmem:s0], [sflag:$0x2] =	stream.indirect_vreg.gather [hbm4b:s3+s2], $0x80, v4, vm0, $0xb8;
	[tilespmem:$0x1C680] =	vst v63  }
0x324: {  	s11 =	simm.s32 $0xEE80  }
0x325: {  	[tilespmem:s11], [sflag:$0x2] =	stream.indirect_vreg.gather [hbm4b:s3+s2], $0x80, v3, vm0, $0xb8;
	[tilespmem:$0x1C680] =	vst v63  }
0x326: {  	v3 =	vld [tilespmem:$0x470];
	_ =	sdelay $0x4  }
0x327: {  	v37 =	vshll.u32 v3, $0x1  }
0x328: {  	v3 =	vand.u32 $0x7, v3;
	v4 =	vand.u32 $0xFFFFFFF0, v37  }
0x329: {  	v3 =	vor.u32 v3, v4  }
0x32a: {  	v4 =	vperm.xlane v3, v0;
	_ =	sdelay $0x1  }
0x32b: {  	v3 =	vperm.xlane v3, v2;
	v4 =	vadd.s32 v1, v4;
	_ =	sdelay $0x1  }
0x32c: {  	v3 =	vadd.s32 v1, v3;
	_ =	sdelay $0x1  }
0x32d: {  	s11 =	simm.s32 $0xF680  }
0x32e: {  	[tilespmem:s11], [sflag:$0x2] =	stream.indirect_vreg.gather [hbm4b:s3+s2], $0x80, v4, vm0, $0xb8;
	[tilespmem:$0x1C680] =	vst v63  }
0x32f: {  	s11 =	simm.s32 $0xFE80  }
0x330: {  	[tilespmem:s11], [sflag:$0x2] =	stream.indirect_vreg.gather [hbm4b:s3+s2], $0x80, v3, vm0, $0xb8;
	[tilespmem:$0x1C680] =	vst v63  }
0x331: {  	v3 =	vld [tilespmem:$0x480];
	_ =	sdelay $0x4  }
0x332: {  	v38 =	vshll.u32 v3, $0x1  }
0x333: {  	v3 =	vand.u32 $0x7, v3;
	v4 =	vand.u32 $0xFFFFFFF0, v38  }
0x334: {  	v3 =	vor.u32 v3, v4  }
0x335: {  	v4 =	vperm.xlane v3, v0;
	_ =	sdelay $0x1  }
0x336: {  	v3 =	vperm.xlane v3, v2;
	v4 =	vadd.s32 v1, v4;
	_ =	sdelay $0x1  }
0x337: {  	v3 =	vadd.s32 v1, v3;
	_ =	sdelay $0x1  }
0x338: {  	s11 =	simm.s32 $0x10680  }
0x339: {  	[tilespmem:s11], [sflag:$0x2] =	stream.indirect_vreg.gather [hbm4b:s3+s2], $0x80, v4, vm0, $0xb8;
	[tilespmem:$0x1C680] =	vst v63  }
0x33a: {  	s11 =	simm.s32 $0x10E80  }
0x33b: {  	[tilespmem:s11], [sflag:$0x2] =	stream.indirect_vreg.gather [hbm4b:s3+s2], $0x80, v3, vm0, $0xb8;
	[tilespmem:$0x1C680] =	vst v63  }
0x33c: {  	v3 =	vld [tilespmem:$0x490];
	_ =	sdelay $0x4  }
0x33d: {  	v39 =	vshll.u32 v3, $0x1  }
0x33e: {  	v3 =	vand.u32 $0x7, v3;
	v4 =	vand.u32 $0xFFFFFFF0, v39  }
0x33f: {  	v3 =	vor.u32 v3, v4  }
0x340: {  	v4 =	vperm.xlane v3, v0;
	_ =	sdelay $0x1  }
0x341: {  	v3 =	vperm.xlane v3, v2;
	v4 =	vadd.s32 v1, v4;
	_ =	sdelay $0x1  }
0x342: {  	v3 =	vadd.s32 v1, v3;
	_ =	sdelay $0x1  }
0x343: {  	s11 =	simm.s32 $0x11680  }
0x344: {  	[tilespmem:s11], [sflag:$0x2] =	stream.indirect_vreg.gather [hbm4b:s3+s2], $0x80, v4, vm0, $0xb8;
	[tilespmem:$0x1C680] =	vst v63  }
0x345: {  	s11 =	simm.s32 $0x11E80  }
0x346: {  	[tilespmem:s11], [sflag:$0x2] =	stream.indirect_vreg.gather [hbm4b:s3+s2], $0x80, v3, vm0, $0xb8;
	[tilespmem:$0x1C680] =	vst v63  }
0x347: {  	v3 =	vld [tilespmem:$0x4A0];
	_ =	sdelay $0x4  }
0x348: {  	v40 =	vshll.u32 v3, $0x1  }
0x349: {  	v3 =	vand.u32 $0x7, v3;
	v4 =	vand.u32 $0xFFFFFFF0, v40  }
0x34a: {  	v3 =	vor.u32 v3, v4  }
0x34b: {  	v4 =	vperm.xlane v3, v0;
	_ =	sdelay $0x1  }
0x34c: {  	v3 =	vperm.xlane v3, v2;
	v4 =	vadd.s32 v1, v4;
	_ =	sdelay $0x1  }
0x34d: {  	v3 =	vadd.s32 v1, v3;
	_ =	sdelay $0x1  }
0x34e: {  	s11 =	simm.s32 $0x12680  }
0x34f: {  	[tilespmem:s11], [sflag:$0x2] =	stream.indirect_vreg.gather [hbm4b:s3+s2], $0x80, v4, vm0, $0xb8;
	[tilespmem:$0x1C680] =	vst v63  }
0x350: {  	s11 =	simm.s32 $0x12E80  }
0x351: {  	[tilespmem:s11], [sflag:$0x2] =	stream.indirect_vreg.gather [hbm4b:s3+s2], $0x80, v3, vm0, $0xb8;
	[tilespmem:$0x1C680] =	vst v63  }
0x352: {  	v3 =	vld [tilespmem:$0x4B0];
	_ =	sdelay $0x4  }
0x353: {  	v41 =	vshll.u32 v3, $0x1  }
0x354: {  	v3 =	vand.u32 $0x7, v3;
	v4 =	vand.u32 $0xFFFFFFF0, v41  }
0x355: {  	v3 =	vor.u32 v3, v4  }
0x356: {  	v4 =	vperm.xlane v3, v0;
	_ =	sdelay $0x1  }
0x357: {  	v3 =	vperm.xlane v3, v2;
	v4 =	vadd.s32 v1, v4;
	_ =	sdelay $0x1  }
0x358: {  	v3 =	vadd.s32 v1, v3;
	_ =	sdelay $0x1  }
0x359: {  	s11 =	simm.s32 $0x13680  }
0x35a: {  	[tilespmem:s11], [sflag:$0x2] =	stream.indirect_vreg.gather [hbm4b:s3+s2], $0x80, v4, vm0, $0xb8;
	[tilespmem:$0x1C680] =	vst v63  }
0x35b: {  	s11 =	simm.s32 $0x13E80  }
0x35c: {  	[tilespmem:s11], [sflag:$0x2] =	stream.indirect_vreg.gather [hbm4b:s3+s2], $0x80, v3, vm0, $0xb8;
	[tilespmem:$0x1C680] =	vst v63  }
0x35d: {  	v3 =	vld [tilespmem:$0x4C0];
	_ =	sdelay $0x4  }
0x35e: {  	v42 =	vshll.u32 v3, $0x1  }
0x35f: {  	v3 =	vand.u32 $0x7, v3;
	v4 =	vand.u32 $0xFFFFFFF0, v42  }
0x360: {  	v3 =	vor.u32 v3, v4  }
0x361: {  	v4 =	vperm.xlane v3, v0;
	_ =	sdelay $0x1  }
0x362: {  	v3 =	vperm.xlane v3, v2;
	v4 =	vadd.s32 v1, v4;
	_ =	sdelay $0x1  }
0x363: {  	v3 =	vadd.s32 v1, v3;
	_ =	sdelay $0x1  }
0x364: {  	s11 =	simm.s32 $0x14680  }
0x365: {  	[tilespmem:s11], [sflag:$0x2] =	stream.indirect_vreg.gather [hbm4b:s3+s2], $0x80, v4, vm0, $0xb8;
	[tilespmem:$0x1C680] =	vst v63  }
0x366: {  	s11 =	simm.s32 $0x14E80  }
0x367: {  	[tilespmem:s11], [sflag:$0x2] =	stream.indirect_vreg.gather [hbm4b:s3+s2], $0x80, v3, vm0, $0xb8;
	[tilespmem:$0x1C680] =	vst v63  }
0x368: {  	v3 =	vld [tilespmem:$0x4D0];
	_ =	sdelay $0x4  }
0x369: {  	v43 =	vshll.u32 v3, $0x1  }
0x36a: {  	v3 =	vand.u32 $0x7, v3;
	v4 =	vand.u32 $0xFFFFFFF0, v43  }
0x36b: {  	v3 =	vor.u32 v3, v4  }
0x36c: {  	v4 =	vperm.xlane v3, v0;
	_ =	sdelay $0x1  }
0x36d: {  	v3 =	vperm.xlane v3, v2;
	v4 =	vadd.s32 v1, v4;
	_ =	sdelay $0x1  }
0x36e: {  	v3 =	vadd.s32 v1, v3;
	_ =	sdelay $0x1  }
0x36f: {  	s11 =	simm.s32 $0x15680  }
0x370: {  	[tilespmem:s11], [sflag:$0x2] =	stream.indirect_vreg.gather [hbm4b:s3+s2], $0x80, v4, vm0, $0xb8;
	[tilespmem:$0x1C680] =	vst v63  }
0x371: {  	_ = 	snop  }
0x372: {  	[tilespmem:s23], [sflag:$0x2] =	stream.indirect_vreg.gather [hbm4b:s3+s2], $0x80, v3, vm0, $0xb8;
	[tilespmem:$0x1C680] =	vst v63  }
0x373: {  	v3 =	vld [tilespmem:$0x4E0];
	_ =	sdelay $0x4  }
0x374: {  	v44 =	vshll.u32 v3, $0x1  }
0x375: {  	v3 =	vand.u32 $0x7, v3;
	v4 =	vand.u32 $0xFFFFFFF0, v44  }
0x376: {  	v3 =	vor.u32 v3, v4  }
0x377: {  	v4 =	vperm.xlane v3, v0;
	_ =	sdelay $0x1  }
0x378: {  	v3 =	vperm.xlane v3, v2;
	v4 =	vadd.s32 v1, v4;
	_ =	sdelay $0x1  }
0x379: {  	v3 =	vadd.s32 v1, v3;
	_ =	sdelay $0x2  }
0x37a: {  	[tilespmem:s24], [sflag:$0x2] =	stream.indirect_vreg.gather [hbm4b:s3+s2], $0x80, v4, vm0, $0xb8;
	[tilespmem:$0x1C680] =	vst v63  }
0x37b: {  	_ = 	snop  }
0x37c: {  	[tilespmem:s25], [sflag:$0x2] =	stream.indirect_vreg.gather [hbm4b:s3+s2], $0x80, v3, vm0, $0xb8;
	[tilespmem:$0x1C680] =	vst v63  }
0x37d: {  	v3 =	vld [tilespmem:$0x4F0];
	_ =	sdelay $0x4  }
0x37e: {  	v45 =	vshll.u32 v3, $0x1  }
0x37f: {  	v3 =	vand.u32 $0x7, v3;
	v4 =	vand.u32 $0xFFFFFFF0, v45  }
0x380: {  	v3 =	vor.u32 v3, v4  }
0x381: {  	v4 =	vperm.xlane v3, v0;
	_ =	sdelay $0x1  }
0x382: {  	v3 =	vperm.xlane v3, v2;
	v4 =	vadd.s32 v1, v4;
	_ =	sdelay $0x1  }
0x383: {  	v3 =	vadd.s32 v1, v3;
	_ =	sdelay $0x2  }
0x384: {  	[tilespmem:s26], [sflag:$0x2] =	stream.indirect_vreg.gather [hbm4b:s3+s2], $0x80, v4, vm0, $0xb8;
	[tilespmem:$0x1C680] =	vst v63  }
0x385: {  	_ = 	snop  }
0x386: {  	[tilespmem:s28], [sflag:$0x2] =	stream.indirect_vreg.gather [hbm4b:s3+s2], $0x80, v3, vm0, $0xb8;
	[tilespmem:$0x1C680] =	vst v63  }
0x387: {  	v3 =	vld [tilespmem:$0x500];
	_ =	sdelay $0x4  }
0x388: {  	v46 =	vshll.u32 v3, $0x1  }
0x389: {  	v3 =	vand.u32 $0x7, v3;
	v4 =	vand.u32 $0xFFFFFFF0, v46  }
0x38a: {  	v3 =	vor.u32 v3, v4  }
0x38b: {  	v4 =	vperm.xlane v3, v0;
	_ =	sdelay $0x1  }
0x38c: {  	v3 =	vperm.xlane v3, v2;
	v4 =	vadd.s32 v1, v4;
	_ =	sdelay $0x1  }
0x38d: {  	v3 =	vadd.s32 v1, v3;
	_ =	sdelay $0x2  }
0x38e: {  	[tilespmem:s29], [sflag:$0x2] =	stream.indirect_vreg.gather [hbm4b:s3+s2], $0x80, v4, vm0, $0xb8;
	[tilespmem:$0x1C680] =	vst v63  }
0x38f: {  	_ = 	snop  }
0x390: {  	[tilespmem:s30], [sflag:$0x2] =	stream.indirect_vreg.gather [hbm4b:s3+s2], $0x80, v3, vm0, $0xb8;
	[tilespmem:$0x1C680] =	vst v63  }
0x391: {  	v3 =	vld [tilespmem:$0x510];
	_ =	sdelay $0x4  }
0x392: {  	v47 =	vshll.u32 v3, $0x1  }
0x393: {  	v3 =	vand.u32 $0x7, v3;
	v4 =	vand.u32 $0xFFFFFFF0, v47  }
0x394: {  	v3 =	vor.u32 v3, v4  }
0x395: {  	v4 =	vperm.xlane v3, v0;
	_ =	sdelay $0x1  }
0x396: {  	v3 =	vperm.xlane v3, v2;
	v4 =	vadd.s32 v1, v4;
	_ =	sdelay $0x1  }
0x397: {  	v3 =	vadd.s32 v1, v3;
	_ =	sdelay $0x2  }
0x398: {  	[tilespmem:s31], [sflag:$0x2] =	stream.indirect_vreg.gather [hbm4b:s3+s2], $0x80, v4, vm0, $0xb8;
	[tilespmem:$0x1C680] =	vst v63  }
0x399: {  	s11 =	simm.s32 $0x19E80  }
0x39a: {  	[tilespmem:s11], [sflag:$0x2] =	stream.indirect_vreg.gather [hbm4b:s3+s2], $0x80, v3, vm0, $0xb8;
	[tilespmem:$0x1C680] =	vst v63  }
0x39b: {  	v3 =	vld [tilespmem:$0x520];
	_ =	sdelay $0x4  }
0x39c: {  	v48 =	vshll.u32 v3, $0x1  }
0x39d: {  	v3 =	vand.u32 $0x7, v3;
	v4 =	vand.u32 $0xFFFFFFF0, v48  }
0x39e: {  	v3 =	vor.u32 v3, v4  }
0x39f: {  	v4 =	vperm.xlane v3, v0;
	_ =	sdelay $0x1  }
0x3a0: {  	v3 =	vperm.xlane v3, v2;
	v4 =	vadd.s32 v1, v4;
	_ =	sdelay $0x1  }
0x3a1: {  	v3 =	vadd.s32 v1, v3;
	_ =	sdelay $0x1  }
0x3a2: {  	s11 =	simm.s32 $0x1A680  }
0x3a3: {  	[tilespmem:s11], [sflag:$0x2] =	stream.indirect_vreg.gather [hbm4b:s3+s2], $0x80, v4, vm0, $0xb8;
	[tilespmem:$0x1C680] =	vst v63  }
0x3a4: {  	s11 =	simm.s32 $0x1AE80  }
0x3a5: {  	[tilespmem:s11], [sflag:$0x2] =	stream.indirect_vreg.gather [hbm4b:s3+s2], $0x80, v3, vm0, $0xb8;
	[tilespmem:$0x1C680] =	vst v63  }
0x3a6: {  	v3 =	vld [tilespmem:$0x530];
	_ =	sdelay $0x4  }
0x3a7: {  	v49 =	vshll.u32 v3, $0x1  }
0x3a8: {  	v3 =	vand.u32 $0x7, v3;
	v4 =	vand.u32 $0xFFFFFFF0, v49  }
0x3a9: {  	v3 =	vor.u32 v3, v4  }
0x3aa: {  	v4 =	vperm.xlane v3, v0;
	_ =	sdelay $0x1  }
0x3ab: {  	v3 =	vperm.xlane v3, v2;
	v4 =	vadd.s32 v1, v4;
	_ =	sdelay $0x1  }
0x3ac: {  	v3 =	vadd.s32 v1, v3;
	_ =	sdelay $0x1  }
0x3ad: {  	s11 =	simm.s32 $0x1B680  }
0x3ae: {  	[tilespmem:s11], [sflag:$0x2] =	stream.indirect_vreg.gather [hbm4b:s3+s2], $0x80, v4, vm0, $0xb8;
	[tilespmem:$0x1C680] =	vst v63  }
0x3af: {  	s11 =	simm.s32 $0x1BE80  }
0x3b0: {  	[tilespmem:s11], [sflag:$0x2] =	stream.indirect_vreg.gather [hbm4b:s3+s2], $0x80, v3, vm0, $0xb8;
	[tilespmem:$0x1C680] =	vst v63  }
0x3b1: {  	_ =	swait.ge [sflag:s9], $0xE000  }
0x3b2: {  	[sflag:s9] =	ssyncset.done $0x0  }
0x3b3: {  	s11 =	rddreg [dreg:$0x7];
	[sflag:s9] =	ssyncadd.s32 $0xFFFF2000  }
0x3b4: {  	[hbm4b:s11+s2] =	stream.linear.scatter [tilespmem:s22], [sflag:$0x3], $0xE000, $0x38;
	[tilespmem:$0x1C680] =	vst v63  }
0x3b5: {  	_ =	swait.ge [sflag:s5], $0xE000  }
0x3b6: {  	[sflag:s5] =	ssyncset.done $0x0  }
0x3b7: {  	[sflag:s5] =	ssyncadd.s32 $0xFFFF2000  }
0x3b8: {  	v3 =	vld [tilespmem:$0x540];
	_ =	sdelay $0x4  }
0x3b9: {  	v50 =	vshll.u32 v3, $0x1  }
0x3ba: {  	v3 =	vand.u32 $0x7, v3;
	v4 =	vand.u32 $0xFFFFFFF0, v50  }
0x3bb: {  	v3 =	vor.u32 v3, v4  }
0x3bc: {  	v4 =	vperm.xlane v3, v0;
	_ =	sdelay $0x1  }
0x3bd: {  	v3 =	vperm.xlane v3, v2;
	v4 =	vadd.s32 v1, v4;
	_ =	sdelay $0x1  }
0x3be: {  	v3 =	vadd.s32 v1, v3;
	_ =	sdelay $0x2  }
0x3bf: {  	[tilespmem:s22], [sflag:$0x1] =	stream.indirect_vreg.gather [hbm4b:s3+s2], $0x80, v4, vm0, $0xb8;
	[tilespmem:$0x1C680] =	vst v63  }
0x3c0: {  	s11 =	simm.s32 $0xE80  }
0x3c1: {  	[tilespmem:s11], [sflag:$0x1] =	stream.indirect_vreg.gather [hbm4b:s3+s2], $0x80, v3, vm0, $0xb8;
	[tilespmem:$0x1C680] =	vst v63  }
0x3c2: {  	v3 =	vld [tilespmem:$0x550];
	_ =	sdelay $0x4  }
0x3c3: {  	v51 =	vshll.u32 v3, $0x1  }
0x3c4: {  	v3 =	vand.u32 $0x7, v3;
	v4 =	vand.u32 $0xFFFFFFF0, v51  }
0x3c5: {  	v3 =	vor.u32 v3, v4  }
0x3c6: {  	v4 =	vperm.xlane v3, v0;
	_ =	sdelay $0x1  }
0x3c7: {  	v3 =	vperm.xlane v3, v2;
	v4 =	vadd.s32 v1, v4;
	_ =	sdelay $0x1  }
0x3c8: {  	v3 =	vadd.s32 v1, v3;
	_ =	sdelay $0x1  }
0x3c9: {  	s6 =	simm.s32 $0x1680  }
0x3ca: {  	[tilespmem:s6], [sflag:$0x1] =	stream.indirect_vreg.gather [hbm4b:s3+s2], $0x80, v4, vm0, $0xb8;
	[tilespmem:$0x1C680] =	vst v63  }
0x3cb: {  	s11 =	simm.s32 $0x1E80  }
0x3cc: {  	[tilespmem:s11], [sflag:$0x1] =	stream.indirect_vreg.gather [hbm4b:s3+s2], $0x80, v3, vm0, $0xb8;
	[tilespmem:$0x1C680] =	vst v63  }
0x3cd: {  	v3 =	vld [tilespmem:$0x560];
	_ =	sdelay $0x4  }
0x3ce: {  	v52 =	vshll.u32 v3, $0x1  }
0x3cf: {  	v3 =	vand.u32 $0x7, v3;
	v4 =	vand.u32 $0xFFFFFFF0, v52  }
0x3d0: {  	v3 =	vor.u32 v3, v4  }
0x3d1: {  	v4 =	vperm.xlane v3, v0;
	_ =	sdelay $0x1  }
0x3d2: {  	v3 =	vperm.xlane v3, v2;
	v4 =	vadd.s32 v1, v4;
	_ =	sdelay $0x1  }
0x3d3: {  	v3 =	vadd.s32 v1, v3;
	_ =	sdelay $0x1  }
0x3d4: {  	s1 =	simm.s32 $0x2680  }
0x3d5: {  	[tilespmem:s1], [sflag:$0x1] =	stream.indirect_vreg.gather [hbm4b:s3+s2], $0x80, v4, vm0, $0xb8;
	[tilespmem:$0x1C680] =	vst v63  }
0x3d6: {  	s6 =	simm.s32 $0x2E80  }
0x3d7: {  	[tilespmem:s6], [sflag:$0x1] =	stream.indirect_vreg.gather [hbm4b:s3+s2], $0x80, v3, vm0, $0xb8;
	[tilespmem:$0x1C680] =	vst v63  }
0x3d8: {  	v3 =	vld [tilespmem:$0x570];
	_ =	sdelay $0x4  }
0x3d9: {  	v53 =	vshll.u32 v3, $0x1  }
0x3da: {  	v3 =	vand.u32 $0x7, v3;
	v4 =	vand.u32 $0xFFFFFFF0, v53  }
0x3db: {  	v3 =	vor.u32 v3, v4  }
0x3dc: {  	v4 =	vperm.xlane v3, v0;
	_ =	sdelay $0x1  }
0x3dd: {  	v3 =	vperm.xlane v3, v2;
	v4 =	vadd.s32 v1, v4;
	_ =	sdelay $0x1  }
0x3de: {  	v3 =	vadd.s32 v1, v3;
	_ =	sdelay $0x1  }
0x3df: {  	s7 =	simm.s32 $0x3680  }
0x3e0: {  	[tilespmem:s7], [sflag:$0x1] =	stream.indirect_vreg.gather [hbm4b:s3+s2], $0x80, v4, vm0, $0xb8;
	[tilespmem:$0x1C680] =	vst v63  }
0x3e1: {  	s7 =	simm.s32 $0x3E80  }
0x3e2: {  	[tilespmem:s7], [sflag:$0x1] =	stream.indirect_vreg.gather [hbm4b:s3+s2], $0x80, v3, vm0, $0xb8;
	[tilespmem:$0x1C680] =	vst v63  }
0x3e3: {  	v3 =	vld [tilespmem:$0x580];
	_ =	sdelay $0x4  }
0x3e4: {  	v54 =	vshll.u32 v3, $0x1  }
0x3e5: {  	v3 =	vand.u32 $0x7, v3;
	v4 =	vand.u32 $0xFFFFFFF0, v54  }
0x3e6: {  	v3 =	vor.u32 v3, v4  }
0x3e7: {  	v4 =	vperm.xlane v3, v0;
	_ =	sdelay $0x1  }
0x3e8: {  	v3 =	vperm.xlane v3, v2;
	v4 =	vadd.s32 v1, v4;
	_ =	sdelay $0x1  }
0x3e9: {  	v3 =	vadd.s32 v1, v3;
	_ =	sdelay $0x1  }
0x3ea: {  	s8 =	simm.s32 $0x4680  }
0x3eb: {  	[tilespmem:s8], [sflag:$0x1] =	stream.indirect_vreg.gather [hbm4b:s3+s2], $0x80, v4, vm0, $0xb8;
	[tilespmem:$0x1C680] =	vst v63  }
0x3ec: {  	s11 =	simm.s32 $0x4E80  }
0x3ed: {  	[tilespmem:s11], [sflag:$0x1] =	stream.indirect_vreg.gather [hbm4b:s3+s2], $0x80, v3, vm0, $0xb8;
	[tilespmem:$0x1C680] =	vst v63  }
0x3ee: {  	v3 =	vld [tilespmem:$0x590];
	_ =	sdelay $0x4  }
0x3ef: {  	v55 =	vshll.u32 v3, $0x1  }
0x3f0: {  	v3 =	vand.u32 $0x7, v3;
	v4 =	vand.u32 $0xFFFFFFF0, v55  }
0x3f1: {  	v3 =	vor.u32 v3, v4  }
0x3f2: {  	v4 =	vperm.xlane v3, v0;
	_ =	sdelay $0x1  }
0x3f3: {  	v3 =	vperm.xlane v3, v2;
	v4 =	vadd.s32 v1, v4;
	_ =	sdelay $0x1  }
0x3f4: {  	v3 =	vadd.s32 v1, v3;
	_ =	sdelay $0x1  }
0x3f5: {  	s12 =	simm.s32 $0x5680  }
0x3f6: {  	[tilespmem:s12], [sflag:$0x1] =	stream.indirect_vreg.gather [hbm4b:s3+s2], $0x80, v4, vm0, $0xb8;
	[tilespmem:$0x1C680] =	vst v63  }
0x3f7: {  	s12 =	simm.s32 $0x5E80  }
0x3f8: {  	[tilespmem:s12], [sflag:$0x1] =	stream.indirect_vreg.gather [hbm4b:s3+s2], $0x80, v3, vm0, $0xb8;
	[tilespmem:$0x1C680] =	vst v63  }
0x3f9: {  	v3 =	vld [tilespmem:$0x5A0];
	_ =	sdelay $0x4  }
0x3fa: {  	v56 =	vshll.u32 v3, $0x1  }
0x3fb: {  	v3 =	vand.u32 $0x7, v3;
	v4 =	vand.u32 $0xFFFFFFF0, v56  }
0x3fc: {  	v3 =	vor.u32 v3, v4  }
0x3fd: {  	v4 =	vperm.xlane v3, v0;
	_ =	sdelay $0x1  }
0x3fe: {  	v3 =	vperm.xlane v3, v2;
	v4 =	vadd.s32 v1, v4;
	_ =	sdelay $0x1  }
0x3ff: {  	v3 =	vadd.s32 v1, v3;
	_ =	sdelay $0x1  }
0x400: {  	s13 =	simm.s32 $0x6680  }
0x401: {  	[tilespmem:s13], [sflag:$0x1] =	stream.indirect_vreg.gather [hbm4b:s3+s2], $0x80, v4, vm0, $0xb8;
	[tilespmem:$0x1C680] =	vst v63  }
0x402: {  	s13 =	simm.s32 $0x6E80  }
0x403: {  	[tilespmem:s13], [sflag:$0x1] =	stream.indirect_vreg.gather [hbm4b:s3+s2], $0x80, v3, vm0, $0xb8;
	[tilespmem:$0x1C680] =	vst v63  }
0x404: {  	v3 =	vld [tilespmem:$0x5B0];
	_ =	sdelay $0x4  }
0x405: {  	v57 =	vshll.u32 v3, $0x1  }
0x406: {  	v3 =	vand.u32 $0x7, v3;
	v4 =	vand.u32 $0xFFFFFFF0, v57  }
0x407: {  	v3 =	vor.u32 v3, v4  }
0x408: {  	v4 =	vperm.xlane v3, v0;
	_ =	sdelay $0x1  }
0x409: {  	v3 =	vperm.xlane v3, v2;
	v4 =	vadd.s32 v1, v4;
	_ =	sdelay $0x1  }
0x40a: {  	v3 =	vadd.s32 v1, v3;
	_ =	sdelay $0x1  }
0x40b: {  	s14 =	simm.s32 $0x7680  }
0x40c: {  	[tilespmem:s14], [sflag:$0x1] =	stream.indirect_vreg.gather [hbm4b:s3+s2], $0x80, v4, vm0, $0xb8;
	[tilespmem:$0x1C680] =	vst v63  }
0x40d: {  	s14 =	simm.s32 $0x7E80  }
0x40e: {  	[tilespmem:s14], [sflag:$0x1] =	stream.indirect_vreg.gather [hbm4b:s3+s2], $0x80, v3, vm0, $0xb8;
	[tilespmem:$0x1C680] =	vst v63  }
0x40f: {  	v3 =	vld [tilespmem:$0x5C0];
	_ =	sdelay $0x4  }
0x410: {  	v58 =	vshll.u32 v3, $0x1  }
0x411: {  	v3 =	vand.u32 $0x7, v3;
	v4 =	vand.u32 $0xFFFFFFF0, v58  }
0x412: {  	v3 =	vor.u32 v3, v4  }
0x413: {  	v4 =	vperm.xlane v3, v0;
	_ =	sdelay $0x1  }
0x414: {  	v3 =	vperm.xlane v3, v2;
	v4 =	vadd.s32 v1, v4;
	_ =	sdelay $0x1  }
0x415: {  	v3 =	vadd.s32 v1, v3;
	_ =	sdelay $0x1  }
0x416: {  	s15 =	simm.s32 $0x8680  }
0x417: {  	[tilespmem:s15], [sflag:$0x1] =	stream.indirect_vreg.gather [hbm4b:s3+s2], $0x80, v4, vm0, $0xb8;
	[tilespmem:$0x1C680] =	vst v63  }
0x418: {  	s15 =	simm.s32 $0x8E80  }
0x419: {  	[tilespmem:s15], [sflag:$0x1] =	stream.indirect_vreg.gather [hbm4b:s3+s2], $0x80, v3, vm0, $0xb8;
	[tilespmem:$0x1C680] =	vst v63  }
0x41a: {  	v3 =	vld [tilespmem:$0x5D0];
	_ =	sdelay $0x4  }
0x41b: {  	v59 =	vshll.u32 v3, $0x1  }
0x41c: {  	v3 =	vand.u32 $0x7, v3;
	v4 =	vand.u32 $0xFFFFFFF0, v59  }
0x41d: {  	v3 =	vor.u32 v3, v4  }
0x41e: {  	v4 =	vperm.xlane v3, v0;
	_ =	sdelay $0x1  }
0x41f: {  	v3 =	vperm.xlane v3, v2;
	v4 =	vadd.s32 v1, v4;
	_ =	sdelay $0x1  }
0x420: {  	v3 =	vadd.s32 v1, v3;
	_ =	sdelay $0x1  }
0x421: {  	s16 =	simm.s32 $0x9680  }
0x422: {  	[tilespmem:s16], [sflag:$0x1] =	stream.indirect_vreg.gather [hbm4b:s3+s2], $0x80, v4, vm0, $0xb8;
	[tilespmem:$0x1C680] =	vst v63  }
0x423: {  	s16 =	simm.s32 $0x9E80  }
0x424: {  	[tilespmem:s16], [sflag:$0x1] =	stream.indirect_vreg.gather [hbm4b:s3+s2], $0x80, v3, vm0, $0xb8;
	[tilespmem:$0x1C680] =	vst v63  }
0x425: {  	v3 =	vld [tilespmem:$0x5E0];
	_ =	sdelay $0x4  }
0x426: {  	v60 =	vshll.u32 v3, $0x1  }
0x427: {  	v3 =	vand.u32 $0x7, v3;
	v4 =	vand.u32 $0xFFFFFFF0, v60  }
0x428: {  	v3 =	vor.u32 v3, v4  }
0x429: {  	v4 =	vperm.xlane v3, v0;
	_ =	sdelay $0x1  }
0x42a: {  	v3 =	vperm.xlane v3, v2;
	v4 =	vadd.s32 v1, v4;
	_ =	sdelay $0x1  }
0x42b: {  	v3 =	vadd.s32 v1, v3;
	_ =	sdelay $0x1  }
0x42c: {  	s17 =	simm.s32 $0xA680  }
0x42d: {  	[tilespmem:s17], [sflag:$0x1] =	stream.indirect_vreg.gather [hbm4b:s3+s2], $0x80, v4, vm0, $0xb8;
	[tilespmem:$0x1C680] =	vst v63  }
0x42e: {  	s17 =	simm.s32 $0xAE80  }
0x42f: {  	[tilespmem:s17], [sflag:$0x1] =	stream.indirect_vreg.gather [hbm4b:s3+s2], $0x80, v3, vm0, $0xb8;
	[tilespmem:$0x1C680] =	vst v63  }
0x430: {  	v3 =	vld [tilespmem:$0x5F0];
	_ =	sdelay $0x4  }
0x431: {  	v61 =	vshll.u32 v3, $0x1  }
0x432: {  	v3 =	vand.u32 $0x7, v3;
	v4 =	vand.u32 $0xFFFFFFF0, v61  }
0x433: {  	v3 =	vor.u32 v3, v4  }
0x434: {  	v4 =	vperm.xlane v3, v0;
	_ =	sdelay $0x1  }
0x435: {  	v3 =	vperm.xlane v3, v2;
	v4 =	vadd.s32 v1, v4;
	_ =	sdelay $0x1  }
0x436: {  	v3 =	vadd.s32 v1, v3;
	_ =	sdelay $0x1  }
0x437: {  	s18 =	simm.s32 $0xB680  }
0x438: {  	[tilespmem:s18], [sflag:$0x1] =	stream.indirect_vreg.gather [hbm4b:s3+s2], $0x80, v4, vm0, $0xb8;
	[tilespmem:$0x1C680] =	vst v63  }
0x439: {  	s18 =	simm.s32 $0xBE80  }
0x43a: {  	[tilespmem:s18], [sflag:$0x1] =	stream.indirect_vreg.gather [hbm4b:s3+s2], $0x80, v3, vm0, $0xb8;
	[tilespmem:$0x1C680] =	vst v63  }
0x43b: {  	v3 =	vld [tilespmem:$0x600];
	_ =	sdelay $0x4  }
0x43c: {  	v62 =	vshll.u32 v3, $0x1  }
0x43d: {  	v3 =	vand.u32 $0x7, v3;
	v4 =	vand.u32 $0xFFFFFFF0, v62  }
0x43e: {  	v3 =	vor.u32 v3, v4  }
0x43f: {  	v4 =	vperm.xlane v3, v0;
	_ =	sdelay $0x1  }
0x440: {  	v3 =	vperm.xlane v3, v2;
	v4 =	vadd.s32 v1, v4;
	_ =	sdelay $0x1  }
0x441: {  	v3 =	vadd.s32 v1, v3;
	_ =	sdelay $0x1  }
0x442: {  	s19 =	simm.s32 $0xC680  }
0x443: {  	[tilespmem:s19], [sflag:$0x1] =	stream.indirect_vreg.gather [hbm4b:s3+s2], $0x80, v4, vm0, $0xb8;
	[tilespmem:$0x1C680] =	vst v63  }
0x444: {  	s21 =	simm.s32 $0xCE80  }
0x445: {  	[tilespmem:s21], [sflag:$0x1] =	stream.indirect_vreg.gather [hbm4b:s3+s2], $0x80, v3, vm0, $0xb8;
	[tilespmem:$0x1C680] =	vst v63  }
0x446: {  	v3 =	vld [tilespmem:$0x610];
	_ =	sdelay $0x4  }
0x447: {  	v63 =	vshll.u32 v3, $0x1  }
0x448: {  	v3 =	vand.u32 $0x7, v3;
	v4 =	vand.u32 $0xFFFFFFF0, v63  }
0x449: {  	v3 =	vor.u32 v3, v4  }
0x44a: {  	v4 =	vperm.xlane v3, v0;
	_ =	sdelay $0x1  }
0x44b: {  	v3 =	vperm.xlane v3, v2;
	v4 =	vadd.s32 v1, v4;
	_ =	sdelay $0x1  }
0x44c: {  	v3 =	vadd.s32 v1, v3;
	_ =	sdelay $0x1  }
0x44d: {  	s20 =	simm.s32 $0xD680  }
0x44e: {  	[tilespmem:s20], [sflag:$0x1] =	stream.indirect_vreg.gather [hbm4b:s3+s2], $0x80, v4, vm0, $0xb8;
	[tilespmem:$0x1C680] =	vst v63  }
0x44f: {  	s19 =	simm.s32 $0xDE80  }
0x450: {  	[tilespmem:s19], [sflag:$0x1] =	stream.indirect_vreg.gather [hbm4b:s3+s2], $0x80, v3, vm0, $0xb8;
	[tilespmem:$0x1C680] =	vst v63  }
0x451: {  	_ =	swait.ge [sflag:s10], $0xE000  }
0x452: {  	[sflag:s10] =	ssyncset.done $0x0  }
0x453: {  	s20 =	rddreg [dreg:$0x8];
	[sflag:s10] =	ssyncadd.s32 $0xFFFF2000  }
0x454: {  	[hbm4b:s20+s2] =	stream.linear.scatter [tilespmem:s0], [sflag:$0x3], $0xE000, $0x38;
	[tilespmem:$0x1C680] =	vst v63  }
0x455: {  	_ =	swait.ge [sflag:s5], $0xE000  }
0x456: {  	[sflag:s5] =	ssyncset.done $0x0  }
0x457: {  	[sflag:s5] =	ssyncadd.s32 $0xFFFF2000  }
0x458: {  	_ =	swait.ge [sflag:s9], $0xE000  }
0x459: {  	p0 =	sne.s32 s4, $0x1;
	[sflag:s9] =	ssyncset.done $0x0  }
.Ltmp0:
0x45a: {  	s21 =	rddreg [dreg:$0x9];
	[sflag:s9] =	ssyncadd.s32 $0xFFFF2000;
	(pc) =	sbr.rel @p0 .LBB2_1-.Ltmp0, $4  }
0x45b: {  	[hbm4b:s21+s2] =	stream.linear.scatter [tilespmem:s22], [sflag:$0x3], $0xE000, $0x38;
	[tilespmem:$0x1C680] =	vst v63  }
0x45c: {  	_ =	swait.ge [sflag:s5], $0xE000  }
0x45d: {  	[sflag:s5] =	ssyncset.done $0x0  }
0x45e: {  	s4 =	sadd.s32 $0xFFFFFFFF, s4;
	[sflag:s5] =	ssyncadd.s32 $0xFFFF2000  }
0x45f: {  	_ =	sfence.sel $0x180000  }
0x460: {  	[bflag:$0x0] =	sbarrier.arrive $0xFFFF  }
0x461: {  	_ =	strace $0x90000047  }
0x462: {  	s0 =	stileid.u32;
	[bflag:$0x2] =	sbarrier.arrive $0xFFFF  }
0x463: {  	p0 =	sne.s32 s0, $0x0;
	s0 =	rddreg [dreg:$0x1]  }
0x464: {  	s0 =	sadd.s32 @!p0 $0x100000, s0  }
0x465: {  	[sflag:s0] =	ssyncadd.tile.s32 @!p0 $0x1;
	_ =	shalt  }
.Lfunc_end2:
_tile_overlayer_lowered:
.L_overlay_start_2:
0x466: {  	(tag) =	ssettag $0x2  }
0x467: {  	s0 =	rddreg [dreg:$0x0];
	s2 =	stileid.u32  }
0x468: {  	s1 =	rddreg [dreg:$0x1];
	p0 =	sne.s32 s2, $0x0  }
0x469: {  	s3 =	rddreg [dreg:$0x2];
	[bflag:$0x3] =	sbarrier.arrive $0xFFFF;
	s2 =	simm.s32 @!p0 $0x1C03  }
0x46a: {  	[timem:s3], [sflag:s2] =	dma.local @!p0 [hbm:s0], s1  }
0x46b: {  	s0 =	simm.s32 @!p0 $0x3  }
0x46c: {  	_ =	swait.ge @!p0 [sflag:s0], s1  }
0x46d: {  	s1 =	ssub.s32 @!p0 $0x0, s1;
	[sflag:s0] =	ssyncset.done @!p0 $0x0  }
0x46e: {  	[sflag:s0] =	ssyncadd.s32 @!p0 s1  }
0x46f: {  	[bflag:$0x3] =	sbarrier.arrive $0xFFFF  }
0x470: {  	_ =	shalt  }

</sc_bundles>
